<compile_context>
chip_gen: v7x
topology: tpu7x:2x2x1
jax: 0.10.2.dev20260603
libtpu: 0.0.44.dev20260713+nightly
codegen_flags: <defaults>
</compile_context>

<pallas_src>
import functools

import jax
import jax.numpy as jnp
from jax import lax
from jax.experimental import pallas as pl
from jax.experimental.pallas import tpu as pltpu
from jax.experimental.pallas import tpu_sc as plsc

OH = OW = 100
XPAD = 304
NCROP = 128
NW = 32
NPAIR = 16
TMAX = 1600
GSLEN = 288
ACC = OH * XPAD
XROW = 384
KCH = XPAD // 16


def _build_meta(patch_boxes, B, H, W):
    P = patch_boxes.shape[1]
    boxes = patch_boxes.astype(jnp.float32).reshape(NCROP, 4)
    ymin, xmin, ph, pw = boxes[:, 0], boxes[:, 1], boxes[:, 2], boxes[:, 3]
    iy = jnp.arange(OH, dtype=jnp.float32) + 0.5
    ix = jnp.arange(OW, dtype=jnp.float32) + 0.5
    rel_y = iy[None, :] * ph[:, None] / OH - 0.5
    rel_x = ix[None, :] * pw[:, None] / OW - 0.5
    y0f = jnp.floor(rel_y)
    x0f = jnp.floor(rel_x)
    wy = rel_y - y0f
    wx = rel_x - x0f
    y0 = jnp.clip(y0f, 0.0, ph[:, None] - 1.0)
    y1 = jnp.clip(y0f + 1.0, 0.0, ph[:, None] - 1.0)
    x0 = jnp.clip(x0f, 0.0, pw[:, None] - 1.0)
    x1 = jnp.clip(x0f + 1.0, 0.0, pw[:, None] - 1.0)
    ay0 = jnp.clip(ymin[:, None] + y0, 0, H - 1).astype(jnp.int32)
    ay1 = jnp.clip(ymin[:, None] + y1, 0, H - 1).astype(jnp.int32)
    ax0 = jnp.clip(xmin[:, None] + x0, 0, W - 1).astype(jnp.int32)
    ax1 = jnp.clip(xmin[:, None] + x1, 0, W - 1).astype(jnp.int32)
    c3 = jnp.arange(3, dtype=jnp.int32)
    xi0 = (ax0[:, :, None] * 3 + c3).reshape(NCROP, 3 * OW)
    xi1 = (ax1[:, :, None] * 3 + c3).reshape(NCROP, 3 * OW)
    zpad = jnp.zeros((NCROP, XPAD - 3 * OW), jnp.int32)
    ximeta = jnp.concatenate(
        [xi0, zpad, xi1, zpad], axis=1)
    wxv = jnp.concatenate(
        [jnp.repeat(wx, 3, axis=1), zpad.astype(jnp.float32)], axis=1)
    fuse = (ay1 // 8) == (ay0 // 8)
    ays = jnp.stack([ay0, ay1], axis=-1)
    zf = jnp.zeros_like(wy)
    zi = jnp.zeros_like(ay0)
    ws = jnp.stack([1.0 - wy, wy], axis=-1)
    ws1 = jnp.stack([jnp.where(fuse, wy, 0.0), zf], axis=-1)
    dd = jnp.stack([jnp.where(fuse, ay1 - ay0, 0), zi], axis=-1)
    valid = jnp.stack([fuse | True, ~fuse], axis=-1)
    crop = jnp.arange(NCROP, dtype=jnp.int32)[:, None, None]
    c_local = crop % P
    batch = crop // P
    irow = jnp.arange(OH, dtype=jnp.int32)[None, :, None]
    par = (ays // 8) % 2
    pair = ays // 32
    tile = batch * 2 + par
    slot = ((ays // 16) % 2) * 8 + (ays % 8)
    packed = slot | (dd << 4) | (c_local << 5) | (irow << 8)
    key32 = par * NPAIR + pair
    onehot = ((key32[..., None] == jnp.arange(
        2 * NPAIR, dtype=jnp.int32)) & valid[..., None]).astype(jnp.int8)
    cum = jnp.cumsum(onehot, axis=1, dtype=jnp.int8) - onehot
    rank_i = jnp.sum(
        (cum * onehot).astype(jnp.int32), axis=-1)
    cnt_cs = (cum[:, -1] + onehot[:, -1]).astype(jnp.int32)
    cnt_combo = cnt_cs.reshape(B, P * 2, 2 * NPAIR)
    off_combo = jnp.cumsum(cnt_combo, axis=1) - cnt_combo
    cnt_bucket = cnt_combo.sum(axis=1)
    padded_t = cnt_bucket.reshape(NW, NPAIR)
    pad_off = jnp.cumsum(padded_t, axis=1) - padded_t
    ocs = off_combo.reshape(B, P, 2, 2 * NPAIR).reshape(NCROP, 1, 2,
                                                        2 * NPAIR)
    oh32 = onehot.astype(jnp.int32)
    off1 = jnp.sum(ocs * oh32, axis=-1)
    po_c = jnp.broadcast_to(
        pad_off.reshape(B, 1, 2 * NPAIR),
        (B, P, 2 * NPAIR)).reshape(NCROP, 1, 1, 2 * NPAIR)
    off2 = jnp.sum(po_c * oh32, axis=-1)
    pos = off1 + off2 + rank_i
    tile_f = jnp.where(valid, tile, -1).reshape(-1)
    pos_f = pos.reshape(-1)
    packed_f = jnp.broadcast_to(packed, ays.shape).reshape(-1)
    w0bits_f = jax.lax.bitcast_convert_type(ws, jnp.int32).reshape(-1)
    w1bits_f = jax.lax.bitcast_convert_type(ws1, jnp.int32).reshape(-1)
    taps5 = jnp.stack([tile_f, pos_f, packed_f, w0bits_f, w1bits_f]).reshape(
        5, 64, 400)
    gs = jnp.concatenate(
        [pad_off, pad_off[:, -1:] + padded_t[:, -1:]], axis=1)
    gs_splat = jnp.broadcast_to(gs[:, :, None], (NW, NPAIR + 1, 16))
    gs_splat = jnp.concatenate(
        [gs_splat.reshape(NW, (NPAIR + 1) * 16),
         jnp.zeros((NW, GSLEN - (NPAIR + 1) * 16), jnp.int32)], axis=1)
    return ximeta, wxv, taps5, gs_splat


@functools.cache
def _sc_scatter_fn():
    return pl.kernel(
        _sc_scatter_body,
        out_type=jax.ShapeDtypeStruct((NW, OH, XPAD), jnp.float32),
        mesh=plsc.VectorSubcoreMesh(core_axis_name="c", subcore_axis_name="s"),
        compiler_params=pltpu.CompilerParams(needs_layout_passes=False),
        scratch_types=[
            pltpu.VMEM((8, 608), jnp.int32),
            pltpu.VMEM((8, XPAD), jnp.float32),
            pltpu.VMEM((13, 128), jnp.int32),
            pltpu.VMEM((13, 128), jnp.float32),
            pltpu.VMEM((13, 128), jnp.float32),
            pltpu.VMEM((5, 8, 400), jnp.int32),
            pltpu.VMEM((GSLEN,), jnp.int32),
            pltpu.VMEM((32, 1536), jnp.float32),
            pltpu.VMEM((OH, XPAD), jnp.float32),
            pltpu.SemaphoreType.DMA,
        ],
    )


def _sc_scatter_body(g2, ximeta, wxv, taps5, gs, out, xmi_v, wx_v,
                     tapi_v, tapw_v, tapw1_v, stage_v, gs_v, blk_v, acc_v,
                     sem):
    wid = lax.axis_index("s") * 2 + lax.axis_index("c")
    batch = wid // 2
    par = wid % 2
    pltpu.sync_copy(gs.at[wid], gs_v)
    for c in range(8):
        pltpu.sync_copy(ximeta.at[batch * 8 + c], xmi_v.at[c])
        pltpu.sync_copy(wxv.at[batch * 8 + c], wx_v.at[c])

    zeros16 = jnp.zeros((16,), jnp.float32)
    izeros16 = jnp.zeros((16,), jnp.int32)

    def zbody(i, carry):
        for k in range(KCH):
            acc_v[i, pl.ds(k * 16, 16)] = zeros16
        return carry

    lax.fori_loop(0, OH, zbody, 0)

    def ztap(i, carry):
        for k in range(8):
            tapi_v[i, pl.ds(k * 16, 16)] = izeros16
            tapw_v[i, pl.ds(k * 16, 16)] = zeros16
            tapw1_v[i, pl.ds(k * 16, 16)] = zeros16
        return carry

    lax.fori_loop(0, 13, ztap, 0)

    widv = jnp.full((16,), wid, jnp.int32)
    for f in range(5):
        pltpu.sync_copy(
            taps5.at[f, pl.ds(4 * batch, 4)], stage_v.at[f, pl.ds(0, 4)])

    def srow(r, carry):
        def scol(j, c2):
            tl = stage_v[0, r, pl.ds(j * 16, 16)]
            ps = stage_v[1, r, pl.ds(j * 16, 16)]
            pk = stage_v[2, r, pl.ds(j * 16, 16)]
            w0b = stage_v[3, r, pl.ds(j * 16, 16)]
            w1b = stage_v[4, r, pl.ds(j * 16, 16)]
            m = tl == widv
            plsc.store_scatter(tapi_v, [ps >> 7, ps & 127], pk, mask=m)
            plsc.store_scatter(
                tapw_v, [ps >> 7, ps & 127],
                plsc.bitcast(w0b, jnp.float32), mask=m)
            plsc.store_scatter(
                tapw1_v, [ps >> 7, ps & 127],
                plsc.bitcast(w1b, jnp.float32), mask=m)
            return c2

        lax.fori_loop(0, 25, scol, 0)
        return carry

    lax.fori_loop(0, 4, srow, 0)

    iota = lax.iota(jnp.int32, 16)

    def rowbase(pp, half):
        return batch * 512 + 8 * (4 * pp + 2 * half + par)

    def issue(pp, boff):
        pltpu.async_copy(
            g2.at[pl.ds(rowbase(pp, 0), 8)], blk_v.at[pl.ds(boff, 8)], sem)
        pltpu.async_copy(
            g2.at[pl.ds(rowbase(pp, 1), 8)], blk_v.at[pl.ds(boff + 8, 8)],
            sem)

    def drain(pp, boff):
        pltpu.make_async_copy(
            g2.at[pl.ds(rowbase(pp, 0), 8)], blk_v.at[pl.ds(boff, 8)],
            sem).wait()
        pltpu.make_async_copy(
            g2.at[pl.ds(rowbase(pp, 1), 8)], blk_v.at[pl.ds(boff + 8, 8)],
            sem).wait()

    issue(0, 0)

    def pair_body(pp, carry):
        boff = (pp % 2) * 16
        drain(pp, boff)

        @pl.when(pp < NPAIR - 1)
        def _prefetch():
            issue(pp + 1, 16 - boff)

        t_lo = gs_v[pl.ds(pp * 16, 16)][0]
        t_hi = gs_v[pl.ds((pp + 1) * 16, 16)][0]

        def tap_body(t, c2):
            td = jnp.full((16,), t >> 7, jnp.int32)
            tm = jnp.full((16,), t & 127, jnp.int32)
            tw_s = plsc.load_gather(tapi_v, [td, tm])
            w0_s = plsc.load_gather(tapw_v, [td, tm])
            w1_s = plsc.load_gather(tapw1_v, [td, tm])
            slot0 = (tw_s & 15) + boff
            slot1 = slot0 + ((tw_s >> 4) & 1)
            cv = (tw_s >> 5) & 7
            irv = tw_s >> 8
            for k in range(KCH):
                kv = iota + (k * 16)
                xi0 = plsc.load_gather(xmi_v, [cv, kv])
                xi1 = plsc.load_gather(xmi_v, [cv, kv + XPAD])
                wx = plsc.load_gather(wx_v, [cv, kv])
                v00 = xi0.astype(jnp.float32)
                v01 = xi1.astype(jnp.float32)
                v10 = v00 + 1.0
                v11 = v01 + 1.0
                h0 = v00 + wx * (v01 - v00)
                h1 = v10 + wx * (v11 - v10)
                plsc.addupdate(
                    acc_v.at[0, pl.ds(k * 16, 16)], w0_s * h0 + w1_s * h1)
            return c2

        lax.fori_loop(t_lo, t_hi, tap_body, 0)
        return carry

    lax.fori_loop(0, NPAIR, pair_body, 0)
    pltpu.sync_copy(acc_v, out.at[wid])


def _tc_reduce(parts):
    def body(x_ref, o_ref):
        o_ref[...] = jnp.sum(x_ref[...], axis=0)

    return pl.pallas_call(
        body,
        out_shape=jax.ShapeDtypeStruct((OH, XPAD), jnp.float32),
    )(parts)


def kernel(gradients, patch_boxes, transform_decisions):
    B, H, W, C = gradients.shape
    ximeta, wxv, taps5, gs = _build_meta(patch_boxes, B, H, W)
    gview = gradients.reshape(B * H, W * C)
    parts = _sc_scatter_fn()(gview, ximeta, wxv, taps5, gs)
    total = _tc_reduce(parts)
    return total[:OH, :3 * OW].reshape(OH, OW, 3)

# --- scband reference (transcript-rebuilt; emitter-appended) ---
"""Pipeline reference for scband-gradient-processor-76484777607756 (READ-ONLY COPY).

The authoritative reference and input builder live on the scoring server;
editing this copy changes nothing except your own understanding.
"""

import jax, jax.numpy as jnp
import numpy as np

PATCH_SHAPE = (100, 100, 3)


def setup_inputs(seed: int = 0) -> dict:
    key = jax.random.key(seed)
    k1, k2, k3, k4, k5, k6 = jax.random.split(key, 6)
    B, H, W, C = 16, 512, 512, 3
    P = 8
    gradients = jax.random.normal(k1, (B, H, W, C), dtype=jnp.float32)
    # boxes are (ymin, xmin, patch_h, patch_w); keep them fully inside the image
    ph = jax.random.randint(k2, (B, P), 32, 201)
    pw = jax.random.randint(k3, (B, P), 32, 201)
    ymin = jax.random.randint(k4, (B, P), 0, H - 200)
    xmin = jax.random.randint(k5, (B, P), 0, W - 200)
    patch_boxes = jnp.stack([ymin, xmin, ph, pw], axis=-1)
    transform_decisions = jax.random.randint(k6, (B, P), 0, 2)
    return {
        "gradients": gradients,
        "patch_boxes": patch_boxes,
        "transform_decisions": transform_decisions,
    }


def _crop_resize_sum(gradients, patch_boxes, out_h, out_w):
    # Faithful translation of: for each (batch, patch) crop
    # gradients[b, ymin:ymin+h, xmin:xmin+w] and tf.image.resize (bilinear,
    # half-pixel centers) to (out_h, out_w), accumulating the sum over all crops.
    B, H, W, C = gradients.shape
    boxes = patch_boxes.astype(jnp.float32)
    ymin = boxes[..., 0]
    xmin = boxes[..., 1]
    ph = boxes[..., 2]
    pw = boxes[..., 3]
    iy = jnp.arange(out_h, dtype=jnp.float32) + 0.5
    ix = jnp.arange(out_w, dtype=jnp.float32) + 0.5
    # source coordinates inside the crop (half-pixel centers, as tf.image.resize)
    rel_y = iy[None, None, :] * ph[..., None] / out_h - 0.5  # [B,P,out_h]
    rel_x = ix[None, None, :] * pw[..., None] / out_w - 0.5  # [B,P,out_w]
    y0f = jnp.floor(rel_y)
    x0f = jnp.floor(rel_x)
    wy = rel_y - y0f
    wx = rel_x - x0f
    y0 = jnp.clip(y0f, 0.0, ph[..., None] - 1.0)
    y1 = jnp.clip(y0f + 1.0, 0.0, ph[..., None] - 1.0)
    x0 = jnp.clip(x0f, 0.0, pw[..., None] - 1.0)
    x1 = jnp.clip(x0f + 1.0, 0.0, pw[..., None] - 1.0)
    ay0 = jnp.clip(ymin[..., None] + y0, 0, H - 1).astype(jnp.int32)
    ay1 = jnp.clip(ymin[..., None] + y1, 0, H - 1).astype(jnp.int32)
    ax0 = jnp.clip(xmin[..., None] + x0, 0, W - 1).astype(jnp.int32)
    ax1 = jnp.clip(xmin[..., None] + x1, 0, W - 1).astype(jnp.int32)
    b = jnp.arange(B)[:, None, None, None]

    def g(yi, xi):
        # yi: [B,P,out_h], xi: [B,P,out_w] -> gathered [B,P,out_h,out_w,C]
        return gradients[b, yi[..., :, None], xi[..., None, :], :]

    v00 = g(ay0, ax0)
    v01 = g(ay0, ax1)
    v10 = g(ay1, ax0)
    v11 = g(ay1, ax1)
    wy_ = wy[..., :, None, None]
    wx_ = wx[..., None, :, None]
    top = v00 * (1.0 - wx_) + v01 * wx_
    bot = v10 * (1.0 - wx_) + v11 * wx_
    vals = top * (1.0 - wy_) + bot * wy_
    # agg.assign_add over all batches and patches
    return jnp.sum(vals, axis=(0, 1))


def reference(gradients, patch_boxes, transform_decisions):
    # transform_decisions is read in the original inner_loop but never used
    return _crop_resize_sum(gradients, patch_boxes, PATCH_SHAPE[0], PATCH_SHAPE[1])

if __name__ == "__main__":
    import jax
    _d = setup_inputs()
    print(jax.jit(kernel)(*tuple(_d.values())))

</pallas_src>

<mosaic_0001>
#map = affine_map<(d0, d1) -> (0, 0)>
#map1 = affine_map<(d0, d1) -> (0, 0, 0)>
module attributes {stable_mosaic.version = 14 : i64} {
  func.func @_sc_scatter_body(%arg0: i32, %arg1: i32, %arg2: memref<8192x1536xf32, #tpu.memory_space<hbm>>, %arg3: memref<128x608xi32, #tpu.memory_space<hbm>>, %arg4: memref<128x304xf32, #tpu.memory_space<hbm>>, %arg5: memref<5x64x400xi32, #tpu.memory_space<hbm>>, %arg6: memref<32x288xi32, #tpu.memory_space<hbm>>, %arg7: memref<32x100x304xf32, #tpu.memory_space<hbm>>, %arg8: memref<8x608xi32, #tpu.memory_space<vmem>>, %arg9: memref<8x304xf32, #tpu.memory_space<vmem>>, %arg10: memref<13x128xi32, #tpu.memory_space<vmem>>, %arg11: memref<13x128xf32, #tpu.memory_space<vmem>>, %arg12: memref<13x128xf32, #tpu.memory_space<vmem>>, %arg13: memref<5x8x400xi32, #tpu.memory_space<vmem>>, %arg14: memref<288xi32, #tpu.memory_space<vmem>>, %arg15: memref<32x1536xf32, #tpu.memory_space<vmem>>, %arg16: memref<100x304xf32, #tpu.memory_space<vmem>>, %arg17: memref<!tpu.dma_semaphore, #tpu.memory_space<semaphore_mem>>) attributes {dimension_semantics = [#tpu.dimension_semantics<core_parallel>, #tpu.dimension_semantics<subcore_parallel>], iteration_bounds = array<i64: 2, 16>, scalar_prefetch = 0 : i64, scratch_operands = 10 : i64, tpu.core_type = #tpu.core_type<sc_vector_subcore>, window_params = [{transform_indices = #map}, {transform_indices = #map}, {transform_indices = #map}, {transform_indices = #map1}, {transform_indices = #map}, {transform_indices = #map1}]} {
    %mul3A = arith.constant 2 : i32
    %mul3A_0 = arith.muli %arg1, %mul3A : i32
    %add3A = arith.addi %mul3A_0, %arg0 : i32
    %jit3A = arith.constant 2 : i32
    %div3A = arith.divsi %add3A, %jit3A : i32
    %sign3A = arith.constant 0 : i32
    %sign3A_1 = arith.cmpi sgt, %add3A, %sign3A : i32
    %sign3A_2 = arith.extui %sign3A_1 : i1 to i32
    %sign3A_3 = arith.constant 0 : i32
    %sign3A_4 = arith.cmpi slt, %add3A, %sign3A_3 : i32
    %sign3A_5 = arith.extui %sign3A_4 : i1 to i32
    %sign3A_6 = arith.subi %sign3A_2, %sign3A_5 : i32
    %sign3A_7 = arith.constant 0 : i32
    %sign3A_8 = arith.cmpi sgt, %jit3A, %sign3A_7 : i32
    %sign3A_9 = arith.extui %sign3A_8 : i1 to i32
    %sign3A_10 = arith.constant 0 : i32
    %sign3A_11 = arith.cmpi slt, %jit3A, %sign3A_10 : i32
    %sign3A_12 = arith.extui %sign3A_11 : i1 to i32
    %sign3A_13 = arith.subi %sign3A_9, %sign3A_12 : i32
    %ne3A = arith.cmpi ne, %sign3A_6, %sign3A_13 : i32
    %rem3A = arith.remsi %add3A, %jit3A : i32
    %ne3A_14 = arith.constant 0 : i32
    %ne3A_15 = arith.cmpi ne, %rem3A, %ne3A_14 : i32
    %and3A = arith.andi %ne3A, %ne3A_15 : i1
    %sub3A = arith.constant 1 : i32
    %sub3A_16 = arith.subi %div3A, %sub3A : i32
    %select_n3A = arith.select %and3A, %sub3A_16, %div3A : i32
    %jit3A_17 = arith.constant 2 : i32
    %eq3A = arith.constant 0 : i32
    %eq3A_18 = arith.cmpi eq, %jit3A_17, %eq3A : i32
    %jit3A_19 = arith.constant 1 : i32
    %select_n3A_20 = arith.select %eq3A_18, %jit3A_19, %jit3A_17 : i32
    %rem3A_21 = arith.remsi %add3A, %select_n3A_20 : i32
    %ne3A_22 = arith.constant 0 : i32
    %ne3A_23 = arith.cmpi ne, %rem3A_21, %ne3A_22 : i32
    %lt3A = arith.constant 0 : i32
    %lt3A_24 = arith.cmpi slt, %rem3A_21, %lt3A : i32
    %lt3A_25 = arith.constant 0 : i32
    %lt3A_26 = arith.cmpi slt, %select_n3A_20, %lt3A_25 : i32
    %ne3A_27 = arith.xori %lt3A_24, %lt3A_26 : i1
    %and3A_28 = arith.andi %ne3A_27, %ne3A_23 : i1
    %add3A_29 = arith.addi %rem3A_21, %select_n3A_20 : i32
    %select_n3A_30 = arith.select %and3A_28, %add3A_29, %rem3A_21 : i32
    "tpu.region"() ({
      %run_scoped3A_190 = tpu.sem_alloc : memref<!tpu.dma_semaphore, #tpu.memory_space<semaphore_mem>>
      %dma_start3A_191 = arith.constant 0 : i32
      %dma_start3A_192 = tpu.memref_slice %arg6[%add3A, %dma_start3A_191] : memref<32x288xi32, #tpu.memory_space<hbm>> -> memref<1x288xi32, #tpu.memory_space<hbm>>
      %dma_start3A_193 = tpu.memref_squeeze %dma_start3A_192 : memref<1x288xi32, #tpu.memory_space<hbm>> -> memref<288xi32, #tpu.memory_space<hbm>>
      %dma_start3A_194 = arith.constant 0 : i32
      %dma_start3A_195 = tpu.memref_slice %arg6[%add3A, %dma_start3A_194] : memref<32x288xi32, #tpu.memory_space<hbm>> -> memref<1x288xi32, #tpu.memory_space<hbm>>
      %dma_start3A_196 = tpu.memref_squeeze %dma_start3A_195 : memref<1x288xi32, #tpu.memory_space<hbm>> -> memref<288xi32, #tpu.memory_space<hbm>>
      tpu.enqueue_dma source(%dma_start3A_196 : memref<288xi32, #tpu.memory_space<hbm>>) target(%arg14 : memref<288xi32, #tpu.memory_space<vmem>>) target_semaphore(%run_scoped3A_190 : memref<!tpu.dma_semaphore, #tpu.memory_space<semaphore_mem>>)
      %dma_wait3A = arith.constant 0 : i32
      %dma_wait3A_197 = tpu.memref_slice %arg6[%add3A, %dma_wait3A] : memref<32x288xi32, #tpu.memory_space<hbm>> -> memref<1x288xi32, #tpu.memory_space<hbm>>
      %dma_wait3A_198 = tpu.memref_squeeze %dma_wait3A_197 : memref<1x288xi32, #tpu.memory_space<hbm>> -> memref<288xi32, #tpu.memory_space<hbm>>
      %dma_wait3A_199 = arith.constant 0 : i32
      %dma_wait3A_200 = tpu.memref_slice %arg6[%add3A, %dma_wait3A_199] : memref<32x288xi32, #tpu.memory_space<hbm>> -> memref<1x288xi32, #tpu.memory_space<hbm>>
      %dma_wait3A_201 = tpu.memref_squeeze %dma_wait3A_200 : memref<1x288xi32, #tpu.memory_space<hbm>> -> memref<288xi32, #tpu.memory_space<hbm>>
      tpu.wait_dma2 semaphore(%run_scoped3A_190 : memref<!tpu.dma_semaphore, #tpu.memory_space<semaphore_mem>>) src(%dma_wait3A_201 : memref<288xi32, #tpu.memory_space<hbm>>) dst(%arg14 : memref<288xi32, #tpu.memory_space<vmem>>)
      tpu.yield
    }) : () -> ()
    %mul3A_31 = arith.constant 8 : i32
    %mul3A_32 = arith.muli %select_n3A, %mul3A_31 : i32
    %add3A_33 = arith.constant 0 : i32
    %add3A_34 = arith.addi %mul3A_32, %add3A_33 : i32
    %run_scoped3A = arith.constant 0 : i32
    "tpu.region"() ({
      %run_scoped3A_190 = tpu.sem_alloc : memref<!tpu.dma_semaphore, #tpu.memory_space<semaphore_mem>>
      %dma_start3A_191 = arith.constant 0 : i32
      %dma_start3A_192 = tpu.memref_slice %arg8[%run_scoped3A, %dma_start3A_191] : memref<8x608xi32, #tpu.memory_space<vmem>> -> memref<1x608xi32, #tpu.memory_space<vmem>>
      %dma_start3A_193 = tpu.memref_squeeze %dma_start3A_192 : memref<1x608xi32, #tpu.memory_space<vmem>> -> memref<608xi32, #tpu.memory_space<vmem>>
      %dma_start3A_194 = arith.constant 0 : i32
      %dma_start3A_195 = tpu.memref_slice %arg3[%add3A_34, %dma_start3A_194] : memref<128x608xi32, #tpu.memory_space<hbm>> -> memref<1x608xi32, #tpu.memory_space<hbm>>
      %dma_start3A_196 = tpu.memref_squeeze %dma_start3A_195 : memref<1x608xi32, #tpu.memory_space<hbm>> -> memref<608xi32, #tpu.memory_space<hbm>>
      %dma_start3A_197 = arith.constant 0 : i32
      %dma_start3A_198 = tpu.memref_slice %arg8[%run_scoped3A, %dma_start3A_197] : memref<8x608xi32, #tpu.memory_space<vmem>> -> memref<1x608xi32, #tpu.memory_space<vmem>>
      %dma_start3A_199 = tpu.memref_squeeze %dma_start3A_198 : memref<1x608xi32, #tpu.memory_space<vmem>> -> memref<608xi32, #tpu.memory_space<vmem>>
      %dma_start3A_200 = arith.constant 0 : i32
      %dma_start3A_201 = tpu.memref_slice %arg3[%add3A_34, %dma_start3A_200] : memref<128x608xi32, #tpu.memory_space<hbm>> -> memref<1x608xi32, #tpu.memory_space<hbm>>
      %dma_start3A_202 = tpu.memref_squeeze %dma_start3A_201 : memref<1x608xi32, #tpu.memory_space<hbm>> -> memref<608xi32, #tpu.memory_space<hbm>>
      tpu.enqueue_dma source(%dma_start3A_202 : memref<608xi32, #tpu.memory_space<hbm>>) target(%dma_start3A_199 : memref<608xi32, #tpu.memory_space<vmem>>) target_semaphore(%run_scoped3A_190 : memref<!tpu.dma_semaphore, #tpu.memory_space<semaphore_mem>>)
      %dma_wait3A = arith.constant 0 : i32
      %dma_wait3A_203 = tpu.memref_slice %arg8[%run_scoped3A, %dma_wait3A] : memref<8x608xi32, #tpu.memory_space<vmem>> -> memref<1x608xi32, #tpu.memory_space<vmem>>
      %dma_wait3A_204 = tpu.memref_squeeze %dma_wait3A_203 : memref<1x608xi32, #tpu.memory_space<vmem>> -> memref<608xi32, #tpu.memory_space<vmem>>
      %dma_wait3A_205 = arith.constant 0 : i32
      %dma_wait3A_206 = tpu.memref_slice %arg3[%add3A_34, %dma_wait3A_205] : memref<128x608xi32, #tpu.memory_space<hbm>> -> memref<1x608xi32, #tpu.memory_space<hbm>>
      %dma_wait3A_207 = tpu.memref_squeeze %dma_wait3A_206 : memref<1x608xi32, #tpu.memory_space<hbm>> -> memref<608xi32, #tpu.memory_space<hbm>>
      %dma_wait3A_208 = arith.constant 0 : i32
      %dma_wait3A_209 = tpu.memref_slice %arg8[%run_scoped3A, %dma_wait3A_208] : memref<8x608xi32, #tpu.memory_space<vmem>> -> memref<1x608xi32, #tpu.memory_space<vmem>>
      %dma_wait3A_210 = tpu.memref_squeeze %dma_wait3A_209 : memref<1x608xi32, #tpu.memory_space<vmem>> -> memref<608xi32, #tpu.memory_space<vmem>>
      %dma_wait3A_211 = arith.constant 0 : i32
      %dma_wait3A_212 = tpu.memref_slice %arg3[%add3A_34, %dma_wait3A_211] : memref<128x608xi32, #tpu.memory_space<hbm>> -> memref<1x608xi32, #tpu.memory_space<hbm>>
      %dma_wait3A_213 = tpu.memref_squeeze %dma_wait3A_212 : memref<1x608xi32, #tpu.memory_space<hbm>> -> memref<608xi32, #tpu.memory_space<hbm>>
      tpu.wait_dma2 semaphore(%run_scoped3A_190 : memref<!tpu.dma_semaphore, #tpu.memory_space<semaphore_mem>>) src(%dma_wait3A_213 : memref<608xi32, #tpu.memory_space<hbm>>) dst(%dma_wait3A_210 : memref<608xi32, #tpu.memory_space<vmem>>)
      tpu.yield
    }) : () -> ()
    %mul3A_35 = arith.constant 8 : i32
    %mul3A_36 = arith.muli %select_n3A, %mul3A_35 : i32
    %add3A_37 = arith.constant 0 : i32
    %add3A_38 = arith.addi %mul3A_36, %add3A_37 : i32
    %run_scoped3A_39 = arith.constant 0 : i32
    "tpu.region"() ({
      %run_scoped3A_190 = tpu.sem_alloc : memref<!tpu.dma_semaphore, #tpu.memory_space<semaphore_mem>>
      %dma_start3A_191 = arith.constant 0 : i32
      %dma_start3A_192 = tpu.memref_slice %arg9[%run_scoped3A_39, %dma_start3A_191] : memref<8x304xf32, #tpu.memory_space<vmem>> -> memref<1x304xf32, #tpu.memory_space<vmem>>
      %dma_start3A_193 = tpu.memref_squeeze %dma_start3A_192 : memref<1x304xf32, #tpu.memory_space<vmem>> -> memref<304xf32, #tpu.memory_space<vmem>>
      %dma_start3A_194 = arith.constant 0 : i32
      %dma_start3A_195 = tpu.memref_slice %arg4[%add3A_38, %dma_start3A_194] : memref<128x304xf32, #tpu.memory_space<hbm>> -> memref<1x304xf32, #tpu.memory_space<hbm>>
      %dma_start3A_196 = tpu.memref_squeeze %dma_start3A_195 : memref<1x304xf32, #tpu.memory_space<hbm>> -> memref<304xf32, #tpu.memory_space<hbm>>
      %dma_start3A_197 = arith.constant 0 : i32
      %dma_start3A_198 = tpu.memref_slice %arg9[%run_scoped3A_39, %dma_start3A_197] : memref<8x304xf32, #tpu.memory_space<vmem>> -> memref<1x304xf32, #tpu.memory_space<vmem>>
      %dma_start3A_199 = tpu.memref_squeeze %dma_start3A_198 : memref<1x304xf32, #tpu.memory_space<vmem>> -> memref<304xf32, #tpu.memory_space<vmem>>
      %dma_start3A_200 = arith.constant 0 : i32
      %dma_start3A_201 = tpu.memref_slice %arg4[%add3A_38, %dma_start3A_200] : memref<128x304xf32, #tpu.memory_space<hbm>> -> memref<1x304xf32, #tpu.memory_space<hbm>>
      %dma_start3A_202 = tpu.memref_squeeze %dma_start3A_201 : memref<1x304xf32, #tpu.memory_space<hbm>> -> memref<304xf32, #tpu.memory_space<hbm>>
      tpu.enqueue_dma source(%dma_start3A_202 : memref<304xf32, #tpu.memory_space<hbm>>) target(%dma_start3A_199 : memref<304xf32, #tpu.memory_space<vmem>>) target_semaphore(%run_scoped3A_190 : memref<!tpu.dma_semaphore, #tpu.memory_space<semaphore_mem>>)
      %dma_wait3A = arith.constant 0 : i32
      %dma_wait3A_203 = tpu.memref_slice %arg9[%run_scoped3A_39, %dma_wait3A] : memref<8x304xf32, #tpu.memory_space<vmem>> -> memref<1x304xf32, #tpu.memory_space<vmem>>
      %dma_wait3A_204 = tpu.memref_squeeze %dma_wait3A_203 : memref<1x304xf32, #tpu.memory_space<vmem>> -> memref<304xf32, #tpu.memory_space<vmem>>
      %dma_wait3A_205 = arith.constant 0 : i32
      %dma_wait3A_206 = tpu.memref_slice %arg4[%add3A_38, %dma_wait3A_205] : memref<128x304xf32, #tpu.memory_space<hbm>> -> memref<1x304xf32, #tpu.memory_space<hbm>>
      %dma_wait3A_207 = tpu.memref_squeeze %dma_wait3A_206 : memref<1x304xf32, #tpu.memory_space<hbm>> -> memref<304xf32, #tpu.memory_space<hbm>>
      %dma_wait3A_208 = arith.constant 0 : i32
      %dma_wait3A_209 = tpu.memref_slice %arg9[%run_scoped3A_39, %dma_wait3A_208] : memref<8x304xf32, #tpu.memory_space<vmem>> -> memref<1x304xf32, #tpu.memory_space<vmem>>
      %dma_wait3A_210 = tpu.memref_squeeze %dma_wait3A_209 : memref<1x304xf32, #tpu.memory_space<vmem>> -> memref<304xf32, #tpu.memory_space<vmem>>
      %dma_wait3A_211 = arith.constant 0 : i32
      %dma_wait3A_212 = tpu.memref_slice %arg4[%add3A_38, %dma_wait3A_211] : memref<128x304xf32, #tpu.memory_space<hbm>> -> memref<1x304xf32, #tpu.memory_space<hbm>>
      %dma_wait3A_213 = tpu.memref_squeeze %dma_wait3A_212 : memref<1x304xf32, #tpu.memory_space<hbm>> -> memref<304xf32, #tpu.memory_space<hbm>>
      tpu.wait_dma2 semaphore(%run_scoped3A_190 : memref<!tpu.dma_semaphore, #tpu.memory_space<semaphore_mem>>) src(%dma_wait3A_213 : memref<304xf32, #tpu.memory_space<hbm>>) dst(%dma_wait3A_210 : memref<304xf32, #tpu.memory_space<vmem>>)
      tpu.yield
    }) : () -> ()
    %mul3A_40 = arith.constant 8 : i32
    %mul3A_41 = arith.muli %select_n3A, %mul3A_40 : i32
    %add3A_42 = arith.constant 1 : i32
    %add3A_43 = arith.addi %mul3A_41, %add3A_42 : i32
    %run_scoped3A_44 = arith.constant 1 : i32
    "tpu.region"() ({
      %run_scoped3A_190 = tpu.sem_alloc : memref<!tpu.dma_semaphore, #tpu.memory_space<semaphore_mem>>
      %dma_start3A_191 = arith.constant 0 : i32
      %dma_start3A_192 = tpu.memref_slice %arg8[%run_scoped3A_44, %dma_start3A_191] : memref<8x608xi32, #tpu.memory_space<vmem>> -> memref<1x608xi32, #tpu.memory_space<vmem>>
      %dma_start3A_193 = tpu.memref_squeeze %dma_start3A_192 : memref<1x608xi32, #tpu.memory_space<vmem>> -> memref<608xi32, #tpu.memory_space<vmem>>
      %dma_start3A_194 = arith.constant 0 : i32
      %dma_start3A_195 = tpu.memref_slice %arg3[%add3A_43, %dma_start3A_194] : memref<128x608xi32, #tpu.memory_space<hbm>> -> memref<1x608xi32, #tpu.memory_space<hbm>>
      %dma_start3A_196 = tpu.memref_squeeze %dma_start3A_195 : memref<1x608xi32, #tpu.memory_space<hbm>> -> memref<608xi32, #tpu.memory_space<hbm>>
      %dma_start3A_197 = arith.constant 0 : i32
      %dma_start3A_198 = tpu.memref_slice %arg8[%run_scoped3A_44, %dma_start3A_197] : memref<8x608xi32, #tpu.memory_space<vmem>> -> memref<1x608xi32, #tpu.memory_space<vmem>>
      %dma_start3A_199 = tpu.memref_squeeze %dma_start3A_198 : memref<1x608xi32, #tpu.memory_space<vmem>> -> memref<608xi32, #tpu.memory_space<vmem>>
      %dma_start3A_200 = arith.constant 0 : i32
      %dma_start3A_201 = tpu.memref_slice %arg3[%add3A_43, %dma_start3A_200] : memref<128x608xi32, #tpu.memory_space<hbm>> -> memref<1x608xi32, #tpu.memory_space<hbm>>
      %dma_start3A_202 = tpu.memref_squeeze %dma_start3A_201 : memref<1x608xi32, #tpu.memory_space<hbm>> -> memref<608xi32, #tpu.memory_space<hbm>>
      tpu.enqueue_dma source(%dma_start3A_202 : memref<608xi32, #tpu.memory_space<hbm>>) target(%dma_start3A_199 : memref<608xi32, #tpu.memory_space<vmem>>) target_semaphore(%run_scoped3A_190 : memref<!tpu.dma_semaphore, #tpu.memory_space<semaphore_mem>>)
      %dma_wait3A = arith.constant 0 : i32
      %dma_wait3A_203 = tpu.memref_slice %arg8[%run_scoped3A_44, %dma_wait3A] : memref<8x608xi32, #tpu.memory_space<vmem>> -> memref<1x608xi32, #tpu.memory_space<vmem>>
      %dma_wait3A_204 = tpu.memref_squeeze %dma_wait3A_203 : memref<1x608xi32, #tpu.memory_space<vmem>> -> memref<608xi32, #tpu.memory_space<vmem>>
      %dma_wait3A_205 = arith.constant 0 : i32
      %dma_wait3A_206 = tpu.memref_slice %arg3[%add3A_43, %dma_wait3A_205] : memref<128x608xi32, #tpu.memory_space<hbm>> -> memref<1x608xi32, #tpu.memory_space<hbm>>
      %dma_wait3A_207 = tpu.memref_squeeze %dma_wait3A_206 : memref<1x608xi32, #tpu.memory_space<hbm>> -> memref<608xi32, #tpu.memory_space<hbm>>
      %dma_wait3A_208 = arith.constant 0 : i32
      %dma_wait3A_209 = tpu.memref_slice %arg8[%run_scoped3A_44, %dma_wait3A_208] : memref<8x608xi32, #tpu.memory_space<vmem>> -> memref<1x608xi32, #tpu.memory_space<vmem>>
      %dma_wait3A_210 = tpu.memref_squeeze %dma_wait3A_209 : memref<1x608xi32, #tpu.memory_space<vmem>> -> memref<608xi32, #tpu.memory_space<vmem>>
      %dma_wait3A_211 = arith.constant 0 : i32
      %dma_wait3A_212 = tpu.memref_slice %arg3[%add3A_43, %dma_wait3A_211] : memref<128x608xi32, #tpu.memory_space<hbm>> -> memref<1x608xi32, #tpu.memory_space<hbm>>
      %dma_wait3A_213 = tpu.memref_squeeze %dma_wait3A_212 : memref<1x608xi32, #tpu.memory_space<hbm>> -> memref<608xi32, #tpu.memory_space<hbm>>
      tpu.wait_dma2 semaphore(%run_scoped3A_190 : memref<!tpu.dma_semaphore, #tpu.memory_space<semaphore_mem>>) src(%dma_wait3A_213 : memref<608xi32, #tpu.memory_space<hbm>>) dst(%dma_wait3A_210 : memref<608xi32, #tpu.memory_space<vmem>>)
      tpu.yield
    }) : () -> ()
    %mul3A_45 = arith.constant 8 : i32
    %mul3A_46 = arith.muli %select_n3A, %mul3A_45 : i32
    %add3A_47 = arith.constant 1 : i32
    %add3A_48 = arith.addi %mul3A_46, %add3A_47 : i32
    %run_scoped3A_49 = arith.constant 1 : i32
    "tpu.region"() ({
      %run_scoped3A_190 = tpu.sem_alloc : memref<!tpu.dma_semaphore, #tpu.memory_space<semaphore_mem>>
      %dma_start3A_191 = arith.constant 0 : i32
      %dma_start3A_192 = tpu.memref_slice %arg9[%run_scoped3A_49, %dma_start3A_191] : memref<8x304xf32, #tpu.memory_space<vmem>> -> memref<1x304xf32, #tpu.memory_space<vmem>>
      %dma_start3A_193 = tpu.memref_squeeze %dma_start3A_192 : memref<1x304xf32, #tpu.memory_space<vmem>> -> memref<304xf32, #tpu.memory_space<vmem>>
      %dma_start3A_194 = arith.constant 0 : i32
      %dma_start3A_195 = tpu.memref_slice %arg4[%add3A_48, %dma_start3A_194] : memref<128x304xf32, #tpu.memory_space<hbm>> -> memref<1x304xf32, #tpu.memory_space<hbm>>
      %dma_start3A_196 = tpu.memref_squeeze %dma_start3A_195 : memref<1x304xf32, #tpu.memory_space<hbm>> -> memref<304xf32, #tpu.memory_space<hbm>>
      %dma_start3A_197 = arith.constant 0 : i32
      %dma_start3A_198 = tpu.memref_slice %arg9[%run_scoped3A_49, %dma_start3A_197] : memref<8x304xf32, #tpu.memory_space<vmem>> -> memref<1x304xf32, #tpu.memory_space<vmem>>
      %dma_start3A_199 = tpu.memref_squeeze %dma_start3A_198 : memref<1x304xf32, #tpu.memory_space<vmem>> -> memref<304xf32, #tpu.memory_space<vmem>>
      %dma_start3A_200 = arith.constant 0 : i32
      %dma_start3A_201 = tpu.memref_slice %arg4[%add3A_48, %dma_start3A_200] : memref<128x304xf32, #tpu.memory_space<hbm>> -> memref<1x304xf32, #tpu.memory_space<hbm>>
      %dma_start3A_202 = tpu.memref_squeeze %dma_start3A_201 : memref<1x304xf32, #tpu.memory_space<hbm>> -> memref<304xf32, #tpu.memory_space<hbm>>
      tpu.enqueue_dma source(%dma_start3A_202 : memref<304xf32, #tpu.memory_space<hbm>>) target(%dma_start3A_199 : memref<304xf32, #tpu.memory_space<vmem>>) target_semaphore(%run_scoped3A_190 : memref<!tpu.dma_semaphore, #tpu.memory_space<semaphore_mem>>)
      %dma_wait3A = arith.constant 0 : i32
      %dma_wait3A_203 = tpu.memref_slice %arg9[%run_scoped3A_49, %dma_wait3A] : memref<8x304xf32, #tpu.memory_space<vmem>> -> memref<1x304xf32, #tpu.memory_space<vmem>>
      %dma_wait3A_204 = tpu.memref_squeeze %dma_wait3A_203 : memref<1x304xf32, #tpu.memory_space<vmem>> -> memref<304xf32, #tpu.memory_space<vmem>>
      %dma_wait3A_205 = arith.constant 0 : i32
      %dma_wait3A_206 = tpu.memref_slice %arg4[%add3A_48, %dma_wait3A_205] : memref<128x304xf32, #tpu.memory_space<hbm>> -> memref<1x304xf32, #tpu.memory_space<hbm>>
      %dma_wait3A_207 = tpu.memref_squeeze %dma_wait3A_206 : memref<1x304xf32, #tpu.memory_space<hbm>> -> memref<304xf32, #tpu.memory_space<hbm>>
      %dma_wait3A_208 = arith.constant 0 : i32
      %dma_wait3A_209 = tpu.memref_slice %arg9[%run_scoped3A_49, %dma_wait3A_208] : memref<8x304xf32, #tpu.memory_space<vmem>> -> memref<1x304xf32, #tpu.memory_space<vmem>>
      %dma_wait3A_210 = tpu.memref_squeeze %dma_wait3A_209 : memref<1x304xf32, #tpu.memory_space<vmem>> -> memref<304xf32, #tpu.memory_space<vmem>>
      %dma_wait3A_211 = arith.constant 0 : i32
      %dma_wait3A_212 = tpu.memref_slice %arg4[%add3A_48, %dma_wait3A_211] : memref<128x304xf32, #tpu.memory_space<hbm>> -> memref<1x304xf32, #tpu.memory_space<hbm>>
      %dma_wait3A_213 = tpu.memref_squeeze %dma_wait3A_212 : memref<1x304xf32, #tpu.memory_space<hbm>> -> memref<304xf32, #tpu.memory_space<hbm>>
      tpu.wait_dma2 semaphore(%run_scoped3A_190 : memref<!tpu.dma_semaphore, #tpu.memory_space<semaphore_mem>>) src(%dma_wait3A_213 : memref<304xf32, #tpu.memory_space<hbm>>) dst(%dma_wait3A_210 : memref<304xf32, #tpu.memory_space<vmem>>)
      tpu.yield
    }) : () -> ()
    %mul3A_50 = arith.constant 8 : i32
    %mul3A_51 = arith.muli %select_n3A, %mul3A_50 : i32
    %add3A_52 = arith.constant 2 : i32
    %add3A_53 = arith.addi %mul3A_51, %add3A_52 : i32
    %run_scoped3A_54 = arith.constant 2 : i32
    "tpu.region"() ({
      %run_scoped3A_190 = tpu.sem_alloc : memref<!tpu.dma_semaphore, #tpu.memory_space<semaphore_mem>>
      %dma_start3A_191 = arith.constant 0 : i32
      %dma_start3A_192 = tpu.memref_slice %arg8[%run_scoped3A_54, %dma_start3A_191] : memref<8x608xi32, #tpu.memory_space<vmem>> -> memref<1x608xi32, #tpu.memory_space<vmem>>
      %dma_start3A_193 = tpu.memref_squeeze %dma_start3A_192 : memref<1x608xi32, #tpu.memory_space<vmem>> -> memref<608xi32, #tpu.memory_space<vmem>>
      %dma_start3A_194 = arith.constant 0 : i32
      %dma_start3A_195 = tpu.memref_slice %arg3[%add3A_53, %dma_start3A_194] : memref<128x608xi32, #tpu.memory_space<hbm>> -> memref<1x608xi32, #tpu.memory_space<hbm>>
      %dma_start3A_196 = tpu.memref_squeeze %dma_start3A_195 : memref<1x608xi32, #tpu.memory_space<hbm>> -> memref<608xi32, #tpu.memory_space<hbm>>
      %dma_start3A_197 = arith.constant 0 : i32
      %dma_start3A_198 = tpu.memref_slice %arg8[%run_scoped3A_54, %dma_start3A_197] : memref<8x608xi32, #tpu.memory_space<vmem>> -> memref<1x608xi32, #tpu.memory_space<vmem>>
      %dma_start3A_199 = tpu.memref_squeeze %dma_start3A_198 : memref<1x608xi32, #tpu.memory_space<vmem>> -> memref<608xi32, #tpu.memory_space<vmem>>
      %dma_start3A_200 = arith.constant 0 : i32
      %dma_start3A_201 = tpu.memref_slice %arg3[%add3A_53, %dma_start3A_200] : memref<128x608xi32, #tpu.memory_space<hbm>> -> memref<1x608xi32, #tpu.memory_space<hbm>>
      %dma_start3A_202 = tpu.memref_squeeze %dma_start3A_201 : memref<1x608xi32, #tpu.memory_space<hbm>> -> memref<608xi32, #tpu.memory_space<hbm>>
      tpu.enqueue_dma source(%dma_start3A_202 : memref<608xi32, #tpu.memory_space<hbm>>) target(%dma_start3A_199 : memref<608xi32, #tpu.memory_space<vmem>>) target_semaphore(%run_scoped3A_190 : memref<!tpu.dma_semaphore, #tpu.memory_space<semaphore_mem>>)
      %dma_wait3A = arith.constant 0 : i32
      %dma_wait3A_203 = tpu.memref_slice %arg8[%run_scoped3A_54, %dma_wait3A] : memref<8x608xi32, #tpu.memory_space<vmem>> -> memref<1x608xi32, #tpu.memory_space<vmem>>
      %dma_wait3A_204 = tpu.memref_squeeze %dma_wait3A_203 : memref<1x608xi32, #tpu.memory_space<vmem>> -> memref<608xi32, #tpu.memory_space<vmem>>
      %dma_wait3A_205 = arith.constant 0 : i32
      %dma_wait3A_206 = tpu.memref_slice %arg3[%add3A_53, %dma_wait3A_205] : memref<128x608xi32, #tpu.memory_space<hbm>> -> memref<1x608xi32, #tpu.memory_space<hbm>>
      %dma_wait3A_207 = tpu.memref_squeeze %dma_wait3A_206 : memref<1x608xi32, #tpu.memory_space<hbm>> -> memref<608xi32, #tpu.memory_space<hbm>>
      %dma_wait3A_208 = arith.constant 0 : i32
      %dma_wait3A_209 = tpu.memref_slice %arg8[%run_scoped3A_54, %dma_wait3A_208] : memref<8x608xi32, #tpu.memory_space<vmem>> -> memref<1x608xi32, #tpu.memory_space<vmem>>
      %dma_wait3A_210 = tpu.memref_squeeze %dma_wait3A_209 : memref<1x608xi32, #tpu.memory_space<vmem>> -> memref<608xi32, #tpu.memory_space<vmem>>
      %dma_wait3A_211 = arith.constant 0 : i32
      %dma_wait3A_212 = tpu.memref_slice %arg3[%add3A_53, %dma_wait3A_211] : memref<128x608xi32, #tpu.memory_space<hbm>> -> memref<1x608xi32, #tpu.memory_space<hbm>>
      %dma_wait3A_213 = tpu.memref_squeeze %dma_wait3A_212 : memref<1x608xi32, #tpu.memory_space<hbm>> -> memref<608xi32, #tpu.memory_space<hbm>>
      tpu.wait_dma2 semaphore(%run_scoped3A_190 : memref<!tpu.dma_semaphore, #tpu.memory_space<semaphore_mem>>) src(%dma_wait3A_213 : memref<608xi32, #tpu.memory_space<hbm>>) dst(%dma_wait3A_210 : memref<608xi32, #tpu.memory_space<vmem>>)
      tpu.yield
    }) : () -> ()
    %mul3A_55 = arith.constant 8 : i32
    %mul3A_56 = arith.muli %select_n3A, %mul3A_55 : i32
    %add3A_57 = arith.constant 2 : i32
    %add3A_58 = arith.addi %mul3A_56, %add3A_57 : i32
    %run_scoped3A_59 = arith.constant 2 : i32
    "tpu.region"() ({
      %run_scoped3A_190 = tpu.sem_alloc : memref<!tpu.dma_semaphore, #tpu.memory_space<semaphore_mem>>
      %dma_start3A_191 = arith.constant 0 : i32
      %dma_start3A_192 = tpu.memref_slice %arg9[%run_scoped3A_59, %dma_start3A_191] : memref<8x304xf32, #tpu.memory_space<vmem>> -> memref<1x304xf32, #tpu.memory_space<vmem>>
      %dma_start3A_193 = tpu.memref_squeeze %dma_start3A_192 : memref<1x304xf32, #tpu.memory_space<vmem>> -> memref<304xf32, #tpu.memory_space<vmem>>
      %dma_start3A_194 = arith.constant 0 : i32
      %dma_start3A_195 = tpu.memref_slice %arg4[%add3A_58, %dma_start3A_194] : memref<128x304xf32, #tpu.memory_space<hbm>> -> memref<1x304xf32, #tpu.memory_space<hbm>>
      %dma_start3A_196 = tpu.memref_squeeze %dma_start3A_195 : memref<1x304xf32, #tpu.memory_space<hbm>> -> memref<304xf32, #tpu.memory_space<hbm>>
      %dma_start3A_197 = arith.constant 0 : i32
      %dma_start3A_198 = tpu.memref_slice %arg9[%run_scoped3A_59, %dma_start3A_197] : memref<8x304xf32, #tpu.memory_space<vmem>> -> memref<1x304xf32, #tpu.memory_space<vmem>>
      %dma_start3A_199 = tpu.memref_squeeze %dma_start3A_198 : memref<1x304xf32, #tpu.memory_space<vmem>> -> memref<304xf32, #tpu.memory_space<vmem>>
      %dma_start3A_200 = arith.constant 0 : i32
      %dma_start3A_201 = tpu.memref_slice %arg4[%add3A_58, %dma_start3A_200] : memref<128x304xf32, #tpu.memory_space<hbm>> -> memref<1x304xf32, #tpu.memory_space<hbm>>
      %dma_start3A_202 = tpu.memref_squeeze %dma_start3A_201 : memref<1x304xf32, #tpu.memory_space<hbm>> -> memref<304xf32, #tpu.memory_space<hbm>>
      tpu.enqueue_dma source(%dma_start3A_202 : memref<304xf32, #tpu.memory_space<hbm>>) target(%dma_start3A_199 : memref<304xf32, #tpu.memory_space<vmem>>) target_semaphore(%run_scoped3A_190 : memref<!tpu.dma_semaphore, #tpu.memory_space<semaphore_mem>>)
      %dma_wait3A = arith.constant 0 : i32
      %dma_wait3A_203 = tpu.memref_slice %arg9[%run_scoped3A_59, %dma_wait3A] : memref<8x304xf32, #tpu.memory_space<vmem>> -> memref<1x304xf32, #tpu.memory_space<vmem>>
      %dma_wait3A_204 = tpu.memref_squeeze %dma_wait3A_203 : memref<1x304xf32, #tpu.memory_space<vmem>> -> memref<304xf32, #tpu.memory_space<vmem>>
      %dma_wait3A_205 = arith.constant 0 : i32
      %dma_wait3A_206 = tpu.memref_slice %arg4[%add3A_58, %dma_wait3A_205] : memref<128x304xf32, #tpu.memory_space<hbm>> -> memref<1x304xf32, #tpu.memory_space<hbm>>
      %dma_wait3A_207 = tpu.memref_squeeze %dma_wait3A_206 : memref<1x304xf32, #tpu.memory_space<hbm>> -> memref<304xf32, #tpu.memory_space<hbm>>
      %dma_wait3A_208 = arith.constant 0 : i32
      %dma_wait3A_209 = tpu.memref_slice %arg9[%run_scoped3A_59, %dma_wait3A_208] : memref<8x304xf32, #tpu.memory_space<vmem>> -> memref<1x304xf32, #tpu.memory_space<vmem>>
      %dma_wait3A_210 = tpu.memref_squeeze %dma_wait3A_209 : memref<1x304xf32, #tpu.memory_space<vmem>> -> memref<304xf32, #tpu.memory_space<vmem>>
      %dma_wait3A_211 = arith.constant 0 : i32
      %dma_wait3A_212 = tpu.memref_slice %arg4[%add3A_58, %dma_wait3A_211] : memref<128x304xf32, #tpu.memory_space<hbm>> -> memref<1x304xf32, #tpu.memory_space<hbm>>
      %dma_wait3A_213 = tpu.memref_squeeze %dma_wait3A_212 : memref<1x304xf32, #tpu.memory_space<hbm>> -> memref<304xf32, #tpu.memory_space<hbm>>
      tpu.wait_dma2 semaphore(%run_scoped3A_190 : memref<!tpu.dma_semaphore, #tpu.memory_space<semaphore_mem>>) src(%dma_wait3A_213 : memref<304xf32, #tpu.memory_space<hbm>>) dst(%dma_wait3A_210 : memref<304xf32, #tpu.memory_space<vmem>>)
      tpu.yield
    }) : () -> ()
    %mul3A_60 = arith.constant 8 : i32
    %mul3A_61 = arith.muli %select_n3A, %mul3A_60 : i32
    %add3A_62 = arith.constant 3 : i32
    %add3A_63 = arith.addi %mul3A_61, %add3A_62 : i32
    %run_scoped3A_64 = arith.constant 3 : i32
    "tpu.region"() ({
      %run_scoped3A_190 = tpu.sem_alloc : memref<!tpu.dma_semaphore, #tpu.memory_space<semaphore_mem>>
      %dma_start3A_191 = arith.constant 0 : i32
      %dma_start3A_192 = tpu.memref_slice %arg8[%run_scoped3A_64, %dma_start3A_191] : memref<8x608xi32, #tpu.memory_space<vmem>> -> memref<1x608xi32, #tpu.memory_space<vmem>>
      %dma_start3A_193 = tpu.memref_squeeze %dma_start3A_192 : memref<1x608xi32, #tpu.memory_space<vmem>> -> memref<608xi32, #tpu.memory_space<vmem>>
      %dma_start3A_194 = arith.constant 0 : i32
      %dma_start3A_195 = tpu.memref_slice %arg3[%add3A_63, %dma_start3A_194] : memref<128x608xi32, #tpu.memory_space<hbm>> -> memref<1x608xi32, #tpu.memory_space<hbm>>
      %dma_start3A_196 = tpu.memref_squeeze %dma_start3A_195 : memref<1x608xi32, #tpu.memory_space<hbm>> -> memref<608xi32, #tpu.memory_space<hbm>>
      %dma_start3A_197 = arith.constant 0 : i32
      %dma_start3A_198 = tpu.memref_slice %arg8[%run_scoped3A_64, %dma_start3A_197] : memref<8x608xi32, #tpu.memory_space<vmem>> -> memref<1x608xi32, #tpu.memory_space<vmem>>
      %dma_start3A_199 = tpu.memref_squeeze %dma_start3A_198 : memref<1x608xi32, #tpu.memory_space<vmem>> -> memref<608xi32, #tpu.memory_space<vmem>>
      %dma_start3A_200 = arith.constant 0 : i32
      %dma_start3A_201 = tpu.memref_slice %arg3[%add3A_63, %dma_start3A_200] : memref<128x608xi32, #tpu.memory_space<hbm>> -> memref<1x608xi32, #tpu.memory_space<hbm>>
      %dma_start3A_202 = tpu.memref_squeeze %dma_start3A_201 : memref<1x608xi32, #tpu.memory_space<hbm>> -> memref<608xi32, #tpu.memory_space<hbm>>
      tpu.enqueue_dma source(%dma_start3A_202 : memref<608xi32, #tpu.memory_space<hbm>>) target(%dma_start3A_199 : memref<608xi32, #tpu.memory_space<vmem>>) target_semaphore(%run_scoped3A_190 : memref<!tpu.dma_semaphore, #tpu.memory_space<semaphore_mem>>)
      %dma_wait3A = arith.constant 0 : i32
      %dma_wait3A_203 = tpu.memref_slice %arg8[%run_scoped3A_64, %dma_wait3A] : memref<8x608xi32, #tpu.memory_space<vmem>> -> memref<1x608xi32, #tpu.memory_space<vmem>>
      %dma_wait3A_204 = tpu.memref_squeeze %dma_wait3A_203 : memref<1x608xi32, #tpu.memory_space<vmem>> -> memref<608xi32, #tpu.memory_space<vmem>>
      %dma_wait3A_205 = arith.constant 0 : i32
      %dma_wait3A_206 = tpu.memref_slice %arg3[%add3A_63, %dma_wait3A_205] : memref<128x608xi32, #tpu.memory_space<hbm>> -> memref<1x608xi32, #tpu.memory_space<hbm>>
      %dma_wait3A_207 = tpu.memref_squeeze %dma_wait3A_206 : memref<1x608xi32, #tpu.memory_space<hbm>> -> memref<608xi32, #tpu.memory_space<hbm>>
      %dma_wait3A_208 = arith.constant 0 : i32
      %dma_wait3A_209 = tpu.memref_slice %arg8[%run_scoped3A_64, %dma_wait3A_208] : memref<8x608xi32, #tpu.memory_space<vmem>> -> memref<1x608xi32, #tpu.memory_space<vmem>>
      %dma_wait3A_210 = tpu.memref_squeeze %dma_wait3A_209 : memref<1x608xi32, #tpu.memory_space<vmem>> -> memref<608xi32, #tpu.memory_space<vmem>>
      %dma_wait3A_211 = arith.constant 0 : i32
      %dma_wait3A_212 = tpu.memref_slice %arg3[%add3A_63, %dma_wait3A_211] : memref<128x608xi32, #tpu.memory_space<hbm>> -> memref<1x608xi32, #tpu.memory_space<hbm>>
      %dma_wait3A_213 = tpu.memref_squeeze %dma_wait3A_212 : memref<1x608xi32, #tpu.memory_space<hbm>> -> memref<608xi32, #tpu.memory_space<hbm>>
      tpu.wait_dma2 semaphore(%run_scoped3A_190 : memref<!tpu.dma_semaphore, #tpu.memory_space<semaphore_mem>>) src(%dma_wait3A_213 : memref<608xi32, #tpu.memory_space<hbm>>) dst(%dma_wait3A_210 : memref<608xi32, #tpu.memory_space<vmem>>)
      tpu.yield
    }) : () -> ()
    %mul3A_65 = arith.constant 8 : i32
    %mul3A_66 = arith.muli %select_n3A, %mul3A_65 : i32
    %add3A_67 = arith.constant 3 : i32
    %add3A_68 = arith.addi %mul3A_66, %add3A_67 : i32
    %run_scoped3A_69 = arith.constant 3 : i32
    "tpu.region"() ({
      %run_scoped3A_190 = tpu.sem_alloc : memref<!tpu.dma_semaphore, #tpu.memory_space<semaphore_mem>>
      %dma_start3A_191 = arith.constant 0 : i32
      %dma_start3A_192 = tpu.memref_slice %arg9[%run_scoped3A_69, %dma_start3A_191] : memref<8x304xf32, #tpu.memory_space<vmem>> -> memref<1x304xf32, #tpu.memory_space<vmem>>
      %dma_start3A_193 = tpu.memref_squeeze %dma_start3A_192 : memref<1x304xf32, #tpu.memory_space<vmem>> -> memref<304xf32, #tpu.memory_space<vmem>>
      %dma_start3A_194 = arith.constant 0 : i32
      %dma_start3A_195 = tpu.memref_slice %arg4[%add3A_68, %dma_start3A_194] : memref<128x304xf32, #tpu.memory_space<hbm>> -> memref<1x304xf32, #tpu.memory_space<hbm>>
      %dma_start3A_196 = tpu.memref_squeeze %dma_start3A_195 : memref<1x304xf32, #tpu.memory_space<hbm>> -> memref<304xf32, #tpu.memory_space<hbm>>
      %dma_start3A_197 = arith.constant 0 : i32
      %dma_start3A_198 = tpu.memref_slice %arg9[%run_scoped3A_69, %dma_start3A_197] : memref<8x304xf32, #tpu.memory_space<vmem>> -> memref<1x304xf32, #tpu.memory_space<vmem>>
      %dma_start3A_199 = tpu.memref_squeeze %dma_start3A_198 : memref<1x304xf32, #tpu.memory_space<vmem>> -> memref<304xf32, #tpu.memory_space<vmem>>
      %dma_start3A_200 = arith.constant 0 : i32
      %dma_start3A_201 = tpu.memref_slice %arg4[%add3A_68, %dma_start3A_200] : memref<128x304xf32, #tpu.memory_space<hbm>> -> memref<1x304xf32, #tpu.memory_space<hbm>>
      %dma_start3A_202 = tpu.memref_squeeze %dma_start3A_201 : memref<1x304xf32, #tpu.memory_space<hbm>> -> memref<304xf32, #tpu.memory_space<hbm>>
      tpu.enqueue_dma source(%dma_start3A_202 : memref<304xf32, #tpu.memory_space<hbm>>) target(%dma_start3A_199 : memref<304xf32, #tpu.memory_space<vmem>>) target_semaphore(%run_scoped3A_190 : memref<!tpu.dma_semaphore, #tpu.memory_space<semaphore_mem>>)
      %dma_wait3A = arith.constant 0 : i32
      %dma_wait3A_203 = tpu.memref_slice %arg9[%run_scoped3A_69, %dma_wait3A] : memref<8x304xf32, #tpu.memory_space<vmem>> -> memref<1x304xf32, #tpu.memory_space<vmem>>
      %dma_wait3A_204 = tpu.memref_squeeze %dma_wait3A_203 : memref<1x304xf32, #tpu.memory_space<vmem>> -> memref<304xf32, #tpu.memory_space<vmem>>
      %dma_wait3A_205 = arith.constant 0 : i32
      %dma_wait3A_206 = tpu.memref_slice %arg4[%add3A_68, %dma_wait3A_205] : memref<128x304xf32, #tpu.memory_space<hbm>> -> memref<1x304xf32, #tpu.memory_space<hbm>>
      %dma_wait3A_207 = tpu.memref_squeeze %dma_wait3A_206 : memref<1x304xf32, #tpu.memory_space<hbm>> -> memref<304xf32, #tpu.memory_space<hbm>>
      %dma_wait3A_208 = arith.constant 0 : i32
      %dma_wait3A_209 = tpu.memref_slice %arg9[%run_scoped3A_69, %dma_wait3A_208] : memref<8x304xf32, #tpu.memory_space<vmem>> -> memref<1x304xf32, #tpu.memory_space<vmem>>
      %dma_wait3A_210 = tpu.memref_squeeze %dma_wait3A_209 : memref<1x304xf32, #tpu.memory_space<vmem>> -> memref<304xf32, #tpu.memory_space<vmem>>
      %dma_wait3A_211 = arith.constant 0 : i32
      %dma_wait3A_212 = tpu.memref_slice %arg4[%add3A_68, %dma_wait3A_211] : memref<128x304xf32, #tpu.memory_space<hbm>> -> memref<1x304xf32, #tpu.memory_space<hbm>>
      %dma_wait3A_213 = tpu.memref_squeeze %dma_wait3A_212 : memref<1x304xf32, #tpu.memory_space<hbm>> -> memref<304xf32, #tpu.memory_space<hbm>>
      tpu.wait_dma2 semaphore(%run_scoped3A_190 : memref<!tpu.dma_semaphore, #tpu.memory_space<semaphore_mem>>) src(%dma_wait3A_213 : memref<304xf32, #tpu.memory_space<hbm>>) dst(%dma_wait3A_210 : memref<304xf32, #tpu.memory_space<vmem>>)
      tpu.yield
    }) : () -> ()
    %mul3A_70 = arith.constant 8 : i32
    %mul3A_71 = arith.muli %select_n3A, %mul3A_70 : i32
    %add3A_72 = arith.constant 4 : i32
    %add3A_73 = arith.addi %mul3A_71, %add3A_72 : i32
    %run_scoped3A_74 = arith.constant 4 : i32
    "tpu.region"() ({
      %run_scoped3A_190 = tpu.sem_alloc : memref<!tpu.dma_semaphore, #tpu.memory_space<semaphore_mem>>
      %dma_start3A_191 = arith.constant 0 : i32
      %dma_start3A_192 = tpu.memref_slice %arg8[%run_scoped3A_74, %dma_start3A_191] : memref<8x608xi32, #tpu.memory_space<vmem>> -> memref<1x608xi32, #tpu.memory_space<vmem>>
      %dma_start3A_193 = tpu.memref_squeeze %dma_start3A_192 : memref<1x608xi32, #tpu.memory_space<vmem>> -> memref<608xi32, #tpu.memory_space<vmem>>
      %dma_start3A_194 = arith.constant 0 : i32
      %dma_start3A_195 = tpu.memref_slice %arg3[%add3A_73, %dma_start3A_194] : memref<128x608xi32, #tpu.memory_space<hbm>> -> memref<1x608xi32, #tpu.memory_space<hbm>>
      %dma_start3A_196 = tpu.memref_squeeze %dma_start3A_195 : memref<1x608xi32, #tpu.memory_space<hbm>> -> memref<608xi32, #tpu.memory_space<hbm>>
      %dma_start3A_197 = arith.constant 0 : i32
      %dma_start3A_198 = tpu.memref_slice %arg8[%run_scoped3A_74, %dma_start3A_197] : memref<8x608xi32, #tpu.memory_space<vmem>> -> memref<1x608xi32, #tpu.memory_space<vmem>>
      %dma_start3A_199 = tpu.memref_squeeze %dma_start3A_198 : memref<1x608xi32, #tpu.memory_space<vmem>> -> memref<608xi32, #tpu.memory_space<vmem>>
      %dma_start3A_200 = arith.constant 0 : i32
      %dma_start3A_201 = tpu.memref_slice %arg3[%add3A_73, %dma_start3A_200] : memref<128x608xi32, #tpu.memory_space<hbm>> -> memref<1x608xi32, #tpu.memory_space<hbm>>
      %dma_start3A_202 = tpu.memref_squeeze %dma_start3A_201 : memref<1x608xi32, #tpu.memory_space<hbm>> -> memref<608xi32, #tpu.memory_space<hbm>>
      tpu.enqueue_dma source(%dma_start3A_202 : memref<608xi32, #tpu.memory_space<hbm>>) target(%dma_start3A_199 : memref<608xi32, #tpu.memory_space<vmem>>) target_semaphore(%run_scoped3A_190 : memref<!tpu.dma_semaphore, #tpu.memory_space<semaphore_mem>>)
      %dma_wait3A = arith.constant 0 : i32
      %dma_wait3A_203 = tpu.memref_slice %arg8[%run_scoped3A_74, %dma_wait3A] : memref<8x608xi32, #tpu.memory_space<vmem>> -> memref<1x608xi32, #tpu.memory_space<vmem>>
      %dma_wait3A_204 = tpu.memref_squeeze %dma_wait3A_203 : memref<1x608xi32, #tpu.memory_space<vmem>> -> memref<608xi32, #tpu.memory_space<vmem>>
      %dma_wait3A_205 = arith.constant 0 : i32
      %dma_wait3A_206 = tpu.memref_slice %arg3[%add3A_73, %dma_wait3A_205] : memref<128x608xi32, #tpu.memory_space<hbm>> -> memref<1x608xi32, #tpu.memory_space<hbm>>
      %dma_wait3A_207 = tpu.memref_squeeze %dma_wait3A_206 : memref<1x608xi32, #tpu.memory_space<hbm>> -> memref<608xi32, #tpu.memory_space<hbm>>
      %dma_wait3A_208 = arith.constant 0 : i32
      %dma_wait3A_209 = tpu.memref_slice %arg8[%run_scoped3A_74, %dma_wait3A_208] : memref<8x608xi32, #tpu.memory_space<vmem>> -> memref<1x608xi32, #tpu.memory_space<vmem>>
      %dma_wait3A_210 = tpu.memref_squeeze %dma_wait3A_209 : memref<1x608xi32, #tpu.memory_space<vmem>> -> memref<608xi32, #tpu.memory_space<vmem>>
      %dma_wait3A_211 = arith.constant 0 : i32
      %dma_wait3A_212 = tpu.memref_slice %arg3[%add3A_73, %dma_wait3A_211] : memref<128x608xi32, #tpu.memory_space<hbm>> -> memref<1x608xi32, #tpu.memory_space<hbm>>
      %dma_wait3A_213 = tpu.memref_squeeze %dma_wait3A_212 : memref<1x608xi32, #tpu.memory_space<hbm>> -> memref<608xi32, #tpu.memory_space<hbm>>
      tpu.wait_dma2 semaphore(%run_scoped3A_190 : memref<!tpu.dma_semaphore, #tpu.memory_space<semaphore_mem>>) src(%dma_wait3A_213 : memref<608xi32, #tpu.memory_space<hbm>>) dst(%dma_wait3A_210 : memref<608xi32, #tpu.memory_space<vmem>>)
      tpu.yield
    }) : () -> ()
    %mul3A_75 = arith.constant 8 : i32
    %mul3A_76 = arith.muli %select_n3A, %mul3A_75 : i32
    %add3A_77 = arith.constant 4 : i32
    %add3A_78 = arith.addi %mul3A_76, %add3A_77 : i32
    %run_scoped3A_79 = arith.constant 4 : i32
    "tpu.region"() ({
      %run_scoped3A_190 = tpu.sem_alloc : memref<!tpu.dma_semaphore, #tpu.memory_space<semaphore_mem>>
      %dma_start3A_191 = arith.constant 0 : i32
      %dma_start3A_192 = tpu.memref_slice %arg9[%run_scoped3A_79, %dma_start3A_191] : memref<8x304xf32, #tpu.memory_space<vmem>> -> memref<1x304xf32, #tpu.memory_space<vmem>>
      %dma_start3A_193 = tpu.memref_squeeze %dma_start3A_192 : memref<1x304xf32, #tpu.memory_space<vmem>> -> memref<304xf32, #tpu.memory_space<vmem>>
      %dma_start3A_194 = arith.constant 0 : i32
      %dma_start3A_195 = tpu.memref_slice %arg4[%add3A_78, %dma_start3A_194] : memref<128x304xf32, #tpu.memory_space<hbm>> -> memref<1x304xf32, #tpu.memory_space<hbm>>
      %dma_start3A_196 = tpu.memref_squeeze %dma_start3A_195 : memref<1x304xf32, #tpu.memory_space<hbm>> -> memref<304xf32, #tpu.memory_space<hbm>>
      %dma_start3A_197 = arith.constant 0 : i32
      %dma_start3A_198 = tpu.memref_slice %arg9[%run_scoped3A_79, %dma_start3A_197] : memref<8x304xf32, #tpu.memory_space<vmem>> -> memref<1x304xf32, #tpu.memory_space<vmem>>
      %dma_start3A_199 = tpu.memref_squeeze %dma_start3A_198 : memref<1x304xf32, #tpu.memory_space<vmem>> -> memref<304xf32, #tpu.memory_space<vmem>>
      %dma_start3A_200 = arith.constant 0 : i32
      %dma_start3A_201 = tpu.memref_slice %arg4[%add3A_78, %dma_start3A_200] : memref<128x304xf32, #tpu.memory_space<hbm>> -> memref<1x304xf32, #tpu.memory_space<hbm>>
      %dma_start3A_202 = tpu.memref_squeeze %dma_start3A_201 : memref<1x304xf32, #tpu.memory_space<hbm>> -> memref<304xf32, #tpu.memory_space<hbm>>
      tpu.enqueue_dma source(%dma_start3A_202 : memref<304xf32, #tpu.memory_space<hbm>>) target(%dma_start3A_199 : memref<304xf32, #tpu.memory_space<vmem>>) target_semaphore(%run_scoped3A_190 : memref<!tpu.dma_semaphore, #tpu.memory_space<semaphore_mem>>)
      %dma_wait3A = arith.constant 0 : i32
      %dma_wait3A_203 = tpu.memref_slice %arg9[%run_scoped3A_79, %dma_wait3A] : memref<8x304xf32, #tpu.memory_space<vmem>> -> memref<1x304xf32, #tpu.memory_space<vmem>>
      %dma_wait3A_204 = tpu.memref_squeeze %dma_wait3A_203 : memref<1x304xf32, #tpu.memory_space<vmem>> -> memref<304xf32, #tpu.memory_space<vmem>>
      %dma_wait3A_205 = arith.constant 0 : i32
      %dma_wait3A_206 = tpu.memref_slice %arg4[%add3A_78, %dma_wait3A_205] : memref<128x304xf32, #tpu.memory_space<hbm>> -> memref<1x304xf32, #tpu.memory_space<hbm>>
      %dma_wait3A_207 = tpu.memref_squeeze %dma_wait3A_206 : memref<1x304xf32, #tpu.memory_space<hbm>> -> memref<304xf32, #tpu.memory_space<hbm>>
      %dma_wait3A_208 = arith.constant 0 : i32
      %dma_wait3A_209 = tpu.memref_slice %arg9[%run_scoped3A_79, %dma_wait3A_208] : memref<8x304xf32, #tpu.memory_space<vmem>> -> memref<1x304xf32, #tpu.memory_space<vmem>>
      %dma_wait3A_210 = tpu.memref_squeeze %dma_wait3A_209 : memref<1x304xf32, #tpu.memory_space<vmem>> -> memref<304xf32, #tpu.memory_space<vmem>>
      %dma_wait3A_211 = arith.constant 0 : i32
      %dma_wait3A_212 = tpu.memref_slice %arg4[%add3A_78, %dma_wait3A_211] : memref<128x304xf32, #tpu.memory_space<hbm>> -> memref<1x304xf32, #tpu.memory_space<hbm>>
      %dma_wait3A_213 = tpu.memref_squeeze %dma_wait3A_212 : memref<1x304xf32, #tpu.memory_space<hbm>> -> memref<304xf32, #tpu.memory_space<hbm>>
      tpu.wait_dma2 semaphore(%run_scoped3A_190 : memref<!tpu.dma_semaphore, #tpu.memory_space<semaphore_mem>>) src(%dma_wait3A_213 : memref<304xf32, #tpu.memory_space<hbm>>) dst(%dma_wait3A_210 : memref<304xf32, #tpu.memory_space<vmem>>)
      tpu.yield
    }) : () -> ()
    %mul3A_80 = arith.constant 8 : i32
    %mul3A_81 = arith.muli %select_n3A, %mul3A_80 : i32
    %add3A_82 = arith.constant 5 : i32
    %add3A_83 = arith.addi %mul3A_81, %add3A_82 : i32
    %run_scoped3A_84 = arith.constant 5 : i32
    "tpu.region"() ({
      %run_scoped3A_190 = tpu.sem_alloc : memref<!tpu.dma_semaphore, #tpu.memory_space<semaphore_mem>>
      %dma_start3A_191 = arith.constant 0 : i32
      %dma_start3A_192 = tpu.memref_slice %arg8[%run_scoped3A_84, %dma_start3A_191] : memref<8x608xi32, #tpu.memory_space<vmem>> -> memref<1x608xi32, #tpu.memory_space<vmem>>
      %dma_start3A_193 = tpu.memref_squeeze %dma_start3A_192 : memref<1x608xi32, #tpu.memory_space<vmem>> -> memref<608xi32, #tpu.memory_space<vmem>>
      %dma_start3A_194 = arith.constant 0 : i32
      %dma_start3A_195 = tpu.memref_slice %arg3[%add3A_83, %dma_start3A_194] : memref<128x608xi32, #tpu.memory_space<hbm>> -> memref<1x608xi32, #tpu.memory_space<hbm>>
      %dma_start3A_196 = tpu.memref_squeeze %dma_start3A_195 : memref<1x608xi32, #tpu.memory_space<hbm>> -> memref<608xi32, #tpu.memory_space<hbm>>
      %dma_start3A_197 = arith.constant 0 : i32
      %dma_start3A_198 = tpu.memref_slice %arg8[%run_scoped3A_84, %dma_start3A_197] : memref<8x608xi32, #tpu.memory_space<vmem>> -> memref<1x608xi32, #tpu.memory_space<vmem>>
      %dma_start3A_199 = tpu.memref_squeeze %dma_start3A_198 : memref<1x608xi32, #tpu.memory_space<vmem>> -> memref<608xi32, #tpu.memory_space<vmem>>
      %dma_start3A_200 = arith.constant 0 : i32
      %dma_start3A_201 = tpu.memref_slice %arg3[%add3A_83, %dma_start3A_200] : memref<128x608xi32, #tpu.memory_space<hbm>> -> memref<1x608xi32, #tpu.memory_space<hbm>>
      %dma_start3A_202 = tpu.memref_squeeze %dma_start3A_201 : memref<1x608xi32, #tpu.memory_space<hbm>> -> memref<608xi32, #tpu.memory_space<hbm>>
      tpu.enqueue_dma source(%dma_start3A_202 : memref<608xi32, #tpu.memory_space<hbm>>) target(%dma_start3A_199 : memref<608xi32, #tpu.memory_space<vmem>>) target_semaphore(%run_scoped3A_190 : memref<!tpu.dma_semaphore, #tpu.memory_space<semaphore_mem>>)
      %dma_wait3A = arith.constant 0 : i32
      %dma_wait3A_203 = tpu.memref_slice %arg8[%run_scoped3A_84, %dma_wait3A] : memref<8x608xi32, #tpu.memory_space<vmem>> -> memref<1x608xi32, #tpu.memory_space<vmem>>
      %dma_wait3A_204 = tpu.memref_squeeze %dma_wait3A_203 : memref<1x608xi32, #tpu.memory_space<vmem>> -> memref<608xi32, #tpu.memory_space<vmem>>
      %dma_wait3A_205 = arith.constant 0 : i32
      %dma_wait3A_206 = tpu.memref_slice %arg3[%add3A_83, %dma_wait3A_205] : memref<128x608xi32, #tpu.memory_space<hbm>> -> memref<1x608xi32, #tpu.memory_space<hbm>>
      %dma_wait3A_207 = tpu.memref_squeeze %dma_wait3A_206 : memref<1x608xi32, #tpu.memory_space<hbm>> -> memref<608xi32, #tpu.memory_space<hbm>>
      %dma_wait3A_208 = arith.constant 0 : i32
      %dma_wait3A_209 = tpu.memref_slice %arg8[%run_scoped3A_84, %dma_wait3A_208] : memref<8x608xi32, #tpu.memory_space<vmem>> -> memref<1x608xi32, #tpu.memory_space<vmem>>
      %dma_wait3A_210 = tpu.memref_squeeze %dma_wait3A_209 : memref<1x608xi32, #tpu.memory_space<vmem>> -> memref<608xi32, #tpu.memory_space<vmem>>
      %dma_wait3A_211 = arith.constant 0 : i32
      %dma_wait3A_212 = tpu.memref_slice %arg3[%add3A_83, %dma_wait3A_211] : memref<128x608xi32, #tpu.memory_space<hbm>> -> memref<1x608xi32, #tpu.memory_space<hbm>>
      %dma_wait3A_213 = tpu.memref_squeeze %dma_wait3A_212 : memref<1x608xi32, #tpu.memory_space<hbm>> -> memref<608xi32, #tpu.memory_space<hbm>>
      tpu.wait_dma2 semaphore(%run_scoped3A_190 : memref<!tpu.dma_semaphore, #tpu.memory_space<semaphore_mem>>) src(%dma_wait3A_213 : memref<608xi32, #tpu.memory_space<hbm>>) dst(%dma_wait3A_210 : memref<608xi32, #tpu.memory_space<vmem>>)
      tpu.yield
    }) : () -> ()
    %mul3A_85 = arith.constant 8 : i32
    %mul3A_86 = arith.muli %select_n3A, %mul3A_85 : i32
    %add3A_87 = arith.constant 5 : i32
    %add3A_88 = arith.addi %mul3A_86, %add3A_87 : i32
    %run_scoped3A_89 = arith.constant 5 : i32
    "tpu.region"() ({
      %run_scoped3A_190 = tpu.sem_alloc : memref<!tpu.dma_semaphore, #tpu.memory_space<semaphore_mem>>
      %dma_start3A_191 = arith.constant 0 : i32
      %dma_start3A_192 = tpu.memref_slice %arg9[%run_scoped3A_89, %dma_start3A_191] : memref<8x304xf32, #tpu.memory_space<vmem>> -> memref<1x304xf32, #tpu.memory_space<vmem>>
      %dma_start3A_193 = tpu.memref_squeeze %dma_start3A_192 : memref<1x304xf32, #tpu.memory_space<vmem>> -> memref<304xf32, #tpu.memory_space<vmem>>
      %dma_start3A_194 = arith.constant 0 : i32
      %dma_start3A_195 = tpu.memref_slice %arg4[%add3A_88, %dma_start3A_194] : memref<128x304xf32, #tpu.memory_space<hbm>> -> memref<1x304xf32, #tpu.memory_space<hbm>>
      %dma_start3A_196 = tpu.memref_squeeze %dma_start3A_195 : memref<1x304xf32, #tpu.memory_space<hbm>> -> memref<304xf32, #tpu.memory_space<hbm>>
      %dma_start3A_197 = arith.constant 0 : i32
      %dma_start3A_198 = tpu.memref_slice %arg9[%run_scoped3A_89, %dma_start3A_197] : memref<8x304xf32, #tpu.memory_space<vmem>> -> memref<1x304xf32, #tpu.memory_space<vmem>>
      %dma_start3A_199 = tpu.memref_squeeze %dma_start3A_198 : memref<1x304xf32, #tpu.memory_space<vmem>> -> memref<304xf32, #tpu.memory_space<vmem>>
      %dma_start3A_200 = arith.constant 0 : i32
      %dma_start3A_201 = tpu.memref_slice %arg4[%add3A_88, %dma_start3A_200] : memref<128x304xf32, #tpu.memory_space<hbm>> -> memref<1x304xf32, #tpu.memory_space<hbm>>
      %dma_start3A_202 = tpu.memref_squeeze %dma_start3A_201 : memref<1x304xf32, #tpu.memory_space<hbm>> -> memref<304xf32, #tpu.memory_space<hbm>>
      tpu.enqueue_dma source(%dma_start3A_202 : memref<304xf32, #tpu.memory_space<hbm>>) target(%dma_start3A_199 : memref<304xf32, #tpu.memory_space<vmem>>) target_semaphore(%run_scoped3A_190 : memref<!tpu.dma_semaphore, #tpu.memory_space<semaphore_mem>>)
      %dma_wait3A = arith.constant 0 : i32
      %dma_wait3A_203 = tpu.memref_slice %arg9[%run_scoped3A_89, %dma_wait3A] : memref<8x304xf32, #tpu.memory_space<vmem>> -> memref<1x304xf32, #tpu.memory_space<vmem>>
      %dma_wait3A_204 = tpu.memref_squeeze %dma_wait3A_203 : memref<1x304xf32, #tpu.memory_space<vmem>> -> memref<304xf32, #tpu.memory_space<vmem>>
      %dma_wait3A_205 = arith.constant 0 : i32
      %dma_wait3A_206 = tpu.memref_slice %arg4[%add3A_88, %dma_wait3A_205] : memref<128x304xf32, #tpu.memory_space<hbm>> -> memref<1x304xf32, #tpu.memory_space<hbm>>
      %dma_wait3A_207 = tpu.memref_squeeze %dma_wait3A_206 : memref<1x304xf32, #tpu.memory_space<hbm>> -> memref<304xf32, #tpu.memory_space<hbm>>
      %dma_wait3A_208 = arith.constant 0 : i32
      %dma_wait3A_209 = tpu.memref_slice %arg9[%run_scoped3A_89, %dma_wait3A_208] : memref<8x304xf32, #tpu.memory_space<vmem>> -> memref<1x304xf32, #tpu.memory_space<vmem>>
      %dma_wait3A_210 = tpu.memref_squeeze %dma_wait3A_209 : memref<1x304xf32, #tpu.memory_space<vmem>> -> memref<304xf32, #tpu.memory_space<vmem>>
      %dma_wait3A_211 = arith.constant 0 : i32
      %dma_wait3A_212 = tpu.memref_slice %arg4[%add3A_88, %dma_wait3A_211] : memref<128x304xf32, #tpu.memory_space<hbm>> -> memref<1x304xf32, #tpu.memory_space<hbm>>
      %dma_wait3A_213 = tpu.memref_squeeze %dma_wait3A_212 : memref<1x304xf32, #tpu.memory_space<hbm>> -> memref<304xf32, #tpu.memory_space<hbm>>
      tpu.wait_dma2 semaphore(%run_scoped3A_190 : memref<!tpu.dma_semaphore, #tpu.memory_space<semaphore_mem>>) src(%dma_wait3A_213 : memref<304xf32, #tpu.memory_space<hbm>>) dst(%dma_wait3A_210 : memref<304xf32, #tpu.memory_space<vmem>>)
      tpu.yield
    }) : () -> ()
    %mul3A_90 = arith.constant 8 : i32
    %mul3A_91 = arith.muli %select_n3A, %mul3A_90 : i32
    %add3A_92 = arith.constant 6 : i32
    %add3A_93 = arith.addi %mul3A_91, %add3A_92 : i32
    %run_scoped3A_94 = arith.constant 6 : i32
    "tpu.region"() ({
      %run_scoped3A_190 = tpu.sem_alloc : memref<!tpu.dma_semaphore, #tpu.memory_space<semaphore_mem>>
      %dma_start3A_191 = arith.constant 0 : i32
      %dma_start3A_192 = tpu.memref_slice %arg8[%run_scoped3A_94, %dma_start3A_191] : memref<8x608xi32, #tpu.memory_space<vmem>> -> memref<1x608xi32, #tpu.memory_space<vmem>>
      %dma_start3A_193 = tpu.memref_squeeze %dma_start3A_192 : memref<1x608xi32, #tpu.memory_space<vmem>> -> memref<608xi32, #tpu.memory_space<vmem>>
      %dma_start3A_194 = arith.constant 0 : i32
      %dma_start3A_195 = tpu.memref_slice %arg3[%add3A_93, %dma_start3A_194] : memref<128x608xi32, #tpu.memory_space<hbm>> -> memref<1x608xi32, #tpu.memory_space<hbm>>
      %dma_start3A_196 = tpu.memref_squeeze %dma_start3A_195 : memref<1x608xi32, #tpu.memory_space<hbm>> -> memref<608xi32, #tpu.memory_space<hbm>>
      %dma_start3A_197 = arith.constant 0 : i32
      %dma_start3A_198 = tpu.memref_slice %arg8[%run_scoped3A_94, %dma_start3A_197] : memref<8x608xi32, #tpu.memory_space<vmem>> -> memref<1x608xi32, #tpu.memory_space<vmem>>
      %dma_start3A_199 = tpu.memref_squeeze %dma_start3A_198 : memref<1x608xi32, #tpu.memory_space<vmem>> -> memref<608xi32, #tpu.memory_space<vmem>>
      %dma_start3A_200 = arith.constant 0 : i32
      %dma_start3A_201 = tpu.memref_slice %arg3[%add3A_93, %dma_start3A_200] : memref<128x608xi32, #tpu.memory_space<hbm>> -> memref<1x608xi32, #tpu.memory_space<hbm>>
      %dma_start3A_202 = tpu.memref_squeeze %dma_start3A_201 : memref<1x608xi32, #tpu.memory_space<hbm>> -> memref<608xi32, #tpu.memory_space<hbm>>
      tpu.enqueue_dma source(%dma_start3A_202 : memref<608xi32, #tpu.memory_space<hbm>>) target(%dma_start3A_199 : memref<608xi32, #tpu.memory_space<vmem>>) target_semaphore(%run_scoped3A_190 : memref<!tpu.dma_semaphore, #tpu.memory_space<semaphore_mem>>)
      %dma_wait3A = arith.constant 0 : i32
      %dma_wait3A_203 = tpu.memref_slice %arg8[%run_scoped3A_94, %dma_wait3A] : memref<8x608xi32, #tpu.memory_space<vmem>> -> memref<1x608xi32, #tpu.memory_space<vmem>>
      %dma_wait3A_204 = tpu.memref_squeeze %dma_wait3A_203 : memref<1x608xi32, #tpu.memory_space<vmem>> -> memref<608xi32, #tpu.memory_space<vmem>>
      %dma_wait3A_205 = arith.constant 0 : i32
      %dma_wait3A_206 = tpu.memref_slice %arg3[%add3A_93, %dma_wait3A_205] : memref<128x608xi32, #tpu.memory_space<hbm>> -> memref<1x608xi32, #tpu.memory_space<hbm>>
      %dma_wait3A_207 = tpu.memref_squeeze %dma_wait3A_206 : memref<1x608xi32, #tpu.memory_space<hbm>> -> memref<608xi32, #tpu.memory_space<hbm>>
      %dma_wait3A_208 = arith.constant 0 : i32
      %dma_wait3A_209 = tpu.memref_slice %arg8[%run_scoped3A_94, %dma_wait3A_208] : memref<8x608xi32, #tpu.memory_space<vmem>> -> memref<1x608xi32, #tpu.memory_space<vmem>>
      %dma_wait3A_210 = tpu.memref_squeeze %dma_wait3A_209 : memref<1x608xi32, #tpu.memory_space<vmem>> -> memref<608xi32, #tpu.memory_space<vmem>>
      %dma_wait3A_211 = arith.constant 0 : i32
      %dma_wait3A_212 = tpu.memref_slice %arg3[%add3A_93, %dma_wait3A_211] : memref<128x608xi32, #tpu.memory_space<hbm>> -> memref<1x608xi32, #tpu.memory_space<hbm>>
      %dma_wait3A_213 = tpu.memref_squeeze %dma_wait3A_212 : memref<1x608xi32, #tpu.memory_space<hbm>> -> memref<608xi32, #tpu.memory_space<hbm>>
      tpu.wait_dma2 semaphore(%run_scoped3A_190 : memref<!tpu.dma_semaphore, #tpu.memory_space<semaphore_mem>>) src(%dma_wait3A_213 : memref<608xi32, #tpu.memory_space<hbm>>) dst(%dma_wait3A_210 : memref<608xi32, #tpu.memory_space<vmem>>)
      tpu.yield
    }) : () -> ()
    %mul3A_95 = arith.constant 8 : i32
    %mul3A_96 = arith.muli %select_n3A, %mul3A_95 : i32
    %add3A_97 = arith.constant 6 : i32
    %add3A_98 = arith.addi %mul3A_96, %add3A_97 : i32
    %run_scoped3A_99 = arith.constant 6 : i32
    "tpu.region"() ({
      %run_scoped3A_190 = tpu.sem_alloc : memref<!tpu.dma_semaphore, #tpu.memory_space<semaphore_mem>>
      %dma_start3A_191 = arith.constant 0 : i32
      %dma_start3A_192 = tpu.memref_slice %arg9[%run_scoped3A_99, %dma_start3A_191] : memref<8x304xf32, #tpu.memory_space<vmem>> -> memref<1x304xf32, #tpu.memory_space<vmem>>
      %dma_start3A_193 = tpu.memref_squeeze %dma_start3A_192 : memref<1x304xf32, #tpu.memory_space<vmem>> -> memref<304xf32, #tpu.memory_space<vmem>>
      %dma_start3A_194 = arith.constant 0 : i32
      %dma_start3A_195 = tpu.memref_slice %arg4[%add3A_98, %dma_start3A_194] : memref<128x304xf32, #tpu.memory_space<hbm>> -> memref<1x304xf32, #tpu.memory_space<hbm>>
      %dma_start3A_196 = tpu.memref_squeeze %dma_start3A_195 : memref<1x304xf32, #tpu.memory_space<hbm>> -> memref<304xf32, #tpu.memory_space<hbm>>
      %dma_start3A_197 = arith.constant 0 : i32
      %dma_start3A_198 = tpu.memref_slice %arg9[%run_scoped3A_99, %dma_start3A_197] : memref<8x304xf32, #tpu.memory_space<vmem>> -> memref<1x304xf32, #tpu.memory_space<vmem>>
      %dma_start3A_199 = tpu.memref_squeeze %dma_start3A_198 : memref<1x304xf32, #tpu.memory_space<vmem>> -> memref<304xf32, #tpu.memory_space<vmem>>
      %dma_start3A_200 = arith.constant 0 : i32
      %dma_start3A_201 = tpu.memref_slice %arg4[%add3A_98, %dma_start3A_200] : memref<128x304xf32, #tpu.memory_space<hbm>> -> memref<1x304xf32, #tpu.memory_space<hbm>>
      %dma_start3A_202 = tpu.memref_squeeze %dma_start3A_201 : memref<1x304xf32, #tpu.memory_space<hbm>> -> memref<304xf32, #tpu.memory_space<hbm>>
      tpu.enqueue_dma source(%dma_start3A_202 : memref<304xf32, #tpu.memory_space<hbm>>) target(%dma_start3A_199 : memref<304xf32, #tpu.memory_space<vmem>>) target_semaphore(%run_scoped3A_190 : memref<!tpu.dma_semaphore, #tpu.memory_space<semaphore_mem>>)
      %dma_wait3A = arith.constant 0 : i32
      %dma_wait3A_203 = tpu.memref_slice %arg9[%run_scoped3A_99, %dma_wait3A] : memref<8x304xf32, #tpu.memory_space<vmem>> -> memref<1x304xf32, #tpu.memory_space<vmem>>
      %dma_wait3A_204 = tpu.memref_squeeze %dma_wait3A_203 : memref<1x304xf32, #tpu.memory_space<vmem>> -> memref<304xf32, #tpu.memory_space<vmem>>
      %dma_wait3A_205 = arith.constant 0 : i32
      %dma_wait3A_206 = tpu.memref_slice %arg4[%add3A_98, %dma_wait3A_205] : memref<128x304xf32, #tpu.memory_space<hbm>> -> memref<1x304xf32, #tpu.memory_space<hbm>>
      %dma_wait3A_207 = tpu.memref_squeeze %dma_wait3A_206 : memref<1x304xf32, #tpu.memory_space<hbm>> -> memref<304xf32, #tpu.memory_space<hbm>>
      %dma_wait3A_208 = arith.constant 0 : i32
      %dma_wait3A_209 = tpu.memref_slice %arg9[%run_scoped3A_99, %dma_wait3A_208] : memref<8x304xf32, #tpu.memory_space<vmem>> -> memref<1x304xf32, #tpu.memory_space<vmem>>
      %dma_wait3A_210 = tpu.memref_squeeze %dma_wait3A_209 : memref<1x304xf32, #tpu.memory_space<vmem>> -> memref<304xf32, #tpu.memory_space<vmem>>
      %dma_wait3A_211 = arith.constant 0 : i32
      %dma_wait3A_212 = tpu.memref_slice %arg4[%add3A_98, %dma_wait3A_211] : memref<128x304xf32, #tpu.memory_space<hbm>> -> memref<1x304xf32, #tpu.memory_space<hbm>>
      %dma_wait3A_213 = tpu.memref_squeeze %dma_wait3A_212 : memref<1x304xf32, #tpu.memory_space<hbm>> -> memref<304xf32, #tpu.memory_space<hbm>>
      tpu.wait_dma2 semaphore(%run_scoped3A_190 : memref<!tpu.dma_semaphore, #tpu.memory_space<semaphore_mem>>) src(%dma_wait3A_213 : memref<304xf32, #tpu.memory_space<hbm>>) dst(%dma_wait3A_210 : memref<304xf32, #tpu.memory_space<vmem>>)
      tpu.yield
    }) : () -> ()
    %mul3A_100 = arith.constant 8 : i32
    %mul3A_101 = arith.muli %select_n3A, %mul3A_100 : i32
    %add3A_102 = arith.constant 7 : i32
    %add3A_103 = arith.addi %mul3A_101, %add3A_102 : i32
    %run_scoped3A_104 = arith.constant 7 : i32
    "tpu.region"() ({
      %run_scoped3A_190 = tpu.sem_alloc : memref<!tpu.dma_semaphore, #tpu.memory_space<semaphore_mem>>
      %dma_start3A_191 = arith.constant 0 : i32
      %dma_start3A_192 = tpu.memref_slice %arg8[%run_scoped3A_104, %dma_start3A_191] : memref<8x608xi32, #tpu.memory_space<vmem>> -> memref<1x608xi32, #tpu.memory_space<vmem>>
      %dma_start3A_193 = tpu.memref_squeeze %dma_start3A_192 : memref<1x608xi32, #tpu.memory_space<vmem>> -> memref<608xi32, #tpu.memory_space<vmem>>
      %dma_start3A_194 = arith.constant 0 : i32
      %dma_start3A_195 = tpu.memref_slice %arg3[%add3A_103, %dma_start3A_194] : memref<128x608xi32, #tpu.memory_space<hbm>> -> memref<1x608xi32, #tpu.memory_space<hbm>>
      %dma_start3A_196 = tpu.memref_squeeze %dma_start3A_195 : memref<1x608xi32, #tpu.memory_space<hbm>> -> memref<608xi32, #tpu.memory_space<hbm>>
      %dma_start3A_197 = arith.constant 0 : i32
      %dma_start3A_198 = tpu.memref_slice %arg8[%run_scoped3A_104, %dma_start3A_197] : memref<8x608xi32, #tpu.memory_space<vmem>> -> memref<1x608xi32, #tpu.memory_space<vmem>>
      %dma_start3A_199 = tpu.memref_squeeze %dma_start3A_198 : memref<1x608xi32, #tpu.memory_space<vmem>> -> memref<608xi32, #tpu.memory_space<vmem>>
      %dma_start3A_200 = arith.constant 0 : i32
      %dma_start3A_201 = tpu.memref_slice %arg3[%add3A_103, %dma_start3A_200] : memref<128x608xi32, #tpu.memory_space<hbm>> -> memref<1x608xi32, #tpu.memory_space<hbm>>
      %dma_start3A_202 = tpu.memref_squeeze %dma_start3A_201 : memref<1x608xi32, #tpu.memory_space<hbm>> -> memref<608xi32, #tpu.memory_space<hbm>>
      tpu.enqueue_dma source(%dma_start3A_202 : memref<608xi32, #tpu.memory_space<hbm>>) target(%dma_start3A_199 : memref<608xi32, #tpu.memory_space<vmem>>) target_semaphore(%run_scoped3A_190 : memref<!tpu.dma_semaphore, #tpu.memory_space<semaphore_mem>>)
      %dma_wait3A = arith.constant 0 : i32
      %dma_wait3A_203 = tpu.memref_slice %arg8[%run_scoped3A_104, %dma_wait3A] : memref<8x608xi32, #tpu.memory_space<vmem>> -> memref<1x608xi32, #tpu.memory_space<vmem>>
      %dma_wait3A_204 = tpu.memref_squeeze %dma_wait3A_203 : memref<1x608xi32, #tpu.memory_space<vmem>> -> memref<608xi32, #tpu.memory_space<vmem>>
      %dma_wait3A_205 = arith.constant 0 : i32
      %dma_wait3A_206 = tpu.memref_slice %arg3[%add3A_103, %dma_wait3A_205] : memref<128x608xi32, #tpu.memory_space<hbm>> -> memref<1x608xi32, #tpu.memory_space<hbm>>
      %dma_wait3A_207 = tpu.memref_squeeze %dma_wait3A_206 : memref<1x608xi32, #tpu.memory_space<hbm>> -> memref<608xi32, #tpu.memory_space<hbm>>
      %dma_wait3A_208 = arith.constant 0 : i32
      %dma_wait3A_209 = tpu.memref_slice %arg8[%run_scoped3A_104, %dma_wait3A_208] : memref<8x608xi32, #tpu.memory_space<vmem>> -> memref<1x608xi32, #tpu.memory_space<vmem>>
      %dma_wait3A_210 = tpu.memref_squeeze %dma_wait3A_209 : memref<1x608xi32, #tpu.memory_space<vmem>> -> memref<608xi32, #tpu.memory_space<vmem>>
      %dma_wait3A_211 = arith.constant 0 : i32
      %dma_wait3A_212 = tpu.memref_slice %arg3[%add3A_103, %dma_wait3A_211] : memref<128x608xi32, #tpu.memory_space<hbm>> -> memref<1x608xi32, #tpu.memory_space<hbm>>
      %dma_wait3A_213 = tpu.memref_squeeze %dma_wait3A_212 : memref<1x608xi32, #tpu.memory_space<hbm>> -> memref<608xi32, #tpu.memory_space<hbm>>
      tpu.wait_dma2 semaphore(%run_scoped3A_190 : memref<!tpu.dma_semaphore, #tpu.memory_space<semaphore_mem>>) src(%dma_wait3A_213 : memref<608xi32, #tpu.memory_space<hbm>>) dst(%dma_wait3A_210 : memref<608xi32, #tpu.memory_space<vmem>>)
      tpu.yield
    }) : () -> ()
    %mul3A_105 = arith.constant 8 : i32
    %mul3A_106 = arith.muli %select_n3A, %mul3A_105 : i32
    %add3A_107 = arith.constant 7 : i32
    %add3A_108 = arith.addi %mul3A_106, %add3A_107 : i32
    %run_scoped3A_109 = arith.constant 7 : i32
    "tpu.region"() ({
      %run_scoped3A_190 = tpu.sem_alloc : memref<!tpu.dma_semaphore, #tpu.memory_space<semaphore_mem>>
      %dma_start3A_191 = arith.constant 0 : i32
      %dma_start3A_192 = tpu.memref_slice %arg9[%run_scoped3A_109, %dma_start3A_191] : memref<8x304xf32, #tpu.memory_space<vmem>> -> memref<1x304xf32, #tpu.memory_space<vmem>>
      %dma_start3A_193 = tpu.memref_squeeze %dma_start3A_192 : memref<1x304xf32, #tpu.memory_space<vmem>> -> memref<304xf32, #tpu.memory_space<vmem>>
      %dma_start3A_194 = arith.constant 0 : i32
      %dma_start3A_195 = tpu.memref_slice %arg4[%add3A_108, %dma_start3A_194] : memref<128x304xf32, #tpu.memory_space<hbm>> -> memref<1x304xf32, #tpu.memory_space<hbm>>
      %dma_start3A_196 = tpu.memref_squeeze %dma_start3A_195 : memref<1x304xf32, #tpu.memory_space<hbm>> -> memref<304xf32, #tpu.memory_space<hbm>>
      %dma_start3A_197 = arith.constant 0 : i32
      %dma_start3A_198 = tpu.memref_slice %arg9[%run_scoped3A_109, %dma_start3A_197] : memref<8x304xf32, #tpu.memory_space<vmem>> -> memref<1x304xf32, #tpu.memory_space<vmem>>
      %dma_start3A_199 = tpu.memref_squeeze %dma_start3A_198 : memref<1x304xf32, #tpu.memory_space<vmem>> -> memref<304xf32, #tpu.memory_space<vmem>>
      %dma_start3A_200 = arith.constant 0 : i32
      %dma_start3A_201 = tpu.memref_slice %arg4[%add3A_108, %dma_start3A_200] : memref<128x304xf32, #tpu.memory_space<hbm>> -> memref<1x304xf32, #tpu.memory_space<hbm>>
      %dma_start3A_202 = tpu.memref_squeeze %dma_start3A_201 : memref<1x304xf32, #tpu.memory_space<hbm>> -> memref<304xf32, #tpu.memory_space<hbm>>
      tpu.enqueue_dma source(%dma_start3A_202 : memref<304xf32, #tpu.memory_space<hbm>>) target(%dma_start3A_199 : memref<304xf32, #tpu.memory_space<vmem>>) target_semaphore(%run_scoped3A_190 : memref<!tpu.dma_semaphore, #tpu.memory_space<semaphore_mem>>)
      %dma_wait3A = arith.constant 0 : i32
      %dma_wait3A_203 = tpu.memref_slice %arg9[%run_scoped3A_109, %dma_wait3A] : memref<8x304xf32, #tpu.memory_space<vmem>> -> memref<1x304xf32, #tpu.memory_space<vmem>>
      %dma_wait3A_204 = tpu.memref_squeeze %dma_wait3A_203 : memref<1x304xf32, #tpu.memory_space<vmem>> -> memref<304xf32, #tpu.memory_space<vmem>>
      %dma_wait3A_205 = arith.constant 0 : i32
      %dma_wait3A_206 = tpu.memref_slice %arg4[%add3A_108, %dma_wait3A_205] : memref<128x304xf32, #tpu.memory_space<hbm>> -> memref<1x304xf32, #tpu.memory_space<hbm>>
      %dma_wait3A_207 = tpu.memref_squeeze %dma_wait3A_206 : memref<1x304xf32, #tpu.memory_space<hbm>> -> memref<304xf32, #tpu.memory_space<hbm>>
      %dma_wait3A_208 = arith.constant 0 : i32
      %dma_wait3A_209 = tpu.memref_slice %arg9[%run_scoped3A_109, %dma_wait3A_208] : memref<8x304xf32, #tpu.memory_space<vmem>> -> memref<1x304xf32, #tpu.memory_space<vmem>>
      %dma_wait3A_210 = tpu.memref_squeeze %dma_wait3A_209 : memref<1x304xf32, #tpu.memory_space<vmem>> -> memref<304xf32, #tpu.memory_space<vmem>>
      %dma_wait3A_211 = arith.constant 0 : i32
      %dma_wait3A_212 = tpu.memref_slice %arg4[%add3A_108, %dma_wait3A_211] : memref<128x304xf32, #tpu.memory_space<hbm>> -> memref<1x304xf32, #tpu.memory_space<hbm>>
      %dma_wait3A_213 = tpu.memref_squeeze %dma_wait3A_212 : memref<1x304xf32, #tpu.memory_space<hbm>> -> memref<304xf32, #tpu.memory_space<hbm>>
      tpu.wait_dma2 semaphore(%run_scoped3A_190 : memref<!tpu.dma_semaphore, #tpu.memory_space<semaphore_mem>>) src(%dma_wait3A_213 : memref<304xf32, #tpu.memory_space<hbm>>) dst(%dma_wait3A_210 : memref<304xf32, #tpu.memory_space<vmem>>)
      tpu.yield
    }) : () -> ()
    %broadcast_in_dim3A = arith.constant 0.000000e+00 : f32
    %broadcast_in_dim3A_110 = vector.broadcast %broadcast_in_dim3A : f32 to vector<16xf32>
    %broadcast_in_dim3A_111 = arith.constant 0 : i32
    %broadcast_in_dim3A_112 = vector.broadcast %broadcast_in_dim3A_111 : i32 to vector<16xi32>
    %scan3A = arith.constant 0 : i32
    %scan3A_113 = arith.constant 0 : i32
    %scan3A_114 = arith.constant 100 : i32
    %scan3A_115 = arith.addi %scan3A_113, %scan3A_114 : i32
    %scan3A_116 = arith.constant 1 : i32
    scf.for %scan3A_190 = %scan3A_113 to %scan3A_115 step %scan3A_116  : i32 {
      %swap3A = arith.index_cast %scan3A_190 : i32 to index
      %swap3A_191 = arith.constant 0 : index
      %swap3A_192 = tpu.vector_load %arg16[%swap3A, %swap3A_191] {strides = array<i32>} : memref<100x304xf32, #tpu.memory_space<vmem>>, vector<16xf32>,
      tpu.vector_store %arg16[%swap3A, %swap3A_191], %broadcast_in_dim3A_110 {strides = array<i32>} : memref<100x304xf32, #tpu.memory_space<vmem>>, vector<16xf32>,
      %swap3A_193 = arith.index_cast %scan3A_190 : i32 to index
      %swap3A_194 = arith.constant 16 : index
      %swap3A_195 = tpu.vector_load %arg16[%swap3A_193, %swap3A_194] {strides = array<i32>} : memref<100x304xf32, #tpu.memory_space<vmem>>, vector<16xf32>,
      tpu.vector_store %arg16[%swap3A_193, %swap3A_194], %broadcast_in_dim3A_110 {strides = array<i32>} : memref<100x304xf32, #tpu.memory_space<vmem>>, vector<16xf32>,
      %swap3A_196 = arith.index_cast %scan3A_190 : i32 to index
      %swap3A_197 = arith.constant 32 : index
      %swap3A_198 = tpu.vector_load %arg16[%swap3A_196, %swap3A_197] {strides = array<i32>} : memref<100x304xf32, #tpu.memory_space<vmem>>, vector<16xf32>,
      tpu.vector_store %arg16[%swap3A_196, %swap3A_197], %broadcast_in_dim3A_110 {strides = array<i32>} : memref<100x304xf32, #tpu.memory_space<vmem>>, vector<16xf32>,
      %swap3A_199 = arith.index_cast %scan3A_190 : i32 to index
      %swap3A_200 = arith.constant 48 : index
      %swap3A_201 = tpu.vector_load %arg16[%swap3A_199, %swap3A_200] {strides = array<i32>} : memref<100x304xf32, #tpu.memory_space<vmem>>, vector<16xf32>,
      tpu.vector_store %arg16[%swap3A_199, %swap3A_200], %broadcast_in_dim3A_110 {strides = array<i32>} : memref<100x304xf32, #tpu.memory_space<vmem>>, vector<16xf32>,
      %swap3A_202 = arith.index_cast %scan3A_190 : i32 to index
      %swap3A_203 = arith.constant 64 : index
      %swap3A_204 = tpu.vector_load %arg16[%swap3A_202, %swap3A_203] {strides = array<i32>} : memref<100x304xf32, #tpu.memory_space<vmem>>, vector<16xf32>,
      tpu.vector_store %arg16[%swap3A_202, %swap3A_203], %broadcast_in_dim3A_110 {strides = array<i32>} : memref<100x304xf32, #tpu.memory_space<vmem>>, vector<16xf32>,
      %swap3A_205 = arith.index_cast %scan3A_190 : i32 to index
      %swap3A_206 = arith.constant 80 : index
      %swap3A_207 = tpu.vector_load %arg16[%swap3A_205, %swap3A_206] {strides = array<i32>} : memref<100x304xf32, #tpu.memory_space<vmem>>, vector<16xf32>,
      tpu.vector_store %arg16[%swap3A_205, %swap3A_206], %broadcast_in_dim3A_110 {strides = array<i32>} : memref<100x304xf32, #tpu.memory_space<vmem>>, vector<16xf32>,
      %swap3A_208 = arith.index_cast %scan3A_190 : i32 to index
      %swap3A_209 = arith.constant 96 : index
      %swap3A_210 = tpu.vector_load %arg16[%swap3A_208, %swap3A_209] {strides = array<i32>} : memref<100x304xf32, #tpu.memory_space<vmem>>, vector<16xf32>,
      tpu.vector_store %arg16[%swap3A_208, %swap3A_209], %broadcast_in_dim3A_110 {strides = array<i32>} : memref<100x304xf32, #tpu.memory_space<vmem>>, vector<16xf32>,
      %swap3A_211 = arith.index_cast %scan3A_190 : i32 to index
      %swap3A_212 = arith.constant 112 : index
      %swap3A_213 = tpu.vector_load %arg16[%swap3A_211, %swap3A_212] {strides = array<i32>} : memref<100x304xf32, #tpu.memory_space<vmem>>, vector<16xf32>,
      tpu.vector_store %arg16[%swap3A_211, %swap3A_212], %broadcast_in_dim3A_110 {strides = array<i32>} : memref<100x304xf32, #tpu.memory_space<vmem>>, vector<16xf32>,
      %swap3A_214 = arith.index_cast %scan3A_190 : i32 to index
      %swap3A_215 = arith.constant 128 : index
      %swap3A_216 = tpu.vector_load %arg16[%swap3A_214, %swap3A_215] {strides = array<i32>} : memref<100x304xf32, #tpu.memory_space<vmem>>, vector<16xf32>,
      tpu.vector_store %arg16[%swap3A_214, %swap3A_215], %broadcast_in_dim3A_110 {strides = array<i32>} : memref<100x304xf32, #tpu.memory_space<vmem>>, vector<16xf32>,
      %swap3A_217 = arith.index_cast %scan3A_190 : i32 to index
      %swap3A_218 = arith.constant 144 : index
      %swap3A_219 = tpu.vector_load %arg16[%swap3A_217, %swap3A_218] {strides = array<i32>} : memref<100x304xf32, #tpu.memory_space<vmem>>, vector<16xf32>,
      tpu.vector_store %arg16[%swap3A_217, %swap3A_218], %broadcast_in_dim3A_110 {strides = array<i32>} : memref<100x304xf32, #tpu.memory_space<vmem>>, vector<16xf32>,
      %swap3A_220 = arith.index_cast %scan3A_190 : i32 to index
      %swap3A_221 = arith.constant 160 : index
      %swap3A_222 = tpu.vector_load %arg16[%swap3A_220, %swap3A_221] {strides = array<i32>} : memref<100x304xf32, #tpu.memory_space<vmem>>, vector<16xf32>,
      tpu.vector_store %arg16[%swap3A_220, %swap3A_221], %broadcast_in_dim3A_110 {strides = array<i32>} : memref<100x304xf32, #tpu.memory_space<vmem>>, vector<16xf32>,
      %swap3A_223 = arith.index_cast %scan3A_190 : i32 to index
      %swap3A_224 = arith.constant 176 : index
      %swap3A_225 = tpu.vector_load %arg16[%swap3A_223, %swap3A_224] {strides = array<i32>} : memref<100x304xf32, #tpu.memory_space<vmem>>, vector<16xf32>,
      tpu.vector_store %arg16[%swap3A_223, %swap3A_224], %broadcast_in_dim3A_110 {strides = array<i32>} : memref<100x304xf32, #tpu.memory_space<vmem>>, vector<16xf32>,
      %swap3A_226 = arith.index_cast %scan3A_190 : i32 to index
      %swap3A_227 = arith.constant 192 : index
      %swap3A_228 = tpu.vector_load %arg16[%swap3A_226, %swap3A_227] {strides = array<i32>} : memref<100x304xf32, #tpu.memory_space<vmem>>, vector<16xf32>,
      tpu.vector_store %arg16[%swap3A_226, %swap3A_227], %broadcast_in_dim3A_110 {strides = array<i32>} : memref<100x304xf32, #tpu.memory_space<vmem>>, vector<16xf32>,
      %swap3A_229 = arith.index_cast %scan3A_190 : i32 to index
      %swap3A_230 = arith.constant 208 : index
      %swap3A_231 = tpu.vector_load %arg16[%swap3A_229, %swap3A_230] {strides = array<i32>} : memref<100x304xf32, #tpu.memory_space<vmem>>, vector<16xf32>,
      tpu.vector_store %arg16[%swap3A_229, %swap3A_230], %broadcast_in_dim3A_110 {strides = array<i32>} : memref<100x304xf32, #tpu.memory_space<vmem>>, vector<16xf32>,
      %swap3A_232 = arith.index_cast %scan3A_190 : i32 to index
      %swap3A_233 = arith.constant 224 : index
      %swap3A_234 = tpu.vector_load %arg16[%swap3A_232, %swap3A_233] {strides = array<i32>} : memref<100x304xf32, #tpu.memory_space<vmem>>, vector<16xf32>,
      tpu.vector_store %arg16[%swap3A_232, %swap3A_233], %broadcast_in_dim3A_110 {strides = array<i32>} : memref<100x304xf32, #tpu.memory_space<vmem>>, vector<16xf32>,
      %swap3A_235 = arith.index_cast %scan3A_190 : i32 to index
      %swap3A_236 = arith.constant 240 : index
      %swap3A_237 = tpu.vector_load %arg16[%swap3A_235, %swap3A_236] {strides = array<i32>} : memref<100x304xf32, #tpu.memory_space<vmem>>, vector<16xf32>,
      tpu.vector_store %arg16[%swap3A_235, %swap3A_236], %broadcast_in_dim3A_110 {strides = array<i32>} : memref<100x304xf32, #tpu.memory_space<vmem>>, vector<16xf32>,
      %swap3A_238 = arith.index_cast %scan3A_190 : i32 to index
      %swap3A_239 = arith.constant 256 : index
      %swap3A_240 = tpu.vector_load %arg16[%swap3A_238, %swap3A_239] {strides = array<i32>} : memref<100x304xf32, #tpu.memory_space<vmem>>, vector<16xf32>,
      tpu.vector_store %arg16[%swap3A_238, %swap3A_239], %broadcast_in_dim3A_110 {strides = array<i32>} : memref<100x304xf32, #tpu.memory_space<vmem>>, vector<16xf32>,
      %swap3A_241 = arith.index_cast %scan3A_190 : i32 to index
      %swap3A_242 = arith.constant 272 : index
      %swap3A_243 = tpu.vector_load %arg16[%swap3A_241, %swap3A_242] {strides = array<i32>} : memref<100x304xf32, #tpu.memory_space<vmem>>, vector<16xf32>,
      tpu.vector_store %arg16[%swap3A_241, %swap3A_242], %broadcast_in_dim3A_110 {strides = array<i32>} : memref<100x304xf32, #tpu.memory_space<vmem>>, vector<16xf32>,
      %swap3A_244 = arith.index_cast %scan3A_190 : i32 to index
      %swap3A_245 = arith.constant 288 : index
      %swap3A_246 = tpu.vector_load %arg16[%swap3A_244, %swap3A_245] {strides = array<i32>} : memref<100x304xf32, #tpu.memory_space<vmem>>, vector<16xf32>,
      tpu.vector_store %arg16[%swap3A_244, %swap3A_245], %broadcast_in_dim3A_110 {strides = array<i32>} : memref<100x304xf32, #tpu.memory_space<vmem>>, vector<16xf32>,
    }
    %scan3A_117 = arith.constant 100 : i32
    %scan3A_118 = arith.constant 0 : i32
    %scan3A_119 = arith.constant 0 : i32
    %scan3A_120 = arith.constant 13 : i32
    %scan3A_121 = arith.addi %scan3A_119, %scan3A_120 : i32
    %scan3A_122 = arith.constant 1 : i32
    scf.for %scan3A_190 = %scan3A_119 to %scan3A_121 step %scan3A_122  : i32 {
      %swap3A = arith.index_cast %scan3A_190 : i32 to index
      %swap3A_191 = arith.constant 0 : index
      %swap3A_192 = tpu.vector_load %arg10[%swap3A, %swap3A_191] {strides = array<i32>} : memref<13x128xi32, #tpu.memory_space<vmem>>, vector<16xi32>,
      tpu.vector_store %arg10[%swap3A, %swap3A_191], %broadcast_in_dim3A_112 {strides = array<i32>} : memref<13x128xi32, #tpu.memory_space<vmem>>, vector<16xi32>,
      %swap3A_193 = arith.index_cast %scan3A_190 : i32 to index
      %swap3A_194 = arith.constant 0 : index
      %swap3A_195 = tpu.vector_load %arg11[%swap3A_193, %swap3A_194] {strides = array<i32>} : memref<13x128xf32, #tpu.memory_space<vmem>>, vector<16xf32>,
      tpu.vector_store %arg11[%swap3A_193, %swap3A_194], %broadcast_in_dim3A_110 {strides = array<i32>} : memref<13x128xf32, #tpu.memory_space<vmem>>, vector<16xf32>,
      %swap3A_196 = arith.index_cast %scan3A_190 : i32 to index
      %swap3A_197 = arith.constant 0 : index
      %swap3A_198 = tpu.vector_load %arg12[%swap3A_196, %swap3A_197] {strides = array<i32>} : memref<13x128xf32, #tpu.memory_space<vmem>>, vector<16xf32>,
      tpu.vector_store %arg12[%swap3A_196, %swap3A_197], %broadcast_in_dim3A_110 {strides = array<i32>} : memref<13x128xf32, #tpu.memory_space<vmem>>, vector<16xf32>,
      %swap3A_199 = arith.index_cast %scan3A_190 : i32 to index
      %swap3A_200 = arith.constant 16 : index
      %swap3A_201 = tpu.vector_load %arg10[%swap3A_199, %swap3A_200] {strides = array<i32>} : memref<13x128xi32, #tpu.memory_space<vmem>>, vector<16xi32>,
      tpu.vector_store %arg10[%swap3A_199, %swap3A_200], %broadcast_in_dim3A_112 {strides = array<i32>} : memref<13x128xi32, #tpu.memory_space<vmem>>, vector<16xi32>,
      %swap3A_202 = arith.index_cast %scan3A_190 : i32 to index
      %swap3A_203 = arith.constant 16 : index
      %swap3A_204 = tpu.vector_load %arg11[%swap3A_202, %swap3A_203] {strides = array<i32>} : memref<13x128xf32, #tpu.memory_space<vmem>>, vector<16xf32>,
      tpu.vector_store %arg11[%swap3A_202, %swap3A_203], %broadcast_in_dim3A_110 {strides = array<i32>} : memref<13x128xf32, #tpu.memory_space<vmem>>, vector<16xf32>,
      %swap3A_205 = arith.index_cast %scan3A_190 : i32 to index
      %swap3A_206 = arith.constant 16 : index
      %swap3A_207 = tpu.vector_load %arg12[%swap3A_205, %swap3A_206] {strides = array<i32>} : memref<13x128xf32, #tpu.memory_space<vmem>>, vector<16xf32>,
      tpu.vector_store %arg12[%swap3A_205, %swap3A_206], %broadcast_in_dim3A_110 {strides = array<i32>} : memref<13x128xf32, #tpu.memory_space<vmem>>, vector<16xf32>,
      %swap3A_208 = arith.index_cast %scan3A_190 : i32 to index
      %swap3A_209 = arith.constant 32 : index
      %swap3A_210 = tpu.vector_load %arg10[%swap3A_208, %swap3A_209] {strides = array<i32>} : memref<13x128xi32, #tpu.memory_space<vmem>>, vector<16xi32>,
      tpu.vector_store %arg10[%swap3A_208, %swap3A_209], %broadcast_in_dim3A_112 {strides = array<i32>} : memref<13x128xi32, #tpu.memory_space<vmem>>, vector<16xi32>,
      %swap3A_211 = arith.index_cast %scan3A_190 : i32 to index
      %swap3A_212 = arith.constant 32 : index
      %swap3A_213 = tpu.vector_load %arg11[%swap3A_211, %swap3A_212] {strides = array<i32>} : memref<13x128xf32, #tpu.memory_space<vmem>>, vector<16xf32>,
      tpu.vector_store %arg11[%swap3A_211, %swap3A_212], %broadcast_in_dim3A_110 {strides = array<i32>} : memref<13x128xf32, #tpu.memory_space<vmem>>, vector<16xf32>,
      %swap3A_214 = arith.index_cast %scan3A_190 : i32 to index
      %swap3A_215 = arith.constant 32 : index
      %swap3A_216 = tpu.vector_load %arg12[%swap3A_214, %swap3A_215] {strides = array<i32>} : memref<13x128xf32, #tpu.memory_space<vmem>>, vector<16xf32>,
      tpu.vector_store %arg12[%swap3A_214, %swap3A_215], %broadcast_in_dim3A_110 {strides = array<i32>} : memref<13x128xf32, #tpu.memory_space<vmem>>, vector<16xf32>,
      %swap3A_217 = arith.index_cast %scan3A_190 : i32 to index
      %swap3A_218 = arith.constant 48 : index
      %swap3A_219 = tpu.vector_load %arg10[%swap3A_217, %swap3A_218] {strides = array<i32>} : memref<13x128xi32, #tpu.memory_space<vmem>>, vector<16xi32>,
      tpu.vector_store %arg10[%swap3A_217, %swap3A_218], %broadcast_in_dim3A_112 {strides = array<i32>} : memref<13x128xi32, #tpu.memory_space<vmem>>, vector<16xi32>,
      %swap3A_220 = arith.index_cast %scan3A_190 : i32 to index
      %swap3A_221 = arith.constant 48 : index
      %swap3A_222 = tpu.vector_load %arg11[%swap3A_220, %swap3A_221] {strides = array<i32>} : memref<13x128xf32, #tpu.memory_space<vmem>>, vector<16xf32>,
      tpu.vector_store %arg11[%swap3A_220, %swap3A_221], %broadcast_in_dim3A_110 {strides = array<i32>} : memref<13x128xf32, #tpu.memory_space<vmem>>, vector<16xf32>,
      %swap3A_223 = arith.index_cast %scan3A_190 : i32 to index
      %swap3A_224 = arith.constant 48 : index
      %swap3A_225 = tpu.vector_load %arg12[%swap3A_223, %swap3A_224] {strides = array<i32>} : memref<13x128xf32, #tpu.memory_space<vmem>>, vector<16xf32>,
      tpu.vector_store %arg12[%swap3A_223, %swap3A_224], %broadcast_in_dim3A_110 {strides = array<i32>} : memref<13x128xf32, #tpu.memory_space<vmem>>, vector<16xf32>,
      %swap3A_226 = arith.index_cast %scan3A_190 : i32 to index
      %swap3A_227 = arith.constant 64 : index
      %swap3A_228 = tpu.vector_load %arg10[%swap3A_226, %swap3A_227] {strides = array<i32>} : memref<13x128xi32, #tpu.memory_space<vmem>>, vector<16xi32>,
      tpu.vector_store %arg10[%swap3A_226, %swap3A_227], %broadcast_in_dim3A_112 {strides = array<i32>} : memref<13x128xi32, #tpu.memory_space<vmem>>, vector<16xi32>,
      %swap3A_229 = arith.index_cast %scan3A_190 : i32 to index
      %swap3A_230 = arith.constant 64 : index
      %swap3A_231 = tpu.vector_load %arg11[%swap3A_229, %swap3A_230] {strides = array<i32>} : memref<13x128xf32, #tpu.memory_space<vmem>>, vector<16xf32>,
      tpu.vector_store %arg11[%swap3A_229, %swap3A_230], %broadcast_in_dim3A_110 {strides = array<i32>} : memref<13x128xf32, #tpu.memory_space<vmem>>, vector<16xf32>,
      %swap3A_232 = arith.index_cast %scan3A_190 : i32 to index
      %swap3A_233 = arith.constant 64 : index
      %swap3A_234 = tpu.vector_load %arg12[%swap3A_232, %swap3A_233] {strides = array<i32>} : memref<13x128xf32, #tpu.memory_space<vmem>>, vector<16xf32>,
      tpu.vector_store %arg12[%swap3A_232, %swap3A_233], %broadcast_in_dim3A_110 {strides = array<i32>} : memref<13x128xf32, #tpu.memory_space<vmem>>, vector<16xf32>,
      %swap3A_235 = arith.index_cast %scan3A_190 : i32 to index
      %swap3A_236 = arith.constant 80 : index
      %swap3A_237 = tpu.vector_load %arg10[%swap3A_235, %swap3A_236] {strides = array<i32>} : memref<13x128xi32, #tpu.memory_space<vmem>>, vector<16xi32>,
      tpu.vector_store %arg10[%swap3A_235, %swap3A_236], %broadcast_in_dim3A_112 {strides = array<i32>} : memref<13x128xi32, #tpu.memory_space<vmem>>, vector<16xi32>,
      %swap3A_238 = arith.index_cast %scan3A_190 : i32 to index
      %swap3A_239 = arith.constant 80 : index
      %swap3A_240 = tpu.vector_load %arg11[%swap3A_238, %swap3A_239] {strides = array<i32>} : memref<13x128xf32, #tpu.memory_space<vmem>>, vector<16xf32>,
      tpu.vector_store %arg11[%swap3A_238, %swap3A_239], %broadcast_in_dim3A_110 {strides = array<i32>} : memref<13x128xf32, #tpu.memory_space<vmem>>, vector<16xf32>,
      %swap3A_241 = arith.index_cast %scan3A_190 : i32 to index
      %swap3A_242 = arith.constant 80 : index
      %swap3A_243 = tpu.vector_load %arg12[%swap3A_241, %swap3A_242] {strides = array<i32>} : memref<13x128xf32, #tpu.memory_space<vmem>>, vector<16xf32>,
      tpu.vector_store %arg12[%swap3A_241, %swap3A_242], %broadcast_in_dim3A_110 {strides = array<i32>} : memref<13x128xf32, #tpu.memory_space<vmem>>, vector<16xf32>,
      %swap3A_244 = arith.index_cast %scan3A_190 : i32 to index
      %swap3A_245 = arith.constant 96 : index
      %swap3A_246 = tpu.vector_load %arg10[%swap3A_244, %swap3A_245] {strides = array<i32>} : memref<13x128xi32, #tpu.memory_space<vmem>>, vector<16xi32>,
      tpu.vector_store %arg10[%swap3A_244, %swap3A_245], %broadcast_in_dim3A_112 {strides = array<i32>} : memref<13x128xi32, #tpu.memory_space<vmem>>, vector<16xi32>,
      %swap3A_247 = arith.index_cast %scan3A_190 : i32 to index
      %swap3A_248 = arith.constant 96 : index
      %swap3A_249 = tpu.vector_load %arg11[%swap3A_247, %swap3A_248] {strides = array<i32>} : memref<13x128xf32, #tpu.memory_space<vmem>>, vector<16xf32>,
      tpu.vector_store %arg11[%swap3A_247, %swap3A_248], %broadcast_in_dim3A_110 {strides = array<i32>} : memref<13x128xf32, #tpu.memory_space<vmem>>, vector<16xf32>,
      %swap3A_250 = arith.index_cast %scan3A_190 : i32 to index
      %swap3A_251 = arith.constant 96 : index
      %swap3A_252 = tpu.vector_load %arg12[%swap3A_250, %swap3A_251] {strides = array<i32>} : memref<13x128xf32, #tpu.memory_space<vmem>>, vector<16xf32>,
      tpu.vector_store %arg12[%swap3A_250, %swap3A_251], %broadcast_in_dim3A_110 {strides = array<i32>} : memref<13x128xf32, #tpu.memory_space<vmem>>, vector<16xf32>,
      %swap3A_253 = arith.index_cast %scan3A_190 : i32 to index
      %swap3A_254 = arith.constant 112 : index
      %swap3A_255 = tpu.vector_load %arg10[%swap3A_253, %swap3A_254] {strides = array<i32>} : memref<13x128xi32, #tpu.memory_space<vmem>>, vector<16xi32>,
      tpu.vector_store %arg10[%swap3A_253, %swap3A_254], %broadcast_in_dim3A_112 {strides = array<i32>} : memref<13x128xi32, #tpu.memory_space<vmem>>, vector<16xi32>,
      %swap3A_256 = arith.index_cast %scan3A_190 : i32 to index
      %swap3A_257 = arith.constant 112 : index
      %swap3A_258 = tpu.vector_load %arg11[%swap3A_256, %swap3A_257] {strides = array<i32>} : memref<13x128xf32, #tpu.memory_space<vmem>>, vector<16xf32>,
      tpu.vector_store %arg11[%swap3A_256, %swap3A_257], %broadcast_in_dim3A_110 {strides = array<i32>} : memref<13x128xf32, #tpu.memory_space<vmem>>, vector<16xf32>,
      %swap3A_259 = arith.index_cast %scan3A_190 : i32 to index
      %swap3A_260 = arith.constant 112 : index
      %swap3A_261 = tpu.vector_load %arg12[%swap3A_259, %swap3A_260] {strides = array<i32>} : memref<13x128xf32, #tpu.memory_space<vmem>>, vector<16xf32>,
      tpu.vector_store %arg12[%swap3A_259, %swap3A_260], %broadcast_in_dim3A_110 {strides = array<i32>} : memref<13x128xf32, #tpu.memory_space<vmem>>, vector<16xf32>,
    }
    %scan3A_123 = arith.constant 13 : i32
    %broadcast_in_dim3A_124 = vector.broadcast %add3A : i32 to vector<16xi32>
    %mul3A_125 = arith.constant 4 : i32
    %mul3A_126 = arith.muli %mul3A_125, %select_n3A : i32
    %run_scoped3A_127 = arith.constant 0 : i32
    %run_scoped3A_128 = arith.constant 0 : i32
    "tpu.region"() ({
      %run_scoped3A_190 = tpu.sem_alloc : memref<!tpu.dma_semaphore, #tpu.memory_space<semaphore_mem>>
      %dma_start3A_191 = arith.constant 0 : i32
      %dma_start3A_192 = arith.constant 0 : i32
      %dma_start3A_193 = tpu.memref_slice %arg13[%run_scoped3A_128, %dma_start3A_191, %dma_start3A_192] : memref<5x8x400xi32, #tpu.memory_space<vmem>> -> memref<1x4x400xi32, #tpu.memory_space<vmem>>
      %dma_start3A_194 = tpu.memref_squeeze %dma_start3A_193 : memref<1x4x400xi32, #tpu.memory_space<vmem>> -> memref<4x400xi32, #tpu.memory_space<vmem>>
      %dma_start3A_195 = arith.constant 0 : i32
      %dma_start3A_196 = tpu.memref_slice %arg5[%run_scoped3A_127, %mul3A_126, %dma_start3A_195] : memref<5x64x400xi32, #tpu.memory_space<hbm>> -> memref<1x4x400xi32, #tpu.memory_space<hbm>>
      %dma_start3A_197 = tpu.memref_squeeze %dma_start3A_196 : memref<1x4x400xi32, #tpu.memory_space<hbm>> -> memref<4x400xi32, #tpu.memory_space<hbm>>
      %dma_start3A_198 = arith.constant 0 : i32
      %dma_start3A_199 = arith.constant 0 : i32
      %dma_start3A_200 = tpu.memref_slice %arg13[%run_scoped3A_128, %dma_start3A_198, %dma_start3A_199] : memref<5x8x400xi32, #tpu.memory_space<vmem>> -> memref<1x4x400xi32, #tpu.memory_space<vmem>>
      %dma_start3A_201 = tpu.memref_squeeze %dma_start3A_200 : memref<1x4x400xi32, #tpu.memory_space<vmem>> -> memref<4x400xi32, #tpu.memory_space<vmem>>
      %dma_start3A_202 = arith.constant 0 : i32
      %dma_start3A_203 = tpu.memref_slice %arg5[%run_scoped3A_127, %mul3A_126, %dma_start3A_202] : memref<5x64x400xi32, #tpu.memory_space<hbm>> -> memref<1x4x400xi32, #tpu.memory_space<hbm>>
      %dma_start3A_204 = tpu.memref_squeeze %dma_start3A_203 : memref<1x4x400xi32, #tpu.memory_space<hbm>> -> memref<4x400xi32, #tpu.memory_space<hbm>>
      tpu.enqueue_dma source(%dma_start3A_204 : memref<4x400xi32, #tpu.memory_space<hbm>>) target(%dma_start3A_201 : memref<4x400xi32, #tpu.memory_space<vmem>>) target_semaphore(%run_scoped3A_190 : memref<!tpu.dma_semaphore, #tpu.memory_space<semaphore_mem>>)
      %dma_wait3A = arith.constant 0 : i32
      %dma_wait3A_205 = arith.constant 0 : i32
      %dma_wait3A_206 = tpu.memref_slice %arg13[%run_scoped3A_128, %dma_wait3A, %dma_wait3A_205] : memref<5x8x400xi32, #tpu.memory_space<vmem>> -> memref<1x4x400xi32, #tpu.memory_space<vmem>>
      %dma_wait3A_207 = tpu.memref_squeeze %dma_wait3A_206 : memref<1x4x400xi32, #tpu.memory_space<vmem>> -> memref<4x400xi32, #tpu.memory_space<vmem>>
      %dma_wait3A_208 = arith.constant 0 : i32
      %dma_wait3A_209 = tpu.memref_slice %arg5[%run_scoped3A_127, %mul3A_126, %dma_wait3A_208] : memref<5x64x400xi32, #tpu.memory_space<hbm>> -> memref<1x4x400xi32, #tpu.memory_space<hbm>>
      %dma_wait3A_210 = tpu.memref_squeeze %dma_wait3A_209 : memref<1x4x400xi32, #tpu.memory_space<hbm>> -> memref<4x400xi32, #tpu.memory_space<hbm>>
      %dma_wait3A_211 = arith.constant 0 : i32
      %dma_wait3A_212 = arith.constant 0 : i32
      %dma_wait3A_213 = tpu.memref_slice %arg13[%run_scoped3A_128, %dma_wait3A_211, %dma_wait3A_212] : memref<5x8x400xi32, #tpu.memory_space<vmem>> -> memref<1x4x400xi32, #tpu.memory_space<vmem>>
      %dma_wait3A_214 = tpu.memref_squeeze %dma_wait3A_213 : memref<1x4x400xi32, #tpu.memory_space<vmem>> -> memref<4x400xi32, #tpu.memory_space<vmem>>
      %dma_wait3A_215 = arith.constant 0 : i32
      %dma_wait3A_216 = tpu.memref_slice %arg5[%run_scoped3A_127, %mul3A_126, %dma_wait3A_215] : memref<5x64x400xi32, #tpu.memory_space<hbm>> -> memref<1x4x400xi32, #tpu.memory_space<hbm>>
      %dma_wait3A_217 = tpu.memref_squeeze %dma_wait3A_216 : memref<1x4x400xi32, #tpu.memory_space<hbm>> -> memref<4x400xi32, #tpu.memory_space<hbm>>
      tpu.wait_dma2 semaphore(%run_scoped3A_190 : memref<!tpu.dma_semaphore, #tpu.memory_space<semaphore_mem>>) src(%dma_wait3A_217 : memref<4x400xi32, #tpu.memory_space<hbm>>) dst(%dma_wait3A_214 : memref<4x400xi32, #tpu.memory_space<vmem>>)
      tpu.yield
    }) : () -> ()
    %mul3A_129 = arith.constant 4 : i32
    %mul3A_130 = arith.muli %mul3A_129, %select_n3A : i32
    %run_scoped3A_131 = arith.constant 1 : i32
    %run_scoped3A_132 = arith.constant 1 : i32
    "tpu.region"() ({
      %run_scoped3A_190 = tpu.sem_alloc : memref<!tpu.dma_semaphore, #tpu.memory_space<semaphore_mem>>
      %dma_start3A_191 = arith.constant 0 : i32
      %dma_start3A_192 = arith.constant 0 : i32
      %dma_start3A_193 = tpu.memref_slice %arg13[%run_scoped3A_132, %dma_start3A_191, %dma_start3A_192] : memref<5x8x400xi32, #tpu.memory_space<vmem>> -> memref<1x4x400xi32, #tpu.memory_space<vmem>>
      %dma_start3A_194 = tpu.memref_squeeze %dma_start3A_193 : memref<1x4x400xi32, #tpu.memory_space<vmem>> -> memref<4x400xi32, #tpu.memory_space<vmem>>
      %dma_start3A_195 = arith.constant 0 : i32
      %dma_start3A_196 = tpu.memref_slice %arg5[%run_scoped3A_131, %mul3A_130, %dma_start3A_195] : memref<5x64x400xi32, #tpu.memory_space<hbm>> -> memref<1x4x400xi32, #tpu.memory_space<hbm>>
      %dma_start3A_197 = tpu.memref_squeeze %dma_start3A_196 : memref<1x4x400xi32, #tpu.memory_space<hbm>> -> memref<4x400xi32, #tpu.memory_space<hbm>>
      %dma_start3A_198 = arith.constant 0 : i32
      %dma_start3A_199 = arith.constant 0 : i32
      %dma_start3A_200 = tpu.memref_slice %arg13[%run_scoped3A_132, %dma_start3A_198, %dma_start3A_199] : memref<5x8x400xi32, #tpu.memory_space<vmem>> -> memref<1x4x400xi32, #tpu.memory_space<vmem>>
      %dma_start3A_201 = tpu.memref_squeeze %dma_start3A_200 : memref<1x4x400xi32, #tpu.memory_space<vmem>> -> memref<4x400xi32, #tpu.memory_space<vmem>>
      %dma_start3A_202 = arith.constant 0 : i32
      %dma_start3A_203 = tpu.memref_slice %arg5[%run_scoped3A_131, %mul3A_130, %dma_start3A_202] : memref<5x64x400xi32, #tpu.memory_space<hbm>> -> memref<1x4x400xi32, #tpu.memory_space<hbm>>
      %dma_start3A_204 = tpu.memref_squeeze %dma_start3A_203 : memref<1x4x400xi32, #tpu.memory_space<hbm>> -> memref<4x400xi32, #tpu.memory_space<hbm>>
      tpu.enqueue_dma source(%dma_start3A_204 : memref<4x400xi32, #tpu.memory_space<hbm>>) target(%dma_start3A_201 : memref<4x400xi32, #tpu.memory_space<vmem>>) target_semaphore(%run_scoped3A_190 : memref<!tpu.dma_semaphore, #tpu.memory_space<semaphore_mem>>)
      %dma_wait3A = arith.constant 0 : i32
      %dma_wait3A_205 = arith.constant 0 : i32
      %dma_wait3A_206 = tpu.memref_slice %arg13[%run_scoped3A_132, %dma_wait3A, %dma_wait3A_205] : memref<5x8x400xi32, #tpu.memory_space<vmem>> -> memref<1x4x400xi32, #tpu.memory_space<vmem>>
      %dma_wait3A_207 = tpu.memref_squeeze %dma_wait3A_206 : memref<1x4x400xi32, #tpu.memory_space<vmem>> -> memref<4x400xi32, #tpu.memory_space<vmem>>
      %dma_wait3A_208 = arith.constant 0 : i32
      %dma_wait3A_209 = tpu.memref_slice %arg5[%run_scoped3A_131, %mul3A_130, %dma_wait3A_208] : memref<5x64x400xi32, #tpu.memory_space<hbm>> -> memref<1x4x400xi32, #tpu.memory_space<hbm>>
      %dma_wait3A_210 = tpu.memref_squeeze %dma_wait3A_209 : memref<1x4x400xi32, #tpu.memory_space<hbm>> -> memref<4x400xi32, #tpu.memory_space<hbm>>
      %dma_wait3A_211 = arith.constant 0 : i32
      %dma_wait3A_212 = arith.constant 0 : i32
      %dma_wait3A_213 = tpu.memref_slice %arg13[%run_scoped3A_132, %dma_wait3A_211, %dma_wait3A_212] : memref<5x8x400xi32, #tpu.memory_space<vmem>> -> memref<1x4x400xi32, #tpu.memory_space<vmem>>
      %dma_wait3A_214 = tpu.memref_squeeze %dma_wait3A_213 : memref<1x4x400xi32, #tpu.memory_space<vmem>> -> memref<4x400xi32, #tpu.memory_space<vmem>>
      %dma_wait3A_215 = arith.constant 0 : i32
      %dma_wait3A_216 = tpu.memref_slice %arg5[%run_scoped3A_131, %mul3A_130, %dma_wait3A_215] : memref<5x64x400xi32, #tpu.memory_space<hbm>> -> memref<1x4x400xi32, #tpu.memory_space<hbm>>
      %dma_wait3A_217 = tpu.memref_squeeze %dma_wait3A_216 : memref<1x4x400xi32, #tpu.memory_space<hbm>> -> memref<4x400xi32, #tpu.memory_space<hbm>>
      tpu.wait_dma2 semaphore(%run_scoped3A_190 : memref<!tpu.dma_semaphore, #tpu.memory_space<semaphore_mem>>) src(%dma_wait3A_217 : memref<4x400xi32, #tpu.memory_space<hbm>>) dst(%dma_wait3A_214 : memref<4x400xi32, #tpu.memory_space<vmem>>)
      tpu.yield
    }) : () -> ()
    %mul3A_133 = arith.constant 4 : i32
    %mul3A_134 = arith.muli %mul3A_133, %select_n3A : i32
    %run_scoped3A_135 = arith.constant 2 : i32
    %run_scoped3A_136 = arith.constant 2 : i32
    "tpu.region"() ({
      %run_scoped3A_190 = tpu.sem_alloc : memref<!tpu.dma_semaphore, #tpu.memory_space<semaphore_mem>>
      %dma_start3A_191 = arith.constant 0 : i32
      %dma_start3A_192 = arith.constant 0 : i32
      %dma_start3A_193 = tpu.memref_slice %arg13[%run_scoped3A_136, %dma_start3A_191, %dma_start3A_192] : memref<5x8x400xi32, #tpu.memory_space<vmem>> -> memref<1x4x400xi32, #tpu.memory_space<vmem>>
      %dma_start3A_194 = tpu.memref_squeeze %dma_start3A_193 : memref<1x4x400xi32, #tpu.memory_space<vmem>> -> memref<4x400xi32, #tpu.memory_space<vmem>>
      %dma_start3A_195 = arith.constant 0 : i32
      %dma_start3A_196 = tpu.memref_slice %arg5[%run_scoped3A_135, %mul3A_134, %dma_start3A_195] : memref<5x64x400xi32, #tpu.memory_space<hbm>> -> memref<1x4x400xi32, #tpu.memory_space<hbm>>
      %dma_start3A_197 = tpu.memref_squeeze %dma_start3A_196 : memref<1x4x400xi32, #tpu.memory_space<hbm>> -> memref<4x400xi32, #tpu.memory_space<hbm>>
      %dma_start3A_198 = arith.constant 0 : i32
      %dma_start3A_199 = arith.constant 0 : i32
      %dma_start3A_200 = tpu.memref_slice %arg13[%run_scoped3A_136, %dma_start3A_198, %dma_start3A_199] : memref<5x8x400xi32, #tpu.memory_space<vmem>> -> memref<1x4x400xi32, #tpu.memory_space<vmem>>
      %dma_start3A_201 = tpu.memref_squeeze %dma_start3A_200 : memref<1x4x400xi32, #tpu.memory_space<vmem>> -> memref<4x400xi32, #tpu.memory_space<vmem>>
      %dma_start3A_202 = arith.constant 0 : i32
      %dma_start3A_203 = tpu.memref_slice %arg5[%run_scoped3A_135, %mul3A_134, %dma_start3A_202] : memref<5x64x400xi32, #tpu.memory_space<hbm>> -> memref<1x4x400xi32, #tpu.memory_space<hbm>>
      %dma_start3A_204 = tpu.memref_squeeze %dma_start3A_203 : memref<1x4x400xi32, #tpu.memory_space<hbm>> -> memref<4x400xi32, #tpu.memory_space<hbm>>
      tpu.enqueue_dma source(%dma_start3A_204 : memref<4x400xi32, #tpu.memory_space<hbm>>) target(%dma_start3A_201 : memref<4x400xi32, #tpu.memory_space<vmem>>) target_semaphore(%run_scoped3A_190 : memref<!tpu.dma_semaphore, #tpu.memory_space<semaphore_mem>>)
      %dma_wait3A = arith.constant 0 : i32
      %dma_wait3A_205 = arith.constant 0 : i32
      %dma_wait3A_206 = tpu.memref_slice %arg13[%run_scoped3A_136, %dma_wait3A, %dma_wait3A_205] : memref<5x8x400xi32, #tpu.memory_space<vmem>> -> memref<1x4x400xi32, #tpu.memory_space<vmem>>
      %dma_wait3A_207 = tpu.memref_squeeze %dma_wait3A_206 : memref<1x4x400xi32, #tpu.memory_space<vmem>> -> memref<4x400xi32, #tpu.memory_space<vmem>>
      %dma_wait3A_208 = arith.constant 0 : i32
      %dma_wait3A_209 = tpu.memref_slice %arg5[%run_scoped3A_135, %mul3A_134, %dma_wait3A_208] : memref<5x64x400xi32, #tpu.memory_space<hbm>> -> memref<1x4x400xi32, #tpu.memory_space<hbm>>
      %dma_wait3A_210 = tpu.memref_squeeze %dma_wait3A_209 : memref<1x4x400xi32, #tpu.memory_space<hbm>> -> memref<4x400xi32, #tpu.memory_space<hbm>>
      %dma_wait3A_211 = arith.constant 0 : i32
      %dma_wait3A_212 = arith.constant 0 : i32
      %dma_wait3A_213 = tpu.memref_slice %arg13[%run_scoped3A_136, %dma_wait3A_211, %dma_wait3A_212] : memref<5x8x400xi32, #tpu.memory_space<vmem>> -> memref<1x4x400xi32, #tpu.memory_space<vmem>>
      %dma_wait3A_214 = tpu.memref_squeeze %dma_wait3A_213 : memref<1x4x400xi32, #tpu.memory_space<vmem>> -> memref<4x400xi32, #tpu.memory_space<vmem>>
      %dma_wait3A_215 = arith.constant 0 : i32
      %dma_wait3A_216 = tpu.memref_slice %arg5[%run_scoped3A_135, %mul3A_134, %dma_wait3A_215] : memref<5x64x400xi32, #tpu.memory_space<hbm>> -> memref<1x4x400xi32, #tpu.memory_space<hbm>>
      %dma_wait3A_217 = tpu.memref_squeeze %dma_wait3A_216 : memref<1x4x400xi32, #tpu.memory_space<hbm>> -> memref<4x400xi32, #tpu.memory_space<hbm>>
      tpu.wait_dma2 semaphore(%run_scoped3A_190 : memref<!tpu.dma_semaphore, #tpu.memory_space<semaphore_mem>>) src(%dma_wait3A_217 : memref<4x400xi32, #tpu.memory_space<hbm>>) dst(%dma_wait3A_214 : memref<4x400xi32, #tpu.memory_space<vmem>>)
      tpu.yield
    }) : () -> ()
    %mul3A_137 = arith.constant 4 : i32
    %mul3A_138 = arith.muli %mul3A_137, %select_n3A : i32
    %run_scoped3A_139 = arith.constant 3 : i32
    %run_scoped3A_140 = arith.constant 3 : i32
    "tpu.region"() ({
      %run_scoped3A_190 = tpu.sem_alloc : memref<!tpu.dma_semaphore, #tpu.memory_space<semaphore_mem>>
      %dma_start3A_191 = arith.constant 0 : i32
      %dma_start3A_192 = arith.constant 0 : i32
      %dma_start3A_193 = tpu.memref_slice %arg13[%run_scoped3A_140, %dma_start3A_191, %dma_start3A_192] : memref<5x8x400xi32, #tpu.memory_space<vmem>> -> memref<1x4x400xi32, #tpu.memory_space<vmem>>
      %dma_start3A_194 = tpu.memref_squeeze %dma_start3A_193 : memref<1x4x400xi32, #tpu.memory_space<vmem>> -> memref<4x400xi32, #tpu.memory_space<vmem>>
      %dma_start3A_195 = arith.constant 0 : i32
      %dma_start3A_196 = tpu.memref_slice %arg5[%run_scoped3A_139, %mul3A_138, %dma_start3A_195] : memref<5x64x400xi32, #tpu.memory_space<hbm>> -> memref<1x4x400xi32, #tpu.memory_space<hbm>>
      %dma_start3A_197 = tpu.memref_squeeze %dma_start3A_196 : memref<1x4x400xi32, #tpu.memory_space<hbm>> -> memref<4x400xi32, #tpu.memory_space<hbm>>
      %dma_start3A_198 = arith.constant 0 : i32
      %dma_start3A_199 = arith.constant 0 : i32
      %dma_start3A_200 = tpu.memref_slice %arg13[%run_scoped3A_140, %dma_start3A_198, %dma_start3A_199] : memref<5x8x400xi32, #tpu.memory_space<vmem>> -> memref<1x4x400xi32, #tpu.memory_space<vmem>>
      %dma_start3A_201 = tpu.memref_squeeze %dma_start3A_200 : memref<1x4x400xi32, #tpu.memory_space<vmem>> -> memref<4x400xi32, #tpu.memory_space<vmem>>
      %dma_start3A_202 = arith.constant 0 : i32
      %dma_start3A_203 = tpu.memref_slice %arg5[%run_scoped3A_139, %mul3A_138, %dma_start3A_202] : memref<5x64x400xi32, #tpu.memory_space<hbm>> -> memref<1x4x400xi32, #tpu.memory_space<hbm>>
      %dma_start3A_204 = tpu.memref_squeeze %dma_start3A_203 : memref<1x4x400xi32, #tpu.memory_space<hbm>> -> memref<4x400xi32, #tpu.memory_space<hbm>>
      tpu.enqueue_dma source(%dma_start3A_204 : memref<4x400xi32, #tpu.memory_space<hbm>>) target(%dma_start3A_201 : memref<4x400xi32, #tpu.memory_space<vmem>>) target_semaphore(%run_scoped3A_190 : memref<!tpu.dma_semaphore, #tpu.memory_space<semaphore_mem>>)
      %dma_wait3A = arith.constant 0 : i32
      %dma_wait3A_205 = arith.constant 0 : i32
      %dma_wait3A_206 = tpu.memref_slice %arg13[%run_scoped3A_140, %dma_wait3A, %dma_wait3A_205] : memref<5x8x400xi32, #tpu.memory_space<vmem>> -> memref<1x4x400xi32, #tpu.memory_space<vmem>>
      %dma_wait3A_207 = tpu.memref_squeeze %dma_wait3A_206 : memref<1x4x400xi32, #tpu.memory_space<vmem>> -> memref<4x400xi32, #tpu.memory_space<vmem>>
      %dma_wait3A_208 = arith.constant 0 : i32
      %dma_wait3A_209 = tpu.memref_slice %arg5[%run_scoped3A_139, %mul3A_138, %dma_wait3A_208] : memref<5x64x400xi32, #tpu.memory_space<hbm>> -> memref<1x4x400xi32, #tpu.memory_space<hbm>>
      %dma_wait3A_210 = tpu.memref_squeeze %dma_wait3A_209 : memref<1x4x400xi32, #tpu.memory_space<hbm>> -> memref<4x400xi32, #tpu.memory_space<hbm>>
      %dma_wait3A_211 = arith.constant 0 : i32
      %dma_wait3A_212 = arith.constant 0 : i32
      %dma_wait3A_213 = tpu.memref_slice %arg13[%run_scoped3A_140, %dma_wait3A_211, %dma_wait3A_212] : memref<5x8x400xi32, #tpu.memory_space<vmem>> -> memref<1x4x400xi32, #tpu.memory_space<vmem>>
      %dma_wait3A_214 = tpu.memref_squeeze %dma_wait3A_213 : memref<1x4x400xi32, #tpu.memory_space<vmem>> -> memref<4x400xi32, #tpu.memory_space<vmem>>
      %dma_wait3A_215 = arith.constant 0 : i32
      %dma_wait3A_216 = tpu.memref_slice %arg5[%run_scoped3A_139, %mul3A_138, %dma_wait3A_215] : memref<5x64x400xi32, #tpu.memory_space<hbm>> -> memref<1x4x400xi32, #tpu.memory_space<hbm>>
      %dma_wait3A_217 = tpu.memref_squeeze %dma_wait3A_216 : memref<1x4x400xi32, #tpu.memory_space<hbm>> -> memref<4x400xi32, #tpu.memory_space<hbm>>
      tpu.wait_dma2 semaphore(%run_scoped3A_190 : memref<!tpu.dma_semaphore, #tpu.memory_space<semaphore_mem>>) src(%dma_wait3A_217 : memref<4x400xi32, #tpu.memory_space<hbm>>) dst(%dma_wait3A_214 : memref<4x400xi32, #tpu.memory_space<vmem>>)
      tpu.yield
    }) : () -> ()
    %mul3A_141 = arith.constant 4 : i32
    %mul3A_142 = arith.muli %mul3A_141, %select_n3A : i32
    %run_scoped3A_143 = arith.constant 4 : i32
    %run_scoped3A_144 = arith.constant 4 : i32
    "tpu.region"() ({
      %run_scoped3A_190 = tpu.sem_alloc : memref<!tpu.dma_semaphore, #tpu.memory_space<semaphore_mem>>
      %dma_start3A_191 = arith.constant 0 : i32
      %dma_start3A_192 = arith.constant 0 : i32
      %dma_start3A_193 = tpu.memref_slice %arg13[%run_scoped3A_144, %dma_start3A_191, %dma_start3A_192] : memref<5x8x400xi32, #tpu.memory_space<vmem>> -> memref<1x4x400xi32, #tpu.memory_space<vmem>>
      %dma_start3A_194 = tpu.memref_squeeze %dma_start3A_193 : memref<1x4x400xi32, #tpu.memory_space<vmem>> -> memref<4x400xi32, #tpu.memory_space<vmem>>
      %dma_start3A_195 = arith.constant 0 : i32
      %dma_start3A_196 = tpu.memref_slice %arg5[%run_scoped3A_143, %mul3A_142, %dma_start3A_195] : memref<5x64x400xi32, #tpu.memory_space<hbm>> -> memref<1x4x400xi32, #tpu.memory_space<hbm>>
      %dma_start3A_197 = tpu.memref_squeeze %dma_start3A_196 : memref<1x4x400xi32, #tpu.memory_space<hbm>> -> memref<4x400xi32, #tpu.memory_space<hbm>>
      %dma_start3A_198 = arith.constant 0 : i32
      %dma_start3A_199 = arith.constant 0 : i32
      %dma_start3A_200 = tpu.memref_slice %arg13[%run_scoped3A_144, %dma_start3A_198, %dma_start3A_199] : memref<5x8x400xi32, #tpu.memory_space<vmem>> -> memref<1x4x400xi32, #tpu.memory_space<vmem>>
      %dma_start3A_201 = tpu.memref_squeeze %dma_start3A_200 : memref<1x4x400xi32, #tpu.memory_space<vmem>> -> memref<4x400xi32, #tpu.memory_space<vmem>>
      %dma_start3A_202 = arith.constant 0 : i32
      %dma_start3A_203 = tpu.memref_slice %arg5[%run_scoped3A_143, %mul3A_142, %dma_start3A_202] : memref<5x64x400xi32, #tpu.memory_space<hbm>> -> memref<1x4x400xi32, #tpu.memory_space<hbm>>
      %dma_start3A_204 = tpu.memref_squeeze %dma_start3A_203 : memref<1x4x400xi32, #tpu.memory_space<hbm>> -> memref<4x400xi32, #tpu.memory_space<hbm>>
      tpu.enqueue_dma source(%dma_start3A_204 : memref<4x400xi32, #tpu.memory_space<hbm>>) target(%dma_start3A_201 : memref<4x400xi32, #tpu.memory_space<vmem>>) target_semaphore(%run_scoped3A_190 : memref<!tpu.dma_semaphore, #tpu.memory_space<semaphore_mem>>)
      %dma_wait3A = arith.constant 0 : i32
      %dma_wait3A_205 = arith.constant 0 : i32
      %dma_wait3A_206 = tpu.memref_slice %arg13[%run_scoped3A_144, %dma_wait3A, %dma_wait3A_205] : memref<5x8x400xi32, #tpu.memory_space<vmem>> -> memref<1x4x400xi32, #tpu.memory_space<vmem>>
      %dma_wait3A_207 = tpu.memref_squeeze %dma_wait3A_206 : memref<1x4x400xi32, #tpu.memory_space<vmem>> -> memref<4x400xi32, #tpu.memory_space<vmem>>
      %dma_wait3A_208 = arith.constant 0 : i32
      %dma_wait3A_209 = tpu.memref_slice %arg5[%run_scoped3A_143, %mul3A_142, %dma_wait3A_208] : memref<5x64x400xi32, #tpu.memory_space<hbm>> -> memref<1x4x400xi32, #tpu.memory_space<hbm>>
      %dma_wait3A_210 = tpu.memref_squeeze %dma_wait3A_209 : memref<1x4x400xi32, #tpu.memory_space<hbm>> -> memref<4x400xi32, #tpu.memory_space<hbm>>
      %dma_wait3A_211 = arith.constant 0 : i32
      %dma_wait3A_212 = arith.constant 0 : i32
      %dma_wait3A_213 = tpu.memref_slice %arg13[%run_scoped3A_144, %dma_wait3A_211, %dma_wait3A_212] : memref<5x8x400xi32, #tpu.memory_space<vmem>> -> memref<1x4x400xi32, #tpu.memory_space<vmem>>
      %dma_wait3A_214 = tpu.memref_squeeze %dma_wait3A_213 : memref<1x4x400xi32, #tpu.memory_space<vmem>> -> memref<4x400xi32, #tpu.memory_space<vmem>>
      %dma_wait3A_215 = arith.constant 0 : i32
      %dma_wait3A_216 = tpu.memref_slice %arg5[%run_scoped3A_143, %mul3A_142, %dma_wait3A_215] : memref<5x64x400xi32, #tpu.memory_space<hbm>> -> memref<1x4x400xi32, #tpu.memory_space<hbm>>
      %dma_wait3A_217 = tpu.memref_squeeze %dma_wait3A_216 : memref<1x4x400xi32, #tpu.memory_space<hbm>> -> memref<4x400xi32, #tpu.memory_space<hbm>>
      tpu.wait_dma2 semaphore(%run_scoped3A_190 : memref<!tpu.dma_semaphore, #tpu.memory_space<semaphore_mem>>) src(%dma_wait3A_217 : memref<4x400xi32, #tpu.memory_space<hbm>>) dst(%dma_wait3A_214 : memref<4x400xi32, #tpu.memory_space<vmem>>)
      tpu.yield
    }) : () -> ()
    %scan3A_145 = arith.constant 0 : i32
    %scan3A_146 = arith.constant 0 : i32
    %scan3A_147 = arith.constant 4 : i32
    %scan3A_148 = arith.addi %scan3A_146, %scan3A_147 : i32
    %scan3A_149 = arith.constant 1 : i32
    scf.for %scan3A_190 = %scan3A_146 to %scan3A_148 step %scan3A_149  : i32 {
      %scan3A_191 = arith.constant 0 : i32
      %scan3A_192 = arith.constant 0 : i32
      %scan3A_193 = arith.constant 25 : i32
      %scan3A_194 = arith.addi %scan3A_192, %scan3A_193 : i32
      %scan3A_195 = arith.constant 1 : i32
      scf.for %scan3A_197 = %scan3A_192 to %scan3A_194 step %scan3A_195  : i32 {
        %mul3A_198 = arith.constant 16 : i32
        %mul3A_199 = arith.muli %scan3A_197, %mul3A_198 : i32
        %get3A = arith.constant 0 : i32
        %get3A_200 = arith.index_cast %get3A : i32 to index
        %get3A_201 = arith.index_cast %scan3A_190 : i32 to index
        %get3A_202 = arith.index_cast %mul3A_199 : i32 to index
        %get3A_203 = tpu.vector_load %arg13[%get3A_200, %get3A_201, %get3A_202] {strides = array<i32>} : memref<5x8x400xi32, #tpu.memory_space<vmem>>, vector<16xi32>,
        %mul3A_204 = arith.constant 16 : i32
        %mul3A_205 = arith.muli %scan3A_197, %mul3A_204 : i32
        %get3A_206 = arith.constant 1 : i32
        %get3A_207 = arith.index_cast %get3A_206 : i32 to index
        %get3A_208 = arith.index_cast %scan3A_190 : i32 to index
        %get3A_209 = arith.index_cast %mul3A_205 : i32 to index
        %get3A_210 = tpu.vector_load %arg13[%get3A_207, %get3A_208, %get3A_209] {strides = array<i32>} : memref<5x8x400xi32, #tpu.memory_space<vmem>>, vector<16xi32>,
        %mul3A_211 = arith.constant 16 : i32
        %mul3A_212 = arith.muli %scan3A_197, %mul3A_211 : i32
        %get3A_213 = arith.constant 2 : i32
        %get3A_214 = arith.index_cast %get3A_213 : i32 to index
        %get3A_215 = arith.index_cast %scan3A_190 : i32 to index
        %get3A_216 = arith.index_cast %mul3A_212 : i32 to index
        %get3A_217 = tpu.vector_load %arg13[%get3A_214, %get3A_215, %get3A_216] {strides = array<i32>} : memref<5x8x400xi32, #tpu.memory_space<vmem>>, vector<16xi32>,
        %mul3A_218 = arith.constant 16 : i32
        %mul3A_219 = arith.muli %scan3A_197, %mul3A_218 : i32
        %get3A_220 = arith.constant 3 : i32
        %get3A_221 = arith.index_cast %get3A_220 : i32 to index
        %get3A_222 = arith.index_cast %scan3A_190 : i32 to index
        %get3A_223 = arith.index_cast %mul3A_219 : i32 to index
        %get3A_224 = tpu.vector_load %arg13[%get3A_221, %get3A_222, %get3A_223] {strides = array<i32>} : memref<5x8x400xi32, #tpu.memory_space<vmem>>, vector<16xi32>,
        %mul3A_225 = arith.constant 16 : i32
        %mul3A_226 = arith.muli %scan3A_197, %mul3A_225 : i32
        %get3A_227 = arith.constant 4 : i32
        %get3A_228 = arith.index_cast %get3A_227 : i32 to index
        %get3A_229 = arith.index_cast %scan3A_190 : i32 to index
        %get3A_230 = arith.index_cast %mul3A_226 : i32 to index
        %get3A_231 = tpu.vector_load %arg13[%get3A_228, %get3A_229, %get3A_230] {strides = array<i32>} : memref<5x8x400xi32, #tpu.memory_space<vmem>>, vector<16xi32>,
        %eq3A_232 = arith.cmpi eq, %get3A_203, %broadcast_in_dim3A_124 : vector<16xi32>
        %shift_right_arithmetic3A = arith.constant 7 : i32
        %shift_right_arithmetic3A_233 = vector.broadcast %shift_right_arithmetic3A : i32 to vector<16xi32>
        %shift_right_arithmetic3A_234 = arith.shrsi %get3A_210, %shift_right_arithmetic3A_233 : vector<16xi32>
        %and3A_235 = arith.constant 127 : i32
        %and3A_236 = vector.broadcast %and3A_235 : i32 to vector<16xi32>
        %and3A_237 = arith.andi %get3A_210, %and3A_236 : vector<16xi32>
        tpu.vector_store_idx %arg10[%shift_right_arithmetic3A_234, %and3A_237], %get3A_217 masked %eq3A_232 : memref<13x128xi32, #tpu.memory_space<vmem>>[vector<16xi32>, vector<16xi32>], vector<16xi32>, vector<16xi1>
        %shift_right_arithmetic3A_238 = arith.constant 7 : i32
        %shift_right_arithmetic3A_239 = vector.broadcast %shift_right_arithmetic3A_238 : i32 to vector<16xi32>
        %shift_right_arithmetic3A_240 = arith.shrsi %get3A_210, %shift_right_arithmetic3A_239 : vector<16xi32>
        %and3A_241 = arith.constant 127 : i32
        %and3A_242 = vector.broadcast %and3A_241 : i32 to vector<16xi32>
        %and3A_243 = arith.andi %get3A_210, %and3A_242 : vector<16xi32>
        %bitcast3A = vector.bitcast %get3A_224 : vector<16xi32> to vector<16xf32>
        tpu.vector_store_idx %arg11[%shift_right_arithmetic3A_240, %and3A_243], %bitcast3A masked %eq3A_232 : memref<13x128xf32, #tpu.memory_space<vmem>>[vector<16xi32>, vector<16xi32>], vector<16xf32>, vector<16xi1>
        %shift_right_arithmetic3A_244 = arith.constant 7 : i32
        %shift_right_arithmetic3A_245 = vector.broadcast %shift_right_arithmetic3A_244 : i32 to vector<16xi32>
        %shift_right_arithmetic3A_246 = arith.shrsi %get3A_210, %shift_right_arithmetic3A_245 : vector<16xi32>
        %and3A_247 = arith.constant 127 : i32
        %and3A_248 = vector.broadcast %and3A_247 : i32 to vector<16xi32>
        %and3A_249 = arith.andi %get3A_210, %and3A_248 : vector<16xi32>
        %bitcast3A_250 = vector.bitcast %get3A_231 : vector<16xi32> to vector<16xf32>
        tpu.vector_store_idx %arg12[%shift_right_arithmetic3A_246, %and3A_249], %bitcast3A_250 masked %eq3A_232 : memref<13x128xf32, #tpu.memory_space<vmem>>[vector<16xi32>, vector<16xi32>], vector<16xf32>, vector<16xi1>
      }
      %scan3A_196 = arith.constant 25 : i32
    }
    %scan3A_150 = arith.constant 4 : i32
    %iota3A = tpu.iota {dimensions = array<i32: 0>} : vector<16xi32>
    %mul3A_151 = arith.constant 512 : i32
    %mul3A_152 = arith.muli %select_n3A, %mul3A_151 : i32
    %add3A_153 = arith.constant 0 : i32
    %add3A_154 = arith.addi %add3A_153, %select_n3A_30 : i32
    %mul3A_155 = arith.constant 8 : i32
    %mul3A_156 = arith.muli %mul3A_155, %add3A_154 : i32
    %add3A_157 = arith.addi %mul3A_152, %mul3A_156 : i32
    %dma_start3A = arith.constant 0 : i32
    %dma_start3A_158 = arith.constant 0 : i32
    %dma_start3A_159 = tpu.memref_slice %arg15[%dma_start3A, %dma_start3A_158] : memref<32x1536xf32, #tpu.memory_space<vmem>> -> memref<8x1536xf32, #tpu.memory_space<vmem>>
    %dma_start3A_160 = arith.constant 0 : i32
    %dma_start3A_161 = tpu.memref_slice %arg2[%add3A_157, %dma_start3A_160] : memref<8192x1536xf32, #tpu.memory_space<hbm>> -> memref<8x1536xf32, #tpu.memory_space<hbm>>
    %dma_start3A_162 = arith.constant 0 : i32
    %dma_start3A_163 = arith.constant 0 : i32
    %dma_start3A_164 = tpu.memref_slice %arg15[%dma_start3A_162, %dma_start3A_163] : memref<32x1536xf32, #tpu.memory_space<vmem>> -> memref<8x1536xf32, #tpu.memory_space<vmem>>
    %dma_start3A_165 = arith.constant 0 : i32
    %dma_start3A_166 = tpu.memref_slice %arg2[%add3A_157, %dma_start3A_165] : memref<8192x1536xf32, #tpu.memory_space<hbm>> -> memref<8x1536xf32, #tpu.memory_space<hbm>>
    tpu.enqueue_dma source(%dma_start3A_166 : memref<8x1536xf32, #tpu.memory_space<hbm>>) target(%dma_start3A_164 : memref<8x1536xf32, #tpu.memory_space<vmem>>) target_semaphore(%arg17 : memref<!tpu.dma_semaphore, #tpu.memory_space<semaphore_mem>>)
    %mul3A_167 = arith.constant 512 : i32
    %mul3A_168 = arith.muli %select_n3A, %mul3A_167 : i32
    %add3A_169 = arith.constant 2 : i32
    %add3A_170 = arith.addi %add3A_169, %select_n3A_30 : i32
    %mul3A_171 = arith.constant 8 : i32
    %mul3A_172 = arith.muli %mul3A_171, %add3A_170 : i32
    %add3A_173 = arith.addi %mul3A_168, %mul3A_172 : i32
    %dma_start3A_174 = arith.constant 8 : i32
    %dma_start3A_175 = arith.constant 0 : i32
    %dma_start3A_176 = tpu.memref_slice %arg15[%dma_start3A_174, %dma_start3A_175] : memref<32x1536xf32, #tpu.memory_space<vmem>> -> memref<8x1536xf32, #tpu.memory_space<vmem>>
    %dma_start3A_177 = arith.constant 0 : i32
    %dma_start3A_178 = tpu.memref_slice %arg2[%add3A_173, %dma_start3A_177] : memref<8192x1536xf32, #tpu.memory_space<hbm>> -> memref<8x1536xf32, #tpu.memory_space<hbm>>
    %dma_start3A_179 = arith.constant 8 : i32
    %dma_start3A_180 = arith.constant 0 : i32
    %dma_start3A_181 = tpu.memref_slice %arg15[%dma_start3A_179, %dma_start3A_180] : memref<32x1536xf32, #tpu.memory_space<vmem>> -> memref<8x1536xf32, #tpu.memory_space<vmem>>
    %dma_start3A_182 = arith.constant 0 : i32
    %dma_start3A_183 = tpu.memref_slice %arg2[%add3A_173, %dma_start3A_182] : memref<8192x1536xf32, #tpu.memory_space<hbm>> -> memref<8x1536xf32, #tpu.memory_space<hbm>>
    tpu.enqueue_dma source(%dma_start3A_183 : memref<8x1536xf32, #tpu.memory_space<hbm>>) target(%dma_start3A_181 : memref<8x1536xf32, #tpu.memory_space<vmem>>) target_semaphore(%arg17 : memref<!tpu.dma_semaphore, #tpu.memory_space<semaphore_mem>>)
    %scan3A_184 = arith.constant 0 : i32
    %scan3A_185 = arith.constant 0 : i32
    %scan3A_186 = arith.constant 16 : i32
    %scan3A_187 = arith.addi %scan3A_185, %scan3A_186 : i32
    %scan3A_188 = arith.constant 1 : i32
    scf.for %scan3A_190 = %scan3A_185 to %scan3A_187 step %scan3A_188  : i32 {
      %jit3A_191 = arith.constant 2 : i32
      %eq3A_192 = arith.constant 0 : i32
      %eq3A_193 = arith.cmpi eq, %jit3A_191, %eq3A_192 : i32
      %jit3A_194 = arith.constant 1 : i32
      %select_n3A_195 = arith.select %eq3A_193, %jit3A_194, %jit3A_191 : i32
      %rem3A_196 = arith.remsi %scan3A_190, %select_n3A_195 : i32
      %ne3A_197 = arith.constant 0 : i32
      %ne3A_198 = arith.cmpi ne, %rem3A_196, %ne3A_197 : i32
      %lt3A_199 = arith.constant 0 : i32
      %lt3A_200 = arith.cmpi slt, %rem3A_196, %lt3A_199 : i32
      %lt3A_201 = arith.constant 0 : i32
      %lt3A_202 = arith.cmpi slt, %select_n3A_195, %lt3A_201 : i32
      %ne3A_203 = arith.xori %lt3A_200, %lt3A_202 : i1
      %and3A_204 = arith.andi %ne3A_203, %ne3A_198 : i1
      %add3A_205 = arith.addi %rem3A_196, %select_n3A_195 : i32
      %select_n3A_206 = arith.select %and3A_204, %add3A_205, %rem3A_196 : i32
      %mul3A_207 = arith.constant 16 : i32
      %mul3A_208 = arith.muli %select_n3A_206, %mul3A_207 : i32
      %mul3A_209 = arith.constant 512 : i32
      %mul3A_210 = arith.muli %select_n3A, %mul3A_209 : i32
      %mul3A_211 = arith.constant 4 : i32
      %mul3A_212 = arith.muli %mul3A_211, %scan3A_190 : i32
      %add3A_213 = arith.constant 0 : i32
      %add3A_214 = arith.addi %mul3A_212, %add3A_213 : i32
      %add3A_215 = arith.addi %add3A_214, %select_n3A_30 : i32
      %mul3A_216 = arith.constant 8 : i32
      %mul3A_217 = arith.muli %mul3A_216, %add3A_215 : i32
      %add3A_218 = arith.addi %mul3A_210, %mul3A_217 : i32
      %dma_wait3A = arith.constant 0 : i32
      %dma_wait3A_219 = tpu.memref_slice %arg15[%mul3A_208, %dma_wait3A] : memref<32x1536xf32, #tpu.memory_space<vmem>> -> memref<8x1536xf32, #tpu.memory_space<vmem>>
      %dma_wait3A_220 = arith.constant 0 : i32
      %dma_wait3A_221 = tpu.memref_slice %arg2[%add3A_218, %dma_wait3A_220] : memref<8192x1536xf32, #tpu.memory_space<hbm>> -> memref<8x1536xf32, #tpu.memory_space<hbm>>
      %dma_wait3A_222 = arith.constant 0 : i32
      %dma_wait3A_223 = tpu.memref_slice %arg15[%mul3A_208, %dma_wait3A_222] : memref<32x1536xf32, #tpu.memory_space<vmem>> -> memref<8x1536xf32, #tpu.memory_space<vmem>>
      %dma_wait3A_224 = arith.constant 0 : i32
      %dma_wait3A_225 = tpu.memref_slice %arg2[%add3A_218, %dma_wait3A_224] : memref<8192x1536xf32, #tpu.memory_space<hbm>> -> memref<8x1536xf32, #tpu.memory_space<hbm>>
      tpu.wait_dma2 semaphore(%arg17 : memref<!tpu.dma_semaphore, #tpu.memory_space<semaphore_mem>>) src(%dma_wait3A_225 : memref<8x1536xf32, #tpu.memory_space<hbm>>) dst(%dma_wait3A_223 : memref<8x1536xf32, #tpu.memory_space<vmem>>)
      %mul3A_226 = arith.constant 512 : i32
      %mul3A_227 = arith.muli %select_n3A, %mul3A_226 : i32
      %mul3A_228 = arith.constant 4 : i32
      %mul3A_229 = arith.muli %mul3A_228, %scan3A_190 : i32
      %add3A_230 = arith.constant 2 : i32
      %add3A_231 = arith.addi %mul3A_229, %add3A_230 : i32
      %add3A_232 = arith.addi %add3A_231, %select_n3A_30 : i32
      %mul3A_233 = arith.constant 8 : i32
      %mul3A_234 = arith.muli %mul3A_233, %add3A_232 : i32
      %add3A_235 = arith.addi %mul3A_227, %mul3A_234 : i32
      %add3A_236 = arith.constant 8 : i32
      %add3A_237 = arith.addi %mul3A_208, %add3A_236 : i32
      %dma_wait3A_238 = arith.constant 0 : i32
      %dma_wait3A_239 = tpu.memref_slice %arg15[%add3A_237, %dma_wait3A_238] : memref<32x1536xf32, #tpu.memory_space<vmem>> -> memref<8x1536xf32, #tpu.memory_space<vmem>>
      %dma_wait3A_240 = arith.constant 0 : i32
      %dma_wait3A_241 = tpu.memref_slice %arg2[%add3A_235, %dma_wait3A_240] : memref<8192x1536xf32, #tpu.memory_space<hbm>> -> memref<8x1536xf32, #tpu.memory_space<hbm>>
      %dma_wait3A_242 = arith.constant 0 : i32
      %dma_wait3A_243 = tpu.memref_slice %arg15[%add3A_237, %dma_wait3A_242] : memref<32x1536xf32, #tpu.memory_space<vmem>> -> memref<8x1536xf32, #tpu.memory_space<vmem>>
      %dma_wait3A_244 = arith.constant 0 : i32
      %dma_wait3A_245 = tpu.memref_slice %arg2[%add3A_235, %dma_wait3A_244] : memref<8192x1536xf32, #tpu.memory_space<hbm>> -> memref<8x1536xf32, #tpu.memory_space<hbm>>
      tpu.wait_dma2 semaphore(%arg17 : memref<!tpu.dma_semaphore, #tpu.memory_space<semaphore_mem>>) src(%dma_wait3A_245 : memref<8x1536xf32, #tpu.memory_space<hbm>>) dst(%dma_wait3A_243 : memref<8x1536xf32, #tpu.memory_space<vmem>>)
      %lt3A_246 = arith.constant 15 : i32
      %lt3A_247 = arith.cmpi slt, %scan3A_190, %lt3A_246 : i32
      %convert_element_type3A = arith.extui %lt3A_247 : i1 to i32
      %cond3A = arith.constant 0 : i32
      %cond3A_248 = arith.cmpi ne, %convert_element_type3A, %cond3A : i32
      scf.if %cond3A_248 {
        %add3A_268 = arith.constant 1 : i32
        %add3A_269 = arith.addi %scan3A_190, %add3A_268 : i32
        %sub3A_270 = arith.constant 16 : i32
        %sub3A_271 = arith.subi %sub3A_270, %mul3A_208 : i32
        %mul3A_272 = arith.constant 512 : i32
        %mul3A_273 = arith.muli %select_n3A, %mul3A_272 : i32
        %mul3A_274 = arith.constant 4 : i32
        %mul3A_275 = arith.muli %mul3A_274, %add3A_269 : i32
        %add3A_276 = arith.constant 0 : i32
        %add3A_277 = arith.addi %mul3A_275, %add3A_276 : i32
        %add3A_278 = arith.addi %add3A_277, %select_n3A_30 : i32
        %mul3A_279 = arith.constant 8 : i32
        %mul3A_280 = arith.muli %mul3A_279, %add3A_278 : i32
        %add3A_281 = arith.addi %mul3A_273, %mul3A_280 : i32
        %dma_start3A_282 = arith.constant 0 : i32
        %dma_start3A_283 = tpu.memref_slice %arg15[%sub3A_271, %dma_start3A_282] : memref<32x1536xf32, #tpu.memory_space<vmem>> -> memref<8x1536xf32, #tpu.memory_space<vmem>>
        %dma_start3A_284 = arith.constant 0 : i32
        %dma_start3A_285 = tpu.memref_slice %arg2[%add3A_281, %dma_start3A_284] : memref<8192x1536xf32, #tpu.memory_space<hbm>> -> memref<8x1536xf32, #tpu.memory_space<hbm>>
        %dma_start3A_286 = arith.constant 0 : i32
        %dma_start3A_287 = tpu.memref_slice %arg15[%sub3A_271, %dma_start3A_286] : memref<32x1536xf32, #tpu.memory_space<vmem>> -> memref<8x1536xf32, #tpu.memory_space<vmem>>
        %dma_start3A_288 = arith.constant 0 : i32
        %dma_start3A_289 = tpu.memref_slice %arg2[%add3A_281, %dma_start3A_288] : memref<8192x1536xf32, #tpu.memory_space<hbm>> -> memref<8x1536xf32, #tpu.memory_space<hbm>>
        tpu.enqueue_dma source(%dma_start3A_289 : memref<8x1536xf32, #tpu.memory_space<hbm>>) target(%dma_start3A_287 : memref<8x1536xf32, #tpu.memory_space<vmem>>) target_semaphore(%arg17 : memref<!tpu.dma_semaphore, #tpu.memory_space<semaphore_mem>>)
        %mul3A_290 = arith.constant 512 : i32
        %mul3A_291 = arith.muli %select_n3A, %mul3A_290 : i32
        %mul3A_292 = arith.constant 4 : i32
        %mul3A_293 = arith.muli %mul3A_292, %add3A_269 : i32
        %add3A_294 = arith.constant 2 : i32
        %add3A_295 = arith.addi %mul3A_293, %add3A_294 : i32
        %add3A_296 = arith.addi %add3A_295, %select_n3A_30 : i32
        %mul3A_297 = arith.constant 8 : i32
        %mul3A_298 = arith.muli %mul3A_297, %add3A_296 : i32
        %add3A_299 = arith.addi %mul3A_291, %mul3A_298 : i32
        %add3A_300 = arith.constant 8 : i32
        %add3A_301 = arith.addi %sub3A_271, %add3A_300 : i32
        %dma_start3A_302 = arith.constant 0 : i32
        %dma_start3A_303 = tpu.memref_slice %arg15[%add3A_301, %dma_start3A_302] : memref<32x1536xf32, #tpu.memory_space<vmem>> -> memref<8x1536xf32, #tpu.memory_space<vmem>>
        %dma_start3A_304 = arith.constant 0 : i32
        %dma_start3A_305 = tpu.memref_slice %arg2[%add3A_299, %dma_start3A_304] : memref<8192x1536xf32, #tpu.memory_space<hbm>> -> memref<8x1536xf32, #tpu.memory_space<hbm>>
        %dma_start3A_306 = arith.constant 0 : i32
        %dma_start3A_307 = tpu.memref_slice %arg15[%add3A_301, %dma_start3A_306] : memref<32x1536xf32, #tpu.memory_space<vmem>> -> memref<8x1536xf32, #tpu.memory_space<vmem>>
        %dma_start3A_308 = arith.constant 0 : i32
        %dma_start3A_309 = tpu.memref_slice %arg2[%add3A_299, %dma_start3A_308] : memref<8192x1536xf32, #tpu.memory_space<hbm>> -> memref<8x1536xf32, #tpu.memory_space<hbm>>
        tpu.enqueue_dma source(%dma_start3A_309 : memref<8x1536xf32, #tpu.memory_space<hbm>>) target(%dma_start3A_307 : memref<8x1536xf32, #tpu.memory_space<vmem>>) target_semaphore(%arg17 : memref<!tpu.dma_semaphore, #tpu.memory_space<semaphore_mem>>)
      } else {
      }
      %mul3A_249 = arith.constant 16 : i32
      %mul3A_250 = arith.muli %scan3A_190, %mul3A_249 : i32
      %get3A = arith.index_cast %mul3A_250 : i32 to index
      %get3A_251 = tpu.vector_load %arg14[%get3A] {strides = array<i32>} : memref<288xi32, #tpu.memory_space<vmem>>, vector<16xi32>,
      %slice3A = vector.extract_strided_slice %get3A_251 {offsets = [0], sizes = [1], strides = [1]} : vector<16xi32> to vector<1xi32>
      %squeeze3A = vector.extract %slice3A[0] : i32 from vector<1xi32>
      %add3A_252 = arith.constant 1 : i32
      %add3A_253 = arith.addi %scan3A_190, %add3A_252 : i32
      %mul3A_254 = arith.constant 16 : i32
      %mul3A_255 = arith.muli %add3A_253, %mul3A_254 : i32
      %get3A_256 = arith.index_cast %mul3A_255 : i32 to index
      %get3A_257 = tpu.vector_load %arg14[%get3A_256] {strides = array<i32>} : memref<288xi32, #tpu.memory_space<vmem>>, vector<16xi32>,
      %slice3A_258 = vector.extract_strided_slice %get3A_257 {offsets = [0], sizes = [1], strides = [1]} : vector<16xi32> to vector<1xi32>
      %squeeze3A_259 = vector.extract %slice3A_258[0] : i32 from vector<1xi32>
      %while3A = arith.constant 0 : i32
      %while3A_260 = arith.subi %squeeze3A_259, %squeeze3A : i32
      %while3A_261 = arith.addi %squeeze3A, %while3A_260 : i32
      %while3A_262 = arith.constant 1 : i32
      %while3A_263 = arith.divsi %while3A_260, %while3A_262 : i32
      %while3A_264 = arith.muli %while3A_263, %while3A_262 : i32
      %while3A_265 = arith.addi %squeeze3A, %while3A_264 : i32
      %while3A_266 = arith.constant 1 : i32
      scf.for %while3A_268 = %squeeze3A to %while3A_265 step %while3A_266  : i32 {
        %shift_right_arithmetic3A = arith.constant 7 : i32
        %shift_right_arithmetic3A_269 = arith.shrsi %while3A_268, %shift_right_arithmetic3A : i32
        %broadcast_in_dim3A_270 = vector.broadcast %shift_right_arithmetic3A_269 : i32 to vector<16xi32>
        %and3A_271 = arith.constant 127 : i32
        %and3A_272 = arith.andi %while3A_268, %and3A_271 : i32
        %broadcast_in_dim3A_273 = vector.broadcast %and3A_272 : i32 to vector<16xi32>
        %gather3A = tpu.vector_load_idx %arg10[%broadcast_in_dim3A_270, %broadcast_in_dim3A_273] : memref<13x128xi32, #tpu.memory_space<vmem>>[vector<16xi32>, vector<16xi32>], vector<16xi32>,
        %gather3A_274 = tpu.vector_load_idx %arg11[%broadcast_in_dim3A_270, %broadcast_in_dim3A_273] : memref<13x128xf32, #tpu.memory_space<vmem>>[vector<16xi32>, vector<16xi32>], vector<16xf32>,
        %gather3A_275 = tpu.vector_load_idx %arg12[%broadcast_in_dim3A_270, %broadcast_in_dim3A_273] : memref<13x128xf32, #tpu.memory_space<vmem>>[vector<16xi32>, vector<16xi32>], vector<16xf32>,
        %and3A_276 = arith.constant 15 : i32
        %and3A_277 = vector.broadcast %and3A_276 : i32 to vector<16xi32>
        %and3A_278 = arith.andi %gather3A, %and3A_277 : vector<16xi32>
        %add3A_279 = vector.broadcast %mul3A_208 : i32 to vector<16xi32>
        %add3A_280 = arith.addi %and3A_278, %add3A_279 : vector<16xi32>
        %shift_right_arithmetic3A_281 = arith.constant 4 : i32
        %shift_right_arithmetic3A_282 = vector.broadcast %shift_right_arithmetic3A_281 : i32 to vector<16xi32>
        %shift_right_arithmetic3A_283 = arith.shrsi %gather3A, %shift_right_arithmetic3A_282 : vector<16xi32>
        %and3A_284 = arith.constant 1 : i32
        %and3A_285 = vector.broadcast %and3A_284 : i32 to vector<16xi32>
        %and3A_286 = arith.andi %shift_right_arithmetic3A_283, %and3A_285 : vector<16xi32>
        %add3A_287 = arith.addi %add3A_280, %and3A_286 : vector<16xi32>
        %shift_right_arithmetic3A_288 = arith.constant 5 : i32
        %shift_right_arithmetic3A_289 = vector.broadcast %shift_right_arithmetic3A_288 : i32 to vector<16xi32>
        %shift_right_arithmetic3A_290 = arith.shrsi %gather3A, %shift_right_arithmetic3A_289 : vector<16xi32>
        %and3A_291 = arith.constant 7 : i32
        %and3A_292 = vector.broadcast %and3A_291 : i32 to vector<16xi32>
        %and3A_293 = arith.andi %shift_right_arithmetic3A_290, %and3A_292 : vector<16xi32>
        %shift_right_arithmetic3A_294 = arith.constant 8 : i32
        %shift_right_arithmetic3A_295 = vector.broadcast %shift_right_arithmetic3A_294 : i32 to vector<16xi32>
        %shift_right_arithmetic3A_296 = arith.shrsi %gather3A, %shift_right_arithmetic3A_295 : vector<16xi32>
        %add3A_297 = arith.constant 0 : i32
        %add3A_298 = vector.broadcast %add3A_297 : i32 to vector<16xi32>
        %add3A_299 = arith.addi %iota3A, %add3A_298 : vector<16xi32>
        %gather3A_300 = tpu.vector_load_idx %arg8[%and3A_293, %add3A_299] : memref<8x608xi32, #tpu.memory_space<vmem>>[vector<16xi32>, vector<16xi32>], vector<16xi32>,
        %add3A_301 = arith.constant 304 : i32
        %add3A_302 = vector.broadcast %add3A_301 : i32 to vector<16xi32>
        %add3A_303 = arith.addi %add3A_299, %add3A_302 : vector<16xi32>
        %gather3A_304 = tpu.vector_load_idx %arg8[%and3A_293, %add3A_303] : memref<8x608xi32, #tpu.memory_space<vmem>>[vector<16xi32>, vector<16xi32>], vector<16xi32>,
        %gather3A_305 = tpu.vector_load_idx %arg9[%and3A_293, %add3A_299] : memref<8x304xf32, #tpu.memory_space<vmem>>[vector<16xi32>, vector<16xi32>], vector<16xf32>,
        %convert_element_type3A_306 = arith.sitofp %gather3A_300 : vector<16xi32> to vector<16xf32>
        %convert_element_type3A_307 = arith.sitofp %gather3A_304 : vector<16xi32> to vector<16xf32>
        %add3A_308 = arith.constant 1.000000e+00 : f32
        %add3A_309 = vector.broadcast %add3A_308 : f32 to vector<16xf32>
        %add3A_310 = arith.addf %convert_element_type3A_306, %add3A_309 : vector<16xf32>
        %add3A_311 = arith.constant 1.000000e+00 : f32
        %add3A_312 = vector.broadcast %add3A_311 : f32 to vector<16xf32>
        %add3A_313 = arith.addf %convert_element_type3A_307, %add3A_312 : vector<16xf32>
        %sub3A_314 = arith.subf %convert_element_type3A_307, %convert_element_type3A_306 : vector<16xf32>
        %mul3A_315 = arith.mulf %gather3A_305, %sub3A_314 : vector<16xf32>
        %add3A_316 = arith.addf %convert_element_type3A_306, %mul3A_315 : vector<16xf32>
        %sub3A_317 = arith.subf %add3A_313, %add3A_310 : vector<16xf32>
        %mul3A_318 = arith.mulf %gather3A_305, %sub3A_317 : vector<16xf32>
        %add3A_319 = arith.addf %add3A_310, %mul3A_318 : vector<16xf32>
        %mul3A_320 = arith.mulf %gather3A_274, %add3A_316 : vector<16xf32>
        %mul3A_321 = arith.mulf %gather3A_275, %add3A_319 : vector<16xf32>
        %add3A_322 = arith.addf %mul3A_320, %mul3A_321 : vector<16xf32>
        %swap3A = arith.constant 0 : i32
        %swap3A_323 = arith.index_cast %swap3A : i32 to index
        %swap3A_324 = arith.constant 0 : index
        %swap3A_325 = tpu.vector_load %arg16[%swap3A_323, %swap3A_324] {strides = array<i32>} : memref<100x304xf32, #tpu.memory_space<vmem>>, vector<16xf32>,
        tpu.vector_store %arg16[%swap3A_323, %swap3A_324], %add3A_322 {add = true, strides = array<i32>} : memref<100x304xf32, #tpu.memory_space<vmem>>, vector<16xf32>,
        %add3A_326 = arith.constant 16 : i32
        %add3A_327 = vector.broadcast %add3A_326 : i32 to vector<16xi32>
        %add3A_328 = arith.addi %iota3A, %add3A_327 : vector<16xi32>
        %gather3A_329 = tpu.vector_load_idx %arg8[%and3A_293, %add3A_328] : memref<8x608xi32, #tpu.memory_space<vmem>>[vector<16xi32>, vector<16xi32>], vector<16xi32>,
        %add3A_330 = arith.constant 304 : i32
        %add3A_331 = vector.broadcast %add3A_330 : i32 to vector<16xi32>
        %add3A_332 = arith.addi %add3A_328, %add3A_331 : vector<16xi32>
        %gather3A_333 = tpu.vector_load_idx %arg8[%and3A_293, %add3A_332] : memref<8x608xi32, #tpu.memory_space<vmem>>[vector<16xi32>, vector<16xi32>], vector<16xi32>,
        %gather3A_334 = tpu.vector_load_idx %arg9[%and3A_293, %add3A_328] : memref<8x304xf32, #tpu.memory_space<vmem>>[vector<16xi32>, vector<16xi32>], vector<16xf32>,
        %convert_element_type3A_335 = arith.sitofp %gather3A_329 : vector<16xi32> to vector<16xf32>
        %convert_element_type3A_336 = arith.sitofp %gather3A_333 : vector<16xi32> to vector<16xf32>
        %add3A_337 = arith.constant 1.000000e+00 : f32
        %add3A_338 = vector.broadcast %add3A_337 : f32 to vector<16xf32>
        %add3A_339 = arith.addf %convert_element_type3A_335, %add3A_338 : vector<16xf32>
        %add3A_340 = arith.constant 1.000000e+00 : f32
        %add3A_341 = vector.broadcast %add3A_340 : f32 to vector<16xf32>
        %add3A_342 = arith.addf %convert_element_type3A_336, %add3A_341 : vector<16xf32>
        %sub3A_343 = arith.subf %convert_element_type3A_336, %convert_element_type3A_335 : vector<16xf32>
        %mul3A_344 = arith.mulf %gather3A_334, %sub3A_343 : vector<16xf32>
        %add3A_345 = arith.addf %convert_element_type3A_335, %mul3A_344 : vector<16xf32>
        %sub3A_346 = arith.subf %add3A_342, %add3A_339 : vector<16xf32>
        %mul3A_347 = arith.mulf %gather3A_334, %sub3A_346 : vector<16xf32>
        %add3A_348 = arith.addf %add3A_339, %mul3A_347 : vector<16xf32>
        %mul3A_349 = arith.mulf %gather3A_274, %add3A_345 : vector<16xf32>
        %mul3A_350 = arith.mulf %gather3A_275, %add3A_348 : vector<16xf32>
        %add3A_351 = arith.addf %mul3A_349, %mul3A_350 : vector<16xf32>
        %swap3A_352 = arith.constant 0 : i32
        %swap3A_353 = arith.index_cast %swap3A_352 : i32 to index
        %swap3A_354 = arith.constant 16 : index
        %swap3A_355 = tpu.vector_load %arg16[%swap3A_353, %swap3A_354] {strides = array<i32>} : memref<100x304xf32, #tpu.memory_space<vmem>>, vector<16xf32>,
        tpu.vector_store %arg16[%swap3A_353, %swap3A_354], %add3A_351 {add = true, strides = array<i32>} : memref<100x304xf32, #tpu.memory_space<vmem>>, vector<16xf32>,
        %add3A_356 = arith.constant 32 : i32
        %add3A_357 = vector.broadcast %add3A_356 : i32 to vector<16xi32>
        %add3A_358 = arith.addi %iota3A, %add3A_357 : vector<16xi32>
        %gather3A_359 = tpu.vector_load_idx %arg8[%and3A_293, %add3A_358] : memref<8x608xi32, #tpu.memory_space<vmem>>[vector<16xi32>, vector<16xi32>], vector<16xi32>,
        %add3A_360 = arith.constant 304 : i32
        %add3A_361 = vector.broadcast %add3A_360 : i32 to vector<16xi32>
        %add3A_362 = arith.addi %add3A_358, %add3A_361 : vector<16xi32>
        %gather3A_363 = tpu.vector_load_idx %arg8[%and3A_293, %add3A_362] : memref<8x608xi32, #tpu.memory_space<vmem>>[vector<16xi32>, vector<16xi32>], vector<16xi32>,
        %gather3A_364 = tpu.vector_load_idx %arg9[%and3A_293, %add3A_358] : memref<8x304xf32, #tpu.memory_space<vmem>>[vector<16xi32>, vector<16xi32>], vector<16xf32>,
        %convert_element_type3A_365 = arith.sitofp %gather3A_359 : vector<16xi32> to vector<16xf32>
        %convert_element_type3A_366 = arith.sitofp %gather3A_363 : vector<16xi32> to vector<16xf32>
        %add3A_367 = arith.constant 1.000000e+00 : f32
        %add3A_368 = vector.broadcast %add3A_367 : f32 to vector<16xf32>
        %add3A_369 = arith.addf %convert_element_type3A_365, %add3A_368 : vector<16xf32>
        %add3A_370 = arith.constant 1.000000e+00 : f32
        %add3A_371 = vector.broadcast %add3A_370 : f32 to vector<16xf32>
        %add3A_372 = arith.addf %convert_element_type3A_366, %add3A_371 : vector<16xf32>
        %sub3A_373 = arith.subf %convert_element_type3A_366, %convert_element_type3A_365 : vector<16xf32>
        %mul3A_374 = arith.mulf %gather3A_364, %sub3A_373 : vector<16xf32>
        %add3A_375 = arith.addf %convert_element_type3A_365, %mul3A_374 : vector<16xf32>
        %sub3A_376 = arith.subf %add3A_372, %add3A_369 : vector<16xf32>
        %mul3A_377 = arith.mulf %gather3A_364, %sub3A_376 : vector<16xf32>
        %add3A_378 = arith.addf %add3A_369, %mul3A_377 : vector<16xf32>
        %mul3A_379 = arith.mulf %gather3A_274, %add3A_375 : vector<16xf32>
        %mul3A_380 = arith.mulf %gather3A_275, %add3A_378 : vector<16xf32>
        %add3A_381 = arith.addf %mul3A_379, %mul3A_380 : vector<16xf32>
        %swap3A_382 = arith.constant 0 : i32
        %swap3A_383 = arith.index_cast %swap3A_382 : i32 to index
        %swap3A_384 = arith.constant 32 : index
        %swap3A_385 = tpu.vector_load %arg16[%swap3A_383, %swap3A_384] {strides = array<i32>} : memref<100x304xf32, #tpu.memory_space<vmem>>, vector<16xf32>,
        tpu.vector_store %arg16[%swap3A_383, %swap3A_384], %add3A_381 {add = true, strides = array<i32>} : memref<100x304xf32, #tpu.memory_space<vmem>>, vector<16xf32>,
        %add3A_386 = arith.constant 48 : i32
        %add3A_387 = vector.broadcast %add3A_386 : i32 to vector<16xi32>
        %add3A_388 = arith.addi %iota3A, %add3A_387 : vector<16xi32>
        %gather3A_389 = tpu.vector_load_idx %arg8[%and3A_293, %add3A_388] : memref<8x608xi32, #tpu.memory_space<vmem>>[vector<16xi32>, vector<16xi32>], vector<16xi32>,
        %add3A_390 = arith.constant 304 : i32
        %add3A_391 = vector.broadcast %add3A_390 : i32 to vector<16xi32>
        %add3A_392 = arith.addi %add3A_388, %add3A_391 : vector<16xi32>
        %gather3A_393 = tpu.vector_load_idx %arg8[%and3A_293, %add3A_392] : memref<8x608xi32, #tpu.memory_space<vmem>>[vector<16xi32>, vector<16xi32>], vector<16xi32>,
        %gather3A_394 = tpu.vector_load_idx %arg9[%and3A_293, %add3A_388] : memref<8x304xf32, #tpu.memory_space<vmem>>[vector<16xi32>, vector<16xi32>], vector<16xf32>,
        %convert_element_type3A_395 = arith.sitofp %gather3A_389 : vector<16xi32> to vector<16xf32>
        %convert_element_type3A_396 = arith.sitofp %gather3A_393 : vector<16xi32> to vector<16xf32>
        %add3A_397 = arith.constant 1.000000e+00 : f32
        %add3A_398 = vector.broadcast %add3A_397 : f32 to vector<16xf32>
        %add3A_399 = arith.addf %convert_element_type3A_395, %add3A_398 : vector<16xf32>
        %add3A_400 = arith.constant 1.000000e+00 : f32
        %add3A_401 = vector.broadcast %add3A_400 : f32 to vector<16xf32>
        %add3A_402 = arith.addf %convert_element_type3A_396, %add3A_401 : vector<16xf32>
        %sub3A_403 = arith.subf %convert_element_type3A_396, %convert_element_type3A_395 : vector<16xf32>
        %mul3A_404 = arith.mulf %gather3A_394, %sub3A_403 : vector<16xf32>
        %add3A_405 = arith.addf %convert_element_type3A_395, %mul3A_404 : vector<16xf32>
        %sub3A_406 = arith.subf %add3A_402, %add3A_399 : vector<16xf32>
        %mul3A_407 = arith.mulf %gather3A_394, %sub3A_406 : vector<16xf32>
        %add3A_408 = arith.addf %add3A_399, %mul3A_407 : vector<16xf32>
        %mul3A_409 = arith.mulf %gather3A_274, %add3A_405 : vector<16xf32>
        %mul3A_410 = arith.mulf %gather3A_275, %add3A_408 : vector<16xf32>
        %add3A_411 = arith.addf %mul3A_409, %mul3A_410 : vector<16xf32>
        %swap3A_412 = arith.constant 0 : i32
        %swap3A_413 = arith.index_cast %swap3A_412 : i32 to index
        %swap3A_414 = arith.constant 48 : index
        %swap3A_415 = tpu.vector_load %arg16[%swap3A_413, %swap3A_414] {strides = array<i32>} : memref<100x304xf32, #tpu.memory_space<vmem>>, vector<16xf32>,
        tpu.vector_store %arg16[%swap3A_413, %swap3A_414], %add3A_411 {add = true, strides = array<i32>} : memref<100x304xf32, #tpu.memory_space<vmem>>, vector<16xf32>,
        %add3A_416 = arith.constant 64 : i32
        %add3A_417 = vector.broadcast %add3A_416 : i32 to vector<16xi32>
        %add3A_418 = arith.addi %iota3A, %add3A_417 : vector<16xi32>
        %gather3A_419 = tpu.vector_load_idx %arg8[%and3A_293, %add3A_418] : memref<8x608xi32, #tpu.memory_space<vmem>>[vector<16xi32>, vector<16xi32>], vector<16xi32>,
        %add3A_420 = arith.constant 304 : i32
        %add3A_421 = vector.broadcast %add3A_420 : i32 to vector<16xi32>
        %add3A_422 = arith.addi %add3A_418, %add3A_421 : vector<16xi32>
        %gather3A_423 = tpu.vector_load_idx %arg8[%and3A_293, %add3A_422] : memref<8x608xi32, #tpu.memory_space<vmem>>[vector<16xi32>, vector<16xi32>], vector<16xi32>,
        %gather3A_424 = tpu.vector_load_idx %arg9[%and3A_293, %add3A_418] : memref<8x304xf32, #tpu.memory_space<vmem>>[vector<16xi32>, vector<16xi32>], vector<16xf32>,
        %convert_element_type3A_425 = arith.sitofp %gather3A_419 : vector<16xi32> to vector<16xf32>
        %convert_element_type3A_426 = arith.sitofp %gather3A_423 : vector<16xi32> to vector<16xf32>
        %add3A_427 = arith.constant 1.000000e+00 : f32
        %add3A_428 = vector.broadcast %add3A_427 : f32 to vector<16xf32>
        %add3A_429 = arith.addf %convert_element_type3A_425, %add3A_428 : vector<16xf32>
        %add3A_430 = arith.constant 1.000000e+00 : f32
        %add3A_431 = vector.broadcast %add3A_430 : f32 to vector<16xf32>
        %add3A_432 = arith.addf %convert_element_type3A_426, %add3A_431 : vector<16xf32>
        %sub3A_433 = arith.subf %convert_element_type3A_426, %convert_element_type3A_425 : vector<16xf32>
        %mul3A_434 = arith.mulf %gather3A_424, %sub3A_433 : vector<16xf32>
        %add3A_435 = arith.addf %convert_element_type3A_425, %mul3A_434 : vector<16xf32>
        %sub3A_436 = arith.subf %add3A_432, %add3A_429 : vector<16xf32>
        %mul3A_437 = arith.mulf %gather3A_424, %sub3A_436 : vector<16xf32>
        %add3A_438 = arith.addf %add3A_429, %mul3A_437 : vector<16xf32>
        %mul3A_439 = arith.mulf %gather3A_274, %add3A_435 : vector<16xf32>
        %mul3A_440 = arith.mulf %gather3A_275, %add3A_438 : vector<16xf32>
        %add3A_441 = arith.addf %mul3A_439, %mul3A_440 : vector<16xf32>
        %swap3A_442 = arith.constant 0 : i32
        %swap3A_443 = arith.index_cast %swap3A_442 : i32 to index
        %swap3A_444 = arith.constant 64 : index
        %swap3A_445 = tpu.vector_load %arg16[%swap3A_443, %swap3A_444] {strides = array<i32>} : memref<100x304xf32, #tpu.memory_space<vmem>>, vector<16xf32>,
        tpu.vector_store %arg16[%swap3A_443, %swap3A_444], %add3A_441 {add = true, strides = array<i32>} : memref<100x304xf32, #tpu.memory_space<vmem>>, vector<16xf32>,
        %add3A_446 = arith.constant 80 : i32
        %add3A_447 = vector.broadcast %add3A_446 : i32 to vector<16xi32>
        %add3A_448 = arith.addi %iota3A, %add3A_447 : vector<16xi32>
        %gather3A_449 = tpu.vector_load_idx %arg8[%and3A_293, %add3A_448] : memref<8x608xi32, #tpu.memory_space<vmem>>[vector<16xi32>, vector<16xi32>], vector<16xi32>,
        %add3A_450 = arith.constant 304 : i32
        %add3A_451 = vector.broadcast %add3A_450 : i32 to vector<16xi32>
        %add3A_452 = arith.addi %add3A_448, %add3A_451 : vector<16xi32>
        %gather3A_453 = tpu.vector_load_idx %arg8[%and3A_293, %add3A_452] : memref<8x608xi32, #tpu.memory_space<vmem>>[vector<16xi32>, vector<16xi32>], vector<16xi32>,
        %gather3A_454 = tpu.vector_load_idx %arg9[%and3A_293, %add3A_448] : memref<8x304xf32, #tpu.memory_space<vmem>>[vector<16xi32>, vector<16xi32>], vector<16xf32>,
        %convert_element_type3A_455 = arith.sitofp %gather3A_449 : vector<16xi32> to vector<16xf32>
        %convert_element_type3A_456 = arith.sitofp %gather3A_453 : vector<16xi32> to vector<16xf32>
        %add3A_457 = arith.constant 1.000000e+00 : f32
        %add3A_458 = vector.broadcast %add3A_457 : f32 to vector<16xf32>
        %add3A_459 = arith.addf %convert_element_type3A_455, %add3A_458 : vector<16xf32>
        %add3A_460 = arith.constant 1.000000e+00 : f32
        %add3A_461 = vector.broadcast %add3A_460 : f32 to vector<16xf32>
        %add3A_462 = arith.addf %convert_element_type3A_456, %add3A_461 : vector<16xf32>
        %sub3A_463 = arith.subf %convert_element_type3A_456, %convert_element_type3A_455 : vector<16xf32>
        %mul3A_464 = arith.mulf %gather3A_454, %sub3A_463 : vector<16xf32>
        %add3A_465 = arith.addf %convert_element_type3A_455, %mul3A_464 : vector<16xf32>
        %sub3A_466 = arith.subf %add3A_462, %add3A_459 : vector<16xf32>
        %mul3A_467 = arith.mulf %gather3A_454, %sub3A_466 : vector<16xf32>
        %add3A_468 = arith.addf %add3A_459, %mul3A_467 : vector<16xf32>
        %mul3A_469 = arith.mulf %gather3A_274, %add3A_465 : vector<16xf32>
        %mul3A_470 = arith.mulf %gather3A_275, %add3A_468 : vector<16xf32>
        %add3A_471 = arith.addf %mul3A_469, %mul3A_470 : vector<16xf32>
        %swap3A_472 = arith.constant 0 : i32
        %swap3A_473 = arith.index_cast %swap3A_472 : i32 to index
        %swap3A_474 = arith.constant 80 : index
        %swap3A_475 = tpu.vector_load %arg16[%swap3A_473, %swap3A_474] {strides = array<i32>} : memref<100x304xf32, #tpu.memory_space<vmem>>, vector<16xf32>,
        tpu.vector_store %arg16[%swap3A_473, %swap3A_474], %add3A_471 {add = true, strides = array<i32>} : memref<100x304xf32, #tpu.memory_space<vmem>>, vector<16xf32>,
        %add3A_476 = arith.constant 96 : i32
        %add3A_477 = vector.broadcast %add3A_476 : i32 to vector<16xi32>
        %add3A_478 = arith.addi %iota3A, %add3A_477 : vector<16xi32>
        %gather3A_479 = tpu.vector_load_idx %arg8[%and3A_293, %add3A_478] : memref<8x608xi32, #tpu.memory_space<vmem>>[vector<16xi32>, vector<16xi32>], vector<16xi32>,
        %add3A_480 = arith.constant 304 : i32
        %add3A_481 = vector.broadcast %add3A_480 : i32 to vector<16xi32>
        %add3A_482 = arith.addi %add3A_478, %add3A_481 : vector<16xi32>
        %gather3A_483 = tpu.vector_load_idx %arg8[%and3A_293, %add3A_482] : memref<8x608xi32, #tpu.memory_space<vmem>>[vector<16xi32>, vector<16xi32>], vector<16xi32>,
        %gather3A_484 = tpu.vector_load_idx %arg9[%and3A_293, %add3A_478] : memref<8x304xf32, #tpu.memory_space<vmem>>[vector<16xi32>, vector<16xi32>], vector<16xf32>,
        %convert_element_type3A_485 = arith.sitofp %gather3A_479 : vector<16xi32> to vector<16xf32>
        %convert_element_type3A_486 = arith.sitofp %gather3A_483 : vector<16xi32> to vector<16xf32>
        %add3A_487 = arith.constant 1.000000e+00 : f32
        %add3A_488 = vector.broadcast %add3A_487 : f32 to vector<16xf32>
        %add3A_489 = arith.addf %convert_element_type3A_485, %add3A_488 : vector<16xf32>
        %add3A_490 = arith.constant 1.000000e+00 : f32
        %add3A_491 = vector.broadcast %add3A_490 : f32 to vector<16xf32>
        %add3A_492 = arith.addf %convert_element_type3A_486, %add3A_491 : vector<16xf32>
        %sub3A_493 = arith.subf %convert_element_type3A_486, %convert_element_type3A_485 : vector<16xf32>
        %mul3A_494 = arith.mulf %gather3A_484, %sub3A_493 : vector<16xf32>
        %add3A_495 = arith.addf %convert_element_type3A_485, %mul3A_494 : vector<16xf32>
        %sub3A_496 = arith.subf %add3A_492, %add3A_489 : vector<16xf32>
        %mul3A_497 = arith.mulf %gather3A_484, %sub3A_496 : vector<16xf32>
        %add3A_498 = arith.addf %add3A_489, %mul3A_497 : vector<16xf32>
        %mul3A_499 = arith.mulf %gather3A_274, %add3A_495 : vector<16xf32>
        %mul3A_500 = arith.mulf %gather3A_275, %add3A_498 : vector<16xf32>
        %add3A_501 = arith.addf %mul3A_499, %mul3A_500 : vector<16xf32>
        %swap3A_502 = arith.constant 0 : i32
        %swap3A_503 = arith.index_cast %swap3A_502 : i32 to index
        %swap3A_504 = arith.constant 96 : index
        %swap3A_505 = tpu.vector_load %arg16[%swap3A_503, %swap3A_504] {strides = array<i32>} : memref<100x304xf32, #tpu.memory_space<vmem>>, vector<16xf32>,
        tpu.vector_store %arg16[%swap3A_503, %swap3A_504], %add3A_501 {add = true, strides = array<i32>} : memref<100x304xf32, #tpu.memory_space<vmem>>, vector<16xf32>,
        %add3A_506 = arith.constant 112 : i32
        %add3A_507 = vector.broadcast %add3A_506 : i32 to vector<16xi32>
        %add3A_508 = arith.addi %iota3A, %add3A_507 : vector<16xi32>
        %gather3A_509 = tpu.vector_load_idx %arg8[%and3A_293, %add3A_508] : memref<8x608xi32, #tpu.memory_space<vmem>>[vector<16xi32>, vector<16xi32>], vector<16xi32>,
        %add3A_510 = arith.constant 304 : i32
        %add3A_511 = vector.broadcast %add3A_510 : i32 to vector<16xi32>
        %add3A_512 = arith.addi %add3A_508, %add3A_511 : vector<16xi32>
        %gather3A_513 = tpu.vector_load_idx %arg8[%and3A_293, %add3A_512] : memref<8x608xi32, #tpu.memory_space<vmem>>[vector<16xi32>, vector<16xi32>], vector<16xi32>,
        %gather3A_514 = tpu.vector_load_idx %arg9[%and3A_293, %add3A_508] : memref<8x304xf32, #tpu.memory_space<vmem>>[vector<16xi32>, vector<16xi32>], vector<16xf32>,
        %convert_element_type3A_515 = arith.sitofp %gather3A_509 : vector<16xi32> to vector<16xf32>
        %convert_element_type3A_516 = arith.sitofp %gather3A_513 : vector<16xi32> to vector<16xf32>
        %add3A_517 = arith.constant 1.000000e+00 : f32
        %add3A_518 = vector.broadcast %add3A_517 : f32 to vector<16xf32>
        %add3A_519 = arith.addf %convert_element_type3A_515, %add3A_518 : vector<16xf32>
        %add3A_520 = arith.constant 1.000000e+00 : f32
        %add3A_521 = vector.broadcast %add3A_520 : f32 to vector<16xf32>
        %add3A_522 = arith.addf %convert_element_type3A_516, %add3A_521 : vector<16xf32>
        %sub3A_523 = arith.subf %convert_element_type3A_516, %convert_element_type3A_515 : vector<16xf32>
        %mul3A_524 = arith.mulf %gather3A_514, %sub3A_523 : vector<16xf32>
        %add3A_525 = arith.addf %convert_element_type3A_515, %mul3A_524 : vector<16xf32>
        %sub3A_526 = arith.subf %add3A_522, %add3A_519 : vector<16xf32>
        %mul3A_527 = arith.mulf %gather3A_514, %sub3A_526 : vector<16xf32>
        %add3A_528 = arith.addf %add3A_519, %mul3A_527 : vector<16xf32>
        %mul3A_529 = arith.mulf %gather3A_274, %add3A_525 : vector<16xf32>
        %mul3A_530 = arith.mulf %gather3A_275, %add3A_528 : vector<16xf32>
        %add3A_531 = arith.addf %mul3A_529, %mul3A_530 : vector<16xf32>
        %swap3A_532 = arith.constant 0 : i32
        %swap3A_533 = arith.index_cast %swap3A_532 : i32 to index
        %swap3A_534 = arith.constant 112 : index
        %swap3A_535 = tpu.vector_load %arg16[%swap3A_533, %swap3A_534] {strides = array<i32>} : memref<100x304xf32, #tpu.memory_space<vmem>>, vector<16xf32>,
        tpu.vector_store %arg16[%swap3A_533, %swap3A_534], %add3A_531 {add = true, strides = array<i32>} : memref<100x304xf32, #tpu.memory_space<vmem>>, vector<16xf32>,
        %add3A_536 = arith.constant 128 : i32
        %add3A_537 = vector.broadcast %add3A_536 : i32 to vector<16xi32>
        %add3A_538 = arith.addi %iota3A, %add3A_537 : vector<16xi32>
        %gather3A_539 = tpu.vector_load_idx %arg8[%and3A_293, %add3A_538] : memref<8x608xi32, #tpu.memory_space<vmem>>[vector<16xi32>, vector<16xi32>], vector<16xi32>,
        %add3A_540 = arith.constant 304 : i32
        %add3A_541 = vector.broadcast %add3A_540 : i32 to vector<16xi32>
        %add3A_542 = arith.addi %add3A_538, %add3A_541 : vector<16xi32>
        %gather3A_543 = tpu.vector_load_idx %arg8[%and3A_293, %add3A_542] : memref<8x608xi32, #tpu.memory_space<vmem>>[vector<16xi32>, vector<16xi32>], vector<16xi32>,
        %gather3A_544 = tpu.vector_load_idx %arg9[%and3A_293, %add3A_538] : memref<8x304xf32, #tpu.memory_space<vmem>>[vector<16xi32>, vector<16xi32>], vector<16xf32>,
        %convert_element_type3A_545 = arith.sitofp %gather3A_539 : vector<16xi32> to vector<16xf32>
        %convert_element_type3A_546 = arith.sitofp %gather3A_543 : vector<16xi32> to vector<16xf32>
        %add3A_547 = arith.constant 1.000000e+00 : f32
        %add3A_548 = vector.broadcast %add3A_547 : f32 to vector<16xf32>
        %add3A_549 = arith.addf %convert_element_type3A_545, %add3A_548 : vector<16xf32>
        %add3A_550 = arith.constant 1.000000e+00 : f32
        %add3A_551 = vector.broadcast %add3A_550 : f32 to vector<16xf32>
        %add3A_552 = arith.addf %convert_element_type3A_546, %add3A_551 : vector<16xf32>
        %sub3A_553 = arith.subf %convert_element_type3A_546, %convert_element_type3A_545 : vector<16xf32>
        %mul3A_554 = arith.mulf %gather3A_544, %sub3A_553 : vector<16xf32>
        %add3A_555 = arith.addf %convert_element_type3A_545, %mul3A_554 : vector<16xf32>
        %sub3A_556 = arith.subf %add3A_552, %add3A_549 : vector<16xf32>
        %mul3A_557 = arith.mulf %gather3A_544, %sub3A_556 : vector<16xf32>
        %add3A_558 = arith.addf %add3A_549, %mul3A_557 : vector<16xf32>
        %mul3A_559 = arith.mulf %gather3A_274, %add3A_555 : vector<16xf32>
        %mul3A_560 = arith.mulf %gather3A_275, %add3A_558 : vector<16xf32>
        %add3A_561 = arith.addf %mul3A_559, %mul3A_560 : vector<16xf32>
        %swap3A_562 = arith.constant 0 : i32
        %swap3A_563 = arith.index_cast %swap3A_562 : i32 to index
        %swap3A_564 = arith.constant 128 : index
        %swap3A_565 = tpu.vector_load %arg16[%swap3A_563, %swap3A_564] {strides = array<i32>} : memref<100x304xf32, #tpu.memory_space<vmem>>, vector<16xf32>,
        tpu.vector_store %arg16[%swap3A_563, %swap3A_564], %add3A_561 {add = true, strides = array<i32>} : memref<100x304xf32, #tpu.memory_space<vmem>>, vector<16xf32>,
        %add3A_566 = arith.constant 144 : i32
        %add3A_567 = vector.broadcast %add3A_566 : i32 to vector<16xi32>
        %add3A_568 = arith.addi %iota3A, %add3A_567 : vector<16xi32>
        %gather3A_569 = tpu.vector_load_idx %arg8[%and3A_293, %add3A_568] : memref<8x608xi32, #tpu.memory_space<vmem>>[vector<16xi32>, vector<16xi32>], vector<16xi32>,
        %add3A_570 = arith.constant 304 : i32
        %add3A_571 = vector.broadcast %add3A_570 : i32 to vector<16xi32>
        %add3A_572 = arith.addi %add3A_568, %add3A_571 : vector<16xi32>
        %gather3A_573 = tpu.vector_load_idx %arg8[%and3A_293, %add3A_572] : memref<8x608xi32, #tpu.memory_space<vmem>>[vector<16xi32>, vector<16xi32>], vector<16xi32>,
        %gather3A_574 = tpu.vector_load_idx %arg9[%and3A_293, %add3A_568] : memref<8x304xf32, #tpu.memory_space<vmem>>[vector<16xi32>, vector<16xi32>], vector<16xf32>,
        %convert_element_type3A_575 = arith.sitofp %gather3A_569 : vector<16xi32> to vector<16xf32>
        %convert_element_type3A_576 = arith.sitofp %gather3A_573 : vector<16xi32> to vector<16xf32>
        %add3A_577 = arith.constant 1.000000e+00 : f32
        %add3A_578 = vector.broadcast %add3A_577 : f32 to vector<16xf32>
        %add3A_579 = arith.addf %convert_element_type3A_575, %add3A_578 : vector<16xf32>
        %add3A_580 = arith.constant 1.000000e+00 : f32
        %add3A_581 = vector.broadcast %add3A_580 : f32 to vector<16xf32>
        %add3A_582 = arith.addf %convert_element_type3A_576, %add3A_581 : vector<16xf32>
        %sub3A_583 = arith.subf %convert_element_type3A_576, %convert_element_type3A_575 : vector<16xf32>
        %mul3A_584 = arith.mulf %gather3A_574, %sub3A_583 : vector<16xf32>
        %add3A_585 = arith.addf %convert_element_type3A_575, %mul3A_584 : vector<16xf32>
        %sub3A_586 = arith.subf %add3A_582, %add3A_579 : vector<16xf32>
        %mul3A_587 = arith.mulf %gather3A_574, %sub3A_586 : vector<16xf32>
        %add3A_588 = arith.addf %add3A_579, %mul3A_587 : vector<16xf32>
        %mul3A_589 = arith.mulf %gather3A_274, %add3A_585 : vector<16xf32>
        %mul3A_590 = arith.mulf %gather3A_275, %add3A_588 : vector<16xf32>
        %add3A_591 = arith.addf %mul3A_589, %mul3A_590 : vector<16xf32>
        %swap3A_592 = arith.constant 0 : i32
        %swap3A_593 = arith.index_cast %swap3A_592 : i32 to index
        %swap3A_594 = arith.constant 144 : index
        %swap3A_595 = tpu.vector_load %arg16[%swap3A_593, %swap3A_594] {strides = array<i32>} : memref<100x304xf32, #tpu.memory_space<vmem>>, vector<16xf32>,
        tpu.vector_store %arg16[%swap3A_593, %swap3A_594], %add3A_591 {add = true, strides = array<i32>} : memref<100x304xf32, #tpu.memory_space<vmem>>, vector<16xf32>,
        %add3A_596 = arith.constant 160 : i32
        %add3A_597 = vector.broadcast %add3A_596 : i32 to vector<16xi32>
        %add3A_598 = arith.addi %iota3A, %add3A_597 : vector<16xi32>
        %gather3A_599 = tpu.vector_load_idx %arg8[%and3A_293, %add3A_598] : memref<8x608xi32, #tpu.memory_space<vmem>>[vector<16xi32>, vector<16xi32>], vector<16xi32>,
        %add3A_600 = arith.constant 304 : i32
        %add3A_601 = vector.broadcast %add3A_600 : i32 to vector<16xi32>
        %add3A_602 = arith.addi %add3A_598, %add3A_601 : vector<16xi32>
        %gather3A_603 = tpu.vector_load_idx %arg8[%and3A_293, %add3A_602] : memref<8x608xi32, #tpu.memory_space<vmem>>[vector<16xi32>, vector<16xi32>], vector<16xi32>,
        %gather3A_604 = tpu.vector_load_idx %arg9[%and3A_293, %add3A_598] : memref<8x304xf32, #tpu.memory_space<vmem>>[vector<16xi32>, vector<16xi32>], vector<16xf32>,
        %convert_element_type3A_605 = arith.sitofp %gather3A_599 : vector<16xi32> to vector<16xf32>
        %convert_element_type3A_606 = arith.sitofp %gather3A_603 : vector<16xi32> to vector<16xf32>
        %add3A_607 = arith.constant 1.000000e+00 : f32
        %add3A_608 = vector.broadcast %add3A_607 : f32 to vector<16xf32>
        %add3A_609 = arith.addf %convert_element_type3A_605, %add3A_608 : vector<16xf32>
        %add3A_610 = arith.constant 1.000000e+00 : f32
        %add3A_611 = vector.broadcast %add3A_610 : f32 to vector<16xf32>
        %add3A_612 = arith.addf %convert_element_type3A_606, %add3A_611 : vector<16xf32>
        %sub3A_613 = arith.subf %convert_element_type3A_606, %convert_element_type3A_605 : vector<16xf32>
        %mul3A_614 = arith.mulf %gather3A_604, %sub3A_613 : vector<16xf32>
        %add3A_615 = arith.addf %convert_element_type3A_605, %mul3A_614 : vector<16xf32>
        %sub3A_616 = arith.subf %add3A_612, %add3A_609 : vector<16xf32>
        %mul3A_617 = arith.mulf %gather3A_604, %sub3A_616 : vector<16xf32>
        %add3A_618 = arith.addf %add3A_609, %mul3A_617 : vector<16xf32>
        %mul3A_619 = arith.mulf %gather3A_274, %add3A_615 : vector<16xf32>
        %mul3A_620 = arith.mulf %gather3A_275, %add3A_618 : vector<16xf32>
        %add3A_621 = arith.addf %mul3A_619, %mul3A_620 : vector<16xf32>
        %swap3A_622 = arith.constant 0 : i32
        %swap3A_623 = arith.index_cast %swap3A_622 : i32 to index
        %swap3A_624 = arith.constant 160 : index
        %swap3A_625 = tpu.vector_load %arg16[%swap3A_623, %swap3A_624] {strides = array<i32>} : memref<100x304xf32, #tpu.memory_space<vmem>>, vector<16xf32>,
        tpu.vector_store %arg16[%swap3A_623, %swap3A_624], %add3A_621 {add = true, strides = array<i32>} : memref<100x304xf32, #tpu.memory_space<vmem>>, vector<16xf32>,
        %add3A_626 = arith.constant 176 : i32
        %add3A_627 = vector.broadcast %add3A_626 : i32 to vector<16xi32>
        %add3A_628 = arith.addi %iota3A, %add3A_627 : vector<16xi32>
        %gather3A_629 = tpu.vector_load_idx %arg8[%and3A_293, %add3A_628] : memref<8x608xi32, #tpu.memory_space<vmem>>[vector<16xi32>, vector<16xi32>], vector<16xi32>,
        %add3A_630 = arith.constant 304 : i32
        %add3A_631 = vector.broadcast %add3A_630 : i32 to vector<16xi32>
        %add3A_632 = arith.addi %add3A_628, %add3A_631 : vector<16xi32>
        %gather3A_633 = tpu.vector_load_idx %arg8[%and3A_293, %add3A_632] : memref<8x608xi32, #tpu.memory_space<vmem>>[vector<16xi32>, vector<16xi32>], vector<16xi32>,
        %gather3A_634 = tpu.vector_load_idx %arg9[%and3A_293, %add3A_628] : memref<8x304xf32, #tpu.memory_space<vmem>>[vector<16xi32>, vector<16xi32>], vector<16xf32>,
        %convert_element_type3A_635 = arith.sitofp %gather3A_629 : vector<16xi32> to vector<16xf32>
        %convert_element_type3A_636 = arith.sitofp %gather3A_633 : vector<16xi32> to vector<16xf32>
        %add3A_637 = arith.constant 1.000000e+00 : f32
        %add3A_638 = vector.broadcast %add3A_637 : f32 to vector<16xf32>
        %add3A_639 = arith.addf %convert_element_type3A_635, %add3A_638 : vector<16xf32>
        %add3A_640 = arith.constant 1.000000e+00 : f32
        %add3A_641 = vector.broadcast %add3A_640 : f32 to vector<16xf32>
        %add3A_642 = arith.addf %convert_element_type3A_636, %add3A_641 : vector<16xf32>
        %sub3A_643 = arith.subf %convert_element_type3A_636, %convert_element_type3A_635 : vector<16xf32>
        %mul3A_644 = arith.mulf %gather3A_634, %sub3A_643 : vector<16xf32>
        %add3A_645 = arith.addf %convert_element_type3A_635, %mul3A_644 : vector<16xf32>
        %sub3A_646 = arith.subf %add3A_642, %add3A_639 : vector<16xf32>
        %mul3A_647 = arith.mulf %gather3A_634, %sub3A_646 : vector<16xf32>
        %add3A_648 = arith.addf %add3A_639, %mul3A_647 : vector<16xf32>
        %mul3A_649 = arith.mulf %gather3A_274, %add3A_645 : vector<16xf32>
        %mul3A_650 = arith.mulf %gather3A_275, %add3A_648 : vector<16xf32>
        %add3A_651 = arith.addf %mul3A_649, %mul3A_650 : vector<16xf32>
        %swap3A_652 = arith.constant 0 : i32
        %swap3A_653 = arith.index_cast %swap3A_652 : i32 to index
        %swap3A_654 = arith.constant 176 : index
        %swap3A_655 = tpu.vector_load %arg16[%swap3A_653, %swap3A_654] {strides = array<i32>} : memref<100x304xf32, #tpu.memory_space<vmem>>, vector<16xf32>,
        tpu.vector_store %arg16[%swap3A_653, %swap3A_654], %add3A_651 {add = true, strides = array<i32>} : memref<100x304xf32, #tpu.memory_space<vmem>>, vector<16xf32>,
        %add3A_656 = arith.constant 192 : i32
        %add3A_657 = vector.broadcast %add3A_656 : i32 to vector<16xi32>
        %add3A_658 = arith.addi %iota3A, %add3A_657 : vector<16xi32>
        %gather3A_659 = tpu.vector_load_idx %arg8[%and3A_293, %add3A_658] : memref<8x608xi32, #tpu.memory_space<vmem>>[vector<16xi32>, vector<16xi32>], vector<16xi32>,
        %add3A_660 = arith.constant 304 : i32
        %add3A_661 = vector.broadcast %add3A_660 : i32 to vector<16xi32>
        %add3A_662 = arith.addi %add3A_658, %add3A_661 : vector<16xi32>
        %gather3A_663 = tpu.vector_load_idx %arg8[%and3A_293, %add3A_662] : memref<8x608xi32, #tpu.memory_space<vmem>>[vector<16xi32>, vector<16xi32>], vector<16xi32>,
        %gather3A_664 = tpu.vector_load_idx %arg9[%and3A_293, %add3A_658] : memref<8x304xf32, #tpu.memory_space<vmem>>[vector<16xi32>, vector<16xi32>], vector<16xf32>,
        %convert_element_type3A_665 = arith.sitofp %gather3A_659 : vector<16xi32> to vector<16xf32>
        %convert_element_type3A_666 = arith.sitofp %gather3A_663 : vector<16xi32> to vector<16xf32>
        %add3A_667 = arith.constant 1.000000e+00 : f32
        %add3A_668 = vector.broadcast %add3A_667 : f32 to vector<16xf32>
        %add3A_669 = arith.addf %convert_element_type3A_665, %add3A_668 : vector<16xf32>
        %add3A_670 = arith.constant 1.000000e+00 : f32
        %add3A_671 = vector.broadcast %add3A_670 : f32 to vector<16xf32>
        %add3A_672 = arith.addf %convert_element_type3A_666, %add3A_671 : vector<16xf32>
        %sub3A_673 = arith.subf %convert_element_type3A_666, %convert_element_type3A_665 : vector<16xf32>
        %mul3A_674 = arith.mulf %gather3A_664, %sub3A_673 : vector<16xf32>
        %add3A_675 = arith.addf %convert_element_type3A_665, %mul3A_674 : vector<16xf32>
        %sub3A_676 = arith.subf %add3A_672, %add3A_669 : vector<16xf32>
        %mul3A_677 = arith.mulf %gather3A_664, %sub3A_676 : vector<16xf32>
        %add3A_678 = arith.addf %add3A_669, %mul3A_677 : vector<16xf32>
        %mul3A_679 = arith.mulf %gather3A_274, %add3A_675 : vector<16xf32>
        %mul3A_680 = arith.mulf %gather3A_275, %add3A_678 : vector<16xf32>
        %add3A_681 = arith.addf %mul3A_679, %mul3A_680 : vector<16xf32>
        %swap3A_682 = arith.constant 0 : i32
        %swap3A_683 = arith.index_cast %swap3A_682 : i32 to index
        %swap3A_684 = arith.constant 192 : index
        %swap3A_685 = tpu.vector_load %arg16[%swap3A_683, %swap3A_684] {strides = array<i32>} : memref<100x304xf32, #tpu.memory_space<vmem>>, vector<16xf32>,
        tpu.vector_store %arg16[%swap3A_683, %swap3A_684], %add3A_681 {add = true, strides = array<i32>} : memref<100x304xf32, #tpu.memory_space<vmem>>, vector<16xf32>,
        %add3A_686 = arith.constant 208 : i32
        %add3A_687 = vector.broadcast %add3A_686 : i32 to vector<16xi32>
        %add3A_688 = arith.addi %iota3A, %add3A_687 : vector<16xi32>
        %gather3A_689 = tpu.vector_load_idx %arg8[%and3A_293, %add3A_688] : memref<8x608xi32, #tpu.memory_space<vmem>>[vector<16xi32>, vector<16xi32>], vector<16xi32>,
        %add3A_690 = arith.constant 304 : i32
        %add3A_691 = vector.broadcast %add3A_690 : i32 to vector<16xi32>
        %add3A_692 = arith.addi %add3A_688, %add3A_691 : vector<16xi32>
        %gather3A_693 = tpu.vector_load_idx %arg8[%and3A_293, %add3A_692] : memref<8x608xi32, #tpu.memory_space<vmem>>[vector<16xi32>, vector<16xi32>], vector<16xi32>,
        %gather3A_694 = tpu.vector_load_idx %arg9[%and3A_293, %add3A_688] : memref<8x304xf32, #tpu.memory_space<vmem>>[vector<16xi32>, vector<16xi32>], vector<16xf32>,
        %convert_element_type3A_695 = arith.sitofp %gather3A_689 : vector<16xi32> to vector<16xf32>
        %convert_element_type3A_696 = arith.sitofp %gather3A_693 : vector<16xi32> to vector<16xf32>
        %add3A_697 = arith.constant 1.000000e+00 : f32
        %add3A_698 = vector.broadcast %add3A_697 : f32 to vector<16xf32>
        %add3A_699 = arith.addf %convert_element_type3A_695, %add3A_698 : vector<16xf32>
        %add3A_700 = arith.constant 1.000000e+00 : f32
        %add3A_701 = vector.broadcast %add3A_700 : f32 to vector<16xf32>
        %add3A_702 = arith.addf %convert_element_type3A_696, %add3A_701 : vector<16xf32>
        %sub3A_703 = arith.subf %convert_element_type3A_696, %convert_element_type3A_695 : vector<16xf32>
        %mul3A_704 = arith.mulf %gather3A_694, %sub3A_703 : vector<16xf32>
        %add3A_705 = arith.addf %convert_element_type3A_695, %mul3A_704 : vector<16xf32>
        %sub3A_706 = arith.subf %add3A_702, %add3A_699 : vector<16xf32>
        %mul3A_707 = arith.mulf %gather3A_694, %sub3A_706 : vector<16xf32>
        %add3A_708 = arith.addf %add3A_699, %mul3A_707 : vector<16xf32>
        %mul3A_709 = arith.mulf %gather3A_274, %add3A_705 : vector<16xf32>
        %mul3A_710 = arith.mulf %gather3A_275, %add3A_708 : vector<16xf32>
        %add3A_711 = arith.addf %mul3A_709, %mul3A_710 : vector<16xf32>
        %swap3A_712 = arith.constant 0 : i32
        %swap3A_713 = arith.index_cast %swap3A_712 : i32 to index
        %swap3A_714 = arith.constant 208 : index
        %swap3A_715 = tpu.vector_load %arg16[%swap3A_713, %swap3A_714] {strides = array<i32>} : memref<100x304xf32, #tpu.memory_space<vmem>>, vector<16xf32>,
        tpu.vector_store %arg16[%swap3A_713, %swap3A_714], %add3A_711 {add = true, strides = array<i32>} : memref<100x304xf32, #tpu.memory_space<vmem>>, vector<16xf32>,
        %add3A_716 = arith.constant 224 : i32
        %add3A_717 = vector.broadcast %add3A_716 : i32 to vector<16xi32>
        %add3A_718 = arith.addi %iota3A, %add3A_717 : vector<16xi32>
        %gather3A_719 = tpu.vector_load_idx %arg8[%and3A_293, %add3A_718] : memref<8x608xi32, #tpu.memory_space<vmem>>[vector<16xi32>, vector<16xi32>], vector<16xi32>,
        %add3A_720 = arith.constant 304 : i32
        %add3A_721 = vector.broadcast %add3A_720 : i32 to vector<16xi32>
        %add3A_722 = arith.addi %add3A_718, %add3A_721 : vector<16xi32>
        %gather3A_723 = tpu.vector_load_idx %arg8[%and3A_293, %add3A_722] : memref<8x608xi32, #tpu.memory_space<vmem>>[vector<16xi32>, vector<16xi32>], vector<16xi32>,
        %gather3A_724 = tpu.vector_load_idx %arg9[%and3A_293, %add3A_718] : memref<8x304xf32, #tpu.memory_space<vmem>>[vector<16xi32>, vector<16xi32>], vector<16xf32>,
        %convert_element_type3A_725 = arith.sitofp %gather3A_719 : vector<16xi32> to vector<16xf32>
        %convert_element_type3A_726 = arith.sitofp %gather3A_723 : vector<16xi32> to vector<16xf32>
        %add3A_727 = arith.constant 1.000000e+00 : f32
        %add3A_728 = vector.broadcast %add3A_727 : f32 to vector<16xf32>
        %add3A_729 = arith.addf %convert_element_type3A_725, %add3A_728 : vector<16xf32>
        %add3A_730 = arith.constant 1.000000e+00 : f32
        %add3A_731 = vector.broadcast %add3A_730 : f32 to vector<16xf32>
        %add3A_732 = arith.addf %convert_element_type3A_726, %add3A_731 : vector<16xf32>
        %sub3A_733 = arith.subf %convert_element_type3A_726, %convert_element_type3A_725 : vector<16xf32>
        %mul3A_734 = arith.mulf %gather3A_724, %sub3A_733 : vector<16xf32>
        %add3A_735 = arith.addf %convert_element_type3A_725, %mul3A_734 : vector<16xf32>
        %sub3A_736 = arith.subf %add3A_732, %add3A_729 : vector<16xf32>
        %mul3A_737 = arith.mulf %gather3A_724, %sub3A_736 : vector<16xf32>
        %add3A_738 = arith.addf %add3A_729, %mul3A_737 : vector<16xf32>
        %mul3A_739 = arith.mulf %gather3A_274, %add3A_735 : vector<16xf32>
        %mul3A_740 = arith.mulf %gather3A_275, %add3A_738 : vector<16xf32>
        %add3A_741 = arith.addf %mul3A_739, %mul3A_740 : vector<16xf32>
        %swap3A_742 = arith.constant 0 : i32
        %swap3A_743 = arith.index_cast %swap3A_742 : i32 to index
        %swap3A_744 = arith.constant 224 : index
        %swap3A_745 = tpu.vector_load %arg16[%swap3A_743, %swap3A_744] {strides = array<i32>} : memref<100x304xf32, #tpu.memory_space<vmem>>, vector<16xf32>,
        tpu.vector_store %arg16[%swap3A_743, %swap3A_744], %add3A_741 {add = true, strides = array<i32>} : memref<100x304xf32, #tpu.memory_space<vmem>>, vector<16xf32>,
        %add3A_746 = arith.constant 240 : i32
        %add3A_747 = vector.broadcast %add3A_746 : i32 to vector<16xi32>
        %add3A_748 = arith.addi %iota3A, %add3A_747 : vector<16xi32>
        %gather3A_749 = tpu.vector_load_idx %arg8[%and3A_293, %add3A_748] : memref<8x608xi32, #tpu.memory_space<vmem>>[vector<16xi32>, vector<16xi32>], vector<16xi32>,
        %add3A_750 = arith.constant 304 : i32
        %add3A_751 = vector.broadcast %add3A_750 : i32 to vector<16xi32>
        %add3A_752 = arith.addi %add3A_748, %add3A_751 : vector<16xi32>
        %gather3A_753 = tpu.vector_load_idx %arg8[%and3A_293, %add3A_752] : memref<8x608xi32, #tpu.memory_space<vmem>>[vector<16xi32>, vector<16xi32>], vector<16xi32>,
        %gather3A_754 = tpu.vector_load_idx %arg9[%and3A_293, %add3A_748] : memref<8x304xf32, #tpu.memory_space<vmem>>[vector<16xi32>, vector<16xi32>], vector<16xf32>,
        %convert_element_type3A_755 = arith.sitofp %gather3A_749 : vector<16xi32> to vector<16xf32>
        %convert_element_type3A_756 = arith.sitofp %gather3A_753 : vector<16xi32> to vector<16xf32>
        %add3A_757 = arith.constant 1.000000e+00 : f32
        %add3A_758 = vector.broadcast %add3A_757 : f32 to vector<16xf32>
        %add3A_759 = arith.addf %convert_element_type3A_755, %add3A_758 : vector<16xf32>
        %add3A_760 = arith.constant 1.000000e+00 : f32
        %add3A_761 = vector.broadcast %add3A_760 : f32 to vector<16xf32>
        %add3A_762 = arith.addf %convert_element_type3A_756, %add3A_761 : vector<16xf32>
        %sub3A_763 = arith.subf %convert_element_type3A_756, %convert_element_type3A_755 : vector<16xf32>
        %mul3A_764 = arith.mulf %gather3A_754, %sub3A_763 : vector<16xf32>
        %add3A_765 = arith.addf %convert_element_type3A_755, %mul3A_764 : vector<16xf32>
        %sub3A_766 = arith.subf %add3A_762, %add3A_759 : vector<16xf32>
        %mul3A_767 = arith.mulf %gather3A_754, %sub3A_766 : vector<16xf32>
        %add3A_768 = arith.addf %add3A_759, %mul3A_767 : vector<16xf32>
        %mul3A_769 = arith.mulf %gather3A_274, %add3A_765 : vector<16xf32>
        %mul3A_770 = arith.mulf %gather3A_275, %add3A_768 : vector<16xf32>
        %add3A_771 = arith.addf %mul3A_769, %mul3A_770 : vector<16xf32>
        %swap3A_772 = arith.constant 0 : i32
        %swap3A_773 = arith.index_cast %swap3A_772 : i32 to index
        %swap3A_774 = arith.constant 240 : index
        %swap3A_775 = tpu.vector_load %arg16[%swap3A_773, %swap3A_774] {strides = array<i32>} : memref<100x304xf32, #tpu.memory_space<vmem>>, vector<16xf32>,
        tpu.vector_store %arg16[%swap3A_773, %swap3A_774], %add3A_771 {add = true, strides = array<i32>} : memref<100x304xf32, #tpu.memory_space<vmem>>, vector<16xf32>,
        %add3A_776 = arith.constant 256 : i32
        %add3A_777 = vector.broadcast %add3A_776 : i32 to vector<16xi32>
        %add3A_778 = arith.addi %iota3A, %add3A_777 : vector<16xi32>
        %gather3A_779 = tpu.vector_load_idx %arg8[%and3A_293, %add3A_778] : memref<8x608xi32, #tpu.memory_space<vmem>>[vector<16xi32>, vector<16xi32>], vector<16xi32>,
        %add3A_780 = arith.constant 304 : i32
        %add3A_781 = vector.broadcast %add3A_780 : i32 to vector<16xi32>
        %add3A_782 = arith.addi %add3A_778, %add3A_781 : vector<16xi32>
        %gather3A_783 = tpu.vector_load_idx %arg8[%and3A_293, %add3A_782] : memref<8x608xi32, #tpu.memory_space<vmem>>[vector<16xi32>, vector<16xi32>], vector<16xi32>,
        %gather3A_784 = tpu.vector_load_idx %arg9[%and3A_293, %add3A_778] : memref<8x304xf32, #tpu.memory_space<vmem>>[vector<16xi32>, vector<16xi32>], vector<16xf32>,
        %convert_element_type3A_785 = arith.sitofp %gather3A_779 : vector<16xi32> to vector<16xf32>
        %convert_element_type3A_786 = arith.sitofp %gather3A_783 : vector<16xi32> to vector<16xf32>
        %add3A_787 = arith.constant 1.000000e+00 : f32
        %add3A_788 = vector.broadcast %add3A_787 : f32 to vector<16xf32>
        %add3A_789 = arith.addf %convert_element_type3A_785, %add3A_788 : vector<16xf32>
        %add3A_790 = arith.constant 1.000000e+00 : f32
        %add3A_791 = vector.broadcast %add3A_790 : f32 to vector<16xf32>
        %add3A_792 = arith.addf %convert_element_type3A_786, %add3A_791 : vector<16xf32>
        %sub3A_793 = arith.subf %convert_element_type3A_786, %convert_element_type3A_785 : vector<16xf32>
        %mul3A_794 = arith.mulf %gather3A_784, %sub3A_793 : vector<16xf32>
        %add3A_795 = arith.addf %convert_element_type3A_785, %mul3A_794 : vector<16xf32>
        %sub3A_796 = arith.subf %add3A_792, %add3A_789 : vector<16xf32>
        %mul3A_797 = arith.mulf %gather3A_784, %sub3A_796 : vector<16xf32>
        %add3A_798 = arith.addf %add3A_789, %mul3A_797 : vector<16xf32>
        %mul3A_799 = arith.mulf %gather3A_274, %add3A_795 : vector<16xf32>
        %mul3A_800 = arith.mulf %gather3A_275, %add3A_798 : vector<16xf32>
        %add3A_801 = arith.addf %mul3A_799, %mul3A_800 : vector<16xf32>
        %swap3A_802 = arith.constant 0 : i32
        %swap3A_803 = arith.index_cast %swap3A_802 : i32 to index
        %swap3A_804 = arith.constant 256 : index
        %swap3A_805 = tpu.vector_load %arg16[%swap3A_803, %swap3A_804] {strides = array<i32>} : memref<100x304xf32, #tpu.memory_space<vmem>>, vector<16xf32>,
        tpu.vector_store %arg16[%swap3A_803, %swap3A_804], %add3A_801 {add = true, strides = array<i32>} : memref<100x304xf32, #tpu.memory_space<vmem>>, vector<16xf32>,
        %add3A_806 = arith.constant 272 : i32
        %add3A_807 = vector.broadcast %add3A_806 : i32 to vector<16xi32>
        %add3A_808 = arith.addi %iota3A, %add3A_807 : vector<16xi32>
        %gather3A_809 = tpu.vector_load_idx %arg8[%and3A_293, %add3A_808] : memref<8x608xi32, #tpu.memory_space<vmem>>[vector<16xi32>, vector<16xi32>], vector<16xi32>,
        %add3A_810 = arith.constant 304 : i32
        %add3A_811 = vector.broadcast %add3A_810 : i32 to vector<16xi32>
        %add3A_812 = arith.addi %add3A_808, %add3A_811 : vector<16xi32>
        %gather3A_813 = tpu.vector_load_idx %arg8[%and3A_293, %add3A_812] : memref<8x608xi32, #tpu.memory_space<vmem>>[vector<16xi32>, vector<16xi32>], vector<16xi32>,
        %gather3A_814 = tpu.vector_load_idx %arg9[%and3A_293, %add3A_808] : memref<8x304xf32, #tpu.memory_space<vmem>>[vector<16xi32>, vector<16xi32>], vector<16xf32>,
        %convert_element_type3A_815 = arith.sitofp %gather3A_809 : vector<16xi32> to vector<16xf32>
        %convert_element_type3A_816 = arith.sitofp %gather3A_813 : vector<16xi32> to vector<16xf32>
        %add3A_817 = arith.constant 1.000000e+00 : f32
        %add3A_818 = vector.broadcast %add3A_817 : f32 to vector<16xf32>
        %add3A_819 = arith.addf %convert_element_type3A_815, %add3A_818 : vector<16xf32>
        %add3A_820 = arith.constant 1.000000e+00 : f32
        %add3A_821 = vector.broadcast %add3A_820 : f32 to vector<16xf32>
        %add3A_822 = arith.addf %convert_element_type3A_816, %add3A_821 : vector<16xf32>
        %sub3A_823 = arith.subf %convert_element_type3A_816, %convert_element_type3A_815 : vector<16xf32>
        %mul3A_824 = arith.mulf %gather3A_814, %sub3A_823 : vector<16xf32>
        %add3A_825 = arith.addf %convert_element_type3A_815, %mul3A_824 : vector<16xf32>
        %sub3A_826 = arith.subf %add3A_822, %add3A_819 : vector<16xf32>
        %mul3A_827 = arith.mulf %gather3A_814, %sub3A_826 : vector<16xf32>
        %add3A_828 = arith.addf %add3A_819, %mul3A_827 : vector<16xf32>
        %mul3A_829 = arith.mulf %gather3A_274, %add3A_825 : vector<16xf32>
        %mul3A_830 = arith.mulf %gather3A_275, %add3A_828 : vector<16xf32>
        %add3A_831 = arith.addf %mul3A_829, %mul3A_830 : vector<16xf32>
        %swap3A_832 = arith.constant 0 : i32
        %swap3A_833 = arith.index_cast %swap3A_832 : i32 to index
        %swap3A_834 = arith.constant 272 : index
        %swap3A_835 = tpu.vector_load %arg16[%swap3A_833, %swap3A_834] {strides = array<i32>} : memref<100x304xf32, #tpu.memory_space<vmem>>, vector<16xf32>,
        tpu.vector_store %arg16[%swap3A_833, %swap3A_834], %add3A_831 {add = true, strides = array<i32>} : memref<100x304xf32, #tpu.memory_space<vmem>>, vector<16xf32>,
        %add3A_836 = arith.constant 288 : i32
        %add3A_837 = vector.broadcast %add3A_836 : i32 to vector<16xi32>
        %add3A_838 = arith.addi %iota3A, %add3A_837 : vector<16xi32>
        %gather3A_839 = tpu.vector_load_idx %arg8[%and3A_293, %add3A_838] : memref<8x608xi32, #tpu.memory_space<vmem>>[vector<16xi32>, vector<16xi32>], vector<16xi32>,
        %add3A_840 = arith.constant 304 : i32
        %add3A_841 = vector.broadcast %add3A_840 : i32 to vector<16xi32>
        %add3A_842 = arith.addi %add3A_838, %add3A_841 : vector<16xi32>
        %gather3A_843 = tpu.vector_load_idx %arg8[%and3A_293, %add3A_842] : memref<8x608xi32, #tpu.memory_space<vmem>>[vector<16xi32>, vector<16xi32>], vector<16xi32>,
        %gather3A_844 = tpu.vector_load_idx %arg9[%and3A_293, %add3A_838] : memref<8x304xf32, #tpu.memory_space<vmem>>[vector<16xi32>, vector<16xi32>], vector<16xf32>,
        %convert_element_type3A_845 = arith.sitofp %gather3A_839 : vector<16xi32> to vector<16xf32>
        %convert_element_type3A_846 = arith.sitofp %gather3A_843 : vector<16xi32> to vector<16xf32>
        %add3A_847 = arith.constant 1.000000e+00 : f32
        %add3A_848 = vector.broadcast %add3A_847 : f32 to vector<16xf32>
        %add3A_849 = arith.addf %convert_element_type3A_845, %add3A_848 : vector<16xf32>
        %add3A_850 = arith.constant 1.000000e+00 : f32
        %add3A_851 = vector.broadcast %add3A_850 : f32 to vector<16xf32>
        %add3A_852 = arith.addf %convert_element_type3A_846, %add3A_851 : vector<16xf32>
        %sub3A_853 = arith.subf %convert_element_type3A_846, %convert_element_type3A_845 : vector<16xf32>
        %mul3A_854 = arith.mulf %gather3A_844, %sub3A_853 : vector<16xf32>
        %add3A_855 = arith.addf %convert_element_type3A_845, %mul3A_854 : vector<16xf32>
        %sub3A_856 = arith.subf %add3A_852, %add3A_849 : vector<16xf32>
        %mul3A_857 = arith.mulf %gather3A_844, %sub3A_856 : vector<16xf32>
        %add3A_858 = arith.addf %add3A_849, %mul3A_857 : vector<16xf32>
        %mul3A_859 = arith.mulf %gather3A_274, %add3A_855 : vector<16xf32>
        %mul3A_860 = arith.mulf %gather3A_275, %add3A_858 : vector<16xf32>
        %add3A_861 = arith.addf %mul3A_859, %mul3A_860 : vector<16xf32>
        %swap3A_862 = arith.constant 0 : i32
        %swap3A_863 = arith.index_cast %swap3A_862 : i32 to index
        %swap3A_864 = arith.constant 288 : index
        %swap3A_865 = tpu.vector_load %arg16[%swap3A_863, %swap3A_864] {strides = array<i32>} : memref<100x304xf32, #tpu.memory_space<vmem>>, vector<16xf32>,
        tpu.vector_store %arg16[%swap3A_863, %swap3A_864], %add3A_861 {add = true, strides = array<i32>} : memref<100x304xf32, #tpu.memory_space<vmem>>, vector<16xf32>,
      }
      %while3A_267 = arith.constant 1 : i32
      scf.for %while3A_268 = %while3A_265 to %while3A_261 step %while3A_267  : i32 {
        %shift_right_arithmetic3A = arith.constant 7 : i32
        %shift_right_arithmetic3A_269 = arith.shrsi %while3A_268, %shift_right_arithmetic3A : i32
        %broadcast_in_dim3A_270 = vector.broadcast %shift_right_arithmetic3A_269 : i32 to vector<16xi32>
        %and3A_271 = arith.constant 127 : i32
        %and3A_272 = arith.andi %while3A_268, %and3A_271 : i32
        %broadcast_in_dim3A_273 = vector.broadcast %and3A_272 : i32 to vector<16xi32>
        %gather3A = tpu.vector_load_idx %arg10[%broadcast_in_dim3A_270, %broadcast_in_dim3A_273] : memref<13x128xi32, #tpu.memory_space<vmem>>[vector<16xi32>, vector<16xi32>], vector<16xi32>,
        %gather3A_274 = tpu.vector_load_idx %arg11[%broadcast_in_dim3A_270, %broadcast_in_dim3A_273] : memref<13x128xf32, #tpu.memory_space<vmem>>[vector<16xi32>, vector<16xi32>], vector<16xf32>,
        %gather3A_275 = tpu.vector_load_idx %arg12[%broadcast_in_dim3A_270, %broadcast_in_dim3A_273] : memref<13x128xf32, #tpu.memory_space<vmem>>[vector<16xi32>, vector<16xi32>], vector<16xf32>,
        %and3A_276 = arith.constant 15 : i32
        %and3A_277 = vector.broadcast %and3A_276 : i32 to vector<16xi32>
        %and3A_278 = arith.andi %gather3A, %and3A_277 : vector<16xi32>
        %add3A_279 = vector.broadcast %mul3A_208 : i32 to vector<16xi32>
        %add3A_280 = arith.addi %and3A_278, %add3A_279 : vector<16xi32>
        %shift_right_arithmetic3A_281 = arith.constant 4 : i32
        %shift_right_arithmetic3A_282 = vector.broadcast %shift_right_arithmetic3A_281 : i32 to vector<16xi32>
        %shift_right_arithmetic3A_283 = arith.shrsi %gather3A, %shift_right_arithmetic3A_282 : vector<16xi32>
        %and3A_284 = arith.constant 1 : i32
        %and3A_285 = vector.broadcast %and3A_284 : i32 to vector<16xi32>
        %and3A_286 = arith.andi %shift_right_arithmetic3A_283, %and3A_285 : vector<16xi32>
        %add3A_287 = arith.addi %add3A_280, %and3A_286 : vector<16xi32>
        %shift_right_arithmetic3A_288 = arith.constant 5 : i32
        %shift_right_arithmetic3A_289 = vector.broadcast %shift_right_arithmetic3A_288 : i32 to vector<16xi32>
        %shift_right_arithmetic3A_290 = arith.shrsi %gather3A, %shift_right_arithmetic3A_289 : vector<16xi32>
        %and3A_291 = arith.constant 7 : i32
        %and3A_292 = vector.broadcast %and3A_291 : i32 to vector<16xi32>
        %and3A_293 = arith.andi %shift_right_arithmetic3A_290, %and3A_292 : vector<16xi32>
        %shift_right_arithmetic3A_294 = arith.constant 8 : i32
        %shift_right_arithmetic3A_295 = vector.broadcast %shift_right_arithmetic3A_294 : i32 to vector<16xi32>
        %shift_right_arithmetic3A_296 = arith.shrsi %gather3A, %shift_right_arithmetic3A_295 : vector<16xi32>
        %add3A_297 = arith.constant 0 : i32
        %add3A_298 = vector.broadcast %add3A_297 : i32 to vector<16xi32>
        %add3A_299 = arith.addi %iota3A, %add3A_298 : vector<16xi32>
        %gather3A_300 = tpu.vector_load_idx %arg8[%and3A_293, %add3A_299] : memref<8x608xi32, #tpu.memory_space<vmem>>[vector<16xi32>, vector<16xi32>], vector<16xi32>,
        %add3A_301 = arith.constant 304 : i32
        %add3A_302 = vector.broadcast %add3A_301 : i32 to vector<16xi32>
        %add3A_303 = arith.addi %add3A_299, %add3A_302 : vector<16xi32>
        %gather3A_304 = tpu.vector_load_idx %arg8[%and3A_293, %add3A_303] : memref<8x608xi32, #tpu.memory_space<vmem>>[vector<16xi32>, vector<16xi32>], vector<16xi32>,
        %gather3A_305 = tpu.vector_load_idx %arg9[%and3A_293, %add3A_299] : memref<8x304xf32, #tpu.memory_space<vmem>>[vector<16xi32>, vector<16xi32>], vector<16xf32>,
        %convert_element_type3A_306 = arith.sitofp %gather3A_300 : vector<16xi32> to vector<16xf32>
        %convert_element_type3A_307 = arith.sitofp %gather3A_304 : vector<16xi32> to vector<16xf32>
        %add3A_308 = arith.constant 1.000000e+00 : f32
        %add3A_309 = vector.broadcast %add3A_308 : f32 to vector<16xf32>
        %add3A_310 = arith.addf %convert_element_type3A_306, %add3A_309 : vector<16xf32>
        %add3A_311 = arith.constant 1.000000e+00 : f32
        %add3A_312 = vector.broadcast %add3A_311 : f32 to vector<16xf32>
        %add3A_313 = arith.addf %convert_element_type3A_307, %add3A_312 : vector<16xf32>
        %sub3A_314 = arith.subf %convert_element_type3A_307, %convert_element_type3A_306 : vector<16xf32>
        %mul3A_315 = arith.mulf %gather3A_305, %sub3A_314 : vector<16xf32>
        %add3A_316 = arith.addf %convert_element_type3A_306, %mul3A_315 : vector<16xf32>
        %sub3A_317 = arith.subf %add3A_313, %add3A_310 : vector<16xf32>
        %mul3A_318 = arith.mulf %gather3A_305, %sub3A_317 : vector<16xf32>
        %add3A_319 = arith.addf %add3A_310, %mul3A_318 : vector<16xf32>
        %mul3A_320 = arith.mulf %gather3A_274, %add3A_316 : vector<16xf32>
        %mul3A_321 = arith.mulf %gather3A_275, %add3A_319 : vector<16xf32>
        %add3A_322 = arith.addf %mul3A_320, %mul3A_321 : vector<16xf32>
        %swap3A = arith.constant 0 : i32
        %swap3A_323 = arith.index_cast %swap3A : i32 to index
        %swap3A_324 = arith.constant 0 : index
        %swap3A_325 = tpu.vector_load %arg16[%swap3A_323, %swap3A_324] {strides = array<i32>} : memref<100x304xf32, #tpu.memory_space<vmem>>, vector<16xf32>,
        tpu.vector_store %arg16[%swap3A_323, %swap3A_324], %add3A_322 {add = true, strides = array<i32>} : memref<100x304xf32, #tpu.memory_space<vmem>>, vector<16xf32>,
        %add3A_326 = arith.constant 16 : i32
        %add3A_327 = vector.broadcast %add3A_326 : i32 to vector<16xi32>
        %add3A_328 = arith.addi %iota3A, %add3A_327 : vector<16xi32>
        %gather3A_329 = tpu.vector_load_idx %arg8[%and3A_293, %add3A_328] : memref<8x608xi32, #tpu.memory_space<vmem>>[vector<16xi32>, vector<16xi32>], vector<16xi32>,
        %add3A_330 = arith.constant 304 : i32
        %add3A_331 = vector.broadcast %add3A_330 : i32 to vector<16xi32>
        %add3A_332 = arith.addi %add3A_328, %add3A_331 : vector<16xi32>
        %gather3A_333 = tpu.vector_load_idx %arg8[%and3A_293, %add3A_332] : memref<8x608xi32, #tpu.memory_space<vmem>>[vector<16xi32>, vector<16xi32>], vector<16xi32>,
        %gather3A_334 = tpu.vector_load_idx %arg9[%and3A_293, %add3A_328] : memref<8x304xf32, #tpu.memory_space<vmem>>[vector<16xi32>, vector<16xi32>], vector<16xf32>,
        %convert_element_type3A_335 = arith.sitofp %gather3A_329 : vector<16xi32> to vector<16xf32>
        %convert_element_type3A_336 = arith.sitofp %gather3A_333 : vector<16xi32> to vector<16xf32>
        %add3A_337 = arith.constant 1.000000e+00 : f32
        %add3A_338 = vector.broadcast %add3A_337 : f32 to vector<16xf32>
        %add3A_339 = arith.addf %convert_element_type3A_335, %add3A_338 : vector<16xf32>
        %add3A_340 = arith.constant 1.000000e+00 : f32
        %add3A_341 = vector.broadcast %add3A_340 : f32 to vector<16xf32>
        %add3A_342 = arith.addf %convert_element_type3A_336, %add3A_341 : vector<16xf32>
        %sub3A_343 = arith.subf %convert_element_type3A_336, %convert_element_type3A_335 : vector<16xf32>
        %mul3A_344 = arith.mulf %gather3A_334, %sub3A_343 : vector<16xf32>
        %add3A_345 = arith.addf %convert_element_type3A_335, %mul3A_344 : vector<16xf32>
        %sub3A_346 = arith.subf %add3A_342, %add3A_339 : vector<16xf32>
        %mul3A_347 = arith.mulf %gather3A_334, %sub3A_346 : vector<16xf32>
        %add3A_348 = arith.addf %add3A_339, %mul3A_347 : vector<16xf32>
        %mul3A_349 = arith.mulf %gather3A_274, %add3A_345 : vector<16xf32>
        %mul3A_350 = arith.mulf %gather3A_275, %add3A_348 : vector<16xf32>
        %add3A_351 = arith.addf %mul3A_349, %mul3A_350 : vector<16xf32>
        %swap3A_352 = arith.constant 0 : i32
        %swap3A_353 = arith.index_cast %swap3A_352 : i32 to index
        %swap3A_354 = arith.constant 16 : index
        %swap3A_355 = tpu.vector_load %arg16[%swap3A_353, %swap3A_354] {strides = array<i32>} : memref<100x304xf32, #tpu.memory_space<vmem>>, vector<16xf32>,
        tpu.vector_store %arg16[%swap3A_353, %swap3A_354], %add3A_351 {add = true, strides = array<i32>} : memref<100x304xf32, #tpu.memory_space<vmem>>, vector<16xf32>,
        %add3A_356 = arith.constant 32 : i32
        %add3A_357 = vector.broadcast %add3A_356 : i32 to vector<16xi32>
        %add3A_358 = arith.addi %iota3A, %add3A_357 : vector<16xi32>
        %gather3A_359 = tpu.vector_load_idx %arg8[%and3A_293, %add3A_358] : memref<8x608xi32, #tpu.memory_space<vmem>>[vector<16xi32>, vector<16xi32>], vector<16xi32>,
        %add3A_360 = arith.constant 304 : i32
        %add3A_361 = vector.broadcast %add3A_360 : i32 to vector<16xi32>
        %add3A_362 = arith.addi %add3A_358, %add3A_361 : vector<16xi32>
        %gather3A_363 = tpu.vector_load_idx %arg8[%and3A_293, %add3A_362] : memref<8x608xi32, #tpu.memory_space<vmem>>[vector<16xi32>, vector<16xi32>], vector<16xi32>,
        %gather3A_364 = tpu.vector_load_idx %arg9[%and3A_293, %add3A_358] : memref<8x304xf32, #tpu.memory_space<vmem>>[vector<16xi32>, vector<16xi32>], vector<16xf32>,
        %convert_element_type3A_365 = arith.sitofp %gather3A_359 : vector<16xi32> to vector<16xf32>
        %convert_element_type3A_366 = arith.sitofp %gather3A_363 : vector<16xi32> to vector<16xf32>
        %add3A_367 = arith.constant 1.000000e+00 : f32
        %add3A_368 = vector.broadcast %add3A_367 : f32 to vector<16xf32>
        %add3A_369 = arith.addf %convert_element_type3A_365, %add3A_368 : vector<16xf32>
        %add3A_370 = arith.constant 1.000000e+00 : f32
        %add3A_371 = vector.broadcast %add3A_370 : f32 to vector<16xf32>
        %add3A_372 = arith.addf %convert_element_type3A_366, %add3A_371 : vector<16xf32>
        %sub3A_373 = arith.subf %convert_element_type3A_366, %convert_element_type3A_365 : vector<16xf32>
        %mul3A_374 = arith.mulf %gather3A_364, %sub3A_373 : vector<16xf32>
        %add3A_375 = arith.addf %convert_element_type3A_365, %mul3A_374 : vector<16xf32>
        %sub3A_376 = arith.subf %add3A_372, %add3A_369 : vector<16xf32>
        %mul3A_377 = arith.mulf %gather3A_364, %sub3A_376 : vector<16xf32>
        %add3A_378 = arith.addf %add3A_369, %mul3A_377 : vector<16xf32>
        %mul3A_379 = arith.mulf %gather3A_274, %add3A_375 : vector<16xf32>
        %mul3A_380 = arith.mulf %gather3A_275, %add3A_378 : vector<16xf32>
        %add3A_381 = arith.addf %mul3A_379, %mul3A_380 : vector<16xf32>
        %swap3A_382 = arith.constant 0 : i32
        %swap3A_383 = arith.index_cast %swap3A_382 : i32 to index
        %swap3A_384 = arith.constant 32 : index
        %swap3A_385 = tpu.vector_load %arg16[%swap3A_383, %swap3A_384] {strides = array<i32>} : memref<100x304xf32, #tpu.memory_space<vmem>>, vector<16xf32>,
        tpu.vector_store %arg16[%swap3A_383, %swap3A_384], %add3A_381 {add = true, strides = array<i32>} : memref<100x304xf32, #tpu.memory_space<vmem>>, vector<16xf32>,
        %add3A_386 = arith.constant 48 : i32
        %add3A_387 = vector.broadcast %add3A_386 : i32 to vector<16xi32>
        %add3A_388 = arith.addi %iota3A, %add3A_387 : vector<16xi32>
        %gather3A_389 = tpu.vector_load_idx %arg8[%and3A_293, %add3A_388] : memref<8x608xi32, #tpu.memory_space<vmem>>[vector<16xi32>, vector<16xi32>], vector<16xi32>,
        %add3A_390 = arith.constant 304 : i32
        %add3A_391 = vector.broadcast %add3A_390 : i32 to vector<16xi32>
        %add3A_392 = arith.addi %add3A_388, %add3A_391 : vector<16xi32>
        %gather3A_393 = tpu.vector_load_idx %arg8[%and3A_293, %add3A_392] : memref<8x608xi32, #tpu.memory_space<vmem>>[vector<16xi32>, vector<16xi32>], vector<16xi32>,
        %gather3A_394 = tpu.vector_load_idx %arg9[%and3A_293, %add3A_388] : memref<8x304xf32, #tpu.memory_space<vmem>>[vector<16xi32>, vector<16xi32>], vector<16xf32>,
        %convert_element_type3A_395 = arith.sitofp %gather3A_389 : vector<16xi32> to vector<16xf32>
        %convert_element_type3A_396 = arith.sitofp %gather3A_393 : vector<16xi32> to vector<16xf32>
        %add3A_397 = arith.constant 1.000000e+00 : f32
        %add3A_398 = vector.broadcast %add3A_397 : f32 to vector<16xf32>
        %add3A_399 = arith.addf %convert_element_type3A_395, %add3A_398 : vector<16xf32>
        %add3A_400 = arith.constant 1.000000e+00 : f32
        %add3A_401 = vector.broadcast %add3A_400 : f32 to vector<16xf32>
        %add3A_402 = arith.addf %convert_element_type3A_396, %add3A_401 : vector<16xf32>
        %sub3A_403 = arith.subf %convert_element_type3A_396, %convert_element_type3A_395 : vector<16xf32>
        %mul3A_404 = arith.mulf %gather3A_394, %sub3A_403 : vector<16xf32>
        %add3A_405 = arith.addf %convert_element_type3A_395, %mul3A_404 : vector<16xf32>
        %sub3A_406 = arith.subf %add3A_402, %add3A_399 : vector<16xf32>
        %mul3A_407 = arith.mulf %gather3A_394, %sub3A_406 : vector<16xf32>
        %add3A_408 = arith.addf %add3A_399, %mul3A_407 : vector<16xf32>
        %mul3A_409 = arith.mulf %gather3A_274, %add3A_405 : vector<16xf32>
        %mul3A_410 = arith.mulf %gather3A_275, %add3A_408 : vector<16xf32>
        %add3A_411 = arith.addf %mul3A_409, %mul3A_410 : vector<16xf32>
        %swap3A_412 = arith.constant 0 : i32
        %swap3A_413 = arith.index_cast %swap3A_412 : i32 to index
        %swap3A_414 = arith.constant 48 : index
        %swap3A_415 = tpu.vector_load %arg16[%swap3A_413, %swap3A_414] {strides = array<i32>} : memref<100x304xf32, #tpu.memory_space<vmem>>, vector<16xf32>,
        tpu.vector_store %arg16[%swap3A_413, %swap3A_414], %add3A_411 {add = true, strides = array<i32>} : memref<100x304xf32, #tpu.memory_space<vmem>>, vector<16xf32>,
        %add3A_416 = arith.constant 64 : i32
        %add3A_417 = vector.broadcast %add3A_416 : i32 to vector<16xi32>
        %add3A_418 = arith.addi %iota3A, %add3A_417 : vector<16xi32>
        %gather3A_419 = tpu.vector_load_idx %arg8[%and3A_293, %add3A_418] : memref<8x608xi32, #tpu.memory_space<vmem>>[vector<16xi32>, vector<16xi32>], vector<16xi32>,
        %add3A_420 = arith.constant 304 : i32
        %add3A_421 = vector.broadcast %add3A_420 : i32 to vector<16xi32>
        %add3A_422 = arith.addi %add3A_418, %add3A_421 : vector<16xi32>
        %gather3A_423 = tpu.vector_load_idx %arg8[%and3A_293, %add3A_422] : memref<8x608xi32, #tpu.memory_space<vmem>>[vector<16xi32>, vector<16xi32>], vector<16xi32>,
        %gather3A_424 = tpu.vector_load_idx %arg9[%and3A_293, %add3A_418] : memref<8x304xf32, #tpu.memory_space<vmem>>[vector<16xi32>, vector<16xi32>], vector<16xf32>,
        %convert_element_type3A_425 = arith.sitofp %gather3A_419 : vector<16xi32> to vector<16xf32>
        %convert_element_type3A_426 = arith.sitofp %gather3A_423 : vector<16xi32> to vector<16xf32>
        %add3A_427 = arith.constant 1.000000e+00 : f32
        %add3A_428 = vector.broadcast %add3A_427 : f32 to vector<16xf32>
        %add3A_429 = arith.addf %convert_element_type3A_425, %add3A_428 : vector<16xf32>
        %add3A_430 = arith.constant 1.000000e+00 : f32
        %add3A_431 = vector.broadcast %add3A_430 : f32 to vector<16xf32>
        %add3A_432 = arith.addf %convert_element_type3A_426, %add3A_431 : vector<16xf32>
        %sub3A_433 = arith.subf %convert_element_type3A_426, %convert_element_type3A_425 : vector<16xf32>
        %mul3A_434 = arith.mulf %gather3A_424, %sub3A_433 : vector<16xf32>
        %add3A_435 = arith.addf %convert_element_type3A_425, %mul3A_434 : vector<16xf32>
        %sub3A_436 = arith.subf %add3A_432, %add3A_429 : vector<16xf32>
        %mul3A_437 = arith.mulf %gather3A_424, %sub3A_436 : vector<16xf32>
        %add3A_438 = arith.addf %add3A_429, %mul3A_437 : vector<16xf32>
        %mul3A_439 = arith.mulf %gather3A_274, %add3A_435 : vector<16xf32>
        %mul3A_440 = arith.mulf %gather3A_275, %add3A_438 : vector<16xf32>
        %add3A_441 = arith.addf %mul3A_439, %mul3A_440 : vector<16xf32>
        %swap3A_442 = arith.constant 0 : i32
        %swap3A_443 = arith.index_cast %swap3A_442 : i32 to index
        %swap3A_444 = arith.constant 64 : index
        %swap3A_445 = tpu.vector_load %arg16[%swap3A_443, %swap3A_444] {strides = array<i32>} : memref<100x304xf32, #tpu.memory_space<vmem>>, vector<16xf32>,
        tpu.vector_store %arg16[%swap3A_443, %swap3A_444], %add3A_441 {add = true, strides = array<i32>} : memref<100x304xf32, #tpu.memory_space<vmem>>, vector<16xf32>,
        %add3A_446 = arith.constant 80 : i32
        %add3A_447 = vector.broadcast %add3A_446 : i32 to vector<16xi32>
        %add3A_448 = arith.addi %iota3A, %add3A_447 : vector<16xi32>
        %gather3A_449 = tpu.vector_load_idx %arg8[%and3A_293, %add3A_448] : memref<8x608xi32, #tpu.memory_space<vmem>>[vector<16xi32>, vector<16xi32>], vector<16xi32>,
        %add3A_450 = arith.constant 304 : i32
        %add3A_451 = vector.broadcast %add3A_450 : i32 to vector<16xi32>
        %add3A_452 = arith.addi %add3A_448, %add3A_451 : vector<16xi32>
        %gather3A_453 = tpu.vector_load_idx %arg8[%and3A_293, %add3A_452] : memref<8x608xi32, #tpu.memory_space<vmem>>[vector<16xi32>, vector<16xi32>], vector<16xi32>,
        %gather3A_454 = tpu.vector_load_idx %arg9[%and3A_293, %add3A_448] : memref<8x304xf32, #tpu.memory_space<vmem>>[vector<16xi32>, vector<16xi32>], vector<16xf32>,
        %convert_element_type3A_455 = arith.sitofp %gather3A_449 : vector<16xi32> to vector<16xf32>
        %convert_element_type3A_456 = arith.sitofp %gather3A_453 : vector<16xi32> to vector<16xf32>
        %add3A_457 = arith.constant 1.000000e+00 : f32
        %add3A_458 = vector.broadcast %add3A_457 : f32 to vector<16xf32>
        %add3A_459 = arith.addf %convert_element_type3A_455, %add3A_458 : vector<16xf32>
        %add3A_460 = arith.constant 1.000000e+00 : f32
        %add3A_461 = vector.broadcast %add3A_460 : f32 to vector<16xf32>
        %add3A_462 = arith.addf %convert_element_type3A_456, %add3A_461 : vector<16xf32>
        %sub3A_463 = arith.subf %convert_element_type3A_456, %convert_element_type3A_455 : vector<16xf32>
        %mul3A_464 = arith.mulf %gather3A_454, %sub3A_463 : vector<16xf32>
        %add3A_465 = arith.addf %convert_element_type3A_455, %mul3A_464 : vector<16xf32>
        %sub3A_466 = arith.subf %add3A_462, %add3A_459 : vector<16xf32>
        %mul3A_467 = arith.mulf %gather3A_454, %sub3A_466 : vector<16xf32>
        %add3A_468 = arith.addf %add3A_459, %mul3A_467 : vector<16xf32>
        %mul3A_469 = arith.mulf %gather3A_274, %add3A_465 : vector<16xf32>
        %mul3A_470 = arith.mulf %gather3A_275, %add3A_468 : vector<16xf32>
        %add3A_471 = arith.addf %mul3A_469, %mul3A_470 : vector<16xf32>
        %swap3A_472 = arith.constant 0 : i32
        %swap3A_473 = arith.index_cast %swap3A_472 : i32 to index
        %swap3A_474 = arith.constant 80 : index
        %swap3A_475 = tpu.vector_load %arg16[%swap3A_473, %swap3A_474] {strides = array<i32>} : memref<100x304xf32, #tpu.memory_space<vmem>>, vector<16xf32>,
        tpu.vector_store %arg16[%swap3A_473, %swap3A_474], %add3A_471 {add = true, strides = array<i32>} : memref<100x304xf32, #tpu.memory_space<vmem>>, vector<16xf32>,
        %add3A_476 = arith.constant 96 : i32
        %add3A_477 = vector.broadcast %add3A_476 : i32 to vector<16xi32>
        %add3A_478 = arith.addi %iota3A, %add3A_477 : vector<16xi32>
        %gather3A_479 = tpu.vector_load_idx %arg8[%and3A_293, %add3A_478] : memref<8x608xi32, #tpu.memory_space<vmem>>[vector<16xi32>, vector<16xi32>], vector<16xi32>,
        %add3A_480 = arith.constant 304 : i32
        %add3A_481 = vector.broadcast %add3A_480 : i32 to vector<16xi32>
        %add3A_482 = arith.addi %add3A_478, %add3A_481 : vector<16xi32>
        %gather3A_483 = tpu.vector_load_idx %arg8[%and3A_293, %add3A_482] : memref<8x608xi32, #tpu.memory_space<vmem>>[vector<16xi32>, vector<16xi32>], vector<16xi32>,
        %gather3A_484 = tpu.vector_load_idx %arg9[%and3A_293, %add3A_478] : memref<8x304xf32, #tpu.memory_space<vmem>>[vector<16xi32>, vector<16xi32>], vector<16xf32>,
        %convert_element_type3A_485 = arith.sitofp %gather3A_479 : vector<16xi32> to vector<16xf32>
        %convert_element_type3A_486 = arith.sitofp %gather3A_483 : vector<16xi32> to vector<16xf32>
        %add3A_487 = arith.constant 1.000000e+00 : f32
        %add3A_488 = vector.broadcast %add3A_487 : f32 to vector<16xf32>
        %add3A_489 = arith.addf %convert_element_type3A_485, %add3A_488 : vector<16xf32>
        %add3A_490 = arith.constant 1.000000e+00 : f32
        %add3A_491 = vector.broadcast %add3A_490 : f32 to vector<16xf32>
        %add3A_492 = arith.addf %convert_element_type3A_486, %add3A_491 : vector<16xf32>
        %sub3A_493 = arith.subf %convert_element_type3A_486, %convert_element_type3A_485 : vector<16xf32>
        %mul3A_494 = arith.mulf %gather3A_484, %sub3A_493 : vector<16xf32>
        %add3A_495 = arith.addf %convert_element_type3A_485, %mul3A_494 : vector<16xf32>
        %sub3A_496 = arith.subf %add3A_492, %add3A_489 : vector<16xf32>
        %mul3A_497 = arith.mulf %gather3A_484, %sub3A_496 : vector<16xf32>
        %add3A_498 = arith.addf %add3A_489, %mul3A_497 : vector<16xf32>
        %mul3A_499 = arith.mulf %gather3A_274, %add3A_495 : vector<16xf32>
        %mul3A_500 = arith.mulf %gather3A_275, %add3A_498 : vector<16xf32>
        %add3A_501 = arith.addf %mul3A_499, %mul3A_500 : vector<16xf32>
        %swap3A_502 = arith.constant 0 : i32
        %swap3A_503 = arith.index_cast %swap3A_502 : i32 to index
        %swap3A_504 = arith.constant 96 : index
        %swap3A_505 = tpu.vector_load %arg16[%swap3A_503, %swap3A_504] {strides = array<i32>} : memref<100x304xf32, #tpu.memory_space<vmem>>, vector<16xf32>,
        tpu.vector_store %arg16[%swap3A_503, %swap3A_504], %add3A_501 {add = true, strides = array<i32>} : memref<100x304xf32, #tpu.memory_space<vmem>>, vector<16xf32>,
        %add3A_506 = arith.constant 112 : i32
        %add3A_507 = vector.broadcast %add3A_506 : i32 to vector<16xi32>
        %add3A_508 = arith.addi %iota3A, %add3A_507 : vector<16xi32>
        %gather3A_509 = tpu.vector_load_idx %arg8[%and3A_293, %add3A_508] : memref<8x608xi32, #tpu.memory_space<vmem>>[vector<16xi32>, vector<16xi32>], vector<16xi32>,
        %add3A_510 = arith.constant 304 : i32
        %add3A_511 = vector.broadcast %add3A_510 : i32 to vector<16xi32>
        %add3A_512 = arith.addi %add3A_508, %add3A_511 : vector<16xi32>
        %gather3A_513 = tpu.vector_load_idx %arg8[%and3A_293, %add3A_512] : memref<8x608xi32, #tpu.memory_space<vmem>>[vector<16xi32>, vector<16xi32>], vector<16xi32>,
        %gather3A_514 = tpu.vector_load_idx %arg9[%and3A_293, %add3A_508] : memref<8x304xf32, #tpu.memory_space<vmem>>[vector<16xi32>, vector<16xi32>], vector<16xf32>,
        %convert_element_type3A_515 = arith.sitofp %gather3A_509 : vector<16xi32> to vector<16xf32>
        %convert_element_type3A_516 = arith.sitofp %gather3A_513 : vector<16xi32> to vector<16xf32>
        %add3A_517 = arith.constant 1.000000e+00 : f32
        %add3A_518 = vector.broadcast %add3A_517 : f32 to vector<16xf32>
        %add3A_519 = arith.addf %convert_element_type3A_515, %add3A_518 : vector<16xf32>
        %add3A_520 = arith.constant 1.000000e+00 : f32
        %add3A_521 = vector.broadcast %add3A_520 : f32 to vector<16xf32>
        %add3A_522 = arith.addf %convert_element_type3A_516, %add3A_521 : vector<16xf32>
        %sub3A_523 = arith.subf %convert_element_type3A_516, %convert_element_type3A_515 : vector<16xf32>
        %mul3A_524 = arith.mulf %gather3A_514, %sub3A_523 : vector<16xf32>
        %add3A_525 = arith.addf %convert_element_type3A_515, %mul3A_524 : vector<16xf32>
        %sub3A_526 = arith.subf %add3A_522, %add3A_519 : vector<16xf32>
        %mul3A_527 = arith.mulf %gather3A_514, %sub3A_526 : vector<16xf32>
        %add3A_528 = arith.addf %add3A_519, %mul3A_527 : vector<16xf32>
        %mul3A_529 = arith.mulf %gather3A_274, %add3A_525 : vector<16xf32>
        %mul3A_530 = arith.mulf %gather3A_275, %add3A_528 : vector<16xf32>
        %add3A_531 = arith.addf %mul3A_529, %mul3A_530 : vector<16xf32>
        %swap3A_532 = arith.constant 0 : i32
        %swap3A_533 = arith.index_cast %swap3A_532 : i32 to index
        %swap3A_534 = arith.constant 112 : index
        %swap3A_535 = tpu.vector_load %arg16[%swap3A_533, %swap3A_534] {strides = array<i32>} : memref<100x304xf32, #tpu.memory_space<vmem>>, vector<16xf32>,
        tpu.vector_store %arg16[%swap3A_533, %swap3A_534], %add3A_531 {add = true, strides = array<i32>} : memref<100x304xf32, #tpu.memory_space<vmem>>, vector<16xf32>,
        %add3A_536 = arith.constant 128 : i32
        %add3A_537 = vector.broadcast %add3A_536 : i32 to vector<16xi32>
        %add3A_538 = arith.addi %iota3A, %add3A_537 : vector<16xi32>
        %gather3A_539 = tpu.vector_load_idx %arg8[%and3A_293, %add3A_538] : memref<8x608xi32, #tpu.memory_space<vmem>>[vector<16xi32>, vector<16xi32>], vector<16xi32>,
        %add3A_540 = arith.constant 304 : i32
        %add3A_541 = vector.broadcast %add3A_540 : i32 to vector<16xi32>
        %add3A_542 = arith.addi %add3A_538, %add3A_541 : vector<16xi32>
        %gather3A_543 = tpu.vector_load_idx %arg8[%and3A_293, %add3A_542] : memref<8x608xi32, #tpu.memory_space<vmem>>[vector<16xi32>, vector<16xi32>], vector<16xi32>,
        %gather3A_544 = tpu.vector_load_idx %arg9[%and3A_293, %add3A_538] : memref<8x304xf32, #tpu.memory_space<vmem>>[vector<16xi32>, vector<16xi32>], vector<16xf32>,
        %convert_element_type3A_545 = arith.sitofp %gather3A_539 : vector<16xi32> to vector<16xf32>
        %convert_element_type3A_546 = arith.sitofp %gather3A_543 : vector<16xi32> to vector<16xf32>
        %add3A_547 = arith.constant 1.000000e+00 : f32
        %add3A_548 = vector.broadcast %add3A_547 : f32 to vector<16xf32>
        %add3A_549 = arith.addf %convert_element_type3A_545, %add3A_548 : vector<16xf32>
        %add3A_550 = arith.constant 1.000000e+00 : f32
        %add3A_551 = vector.broadcast %add3A_550 : f32 to vector<16xf32>
        %add3A_552 = arith.addf %convert_element_type3A_546, %add3A_551 : vector<16xf32>
        %sub3A_553 = arith.subf %convert_element_type3A_546, %convert_element_type3A_545 : vector<16xf32>
        %mul3A_554 = arith.mulf %gather3A_544, %sub3A_553 : vector<16xf32>
        %add3A_555 = arith.addf %convert_element_type3A_545, %mul3A_554 : vector<16xf32>
        %sub3A_556 = arith.subf %add3A_552, %add3A_549 : vector<16xf32>
        %mul3A_557 = arith.mulf %gather3A_544, %sub3A_556 : vector<16xf32>
        %add3A_558 = arith.addf %add3A_549, %mul3A_557 : vector<16xf32>
        %mul3A_559 = arith.mulf %gather3A_274, %add3A_555 : vector<16xf32>
        %mul3A_560 = arith.mulf %gather3A_275, %add3A_558 : vector<16xf32>
        %add3A_561 = arith.addf %mul3A_559, %mul3A_560 : vector<16xf32>
        %swap3A_562 = arith.constant 0 : i32
        %swap3A_563 = arith.index_cast %swap3A_562 : i32 to index
        %swap3A_564 = arith.constant 128 : index
        %swap3A_565 = tpu.vector_load %arg16[%swap3A_563, %swap3A_564] {strides = array<i32>} : memref<100x304xf32, #tpu.memory_space<vmem>>, vector<16xf32>,
        tpu.vector_store %arg16[%swap3A_563, %swap3A_564], %add3A_561 {add = true, strides = array<i32>} : memref<100x304xf32, #tpu.memory_space<vmem>>, vector<16xf32>,
        %add3A_566 = arith.constant 144 : i32
        %add3A_567 = vector.broadcast %add3A_566 : i32 to vector<16xi32>
        %add3A_568 = arith.addi %iota3A, %add3A_567 : vector<16xi32>
        %gather3A_569 = tpu.vector_load_idx %arg8[%and3A_293, %add3A_568] : memref<8x608xi32, #tpu.memory_space<vmem>>[vector<16xi32>, vector<16xi32>], vector<16xi32>,
        %add3A_570 = arith.constant 304 : i32
        %add3A_571 = vector.broadcast %add3A_570 : i32 to vector<16xi32>
        %add3A_572 = arith.addi %add3A_568, %add3A_571 : vector<16xi32>
        %gather3A_573 = tpu.vector_load_idx %arg8[%and3A_293, %add3A_572] : memref<8x608xi32, #tpu.memory_space<vmem>>[vector<16xi32>, vector<16xi32>], vector<16xi32>,
        %gather3A_574 = tpu.vector_load_idx %arg9[%and3A_293, %add3A_568] : memref<8x304xf32, #tpu.memory_space<vmem>>[vector<16xi32>, vector<16xi32>], vector<16xf32>,
        %convert_element_type3A_575 = arith.sitofp %gather3A_569 : vector<16xi32> to vector<16xf32>
        %convert_element_type3A_576 = arith.sitofp %gather3A_573 : vector<16xi32> to vector<16xf32>
        %add3A_577 = arith.constant 1.000000e+00 : f32
        %add3A_578 = vector.broadcast %add3A_577 : f32 to vector<16xf32>
        %add3A_579 = arith.addf %convert_element_type3A_575, %add3A_578 : vector<16xf32>
        %add3A_580 = arith.constant 1.000000e+00 : f32
        %add3A_581 = vector.broadcast %add3A_580 : f32 to vector<16xf32>
        %add3A_582 = arith.addf %convert_element_type3A_576, %add3A_581 : vector<16xf32>
        %sub3A_583 = arith.subf %convert_element_type3A_576, %convert_element_type3A_575 : vector<16xf32>
        %mul3A_584 = arith.mulf %gather3A_574, %sub3A_583 : vector<16xf32>
        %add3A_585 = arith.addf %convert_element_type3A_575, %mul3A_584 : vector<16xf32>
        %sub3A_586 = arith.subf %add3A_582, %add3A_579 : vector<16xf32>
        %mul3A_587 = arith.mulf %gather3A_574, %sub3A_586 : vector<16xf32>
        %add3A_588 = arith.addf %add3A_579, %mul3A_587 : vector<16xf32>
        %mul3A_589 = arith.mulf %gather3A_274, %add3A_585 : vector<16xf32>
        %mul3A_590 = arith.mulf %gather3A_275, %add3A_588 : vector<16xf32>
        %add3A_591 = arith.addf %mul3A_589, %mul3A_590 : vector<16xf32>
        %swap3A_592 = arith.constant 0 : i32
        %swap3A_593 = arith.index_cast %swap3A_592 : i32 to index
        %swap3A_594 = arith.constant 144 : index
        %swap3A_595 = tpu.vector_load %arg16[%swap3A_593, %swap3A_594] {strides = array<i32>} : memref<100x304xf32, #tpu.memory_space<vmem>>, vector<16xf32>,
        tpu.vector_store %arg16[%swap3A_593, %swap3A_594], %add3A_591 {add = true, strides = array<i32>} : memref<100x304xf32, #tpu.memory_space<vmem>>, vector<16xf32>,
        %add3A_596 = arith.constant 160 : i32
        %add3A_597 = vector.broadcast %add3A_596 : i32 to vector<16xi32>
        %add3A_598 = arith.addi %iota3A, %add3A_597 : vector<16xi32>
        %gather3A_599 = tpu.vector_load_idx %arg8[%and3A_293, %add3A_598] : memref<8x608xi32, #tpu.memory_space<vmem>>[vector<16xi32>, vector<16xi32>], vector<16xi32>,
        %add3A_600 = arith.constant 304 : i32
        %add3A_601 = vector.broadcast %add3A_600 : i32 to vector<16xi32>
        %add3A_602 = arith.addi %add3A_598, %add3A_601 : vector<16xi32>
        %gather3A_603 = tpu.vector_load_idx %arg8[%and3A_293, %add3A_602] : memref<8x608xi32, #tpu.memory_space<vmem>>[vector<16xi32>, vector<16xi32>], vector<16xi32>,
        %gather3A_604 = tpu.vector_load_idx %arg9[%and3A_293, %add3A_598] : memref<8x304xf32, #tpu.memory_space<vmem>>[vector<16xi32>, vector<16xi32>], vector<16xf32>,
        %convert_element_type3A_605 = arith.sitofp %gather3A_599 : vector<16xi32> to vector<16xf32>
        %convert_element_type3A_606 = arith.sitofp %gather3A_603 : vector<16xi32> to vector<16xf32>
        %add3A_607 = arith.constant 1.000000e+00 : f32
        %add3A_608 = vector.broadcast %add3A_607 : f32 to vector<16xf32>
        %add3A_609 = arith.addf %convert_element_type3A_605, %add3A_608 : vector<16xf32>
        %add3A_610 = arith.constant 1.000000e+00 : f32
        %add3A_611 = vector.broadcast %add3A_610 : f32 to vector<16xf32>
        %add3A_612 = arith.addf %convert_element_type3A_606, %add3A_611 : vector<16xf32>
        %sub3A_613 = arith.subf %convert_element_type3A_606, %convert_element_type3A_605 : vector<16xf32>
        %mul3A_614 = arith.mulf %gather3A_604, %sub3A_613 : vector<16xf32>
        %add3A_615 = arith.addf %convert_element_type3A_605, %mul3A_614 : vector<16xf32>
        %sub3A_616 = arith.subf %add3A_612, %add3A_609 : vector<16xf32>
        %mul3A_617 = arith.mulf %gather3A_604, %sub3A_616 : vector<16xf32>
        %add3A_618 = arith.addf %add3A_609, %mul3A_617 : vector<16xf32>
        %mul3A_619 = arith.mulf %gather3A_274, %add3A_615 : vector<16xf32>
        %mul3A_620 = arith.mulf %gather3A_275, %add3A_618 : vector<16xf32>
        %add3A_621 = arith.addf %mul3A_619, %mul3A_620 : vector<16xf32>
        %swap3A_622 = arith.constant 0 : i32
        %swap3A_623 = arith.index_cast %swap3A_622 : i32 to index
        %swap3A_624 = arith.constant 160 : index
        %swap3A_625 = tpu.vector_load %arg16[%swap3A_623, %swap3A_624] {strides = array<i32>} : memref<100x304xf32, #tpu.memory_space<vmem>>, vector<16xf32>,
        tpu.vector_store %arg16[%swap3A_623, %swap3A_624], %add3A_621 {add = true, strides = array<i32>} : memref<100x304xf32, #tpu.memory_space<vmem>>, vector<16xf32>,
        %add3A_626 = arith.constant 176 : i32
        %add3A_627 = vector.broadcast %add3A_626 : i32 to vector<16xi32>
        %add3A_628 = arith.addi %iota3A, %add3A_627 : vector<16xi32>
        %gather3A_629 = tpu.vector_load_idx %arg8[%and3A_293, %add3A_628] : memref<8x608xi32, #tpu.memory_space<vmem>>[vector<16xi32>, vector<16xi32>], vector<16xi32>,
        %add3A_630 = arith.constant 304 : i32
        %add3A_631 = vector.broadcast %add3A_630 : i32 to vector<16xi32>
        %add3A_632 = arith.addi %add3A_628, %add3A_631 : vector<16xi32>
        %gather3A_633 = tpu.vector_load_idx %arg8[%and3A_293, %add3A_632] : memref<8x608xi32, #tpu.memory_space<vmem>>[vector<16xi32>, vector<16xi32>], vector<16xi32>,
        %gather3A_634 = tpu.vector_load_idx %arg9[%and3A_293, %add3A_628] : memref<8x304xf32, #tpu.memory_space<vmem>>[vector<16xi32>, vector<16xi32>], vector<16xf32>,
        %convert_element_type3A_635 = arith.sitofp %gather3A_629 : vector<16xi32> to vector<16xf32>
        %convert_element_type3A_636 = arith.sitofp %gather3A_633 : vector<16xi32> to vector<16xf32>
        %add3A_637 = arith.constant 1.000000e+00 : f32
        %add3A_638 = vector.broadcast %add3A_637 : f32 to vector<16xf32>
        %add3A_639 = arith.addf %convert_element_type3A_635, %add3A_638 : vector<16xf32>
        %add3A_640 = arith.constant 1.000000e+00 : f32
        %add3A_641 = vector.broadcast %add3A_640 : f32 to vector<16xf32>
        %add3A_642 = arith.addf %convert_element_type3A_636, %add3A_641 : vector<16xf32>
        %sub3A_643 = arith.subf %convert_element_type3A_636, %convert_element_type3A_635 : vector<16xf32>
        %mul3A_644 = arith.mulf %gather3A_634, %sub3A_643 : vector<16xf32>
        %add3A_645 = arith.addf %convert_element_type3A_635, %mul3A_644 : vector<16xf32>
        %sub3A_646 = arith.subf %add3A_642, %add3A_639 : vector<16xf32>
        %mul3A_647 = arith.mulf %gather3A_634, %sub3A_646 : vector<16xf32>
        %add3A_648 = arith.addf %add3A_639, %mul3A_647 : vector<16xf32>
        %mul3A_649 = arith.mulf %gather3A_274, %add3A_645 : vector<16xf32>
        %mul3A_650 = arith.mulf %gather3A_275, %add3A_648 : vector<16xf32>
        %add3A_651 = arith.addf %mul3A_649, %mul3A_650 : vector<16xf32>
        %swap3A_652 = arith.constant 0 : i32
        %swap3A_653 = arith.index_cast %swap3A_652 : i32 to index
        %swap3A_654 = arith.constant 176 : index
        %swap3A_655 = tpu.vector_load %arg16[%swap3A_653, %swap3A_654] {strides = array<i32>} : memref<100x304xf32, #tpu.memory_space<vmem>>, vector<16xf32>,
        tpu.vector_store %arg16[%swap3A_653, %swap3A_654], %add3A_651 {add = true, strides = array<i32>} : memref<100x304xf32, #tpu.memory_space<vmem>>, vector<16xf32>,
        %add3A_656 = arith.constant 192 : i32
        %add3A_657 = vector.broadcast %add3A_656 : i32 to vector<16xi32>
        %add3A_658 = arith.addi %iota3A, %add3A_657 : vector<16xi32>
        %gather3A_659 = tpu.vector_load_idx %arg8[%and3A_293, %add3A_658] : memref<8x608xi32, #tpu.memory_space<vmem>>[vector<16xi32>, vector<16xi32>], vector<16xi32>,
        %add3A_660 = arith.constant 304 : i32
        %add3A_661 = vector.broadcast %add3A_660 : i32 to vector<16xi32>
        %add3A_662 = arith.addi %add3A_658, %add3A_661 : vector<16xi32>
        %gather3A_663 = tpu.vector_load_idx %arg8[%and3A_293, %add3A_662] : memref<8x608xi32, #tpu.memory_space<vmem>>[vector<16xi32>, vector<16xi32>], vector<16xi32>,
        %gather3A_664 = tpu.vector_load_idx %arg9[%and3A_293, %add3A_658] : memref<8x304xf32, #tpu.memory_space<vmem>>[vector<16xi32>, vector<16xi32>], vector<16xf32>,
        %convert_element_type3A_665 = arith.sitofp %gather3A_659 : vector<16xi32> to vector<16xf32>
        %convert_element_type3A_666 = arith.sitofp %gather3A_663 : vector<16xi32> to vector<16xf32>
        %add3A_667 = arith.constant 1.000000e+00 : f32
        %add3A_668 = vector.broadcast %add3A_667 : f32 to vector<16xf32>
        %add3A_669 = arith.addf %convert_element_type3A_665, %add3A_668 : vector<16xf32>
        %add3A_670 = arith.constant 1.000000e+00 : f32
        %add3A_671 = vector.broadcast %add3A_670 : f32 to vector<16xf32>
        %add3A_672 = arith.addf %convert_element_type3A_666, %add3A_671 : vector<16xf32>
        %sub3A_673 = arith.subf %convert_element_type3A_666, %convert_element_type3A_665 : vector<16xf32>
        %mul3A_674 = arith.mulf %gather3A_664, %sub3A_673 : vector<16xf32>
        %add3A_675 = arith.addf %convert_element_type3A_665, %mul3A_674 : vector<16xf32>
        %sub3A_676 = arith.subf %add3A_672, %add3A_669 : vector<16xf32>
        %mul3A_677 = arith.mulf %gather3A_664, %sub3A_676 : vector<16xf32>
        %add3A_678 = arith.addf %add3A_669, %mul3A_677 : vector<16xf32>
        %mul3A_679 = arith.mulf %gather3A_274, %add3A_675 : vector<16xf32>
        %mul3A_680 = arith.mulf %gather3A_275, %add3A_678 : vector<16xf32>
        %add3A_681 = arith.addf %mul3A_679, %mul3A_680 : vector<16xf32>
        %swap3A_682 = arith.constant 0 : i32
        %swap3A_683 = arith.index_cast %swap3A_682 : i32 to index
        %swap3A_684 = arith.constant 192 : index
        %swap3A_685 = tpu.vector_load %arg16[%swap3A_683, %swap3A_684] {strides = array<i32>} : memref<100x304xf32, #tpu.memory_space<vmem>>, vector<16xf32>,
        tpu.vector_store %arg16[%swap3A_683, %swap3A_684], %add3A_681 {add = true, strides = array<i32>} : memref<100x304xf32, #tpu.memory_space<vmem>>, vector<16xf32>,
        %add3A_686 = arith.constant 208 : i32
        %add3A_687 = vector.broadcast %add3A_686 : i32 to vector<16xi32>
        %add3A_688 = arith.addi %iota3A, %add3A_687 : vector<16xi32>
        %gather3A_689 = tpu.vector_load_idx %arg8[%and3A_293, %add3A_688] : memref<8x608xi32, #tpu.memory_space<vmem>>[vector<16xi32>, vector<16xi32>], vector<16xi32>,
        %add3A_690 = arith.constant 304 : i32
        %add3A_691 = vector.broadcast %add3A_690 : i32 to vector<16xi32>
        %add3A_692 = arith.addi %add3A_688, %add3A_691 : vector<16xi32>
        %gather3A_693 = tpu.vector_load_idx %arg8[%and3A_293, %add3A_692] : memref<8x608xi32, #tpu.memory_space<vmem>>[vector<16xi32>, vector<16xi32>], vector<16xi32>,
        %gather3A_694 = tpu.vector_load_idx %arg9[%and3A_293, %add3A_688] : memref<8x304xf32, #tpu.memory_space<vmem>>[vector<16xi32>, vector<16xi32>], vector<16xf32>,
        %convert_element_type3A_695 = arith.sitofp %gather3A_689 : vector<16xi32> to vector<16xf32>
        %convert_element_type3A_696 = arith.sitofp %gather3A_693 : vector<16xi32> to vector<16xf32>
        %add3A_697 = arith.constant 1.000000e+00 : f32
        %add3A_698 = vector.broadcast %add3A_697 : f32 to vector<16xf32>
        %add3A_699 = arith.addf %convert_element_type3A_695, %add3A_698 : vector<16xf32>
        %add3A_700 = arith.constant 1.000000e+00 : f32
        %add3A_701 = vector.broadcast %add3A_700 : f32 to vector<16xf32>
        %add3A_702 = arith.addf %convert_element_type3A_696, %add3A_701 : vector<16xf32>
        %sub3A_703 = arith.subf %convert_element_type3A_696, %convert_element_type3A_695 : vector<16xf32>
        %mul3A_704 = arith.mulf %gather3A_694, %sub3A_703 : vector<16xf32>
        %add3A_705 = arith.addf %convert_element_type3A_695, %mul3A_704 : vector<16xf32>
        %sub3A_706 = arith.subf %add3A_702, %add3A_699 : vector<16xf32>
        %mul3A_707 = arith.mulf %gather3A_694, %sub3A_706 : vector<16xf32>
        %add3A_708 = arith.addf %add3A_699, %mul3A_707 : vector<16xf32>
        %mul3A_709 = arith.mulf %gather3A_274, %add3A_705 : vector<16xf32>
        %mul3A_710 = arith.mulf %gather3A_275, %add3A_708 : vector<16xf32>
        %add3A_711 = arith.addf %mul3A_709, %mul3A_710 : vector<16xf32>
        %swap3A_712 = arith.constant 0 : i32
        %swap3A_713 = arith.index_cast %swap3A_712 : i32 to index
        %swap3A_714 = arith.constant 208 : index
        %swap3A_715 = tpu.vector_load %arg16[%swap3A_713, %swap3A_714] {strides = array<i32>} : memref<100x304xf32, #tpu.memory_space<vmem>>, vector<16xf32>,
        tpu.vector_store %arg16[%swap3A_713, %swap3A_714], %add3A_711 {add = true, strides = array<i32>} : memref<100x304xf32, #tpu.memory_space<vmem>>, vector<16xf32>,
        %add3A_716 = arith.constant 224 : i32
        %add3A_717 = vector.broadcast %add3A_716 : i32 to vector<16xi32>
        %add3A_718 = arith.addi %iota3A, %add3A_717 : vector<16xi32>
        %gather3A_719 = tpu.vector_load_idx %arg8[%and3A_293, %add3A_718] : memref<8x608xi32, #tpu.memory_space<vmem>>[vector<16xi32>, vector<16xi32>], vector<16xi32>,
        %add3A_720 = arith.constant 304 : i32
        %add3A_721 = vector.broadcast %add3A_720 : i32 to vector<16xi32>
        %add3A_722 = arith.addi %add3A_718, %add3A_721 : vector<16xi32>
        %gather3A_723 = tpu.vector_load_idx %arg8[%and3A_293, %add3A_722] : memref<8x608xi32, #tpu.memory_space<vmem>>[vector<16xi32>, vector<16xi32>], vector<16xi32>,
        %gather3A_724 = tpu.vector_load_idx %arg9[%and3A_293, %add3A_718] : memref<8x304xf32, #tpu.memory_space<vmem>>[vector<16xi32>, vector<16xi32>], vector<16xf32>,
        %convert_element_type3A_725 = arith.sitofp %gather3A_719 : vector<16xi32> to vector<16xf32>
        %convert_element_type3A_726 = arith.sitofp %gather3A_723 : vector<16xi32> to vector<16xf32>
        %add3A_727 = arith.constant 1.000000e+00 : f32
        %add3A_728 = vector.broadcast %add3A_727 : f32 to vector<16xf32>
        %add3A_729 = arith.addf %convert_element_type3A_725, %add3A_728 : vector<16xf32>
        %add3A_730 = arith.constant 1.000000e+00 : f32
        %add3A_731 = vector.broadcast %add3A_730 : f32 to vector<16xf32>
        %add3A_732 = arith.addf %convert_element_type3A_726, %add3A_731 : vector<16xf32>
        %sub3A_733 = arith.subf %convert_element_type3A_726, %convert_element_type3A_725 : vector<16xf32>
        %mul3A_734 = arith.mulf %gather3A_724, %sub3A_733 : vector<16xf32>
        %add3A_735 = arith.addf %convert_element_type3A_725, %mul3A_734 : vector<16xf32>
        %sub3A_736 = arith.subf %add3A_732, %add3A_729 : vector<16xf32>
        %mul3A_737 = arith.mulf %gather3A_724, %sub3A_736 : vector<16xf32>
        %add3A_738 = arith.addf %add3A_729, %mul3A_737 : vector<16xf32>
        %mul3A_739 = arith.mulf %gather3A_274, %add3A_735 : vector<16xf32>
        %mul3A_740 = arith.mulf %gather3A_275, %add3A_738 : vector<16xf32>
        %add3A_741 = arith.addf %mul3A_739, %mul3A_740 : vector<16xf32>
        %swap3A_742 = arith.constant 0 : i32
        %swap3A_743 = arith.index_cast %swap3A_742 : i32 to index
        %swap3A_744 = arith.constant 224 : index
        %swap3A_745 = tpu.vector_load %arg16[%swap3A_743, %swap3A_744] {strides = array<i32>} : memref<100x304xf32, #tpu.memory_space<vmem>>, vector<16xf32>,
        tpu.vector_store %arg16[%swap3A_743, %swap3A_744], %add3A_741 {add = true, strides = array<i32>} : memref<100x304xf32, #tpu.memory_space<vmem>>, vector<16xf32>,
        %add3A_746 = arith.constant 240 : i32
        %add3A_747 = vector.broadcast %add3A_746 : i32 to vector<16xi32>
        %add3A_748 = arith.addi %iota3A, %add3A_747 : vector<16xi32>
        %gather3A_749 = tpu.vector_load_idx %arg8[%and3A_293, %add3A_748] : memref<8x608xi32, #tpu.memory_space<vmem>>[vector<16xi32>, vector<16xi32>], vector<16xi32>,
        %add3A_750 = arith.constant 304 : i32
        %add3A_751 = vector.broadcast %add3A_750 : i32 to vector<16xi32>
        %add3A_752 = arith.addi %add3A_748, %add3A_751 : vector<16xi32>
        %gather3A_753 = tpu.vector_load_idx %arg8[%and3A_293, %add3A_752] : memref<8x608xi32, #tpu.memory_space<vmem>>[vector<16xi32>, vector<16xi32>], vector<16xi32>,
        %gather3A_754 = tpu.vector_load_idx %arg9[%and3A_293, %add3A_748] : memref<8x304xf32, #tpu.memory_space<vmem>>[vector<16xi32>, vector<16xi32>], vector<16xf32>,
        %convert_element_type3A_755 = arith.sitofp %gather3A_749 : vector<16xi32> to vector<16xf32>
        %convert_element_type3A_756 = arith.sitofp %gather3A_753 : vector<16xi32> to vector<16xf32>
        %add3A_757 = arith.constant 1.000000e+00 : f32
        %add3A_758 = vector.broadcast %add3A_757 : f32 to vector<16xf32>
        %add3A_759 = arith.addf %convert_element_type3A_755, %add3A_758 : vector<16xf32>
        %add3A_760 = arith.constant 1.000000e+00 : f32
        %add3A_761 = vector.broadcast %add3A_760 : f32 to vector<16xf32>
        %add3A_762 = arith.addf %convert_element_type3A_756, %add3A_761 : vector<16xf32>
        %sub3A_763 = arith.subf %convert_element_type3A_756, %convert_element_type3A_755 : vector<16xf32>
        %mul3A_764 = arith.mulf %gather3A_754, %sub3A_763 : vector<16xf32>
        %add3A_765 = arith.addf %convert_element_type3A_755, %mul3A_764 : vector<16xf32>
        %sub3A_766 = arith.subf %add3A_762, %add3A_759 : vector<16xf32>
        %mul3A_767 = arith.mulf %gather3A_754, %sub3A_766 : vector<16xf32>
        %add3A_768 = arith.addf %add3A_759, %mul3A_767 : vector<16xf32>
        %mul3A_769 = arith.mulf %gather3A_274, %add3A_765 : vector<16xf32>
        %mul3A_770 = arith.mulf %gather3A_275, %add3A_768 : vector<16xf32>
        %add3A_771 = arith.addf %mul3A_769, %mul3A_770 : vector<16xf32>
        %swap3A_772 = arith.constant 0 : i32
        %swap3A_773 = arith.index_cast %swap3A_772 : i32 to index
        %swap3A_774 = arith.constant 240 : index
        %swap3A_775 = tpu.vector_load %arg16[%swap3A_773, %swap3A_774] {strides = array<i32>} : memref<100x304xf32, #tpu.memory_space<vmem>>, vector<16xf32>,
        tpu.vector_store %arg16[%swap3A_773, %swap3A_774], %add3A_771 {add = true, strides = array<i32>} : memref<100x304xf32, #tpu.memory_space<vmem>>, vector<16xf32>,
        %add3A_776 = arith.constant 256 : i32
        %add3A_777 = vector.broadcast %add3A_776 : i32 to vector<16xi32>
        %add3A_778 = arith.addi %iota3A, %add3A_777 : vector<16xi32>
        %gather3A_779 = tpu.vector_load_idx %arg8[%and3A_293, %add3A_778] : memref<8x608xi32, #tpu.memory_space<vmem>>[vector<16xi32>, vector<16xi32>], vector<16xi32>,
        %add3A_780 = arith.constant 304 : i32
        %add3A_781 = vector.broadcast %add3A_780 : i32 to vector<16xi32>
        %add3A_782 = arith.addi %add3A_778, %add3A_781 : vector<16xi32>
        %gather3A_783 = tpu.vector_load_idx %arg8[%and3A_293, %add3A_782] : memref<8x608xi32, #tpu.memory_space<vmem>>[vector<16xi32>, vector<16xi32>], vector<16xi32>,
        %gather3A_784 = tpu.vector_load_idx %arg9[%and3A_293, %add3A_778] : memref<8x304xf32, #tpu.memory_space<vmem>>[vector<16xi32>, vector<16xi32>], vector<16xf32>,
        %convert_element_type3A_785 = arith.sitofp %gather3A_779 : vector<16xi32> to vector<16xf32>
        %convert_element_type3A_786 = arith.sitofp %gather3A_783 : vector<16xi32> to vector<16xf32>
        %add3A_787 = arith.constant 1.000000e+00 : f32
        %add3A_788 = vector.broadcast %add3A_787 : f32 to vector<16xf32>
        %add3A_789 = arith.addf %convert_element_type3A_785, %add3A_788 : vector<16xf32>
        %add3A_790 = arith.constant 1.000000e+00 : f32
        %add3A_791 = vector.broadcast %add3A_790 : f32 to vector<16xf32>
        %add3A_792 = arith.addf %convert_element_type3A_786, %add3A_791 : vector<16xf32>
        %sub3A_793 = arith.subf %convert_element_type3A_786, %convert_element_type3A_785 : vector<16xf32>
        %mul3A_794 = arith.mulf %gather3A_784, %sub3A_793 : vector<16xf32>
        %add3A_795 = arith.addf %convert_element_type3A_785, %mul3A_794 : vector<16xf32>
        %sub3A_796 = arith.subf %add3A_792, %add3A_789 : vector<16xf32>
        %mul3A_797 = arith.mulf %gather3A_784, %sub3A_796 : vector<16xf32>
        %add3A_798 = arith.addf %add3A_789, %mul3A_797 : vector<16xf32>
        %mul3A_799 = arith.mulf %gather3A_274, %add3A_795 : vector<16xf32>
        %mul3A_800 = arith.mulf %gather3A_275, %add3A_798 : vector<16xf32>
        %add3A_801 = arith.addf %mul3A_799, %mul3A_800 : vector<16xf32>
        %swap3A_802 = arith.constant 0 : i32
        %swap3A_803 = arith.index_cast %swap3A_802 : i32 to index
        %swap3A_804 = arith.constant 256 : index
        %swap3A_805 = tpu.vector_load %arg16[%swap3A_803, %swap3A_804] {strides = array<i32>} : memref<100x304xf32, #tpu.memory_space<vmem>>, vector<16xf32>,
        tpu.vector_store %arg16[%swap3A_803, %swap3A_804], %add3A_801 {add = true, strides = array<i32>} : memref<100x304xf32, #tpu.memory_space<vmem>>, vector<16xf32>,
        %add3A_806 = arith.constant 272 : i32
        %add3A_807 = vector.broadcast %add3A_806 : i32 to vector<16xi32>
        %add3A_808 = arith.addi %iota3A, %add3A_807 : vector<16xi32>
        %gather3A_809 = tpu.vector_load_idx %arg8[%and3A_293, %add3A_808] : memref<8x608xi32, #tpu.memory_space<vmem>>[vector<16xi32>, vector<16xi32>], vector<16xi32>,
        %add3A_810 = arith.constant 304 : i32
        %add3A_811 = vector.broadcast %add3A_810 : i32 to vector<16xi32>
        %add3A_812 = arith.addi %add3A_808, %add3A_811 : vector<16xi32>
        %gather3A_813 = tpu.vector_load_idx %arg8[%and3A_293, %add3A_812] : memref<8x608xi32, #tpu.memory_space<vmem>>[vector<16xi32>, vector<16xi32>], vector<16xi32>,
        %gather3A_814 = tpu.vector_load_idx %arg9[%and3A_293, %add3A_808] : memref<8x304xf32, #tpu.memory_space<vmem>>[vector<16xi32>, vector<16xi32>], vector<16xf32>,
        %convert_element_type3A_815 = arith.sitofp %gather3A_809 : vector<16xi32> to vector<16xf32>
        %convert_element_type3A_816 = arith.sitofp %gather3A_813 : vector<16xi32> to vector<16xf32>
        %add3A_817 = arith.constant 1.000000e+00 : f32
        %add3A_818 = vector.broadcast %add3A_817 : f32 to vector<16xf32>
        %add3A_819 = arith.addf %convert_element_type3A_815, %add3A_818 : vector<16xf32>
        %add3A_820 = arith.constant 1.000000e+00 : f32
        %add3A_821 = vector.broadcast %add3A_820 : f32 to vector<16xf32>
        %add3A_822 = arith.addf %convert_element_type3A_816, %add3A_821 : vector<16xf32>
        %sub3A_823 = arith.subf %convert_element_type3A_816, %convert_element_type3A_815 : vector<16xf32>
        %mul3A_824 = arith.mulf %gather3A_814, %sub3A_823 : vector<16xf32>
        %add3A_825 = arith.addf %convert_element_type3A_815, %mul3A_824 : vector<16xf32>
        %sub3A_826 = arith.subf %add3A_822, %add3A_819 : vector<16xf32>
        %mul3A_827 = arith.mulf %gather3A_814, %sub3A_826 : vector<16xf32>
        %add3A_828 = arith.addf %add3A_819, %mul3A_827 : vector<16xf32>
        %mul3A_829 = arith.mulf %gather3A_274, %add3A_825 : vector<16xf32>
        %mul3A_830 = arith.mulf %gather3A_275, %add3A_828 : vector<16xf32>
        %add3A_831 = arith.addf %mul3A_829, %mul3A_830 : vector<16xf32>
        %swap3A_832 = arith.constant 0 : i32
        %swap3A_833 = arith.index_cast %swap3A_832 : i32 to index
        %swap3A_834 = arith.constant 272 : index
        %swap3A_835 = tpu.vector_load %arg16[%swap3A_833, %swap3A_834] {strides = array<i32>} : memref<100x304xf32, #tpu.memory_space<vmem>>, vector<16xf32>,
        tpu.vector_store %arg16[%swap3A_833, %swap3A_834], %add3A_831 {add = true, strides = array<i32>} : memref<100x304xf32, #tpu.memory_space<vmem>>, vector<16xf32>,
        %add3A_836 = arith.constant 288 : i32
        %add3A_837 = vector.broadcast %add3A_836 : i32 to vector<16xi32>
        %add3A_838 = arith.addi %iota3A, %add3A_837 : vector<16xi32>
        %gather3A_839 = tpu.vector_load_idx %arg8[%and3A_293, %add3A_838] : memref<8x608xi32, #tpu.memory_space<vmem>>[vector<16xi32>, vector<16xi32>], vector<16xi32>,
        %add3A_840 = arith.constant 304 : i32
        %add3A_841 = vector.broadcast %add3A_840 : i32 to vector<16xi32>
        %add3A_842 = arith.addi %add3A_838, %add3A_841 : vector<16xi32>
        %gather3A_843 = tpu.vector_load_idx %arg8[%and3A_293, %add3A_842] : memref<8x608xi32, #tpu.memory_space<vmem>>[vector<16xi32>, vector<16xi32>], vector<16xi32>,
        %gather3A_844 = tpu.vector_load_idx %arg9[%and3A_293, %add3A_838] : memref<8x304xf32, #tpu.memory_space<vmem>>[vector<16xi32>, vector<16xi32>], vector<16xf32>,
        %convert_element_type3A_845 = arith.sitofp %gather3A_839 : vector<16xi32> to vector<16xf32>
        %convert_element_type3A_846 = arith.sitofp %gather3A_843 : vector<16xi32> to vector<16xf32>
        %add3A_847 = arith.constant 1.000000e+00 : f32
        %add3A_848 = vector.broadcast %add3A_847 : f32 to vector<16xf32>
        %add3A_849 = arith.addf %convert_element_type3A_845, %add3A_848 : vector<16xf32>
        %add3A_850 = arith.constant 1.000000e+00 : f32
        %add3A_851 = vector.broadcast %add3A_850 : f32 to vector<16xf32>
        %add3A_852 = arith.addf %convert_element_type3A_846, %add3A_851 : vector<16xf32>
        %sub3A_853 = arith.subf %convert_element_type3A_846, %convert_element_type3A_845 : vector<16xf32>
        %mul3A_854 = arith.mulf %gather3A_844, %sub3A_853 : vector<16xf32>
        %add3A_855 = arith.addf %convert_element_type3A_845, %mul3A_854 : vector<16xf32>
        %sub3A_856 = arith.subf %add3A_852, %add3A_849 : vector<16xf32>
        %mul3A_857 = arith.mulf %gather3A_844, %sub3A_856 : vector<16xf32>
        %add3A_858 = arith.addf %add3A_849, %mul3A_857 : vector<16xf32>
        %mul3A_859 = arith.mulf %gather3A_274, %add3A_855 : vector<16xf32>
        %mul3A_860 = arith.mulf %gather3A_275, %add3A_858 : vector<16xf32>
        %add3A_861 = arith.addf %mul3A_859, %mul3A_860 : vector<16xf32>
        %swap3A_862 = arith.constant 0 : i32
        %swap3A_863 = arith.index_cast %swap3A_862 : i32 to index
        %swap3A_864 = arith.constant 288 : index
        %swap3A_865 = tpu.vector_load %arg16[%swap3A_863, %swap3A_864] {strides = array<i32>} : memref<100x304xf32, #tpu.memory_space<vmem>>, vector<16xf32>,
        tpu.vector_store %arg16[%swap3A_863, %swap3A_864], %add3A_861 {add = true, strides = array<i32>} : memref<100x304xf32, #tpu.memory_space<vmem>>, vector<16xf32>,
      }
    }
    %scan3A_189 = arith.constant 16 : i32
    "tpu.region"() ({
      %run_scoped3A_190 = tpu.sem_alloc : memref<!tpu.dma_semaphore, #tpu.memory_space<semaphore_mem>>
      %dma_start3A_191 = arith.constant 0 : i32
      %dma_start3A_192 = arith.constant 0 : i32
      %dma_start3A_193 = tpu.memref_slice %arg7[%add3A, %dma_start3A_191, %dma_start3A_192] : memref<32x100x304xf32, #tpu.memory_space<hbm>> -> memref<1x100x304xf32, #tpu.memory_space<hbm>>
      %dma_start3A_194 = tpu.memref_squeeze %dma_start3A_193 : memref<1x100x304xf32, #tpu.memory_space<hbm>> -> memref<100x304xf32, #tpu.memory_space<hbm>>
      %dma_start3A_195 = arith.constant 0 : i32
      %dma_start3A_196 = arith.constant 0 : i32
      %dma_start3A_197 = tpu.memref_slice %arg7[%add3A, %dma_start3A_195, %dma_start3A_196] : memref<32x100x304xf32, #tpu.memory_space<hbm>> -> memref<1x100x304xf32, #tpu.memory_space<hbm>>
      %dma_start3A_198 = tpu.memref_squeeze %dma_start3A_197 : memref<1x100x304xf32, #tpu.memory_space<hbm>> -> memref<100x304xf32, #tpu.memory_space<hbm>>
      tpu.enqueue_dma source(%arg16 : memref<100x304xf32, #tpu.memory_space<vmem>>) target(%dma_start3A_198 : memref<100x304xf32, #tpu.memory_space<hbm>>) target_semaphore(%run_scoped3A_190 : memref<!tpu.dma_semaphore, #tpu.memory_space<semaphore_mem>>)
      %dma_wait3A = arith.constant 0 : i32
      %dma_wait3A_199 = arith.constant 0 : i32
      %dma_wait3A_200 = tpu.memref_slice %arg7[%add3A, %dma_wait3A, %dma_wait3A_199] : memref<32x100x304xf32, #tpu.memory_space<hbm>> -> memref<1x100x304xf32, #tpu.memory_space<hbm>>
      %dma_wait3A_201 = tpu.memref_squeeze %dma_wait3A_200 : memref<1x100x304xf32, #tpu.memory_space<hbm>> -> memref<100x304xf32, #tpu.memory_space<hbm>>
      %dma_wait3A_202 = arith.constant 0 : i32
      %dma_wait3A_203 = arith.constant 0 : i32
      %dma_wait3A_204 = tpu.memref_slice %arg7[%add3A, %dma_wait3A_202, %dma_wait3A_203] : memref<32x100x304xf32, #tpu.memory_space<hbm>> -> memref<1x100x304xf32, #tpu.memory_space<hbm>>
      %dma_wait3A_205 = tpu.memref_squeeze %dma_wait3A_204 : memref<1x100x304xf32, #tpu.memory_space<hbm>> -> memref<100x304xf32, #tpu.memory_space<hbm>>
      tpu.wait_dma2 semaphore(%run_scoped3A_190 : memref<!tpu.dma_semaphore, #tpu.memory_space<semaphore_mem>>) src(%arg16 : memref<100x304xf32, #tpu.memory_space<vmem>>) dst(%dma_wait3A_205 : memref<100x304xf32, #tpu.memory_space<hbm>>)
      tpu.yield
    }) : () -> ()
    return
  }
}

module attributes {stable_mosaic.version = 14 : i64} {
  func.func @body(%arg0: memref<32x100x304xf32, #tpu.memory_space<vmem>>, %arg1: memref<100x304xf32, #tpu.memory_space<vmem>>) attributes {dimension_semantics = [], scalar_prefetch = 0 : i64, scratch_operands = 0 : i64, tpu.core_type = #tpu.core_type<tc>} {
    %get3A = arith.constant 0 : index
    %get3A_0 = arith.constant 0 : index
    %get3A_1 = arith.constant 0 : index
    %get3A_2 = vector.load %arg0[%get3A, %get3A_0, %get3A_1] : memref<32x100x304xf32, #tpu.memory_space<vmem>>, vector<32x100x304xf32>
    %reduce_sum3A = arith.constant dense<0.000000e+00> : vector<100x304xf32>
    %reduce_sum3A_3 = vector.multi_reduction <add>, %get3A_2, %reduce_sum3A [0] : vector<32x100x304xf32> to vector<100x304xf32>
    %swap3A = arith.constant 0 : index
    %swap3A_4 = arith.constant 0 : index
    %swap3A_5 = vector.load %arg1[%swap3A, %swap3A_4] : memref<100x304xf32, #tpu.memory_space<vmem>>, vector<100x304xf32>
    tpu.vector_store %arg1[%swap3A, %swap3A_4], %reduce_sum3A_3 {strides = array<i32>} : memref<100x304xf32, #tpu.memory_space<vmem>>, vector<100x304xf32>,
    return
  }
}

</mosaic_0001>

<sc_bundles>
// kernel: kernel.4.cloned.1.call-start
scs
__scs_entry_jumppad:
0x0: {  	(pc) =	sbr.rel $0x88, $3  }
0x1: {  	(tag) =	ssettag $0x0;
	lr =	simm.s32 $0x1  }
0x2: {  	[smem:$0x3F9F] =	sst lr;
	_ =	strace $0xD0000000  }
0x3: {  	_ = 	snop  }
0x4: {  	_ = 	snop  }
0x5: {  	_ = 	snop  }
0x6: {  	_ = 	snop  }
0x7: {  	_ = 	snop  }
__scs_overlays_trampoline_lowered:
0x8: {  	[smem:$0x3FAE] =	sst s0  }
0x9: {  	[smem:$0x3FAF] =	sst s1  }
0xa: {  	[smem:$0x3FB0] =	sst s2  }
0xb: {  	[smem:$0x3FB1] =	sst s3  }
0xc: {  	[smem:$0x3FB2] =	sst s4  }
0xd: {  	[smem:$0x3FB3] =	sst s5  }
0xe: {  	[smem:$0x3FB4] =	sst s6  }
0xf: {  	[smem:$0x3FB5] =	sst s7  }
0x10: {  	[smem:$0x3FB6] =	sst s8  }
0x11: {  	[smem:$0x3FB7] =	sst s9;
	s0 =	simm.s32 @!p0 $0x0  }
0x12: {  	s1 =	sld [smem:$0x3F9D];
	s0 =	simm.s32 @p0 $0x1  }
0x13: {  	[smem:$0x3FB8] =	sst s0;
	s0 =	simm.s32 @!p1 $0x0  }
0x14: {  	s2 =	sld [smem:$0x3F9C];
	s0 =	simm.s32 @p1 $0x1  }
0x15: {  	[smem:$0x3FB9] =	sst s0;
	s0 =	simm.s32 @!p2 $0x0  }
0x16: {  	s3 =	sld [smem:$0x3FDB];
	s0 =	simm.s32 @p2 $0x1  }
0x17: {  	s4 =	simm.s32 $0x1BF5;
	[smem:$0x3FBB] =	sst s0  }
0x18: {  	s0 =	sld [smem:$0x3F9E];
	_ =	swait.ge [sflag:s4], $0x0  }
0x19: {  	s7 =	sld [smem:$0x3F9F]  }
0x1a: {  	s8 =	sadd.s32 $0xFFFFE003, lr  }
0x1b: {  	s9 =	sadd.s32 $0xFFFFFEF7, lr;
	s5 =	simm.s32 $0xFFFFFFFF;
	p2 =	slt.u32 s8, $0xFFFFF086  }
0x1c: {  	p1 =	slt.u32 s9, $0xF7A;
	s5 =	simm.s32 @!p2 $0x0  }
0x1d: {  	s5 =	simm.s32 @p1 $0x1;
	p0 =	seq.s32 s7, s2  }
0x1e: {  	s7 =	smul.u32 @!p0 $0xF7A, s2;
	p2 =	seq.s32 @!p0 s5, $0x0  }
0x1f: {  	s9 =	smul.u32 $0xF7A, s1;
	s8 =	simm.s32 @!p0 $0x1BF5;
	p2 =	por !p2, p0  }
0x20: {  	[sflag:s8] =	ssyncset.s32 @!p0 $0xFFFFF086;
	s6 =	sadd.s32 @!p0 s3, s7;
	s7 =	simm.s32 @!p0 $0x108  }
0x21: {  	s3 =	sadd.s32 s3, s9;
	s6 =	sadd.s32 @!p0 $0x88, s6;
	s7 =	simm.s32 @p2 $0x1082  }
0x22: {  	[simem:s7], [sflag:s8] =	dma.local @!p0 [hbm:s6], $0xF7A  }
0x23: {  	s9 =	sor.u32 $0xD0000000, s2;
	s6 =	simm.s32 $0x108;
	_ =	swait.ge @!p0 [sflag:s8], $0x0  }
0x24: {  	s3 =	sadd.s32 $0x88, s3;
	s6 =	simm.s32 @!p1 $0x1082;
	[sflag:s4] =	ssyncset.s32 $0xFFFFF086  }
0x25: {  	[simem:s6], [sflag:s4] =	dma.local [hbm:s3], $0xF7A  }
0x26: {  	[smem:$0x3F9F] =	sst s1;
	(tag) =	ssettag s2;
	_ =	strace s9  }
0x27: {  	s1 =	sld [smem:$0x3FAF]  }
0x28: {  	s2 =	sld [smem:$0x3FB0]  }
0x29: {  	s4 =	sld [smem:$0x3FB2]  }
0x2a: {  	p0 =	seq.s32 s5, $0x0;
	s5 =	sld [smem:$0x3FB3]  }
0x2b: {  	s6 =	sld [smem:$0x3FB4]  }
0x2c: {  	s7 =	sld [smem:$0x3FB5]  }
0x2d: {  	s3 =	simm.s32 $0x108;
	s8 =	sld [smem:$0x3FB6]  }
0x2e: {  	s3 =	simm.s32 @!p0 $0x1082;
	s9 =	sld [smem:$0x3FB7]  }
0x2f: {  	lr =	sadd.s32 s0, s3;
	s0 =	sld [smem:$0x3FAE]  }
0x30: {  	s3 =	sld [smem:$0x3FB1]  }
0x31: {  	[smem:$0x3FBA] =	sst s10  }
0x32: {  	s10 =	sld [smem:$0x3FB8];
	_ =	sdelay $0x3  }
0x33: {  	p0 =	seq.s32 s10, $0x1;
	s10 =	sld [smem:$0x3FBA];
	_ =	sdelay $0x3  }
0x34: {  	[smem:$0x3FBA] =	sst s10  }
0x35: {  	s10 =	sld [smem:$0x3FB9];
	_ =	sdelay $0x3  }
0x36: {  	p1 =	seq.s32 s10, $0x1;
	s10 =	sld [smem:$0x3FBA];
	_ =	sdelay $0x3  }
0x37: {  	[smem:$0x3FBA] =	sst s10  }
0x38: {  	s10 =	sld [smem:$0x3FBB]  }
0x39: {  	_ = 	snop;
	(pc) =	sbr.ind lr, $3  }
0x3a: {  	_ = 	snop  }
0x3b: {  	_ = 	snop  }
0x3c: {  	p2 =	seq.s32 s10, $0x1;
	s10 =	sld [smem:$0x3FBA]  }
0x3d: {  	_ =	shalt  }
0x3e: {  	_ =	shalt  }
0x3f: {  	_ =	shalt  }
0x40: {  	_ =	shalt  }
0x41: {  	_ =	shalt  }
0x42: {  	_ =	shalt  }
0x43: {  	_ =	shalt  }
0x44: {  	_ =	shalt  }
0x45: {  	_ =	shalt  }
0x46: {  	_ =	shalt  }
0x47: {  	_ =	shalt  }
0x48: {  	_ =	shalt  }
0x49: {  	_ =	shalt  }
0x4a: {  	_ =	shalt  }
0x4b: {  	_ =	shalt  }
0x4c: {  	_ =	shalt  }
0x4d: {  	_ =	shalt  }
0x4e: {  	_ =	shalt  }
0x4f: {  	_ =	shalt  }
0x50: {  	_ =	shalt  }
0x51: {  	_ =	shalt  }
0x52: {  	_ =	shalt  }
0x53: {  	_ =	shalt  }
0x54: {  	_ =	shalt  }
0x55: {  	_ =	shalt  }
0x56: {  	_ =	shalt  }
0x57: {  	_ =	shalt  }
0x58: {  	_ =	shalt  }
0x59: {  	_ =	shalt  }
0x5a: {  	_ =	shalt  }
0x5b: {  	_ =	shalt  }
0x5c: {  	_ =	shalt  }
0x5d: {  	_ =	shalt  }
0x5e: {  	_ =	shalt  }
0x5f: {  	_ =	shalt  }
0x60: {  	_ =	shalt  }
0x61: {  	_ =	shalt  }
0x62: {  	_ =	shalt  }
0x63: {  	_ =	shalt  }
0x64: {  	_ =	shalt  }
0x65: {  	_ =	shalt  }
0x66: {  	_ =	shalt  }
0x67: {  	_ =	shalt  }
0x68: {  	_ =	shalt  }
0x69: {  	_ =	shalt  }
0x6a: {  	_ =	shalt  }
0x6b: {  	_ =	shalt  }
0x6c: {  	_ =	shalt  }
0x6d: {  	_ =	shalt  }
0x6e: {  	_ =	shalt  }
0x6f: {  	_ =	shalt  }
0x70: {  	_ =	shalt  }
0x71: {  	_ =	shalt  }
0x72: {  	_ =	shalt  }
0x73: {  	_ =	shalt  }
0x74: {  	_ =	shalt  }
0x75: {  	_ =	shalt  }
0x76: {  	_ =	shalt  }
0x77: {  	_ =	shalt  }
0x78: {  	_ =	shalt  }
0x79: {  	_ =	shalt  }
0x7a: {  	_ =	shalt  }
0x7b: {  	_ =	shalt  }
0x7c: {  	_ =	shalt  }
0x7d: {  	_ =	shalt  }
0x7e: {  	_ =	shalt  }
0x7f: {  	_ =	shalt  }
0x80: {  	_ =	shalt  }
0x81: {  	_ =	shalt  }
0x82: {  	_ =	shalt  }
0x83: {  	_ =	shalt  }
0x84: {  	_ =	shalt  }
0x85: {  	_ =	shalt  }
0x86: {  	_ =	shalt  }
0x87: {  	_ =	shalt  }
.Lfunc_end0:
.L_simem_size_0:
called_computation.1_lowered:
.L_overlay_start_0:
0x88: {  	s2 =	sld [smem:$0x3FD9]  }
0x89: {  	s3 =	sld [smem:$0x3FFE];
	_ =	sdelay $0x1  }
0x8a: {  	s1 =	srdreg.scid  }
0x8b: {  	s0 =	sand.u32 $0x1, s1  }
0x8c: {  	s17 =	sshll.u32 s0, $0xA;
	s2 =	sadd.s32 s3, s2  }
0x8d: {  	s2 =	sadd.s32 s2, s17  }
0x8e: {  	[smem:$0x3FC6] =	sst s2  }
0x8f: {  	_ = 	snop  }
0x90: {  	s2 =	sld [smem:$0x3FD0];
	(tm) =	ssettm $0x1  }
0x91: {  	s18 =	sld [smem:$0x3FFB];
	_ =	sdelay $0x3  }
0x92: {  	_ =	strace s18  }
0x93: {  	s3 =	sld [smem:$0x3FFC];
	_ =	sdelay $0x3  }
0x94: {  	_ =	strace s3  }
0x95: {  	s3 =	sld [smem:$0x3FFD];
	_ =	sdelay $0x3  }
0x96: {  	_ =	strace s3  }
0x97: {  	_ =	strace $0x8FFFFFFF  }
0x98: {  	s19 =	sld [smem:$0x3FDB];
	_ =	sdelay $0x1  }
0x99: {  	s4 =	simm.s32 $_scs_section_size  }
0x9a: {  	s5 =	simm.s32 $_size__tile_overlayer_lowered;
	s6 =	simm.s32 $_tile_overlayer_lowered  }
0x9b: {  	s22 =	simm.s32 $0x1BFF;
	s21 =	sshll.u32 s6, $0x1;
	s3 =	sadd.s32 s4, s19  }
0x9c: {  	s7 =	simm.s32 $0x0;
	s20 =	sshll.u32 s5, $0x1;
	s5 =	sadd.s32 s21, s3  }
0x9d: {  	[timem:s7], [sflag:s22] =	dma.local [hbm:s5], s20  }
0x9e: {  	_ =	swait.ge [sflag:s22], s20  }
0x9f: {  	s4 =	ssub.s32 $0x0, s20;
	[sflag:s22] =	ssyncset.done $0x0  }
0xa0: {  	[sflag:s22] =	ssyncadd.s32 s4;
	_ =	sdelay $0x1  }
0xa1: {  	s23 =	simm.s32 $0x1B8B  }
0xa2: {  	_ =	swait.ge [sflag:s23], $0x1  }
0xa3: {  	[sflag:s23] =	ssyncset.done $0x0  }
0xa4: {  	s25 =	simm.s32 $0x1B8E;
	s24 =	sld [smem:$0x3FFE];
	[sflag:s23] =	ssyncadd.s32 $0xFFFFFFFF  }
0xa5: {  	s26 =	simm.s32 $execute0_lowered;
	[smem:$0x3FD2] =	sst s25  }
0xa6: {  	s5 =	sshll.u32 s26, $0x1;
	_ =	strace $0x80000049;
	[dreg:$0x1] =	wrdreg $0xFFFFFFFF  }
0xa7: {  	s28 =	simm.s32 $_size_execute0_lowered;
	s3 =	sadd.s32 s3, s5;
	[dreg:$0x0] =	wrdreg $0x0  }
0xa8: {  	s5 =	sshll.u32 s28, $0x1;
	[dreg:$0x2] =	wrdreg s3  }
0xa9: {  	[dreg:$0x3] =	wrdreg s5  }
0xaa: {  	[dreg:$0x4] =	wrdreg $0xC0  }
0xab: {  	_ =	task [dreg:s7], $0x5FFFF  }
0xac: {  	[dreg:$0x1] =	wrdreg $0xFFFFFFFF  }
0xad: {  	[dreg:$0x0] =	wrdreg $0x60  }
0xae: {  	[dreg:$0x2] =	wrdreg s24  }
0xaf: {  	[dreg:$0x3] =	wrdreg s2  }
0xb0: {  	[dreg:$0x4] =	wrdreg $0x9  }
0xb1: {  	_ =	task.clear_ibuf [dreg:s7], $0x5FFFF;
	_ =	strace $0x90000049  }
0xb2: {  	s29 =	simm.s32 $0x9;
	_ =	strace $0x8000004B  }
0xb3: {  	_ =	swait.ge [sflag:s29], $0x1  }
0xb4: {  	[sflag:s29] =	ssyncadd.s32 $0xFFFFFFFF  }
0xb5: {  	_ =	strace $0x9000004B  }
0xb6: {  	_ =	sfence  }
0xb7: {  	s30 =	sld [smem:$0x0];
	_ =	sdelay $0x2  }
0xb8: {  	s31 =	sshll.u32 s1, $0xD;
	s1 =	sshrl.u32 s1, $0x2  }
0xb9: {  	s3 =	sand.u32 $0x4000, s31;
	s1 =	sadd.s32 s1, s30  }
0xba: {  	s0 =	sor.u32 s3, s0;
	s1 =	sshll.u32 s1, $0x11  }
0xbb: {  	s0 =	sor.u32 s1, s0  }
0xbc: {  	s0 =	sadd.s32 $0x8F2B, s0  }
0xbd: {  	[sflag:s0] =	ssyncadd.remote.s32 $0x1  }
0xbe: {  	_ =	sfence.sel $0xFFFF  }
0xbf: {  	[dreg:$0x0] =	wrdreg $0xFFFFFFFF;
	(pc) =	sbr.abs _section_cstart, $3  }
0xc0: {  	[dreg:$0x1] =	wrdreg $0xFFFFFFFF  }
0xc1: {  	_ =	task.clear_ibuf [dreg:s7], $0x2FFFF;
	_ =	strace $0x9FFFFFFF  }
0xc2: {  	(tm) =	ssettm $0x7FFFFFFF  }
0xc3: {  	_ =	shalt  }
tec
execute0_lowered:
.L_overlay_start_1:
0x0: {  	(tag) =	ssettag $0x1  }
0x1: {  	s0 =	srdreg.scid;
	s13 =	rddreg [dreg:$0x0]  }
0x2: {  	s7 =	stileid.u32;
	s2 =	simm.s32 $0x1;
	s5 =	rddreg [dreg:$0x1]  }
0x3: {  	s3 =	simm.s32 $0x0;
	s0 =	sand.u32 $0x1, s0;
	s1 =	sshll.u32 s7, $0x1  }
0x4: {  	s28 =	simm.s32 $0x2000;
	s31 =	simm.s32 $0x2800;
	s1 =	sor.u32 s0, s1  }
0x5: {  	[smem:$0x7FF] =	sst s3;
	p1 =	seq.s32 s0, $0x1;
	p0 =	seq.s32 s1, $0x0  }
0x6: {  	s10 =	sadd.s32 $0x301800, s13;
	_ =	strace $0x8000004A;
	p0 =	por !p0, !p1  }
0x7: {  	s9 =	ssub.s32 $0x2, s0;
	s14 =	sshll.u32 s0, $0x3;
	p0 =	por !p0, !p0  }
0x8: {  	s8 =	sshll.u32 s1, $0x7;
	s11 =	sshrl.u32 s9, $0x1;
	s2 =	simm.s32 @!p0 $0x0  }
0x9: {  	s8 =	sand.u32 $0x380, s8;
	s2 =	ssub.s32 s7, s2;
	s7 =	sshrl.u32 s7, $0x2  }
0xa: {  	s9 =	ssub.s32 s9, s11;
	s4 =	sand.u32 $0x1FFFFFFF, s2;
	s7 =	smul.u32 $0xC00, s7  }
0xb: {  	s21 =	sshll.u32 s2, $0x9;
	s2 =	sshll.u32 s2, $0xB;
	s6 =	smul.u32 $0x1400, s4  }
0xc: {  	s4 =	smul.u32 $0xC00, s4;
	s23 =	sand.u32 $0x200, s21;
	s2 =	sand.u32 $0xFFFFF000, s2  }
0xd: {  	s7 =	sor.u32 s7, s8;
	s8 =	smul.u32 $0x1380, s1;
	s2 =	sor.u32 s23, s2  }
0xe: {  	v0 =	vmov s1;
	s1 =	simm.s32 $0x3000;
	s6 =	sshrl.u32 s6, $0x3;
	s4 =	sshrl.u32 s4, $0x3  }
0xf: {  	s7 =	sshrl.u32 s7, $0x3;
	s29 =	sadd.s32 $0x8000, s2;
	s30 =	sadd.s32 $0x10000, s2  }
0x10: {  	s12 =	sshrl.u32 s2, $0x3;
	s6 =	sadd.s32 s6, s13;
	s5 =	sadd.s32 s5, s7  }
0x11: {  	s4 =	sadd.s32 s4, s13;
	s12 =	sadd.s32 s10, s12;
	[dreg:$0x3] =	wrdreg s5  }
0x12: {  	s11 =	sshrl.u32 s30, $0x3;
	s30 =	smax.u32 s9, $0x1;
	[dreg:$0xb] =	wrdreg s12  }
0x13: {  	s7 =	sshrl.u32 s29, $0x3;
	s18 =	sadd.s32 $0x306800, s6;
	[dreg:$0x1e] =	wrdreg s30  }
0x14: {  	s23 =	sadd.s32 s8, s13;
	s19 =	sadd.s32 $0x306810, s6;
	[dreg:$0x4] =	wrdreg s18  }
0x15: {  	s8 =	simm.s32 $0x14DF0;
	s20 =	sadd.s32 $0x300010, s4;
	[dreg:$0x5] =	wrdreg s19  }
0x16: {  	s9 =	simm.s32 $0x15180;
	s22 =	sadd.s32 $0x306820, s6;
	[dreg:$0x6] =	wrdreg s20  }
0x17: {  	s24 =	sadd.s32 $0x306830, s6;
	s25 =	sadd.s32 $0x306840, s6;
	[dreg:$0x7] =	wrdreg s22  }
0x18: {  	s26 =	sadd.s32 $0x306850, s6;
	s7 =	sadd.s32 s10, s7;
	[dreg:$0x8] =	wrdreg s24  }
0x19: {  	s11 =	sadd.s32 s10, s11;
	s12 =	sadd.s32 $0x18000, s2;
	[dreg:$0x9] =	wrdreg s25  }
0x1a: {  	s2 =	sadd.s32 $0x20000, s2;
	s16 =	sadd.s32 $0x306860, s6;
	[dreg:$0xa] =	wrdreg s26  }
0x1b: {  	s6 =	sadd.s32 $0x306870, s6;
	s5 =	sshrl.u32 s21, $0x3;
	[dreg:$0xc] =	wrdreg s7  }
0x1c: {  	s17 =	sadd.s32 $0x300020, s4;
	s29 =	sadd.s32 $0x180000, s23;
	[dreg:$0xd] =	wrdreg s11  }
0x1d: {  	s23 =	simm.s32 $0x149D0;
	s7 =	sshrl.u32 s12, $0x3;
	[dreg:$0x10] =	wrdreg s16  }
0x1e: {  	s2 =	sshrl.u32 s2, $0x3;
	s11 =	sor.u32 s21, s14;
	[dreg:$0x11] =	wrdreg s6  }
0x1f: {  	[dreg:$0x12] =	wrdreg s17;
	s0 =	sor.u32 s0, s5;
	s18 =	sadd.s32 $0x300030, s4  }
0x20: {  	s19 =	sadd.s32 $0x300040, s4;
	s20 =	sadd.s32 $0x300000, s4;
	[dreg:$0x1d] =	wrdreg s29  }
0x21: {  	s21 =	sadd.s32 $0x300050, s4;
	s24 =	sadd.s32 $0x300060, s4;
	[dreg:$0x13] =	wrdreg s18  }
0x22: {  	v1 =	vlaneseq.u32;
	s4 =	sadd.s32 $0x300070, s4;
	s12 =	simm.s32 $0x14D80;
	[dreg:$0x14] =	wrdreg s19  }
0x23: {  	v2 =	vimm.f32 $0.0e+00;
	v3 =	vimm.s32 $0x0;
	v4 =	vor.u32 $0x830, v1;
	s14 =	simm.s32 $0x14DA0;
	s16 =	simm.s32 $0x14DC0;
	[dreg:$0x15] =	wrdreg s20  }
0x24: {  	v5 =	vor.u32 $0x10, v1;
	v6 =	vor.u32 $0x840, v1;
	v7 =	vor.u32 $0x20, v1;
	s5 =	simm.s32 $0x14DD0;
	s6 =	simm.s32 $0x14DE0;
	[dreg:$0x16] =	wrdreg s21  }
0x25: {  	v8 =	vor.u32 $0x850, v1;
	v9 =	vor.u32 $0x30, v1;
	v10 =	vor.u32 $0x860, v1;
	s7 =	sadd.s32 s10, s7;
	s2 =	sadd.s32 s10, s2;
	[dreg:$0x17] =	wrdreg s24  }
0x26: {  	v11 =	vor.u32 $0x40, v1;
	v12 =	vor.u32 $0x870, v1;
	v13 =	vor.u32 $0x50, v1;
	s15 =	sor.u32 $0x10, s11;
	s22 =	smul.u32 $0x600, s0;
	[dreg:$0x18] =	wrdreg s4  }
0x27: {  	v14 =	vor.u32 $0xC00, v1;
	v15 =	vor.u32 $0x60, v1;
	v16 =	vor.u32 $0xC10, v1;
	s26 =	sor.u32 $0x4, s0;
	s0 =	sor.u32 $0x6, s0;
	s18 =	simm.s32 $0x2  }
0x28: {  	v17 =	vor.u32 $0x70, v1;
	v18 =	vor.u32 $0xC20, v1;
	v19 =	vor.u32 $0x400, v1;
	s19 =	simm.s32 $0x14990;
	s20 =	simm.s32 $0x149A0;
	[dreg:$0xe] =	wrdreg s7  }
0x29: {  	v20 =	vor.u32 $0xC30, v1;
	v21 =	vor.u32 $0x410, v1;
	v22 =	vor.u32 $0xC40, v1;
	s21 =	simm.s32 $0x149B0;
	s24 =	simm.s32 $0x149E0;
	[dreg:$0xf] =	wrdreg s2  }
0x2a: {  	v23 =	vor.u32 $0x420, v1;
	v24 =	vor.u32 $0xC50, v1;
	v25 =	vor.u32 $0x430, v1;
	s10 =	simm.s32 $0x15190;
	s11 =	simm.s32 $0x151A0;
	[dreg:$0x1b] =	wrdreg s26  }
.Ltmp0:
0x2b: {  	v26 =	vor.u32 $0xC60, v1;
	v27 =	vor.u32 $0x440, v1;
	v28 =	vor.u32 $0xC70, v1;
	s2 =	sshrl.u32 s15, $0x3;
	[dreg:$0x1c] =	wrdreg s0;
	(pc) =	sbr.rel .LBB2_1-.Ltmp0, $4  }
0x2c: {  	v29 =	vor.u32 $0x450, v1;
	v30 =	vor.u32 $0x1000, v1;
	v31 =	vor.u32 $0x460, v1;
	s26 =	simm.s32 $0x1400;
	s7 =	simm.s32 $0x14980;
	s2 =	smul.u32 $0x600, s2  }
0x2d: {  	v32 =	vor.u32 $0x1010, v1;
	v33 =	vor.u32 $0x470, v1;
	v34 =	vor.u32 $0x1020, v1;
	s15 =	simm.s32 $0x14DB0;
	s25 =	sadd.s32 s13, s22;
	s22 =	simm.s32 $0x149C0  }
0x2e: {  	v35 =	vor.u32 $0x800, v1;
	v36 =	vor.u32 $0x1030, v1;
	v37 =	vor.u32 $0x810, v1;
	[dreg:$0x19] =	wrdreg s25;
	s25 =	simm.s32 $0x149F0;
	s2 =	sadd.s32 s13, s2  }
0x2f: {  	v38 =	vor.u32 $0x1040, v1;
	v39 =	vor.u32 $0x820, v1;
	v40 =	vor.u32 $0x1050, v1;
	s13 =	simm.s32 $0x14D90;
	[dreg:$0x1a] =	wrdreg s2;
	s2 =	simm.s32 $0x0  }
.LBB2_20:
0x30: {  	s0 =	rddreg [dreg:$0x1d];
	s18 =	simm.s32 $0x2  }
0x31: {  	[hbm4b:s0+s3] =	stream.linear.scatter [tilespmem:s7], [sflag:$0x2], $0x9C00, $0x38;
	[tilespmem:$0x1E580] =	vst v63  }
0x32: {  	_ =	swait.ge [sflag:s18], $0x9C00  }
0x33: {  	s2 =	rddreg [dreg:$0x1f]  }
0x34: {  	s30 =	rddreg [dreg:$0x1e];
	s2 =	sadd.s32 $0x1, s2  }
0x35: {  	p0 =	sne.s32 s2, s30  }
.Ltmp1:
0x36: {  	_ = 	snop;
	(pc) =	sbr.rel @!p0 .LBB2_21-.Ltmp1, $3  }
0x37: {  	_ =	sdelay $0x1  }
0x38: {  	[sflag:s18] =	ssyncset.done $0x0  }
0x39: {  	[sflag:s18] =	ssyncadd.s32 $0xFFFF6400  }
.LBB2_1:
0x3a: {  	[dreg:$0x1f] =	wrdreg s2  }
0x3b: {  	s0 =	rddreg [dreg:$0x3]  }
0x3c: {  	s4 =	simm.s32 $0x80;
	s17 =	simm.s32 $0x400;
	s29 =	simm.s32 $0x8800  }
0x3d: {  	[tilespmem:s29], [sflag:$0x2] =	stream.strided.gather [hbm4b:s0+s4], $0x180, s17, s4, $0x38;
	[tilespmem:$0x1E580] =	vst v63  }
0x3e: {  	_ =	swait.ge [sflag:s18], $0x180  }
0x3f: {  	[sflag:s18] =	ssyncset.done $0x0  }
0x40: {  	s0 =	rddreg [dreg:$0x4];
	[sflag:s18] =	ssyncadd.s32 $0xFFFFFE80  }
0x41: {  	[tilespmem:s3], [sflag:$0x2] =	stream.linear.gather [hbm4b:s0+s3], $0x80, $0x38;
	[tilespmem:$0x1E580] =	vst v63  }
0x42: {  	s30 =	sadd.s32 $0x80, s0  }
0x43: {  	[tilespmem:s17], [sflag:$0x2] =	stream.linear.gather [hbm4b:s30+s3], $0x80, $0x38;
	[tilespmem:$0x1E580] =	vst v63  }
0x44: {  	s29 =	sadd.s32 $0x100, s0;
	s30 =	simm.s32 $0x800  }
0x45: {  	[tilespmem:s30], [sflag:$0x2] =	stream.linear.gather [hbm4b:s29+s3], $0x80, $0x38;
	[tilespmem:$0x1E580] =	vst v63  }
0x46: {  	s29 =	sadd.s32 $0x180, s0;
	s30 =	simm.s32 $0xC00  }
0x47: {  	[tilespmem:s30], [sflag:$0x2] =	stream.linear.gather [hbm4b:s29+s3], $0x80, $0x38;
	[tilespmem:$0x1E580] =	vst v63  }
0x48: {  	s17 =	simm.s32 $0x1000;
	s0 =	sadd.s32 $0x200, s0  }
0x49: {  	[tilespmem:s17], [sflag:$0x2] =	stream.linear.gather [hbm4b:s0+s3], $0x80, $0x38;
	[tilespmem:$0x1E580] =	vst v63  }
0x4a: {  	_ =	swait.ge [sflag:s18], $0x280  }
0x4b: {  	[sflag:s18] =	ssyncset.done $0x0  }
0x4c: {  	s0 =	rddreg [dreg:$0x15];
	[sflag:s18] =	ssyncadd.s32 $0xFFFFFD80  }
0x4d: {  	[tilespmem:s26], [sflag:$0x2] =	stream.linear.gather [hbm4b:s0+s3], $0x80, $0x38;
	[tilespmem:$0x1E580] =	vst v63  }
0x4e: {  	s30 =	simm.s32 $0x1800;
	s29 =	sadd.s32 $0x80, s0  }
0x4f: {  	[tilespmem:s30], [sflag:$0x2] =	stream.linear.gather [hbm4b:s29+s3], $0x80, $0x38;
	[tilespmem:$0x1E580] =	vst v63  }
0x50: {  	s17 =	simm.s32 $0x1C00;
	s0 =	sadd.s32 $0x100, s0  }
0x51: {  	[tilespmem:s17], [sflag:$0x2] =	stream.linear.gather [hbm4b:s0+s3], $0x80, $0x38;
	[tilespmem:$0x1E580] =	vst v63  }
0x52: {  	_ =	swait.ge [sflag:s18], $0x180  }
0x53: {  	[sflag:s18] =	ssyncset.done $0x0  }
0x54: {  	s0 =	rddreg [dreg:$0x5];
	[sflag:s18] =	ssyncadd.s32 $0xFFFFFE80  }
0x55: {  	[tilespmem:s4], [sflag:$0x2] =	stream.linear.gather [hbm4b:s0+s3], $0x80, $0x38;
	[tilespmem:$0x1E580] =	vst v63  }
0x56: {  	s30 =	simm.s32 $0x480;
	s29 =	sadd.s32 $0x80, s0  }
0x57: {  	[tilespmem:s30], [sflag:$0x2] =	stream.linear.gather [hbm4b:s29+s3], $0x80, $0x38;
	[tilespmem:$0x1E580] =	vst v63  }
0x58: {  	s17 =	simm.s32 $0x880;
	s4 =	sadd.s32 $0x100, s0  }
0x59: {  	[tilespmem:s17], [sflag:$0x2] =	stream.linear.gather [hbm4b:s4+s3], $0x80, $0x38;
	[tilespmem:$0x1E580] =	vst v63  }
0x5a: {  	s29 =	sadd.s32 $0x180, s0;
	s30 =	simm.s32 $0xC80  }
0x5b: {  	[tilespmem:s30], [sflag:$0x2] =	stream.linear.gather [hbm4b:s29+s3], $0x80, $0x38;
	[tilespmem:$0x1E580] =	vst v63  }
0x5c: {  	s0 =	sadd.s32 $0x200, s0;
	s4 =	simm.s32 $0x1080  }
0x5d: {  	[tilespmem:s4], [sflag:$0x2] =	stream.linear.gather [hbm4b:s0+s3], $0x80, $0x38;
	[tilespmem:$0x1E580] =	vst v63  }
0x5e: {  	_ =	swait.ge [sflag:s18], $0x280  }
0x5f: {  	[sflag:s18] =	ssyncset.done $0x0  }
0x60: {  	s17 =	simm.s32 $0x1480;
	s0 =	rddreg [dreg:$0x6];
	[sflag:s18] =	ssyncadd.s32 $0xFFFFFD80  }
0x61: {  	[tilespmem:s17], [sflag:$0x2] =	stream.linear.gather [hbm4b:s0+s3], $0x80, $0x38;
	[tilespmem:$0x1E580] =	vst v63  }
0x62: {  	s30 =	simm.s32 $0x1880;
	s29 =	sadd.s32 $0x80, s0  }
0x63: {  	[tilespmem:s30], [sflag:$0x2] =	stream.linear.gather [hbm4b:s29+s3], $0x80, $0x38;
	[tilespmem:$0x1E580] =	vst v63  }
0x64: {  	s4 =	simm.s32 $0x1C80;
	s0 =	sadd.s32 $0x100, s0  }
0x65: {  	[tilespmem:s4], [sflag:$0x2] =	stream.linear.gather [hbm4b:s0+s3], $0x80, $0x38;
	[tilespmem:$0x1E580] =	vst v63  }
0x66: {  	_ =	swait.ge [sflag:s18], $0x180  }
0x67: {  	[sflag:s18] =	ssyncset.done $0x0  }
0x68: {  	s17 =	simm.s32 $0x100;
	s0 =	rddreg [dreg:$0x7];
	[sflag:s18] =	ssyncadd.s32 $0xFFFFFE80  }
0x69: {  	[tilespmem:s17], [sflag:$0x2] =	stream.linear.gather [hbm4b:s0+s3], $0x80, $0x38;
	[tilespmem:$0x1E580] =	vst v63  }
0x6a: {  	s30 =	simm.s32 $0x500;
	s29 =	sadd.s32 $0x80, s0  }
0x6b: {  	[tilespmem:s30], [sflag:$0x2] =	stream.linear.gather [hbm4b:s29+s3], $0x80, $0x38;
	[tilespmem:$0x1E580] =	vst v63  }
0x6c: {  	s4 =	sadd.s32 $0x100, s0;
	s17 =	simm.s32 $0x900  }
0x6d: {  	[tilespmem:s17], [sflag:$0x2] =	stream.linear.gather [hbm4b:s4+s3], $0x80, $0x38;
	[tilespmem:$0x1E580] =	vst v63  }
0x6e: {  	s29 =	sadd.s32 $0x180, s0;
	s30 =	simm.s32 $0xD00  }
0x6f: {  	[tilespmem:s30], [sflag:$0x2] =	stream.linear.gather [hbm4b:s29+s3], $0x80, $0x38;
	[tilespmem:$0x1E580] =	vst v63  }
0x70: {  	s0 =	sadd.s32 $0x200, s0;
	s4 =	simm.s32 $0x1100  }
0x71: {  	[tilespmem:s4], [sflag:$0x2] =	stream.linear.gather [hbm4b:s0+s3], $0x80, $0x38;
	[tilespmem:$0x1E580] =	vst v63  }
0x72: {  	_ =	swait.ge [sflag:s18], $0x280  }
0x73: {  	[sflag:s18] =	ssyncset.done $0x0  }
0x74: {  	s17 =	simm.s32 $0x1500;
	s0 =	rddreg [dreg:$0x12];
	[sflag:s18] =	ssyncadd.s32 $0xFFFFFD80  }
0x75: {  	[tilespmem:s17], [sflag:$0x2] =	stream.linear.gather [hbm4b:s0+s3], $0x80, $0x38;
	[tilespmem:$0x1E580] =	vst v63  }
0x76: {  	s30 =	simm.s32 $0x1900;
	s29 =	sadd.s32 $0x80, s0  }
0x77: {  	[tilespmem:s30], [sflag:$0x2] =	stream.linear.gather [hbm4b:s29+s3], $0x80, $0x38;
	[tilespmem:$0x1E580] =	vst v63  }
0x78: {  	s4 =	simm.s32 $0x1D00;
	s0 =	sadd.s32 $0x100, s0  }
0x79: {  	[tilespmem:s4], [sflag:$0x2] =	stream.linear.gather [hbm4b:s0+s3], $0x80, $0x38;
	[tilespmem:$0x1E580] =	vst v63  }
0x7a: {  	_ =	swait.ge [sflag:s18], $0x180  }
0x7b: {  	[sflag:s18] =	ssyncset.done $0x0  }
0x7c: {  	s17 =	simm.s32 $0x180;
	s0 =	rddreg [dreg:$0x8];
	[sflag:s18] =	ssyncadd.s32 $0xFFFFFE80  }
0x7d: {  	[tilespmem:s17], [sflag:$0x2] =	stream.linear.gather [hbm4b:s0+s3], $0x80, $0x38;
	[tilespmem:$0x1E580] =	vst v63  }
0x7e: {  	s30 =	simm.s32 $0x580;
	s29 =	sadd.s32 $0x80, s0  }
0x7f: {  	[tilespmem:s30], [sflag:$0x2] =	stream.linear.gather [hbm4b:s29+s3], $0x80, $0x38;
	[tilespmem:$0x1E580] =	vst v63  }
0x80: {  	s4 =	sadd.s32 $0x100, s0;
	s17 =	simm.s32 $0x980  }
0x81: {  	[tilespmem:s17], [sflag:$0x2] =	stream.linear.gather [hbm4b:s4+s3], $0x80, $0x38;
	[tilespmem:$0x1E580] =	vst v63  }
0x82: {  	s29 =	sadd.s32 $0x180, s0;
	s30 =	simm.s32 $0xD80  }
0x83: {  	[tilespmem:s30], [sflag:$0x2] =	stream.linear.gather [hbm4b:s29+s3], $0x80, $0x38;
	[tilespmem:$0x1E580] =	vst v63  }
0x84: {  	s0 =	sadd.s32 $0x200, s0;
	s4 =	simm.s32 $0x1180  }
0x85: {  	[tilespmem:s4], [sflag:$0x2] =	stream.linear.gather [hbm4b:s0+s3], $0x80, $0x38;
	[tilespmem:$0x1E580] =	vst v63  }
0x86: {  	_ =	swait.ge [sflag:s18], $0x280  }
0x87: {  	[sflag:s18] =	ssyncset.done $0x0  }
0x88: {  	s17 =	simm.s32 $0x1580;
	s0 =	rddreg [dreg:$0x13];
	[sflag:s18] =	ssyncadd.s32 $0xFFFFFD80  }
0x89: {  	[tilespmem:s17], [sflag:$0x2] =	stream.linear.gather [hbm4b:s0+s3], $0x80, $0x38;
	[tilespmem:$0x1E580] =	vst v63  }
0x8a: {  	s30 =	simm.s32 $0x1980;
	s29 =	sadd.s32 $0x80, s0  }
0x8b: {  	[tilespmem:s30], [sflag:$0x2] =	stream.linear.gather [hbm4b:s29+s3], $0x80, $0x38;
	[tilespmem:$0x1E580] =	vst v63  }
0x8c: {  	s4 =	simm.s32 $0x1D80;
	s0 =	sadd.s32 $0x100, s0  }
0x8d: {  	[tilespmem:s4], [sflag:$0x2] =	stream.linear.gather [hbm4b:s0+s3], $0x80, $0x38;
	[tilespmem:$0x1E580] =	vst v63  }
0x8e: {  	_ =	swait.ge [sflag:s18], $0x180  }
0x8f: {  	[sflag:s18] =	ssyncset.done $0x0  }
0x90: {  	s17 =	simm.s32 $0x200;
	s0 =	rddreg [dreg:$0x9];
	[sflag:s18] =	ssyncadd.s32 $0xFFFFFE80  }
0x91: {  	[tilespmem:s17], [sflag:$0x2] =	stream.linear.gather [hbm4b:s0+s3], $0x80, $0x38;
	[tilespmem:$0x1E580] =	vst v63  }
0x92: {  	s30 =	simm.s32 $0x600;
	s29 =	sadd.s32 $0x80, s0  }
0x93: {  	[tilespmem:s30], [sflag:$0x2] =	stream.linear.gather [hbm4b:s29+s3], $0x80, $0x38;
	[tilespmem:$0x1E580] =	vst v63  }
0x94: {  	s4 =	sadd.s32 $0x100, s0;
	s17 =	simm.s32 $0xA00  }
0x95: {  	[tilespmem:s17], [sflag:$0x2] =	stream.linear.gather [hbm4b:s4+s3], $0x80, $0x38;
	[tilespmem:$0x1E580] =	vst v63  }
0x96: {  	s29 =	sadd.s32 $0x180, s0;
	s30 =	simm.s32 $0xE00  }
0x97: {  	[tilespmem:s30], [sflag:$0x2] =	stream.linear.gather [hbm4b:s29+s3], $0x80, $0x38;
	[tilespmem:$0x1E580] =	vst v63  }
0x98: {  	s0 =	sadd.s32 $0x200, s0;
	s4 =	simm.s32 $0x1200  }
0x99: {  	[tilespmem:s4], [sflag:$0x2] =	stream.linear.gather [hbm4b:s0+s3], $0x80, $0x38;
	[tilespmem:$0x1E580] =	vst v63  }
0x9a: {  	_ =	swait.ge [sflag:s18], $0x280  }
0x9b: {  	[sflag:s18] =	ssyncset.done $0x0  }
0x9c: {  	s17 =	simm.s32 $0x1600;
	s0 =	rddreg [dreg:$0x14];
	[sflag:s18] =	ssyncadd.s32 $0xFFFFFD80  }
0x9d: {  	[tilespmem:s17], [sflag:$0x2] =	stream.linear.gather [hbm4b:s0+s3], $0x80, $0x38;
	[tilespmem:$0x1E580] =	vst v63  }
0x9e: {  	s30 =	simm.s32 $0x1A00;
	s29 =	sadd.s32 $0x80, s0  }
0x9f: {  	[tilespmem:s30], [sflag:$0x2] =	stream.linear.gather [hbm4b:s29+s3], $0x80, $0x38;
	[tilespmem:$0x1E580] =	vst v63  }
0xa0: {  	s4 =	simm.s32 $0x1E00;
	s0 =	sadd.s32 $0x100, s0  }
0xa1: {  	[tilespmem:s4], [sflag:$0x2] =	stream.linear.gather [hbm4b:s0+s3], $0x80, $0x38;
	[tilespmem:$0x1E580] =	vst v63  }
0xa2: {  	_ =	swait.ge [sflag:s18], $0x180  }
0xa3: {  	[sflag:s18] =	ssyncset.done $0x0  }
0xa4: {  	s17 =	simm.s32 $0x280;
	s0 =	rddreg [dreg:$0xa];
	[sflag:s18] =	ssyncadd.s32 $0xFFFFFE80  }
0xa5: {  	[tilespmem:s17], [sflag:$0x2] =	stream.linear.gather [hbm4b:s0+s3], $0x80, $0x38;
	[tilespmem:$0x1E580] =	vst v63  }
0xa6: {  	s30 =	simm.s32 $0x680;
	s29 =	sadd.s32 $0x80, s0  }
0xa7: {  	[tilespmem:s30], [sflag:$0x2] =	stream.linear.gather [hbm4b:s29+s3], $0x80, $0x38;
	[tilespmem:$0x1E580] =	vst v63  }
0xa8: {  	s4 =	sadd.s32 $0x100, s0;
	s17 =	simm.s32 $0xA80  }
0xa9: {  	[tilespmem:s17], [sflag:$0x2] =	stream.linear.gather [hbm4b:s4+s3], $0x80, $0x38;
	[tilespmem:$0x1E580] =	vst v63  }
0xaa: {  	s29 =	sadd.s32 $0x180, s0;
	s30 =	simm.s32 $0xE80  }
0xab: {  	[tilespmem:s30], [sflag:$0x2] =	stream.linear.gather [hbm4b:s29+s3], $0x80, $0x38;
	[tilespmem:$0x1E580] =	vst v63  }
0xac: {  	s0 =	sadd.s32 $0x200, s0;
	s4 =	simm.s32 $0x1280  }
0xad: {  	[tilespmem:s4], [sflag:$0x2] =	stream.linear.gather [hbm4b:s0+s3], $0x80, $0x38;
	[tilespmem:$0x1E580] =	vst v63  }
0xae: {  	_ =	swait.ge [sflag:s18], $0x280  }
0xaf: {  	[sflag:s18] =	ssyncset.done $0x0  }
0xb0: {  	s17 =	simm.s32 $0x1680;
	s0 =	rddreg [dreg:$0x16];
	[sflag:s18] =	ssyncadd.s32 $0xFFFFFD80  }
0xb1: {  	[tilespmem:s17], [sflag:$0x2] =	stream.linear.gather [hbm4b:s0+s3], $0x80, $0x38;
	[tilespmem:$0x1E580] =	vst v63  }
0xb2: {  	s30 =	simm.s32 $0x1A80;
	s29 =	sadd.s32 $0x80, s0  }
0xb3: {  	[tilespmem:s30], [sflag:$0x2] =	stream.linear.gather [hbm4b:s29+s3], $0x80, $0x38;
	[tilespmem:$0x1E580] =	vst v63  }
0xb4: {  	s4 =	simm.s32 $0x1E80;
	s0 =	sadd.s32 $0x100, s0  }
0xb5: {  	[tilespmem:s4], [sflag:$0x2] =	stream.linear.gather [hbm4b:s0+s3], $0x80, $0x38;
	[tilespmem:$0x1E580] =	vst v63  }
0xb6: {  	_ =	swait.ge [sflag:s18], $0x180  }
0xb7: {  	[sflag:s18] =	ssyncset.done $0x0  }
0xb8: {  	s17 =	simm.s32 $0x300;
	s0 =	rddreg [dreg:$0x10];
	[sflag:s18] =	ssyncadd.s32 $0xFFFFFE80  }
0xb9: {  	[tilespmem:s17], [sflag:$0x2] =	stream.linear.gather [hbm4b:s0+s3], $0x80, $0x38;
	[tilespmem:$0x1E580] =	vst v63  }
0xba: {  	s30 =	simm.s32 $0x700;
	s29 =	sadd.s32 $0x80, s0  }
0xbb: {  	[tilespmem:s30], [sflag:$0x2] =	stream.linear.gather [hbm4b:s29+s3], $0x80, $0x38;
	[tilespmem:$0x1E580] =	vst v63  }
0xbc: {  	s4 =	sadd.s32 $0x100, s0;
	s17 =	simm.s32 $0xB00  }
0xbd: {  	[tilespmem:s17], [sflag:$0x2] =	stream.linear.gather [hbm4b:s4+s3], $0x80, $0x38;
	[tilespmem:$0x1E580] =	vst v63  }
0xbe: {  	s29 =	sadd.s32 $0x180, s0;
	s30 =	simm.s32 $0xF00  }
0xbf: {  	[tilespmem:s30], [sflag:$0x2] =	stream.linear.gather [hbm4b:s29+s3], $0x80, $0x38;
	[tilespmem:$0x1E580] =	vst v63  }
0xc0: {  	s0 =	sadd.s32 $0x200, s0;
	s4 =	simm.s32 $0x1300  }
0xc1: {  	[tilespmem:s4], [sflag:$0x2] =	stream.linear.gather [hbm4b:s0+s3], $0x80, $0x38;
	[tilespmem:$0x1E580] =	vst v63  }
0xc2: {  	_ =	swait.ge [sflag:s18], $0x280  }
0xc3: {  	[sflag:s18] =	ssyncset.done $0x0  }
0xc4: {  	s17 =	simm.s32 $0x1700;
	s0 =	rddreg [dreg:$0x17];
	[sflag:s18] =	ssyncadd.s32 $0xFFFFFD80  }
0xc5: {  	[tilespmem:s17], [sflag:$0x2] =	stream.linear.gather [hbm4b:s0+s3], $0x80, $0x38;
	[tilespmem:$0x1E580] =	vst v63  }
0xc6: {  	s30 =	simm.s32 $0x1B00;
	s29 =	sadd.s32 $0x80, s0  }
0xc7: {  	[tilespmem:s30], [sflag:$0x2] =	stream.linear.gather [hbm4b:s29+s3], $0x80, $0x38;
	[tilespmem:$0x1E580] =	vst v63  }
0xc8: {  	s4 =	simm.s32 $0x1F00;
	s0 =	sadd.s32 $0x100, s0  }
0xc9: {  	[tilespmem:s4], [sflag:$0x2] =	stream.linear.gather [hbm4b:s0+s3], $0x80, $0x38;
	[tilespmem:$0x1E580] =	vst v63  }
0xca: {  	_ =	swait.ge [sflag:s18], $0x180  }
0xcb: {  	[sflag:s18] =	ssyncset.done $0x0  }
0xcc: {  	s17 =	simm.s32 $0x380;
	s0 =	rddreg [dreg:$0x11];
	[sflag:s18] =	ssyncadd.s32 $0xFFFFFE80  }
0xcd: {  	[tilespmem:s17], [sflag:$0x2] =	stream.linear.gather [hbm4b:s0+s3], $0x80, $0x38;
	[tilespmem:$0x1E580] =	vst v63  }
0xce: {  	s30 =	simm.s32 $0x780;
	s29 =	sadd.s32 $0x80, s0  }
0xcf: {  	[tilespmem:s30], [sflag:$0x2] =	stream.linear.gather [hbm4b:s29+s3], $0x80, $0x38;
	[tilespmem:$0x1E580] =	vst v63  }
0xd0: {  	s4 =	sadd.s32 $0x100, s0;
	s17 =	simm.s32 $0xB80  }
0xd1: {  	[tilespmem:s17], [sflag:$0x2] =	stream.linear.gather [hbm4b:s4+s3], $0x80, $0x38;
	[tilespmem:$0x1E580] =	vst v63  }
0xd2: {  	s29 =	sadd.s32 $0x180, s0;
	s30 =	simm.s32 $0xF80  }
0xd3: {  	[tilespmem:s30], [sflag:$0x2] =	stream.linear.gather [hbm4b:s29+s3], $0x80, $0x38;
	[tilespmem:$0x1E580] =	vst v63  }
0xd4: {  	s0 =	sadd.s32 $0x200, s0;
	s4 =	simm.s32 $0x1380  }
0xd5: {  	[tilespmem:s4], [sflag:$0x2] =	stream.linear.gather [hbm4b:s0+s3], $0x80, $0x38;
	[tilespmem:$0x1E580] =	vst v63  }
0xd6: {  	_ =	swait.ge [sflag:s18], $0x280  }
0xd7: {  	[sflag:s18] =	ssyncset.done $0x0  }
0xd8: {  	s17 =	simm.s32 $0x1780;
	s0 =	rddreg [dreg:$0x18];
	[sflag:s18] =	ssyncadd.s32 $0xFFFFFD80  }
0xd9: {  	[tilespmem:s17], [sflag:$0x2] =	stream.linear.gather [hbm4b:s0+s3], $0x80, $0x38;
	[tilespmem:$0x1E580] =	vst v63  }
0xda: {  	s30 =	simm.s32 $0x1B80;
	s29 =	sadd.s32 $0x80, s0  }
0xdb: {  	[tilespmem:s30], [sflag:$0x2] =	stream.linear.gather [hbm4b:s29+s3], $0x80, $0x38;
	[tilespmem:$0x1E580] =	vst v63  }
0xdc: {  	s29 =	simm.s32 $0x0  }
0xdd: {  	s4 =	sadd.s32 $0x100, s0;
	s17 =	simm.s32 $0x1F80;
	s2 =	smul.u32 $0x3000, s29  }
0xde: {  	[tilespmem:s17], [sflag:$0x2] =	stream.linear.gather [hbm4b:s4+s3], $0x80, $0x38;
	[tilespmem:$0x1E580] =	vst v63  }
0xdf: {  	_ =	swait.ge [sflag:s18], $0x180  }
0xe0: {  	s30 =	sand.u32 $0x380, s3;
	s2 =	sshra.s32 s2, $0x2;
	[sflag:s18] =	ssyncset.done $0x0  }
0xe1: {  	s2 =	sor.u32 s30, s2;
	[sflag:s18] =	ssyncadd.s32 $0xFFFFFE80  }
0xe2: {  	s4 =	sadd.s32 $0x14980, s2;
	[tilespmem:s2+$0x14980] =	vst v2  }
0xe3: {  	[tilespmem:s4+$0x70] =	vst v2  }
0xe4: {  	[tilespmem:s4+$0x60] =	vst v2  }
0xe5: {  	[tilespmem:s4+$0x40] =	vst v2  }
0xe6: {  	[tilespmem:s4+$0x50] =	vst v2  }
0xe7: {  	[tilespmem:s4+$0x30] =	vst v2  }
0xe8: {  	[tilespmem:s4+$0x20] =	vst v2  }
0xe9: {  	s18 =	sadd.s32 $0x14D80, s2;
	[tilespmem:s4+$0x10] =	vst v2  }
0xea: {  	[tilespmem:s18+$0x70] =	vst v2  }
0xeb: {  	[tilespmem:s18+$0x60] =	vst v2  }
0xec: {  	[tilespmem:s18+$0x50] =	vst v2  }
0xed: {  	[tilespmem:s18+$0x40] =	vst v2  }
0xee: {  	[tilespmem:s2+$0x14D80] =	vst v2  }
0xef: {  	s17 =	simm.s32 $0x0;
	s4 =	simm.s32 $0x1;
	[tilespmem:s18+$0x20] =	vst v2  }
.LBB2_2:
0xf0: {  	s30 =	smov.u32 s4  }
0xf1: {  	s29 =	sshrl.u32 s4, $0x3;
	[tilespmem:s18+$0x10] =	vst v2;
	s17 =	sadd.s32 $0x80, s17;
	s30 =	sadd.s32 $0x1, s4  }
0xf2: {  	p0 =	sne.s32 s4, $0x63;
	s29 =	smul.u32 $0x3000, s29;
	[tilespmem:s18+$0x30] =	vst v2  }
0xf3: {  	s4 =	sadd.s32 $0x15180, s2;
	[tilespmem:s2+$0x15180] =	vst v2  }
0xf4: {  	s2 =	sand.u32 $0x380, s17;
	s18 =	sshra.s32 s29, $0x2;
	[tilespmem:s4+$0x10] =	vst v2  }
0xf5: {  	s2 =	sor.u32 s2, s18;
	[tilespmem:s4+$0x20] =	vst v2  }
0xf6: {  	s4 =	sadd.s32 $0x14980, s2;
	[tilespmem:s2+$0x14980] =	vst v2  }
0xf7: {  	[tilespmem:s4+$0x70] =	vst v2  }
0xf8: {  	[tilespmem:s4+$0x60] =	vst v2  }
0xf9: {  	[tilespmem:s4+$0x40] =	vst v2  }
0xfa: {  	[tilespmem:s4+$0x30] =	vst v2  }
0xfb: {  	[tilespmem:s4+$0x20] =	vst v2  }
0xfc: {  	[tilespmem:s4+$0x10] =	vst v2  }
0xfd: {  	s18 =	sadd.s32 $0x14D80, s2;
	[tilespmem:s4+$0x50] =	vst v2  }
0xfe: {  	[tilespmem:s18+$0x70] =	vst v2  }
.Ltmp2:
0xff: {  	[tilespmem:s18+$0x60] =	vst v2;
	(pc) =	sbr.rel @p0 .LBB2_2-.Ltmp2, $4  }
0x100: {  	[tilespmem:s18+$0x50] =	vst v2  }
0x101: {  	[tilespmem:s18+$0x40] =	vst v2  }
0x102: {  	[tilespmem:s2+$0x14D80] =	vst v2  }
0x103: {  	s4 =	smov.u32 s30;
	[tilespmem:s18+$0x20] =	vst v2  }
0x104: {  	[tilespmem:s18+$0x10] =	vst v2  }
0x105: {  	[tilespmem:s18+$0x30] =	vst v2  }
0x106: {  	s4 =	sadd.s32 $0x15180, s2;
	[tilespmem:s2+$0x15180] =	vst v2  }
0x107: {  	[tilespmem:s4+$0x10] =	vst v2  }
0x108: {  	s17 =	simm.s32 $0x200;
	s2 =	simm.s32 $0x0;
	[tilespmem:s4+$0x20] =	vst v2  }
.LBB2_4:
0x109: {  	p0 =	sne.s32 s17, $0x1800;
	[tilespmem:s2+$0x3070] =	vst v2  }
0x10a: {  	[tilespmem:s2+$0x2000] =	vst v3  }
0x10b: {  	[tilespmem:s2+$0x2800] =	vst v2  }
0x10c: {  	[tilespmem:s2+$0x3000] =	vst v2  }
0x10d: {  	[tilespmem:s2+$0x2010] =	vst v3  }
0x10e: {  	[tilespmem:s2+$0x2810] =	vst v2  }
0x10f: {  	[tilespmem:s2+$0x3010] =	vst v2  }
0x110: {  	[tilespmem:s2+$0x2020] =	vst v3  }
0x111: {  	[tilespmem:s2+$0x2820] =	vst v2  }
0x112: {  	[tilespmem:s2+$0x3020] =	vst v2  }
0x113: {  	[tilespmem:s2+$0x2030] =	vst v3  }
0x114: {  	[tilespmem:s2+$0x2830] =	vst v2  }
0x115: {  	[tilespmem:s2+$0x3030] =	vst v2  }
0x116: {  	[tilespmem:s2+$0x2040] =	vst v3  }
0x117: {  	[tilespmem:s2+$0x2840] =	vst v2  }
0x118: {  	[tilespmem:s2+$0x3040] =	vst v2  }
0x119: {  	[tilespmem:s2+$0x2050] =	vst v3  }
0x11a: {  	[tilespmem:s2+$0x2850] =	vst v2  }
0x11b: {  	[tilespmem:s2+$0x3050] =	vst v2  }
.Ltmp3:
0x11c: {  	[tilespmem:s2+$0x2060] =	vst v3;
	(pc) =	sbr.rel @p0 .LBB2_4-.Ltmp3, $4  }
0x11d: {  	[tilespmem:s2+$0x2860] =	vst v2  }
0x11e: {  	[tilespmem:s2+$0x3060] =	vst v2  }
0x11f: {  	[tilespmem:s2+$0x2070] =	vst v3  }
0x120: {  	[tilespmem:s2+$0x2870] =	vst v2;
	s2 =	sshra.s32 s17, $0x2;
	s17 =	sadd.s32 $0x200, s17  }
0x121: {  	[tilespmem:s2+$0x3070] =	vst v2  }
0x122: {  	[tilespmem:s2+$0x2000] =	vst v3  }
0x123: {  	[tilespmem:s2+$0x2800] =	vst v2  }
0x124: {  	[tilespmem:s2+$0x3000] =	vst v2  }
0x125: {  	[tilespmem:s2+$0x2010] =	vst v3  }
0x126: {  	[tilespmem:s2+$0x2810] =	vst v2  }
0x127: {  	[tilespmem:s2+$0x3010] =	vst v2  }
0x128: {  	[tilespmem:s2+$0x2020] =	vst v3  }
0x129: {  	[tilespmem:s2+$0x2820] =	vst v2  }
0x12a: {  	[tilespmem:s2+$0x3020] =	vst v2  }
0x12b: {  	[tilespmem:s2+$0x2030] =	vst v3  }
0x12c: {  	[tilespmem:s2+$0x2830] =	vst v2  }
0x12d: {  	[tilespmem:s2+$0x3030] =	vst v2  }
0x12e: {  	[tilespmem:s2+$0x2040] =	vst v3  }
0x12f: {  	[tilespmem:s2+$0x2840] =	vst v2  }
0x130: {  	[tilespmem:s2+$0x3040] =	vst v2  }
0x131: {  	[tilespmem:s2+$0x2050] =	vst v3  }
0x132: {  	[tilespmem:s2+$0x2850] =	vst v2  }
0x133: {  	[tilespmem:s2+$0x3050] =	vst v2  }
0x134: {  	[tilespmem:s2+$0x2060] =	vst v3  }
0x135: {  	[tilespmem:s2+$0x2860] =	vst v2  }
0x136: {  	[tilespmem:s2+$0x3060] =	vst v2  }
0x137: {  	[tilespmem:s2+$0x2070] =	vst v3  }
0x138: {  	[tilespmem:s2+$0x2870] =	vst v2;
	s2 =	simm.s32 $0x0;
	s0 =	rddreg [dreg:$0xb];
	s4 =	simm.s32 $0x3800  }
0x139: {  	[tilespmem:s4], [sflag:$0x2] =	stream.linear.gather [hbm4b:s0+s2], $0x200, $0x38;
	[tilespmem:$0x1E580] =	vst v63  }
0x13a: {  	s17 =	simm.s32 $0x3C00;
	s18 =	sadd.s32 $0x80, s0  }
0x13b: {  	[tilespmem:s17], [sflag:$0x2] =	stream.linear.gather [hbm4b:s18+s2], $0x200, $0x38;
	[tilespmem:$0x1E580] =	vst v63  }
0x13c: {  	s17 =	sadd.s32 $0x100, s0;
	s18 =	simm.s32 $0x4000  }
0x13d: {  	[tilespmem:s18], [sflag:$0x2] =	stream.linear.gather [hbm4b:s17+s2], $0x200, $0x38;
	[tilespmem:$0x1E580] =	vst v63  }
0x13e: {  	s0 =	sadd.s32 $0x180, s0;
	s17 =	simm.s32 $0x4400  }
0x13f: {  	[tilespmem:s17], [sflag:$0x2] =	stream.linear.gather [hbm4b:s0+s2], $0x200, $0x38;
	[tilespmem:$0x1E580] =	vst v63  }
0x140: {  	s17 =	simm.s32 $0x2  }
0x141: {  	_ =	swait.ge [sflag:s17], $0x800  }
0x142: {  	[sflag:s17] =	ssyncset.done $0x0  }
0x143: {  	s18 =	simm.s32 $0x4800;
	s0 =	rddreg [dreg:$0xc];
	[sflag:s17] =	ssyncadd.s32 $0xFFFFF800  }
0x144: {  	[tilespmem:s18], [sflag:$0x2] =	stream.linear.gather [hbm4b:s0+s2], $0x200, $0x38;
	[tilespmem:$0x1E580] =	vst v63  }
0x145: {  	s4 =	sadd.s32 $0x80, s0;
	s18 =	simm.s32 $0x4C00  }
0x146: {  	[tilespmem:s18], [sflag:$0x2] =	stream.linear.gather [hbm4b:s4+s2], $0x200, $0x38;
	[tilespmem:$0x1E580] =	vst v63  }
0x147: {  	s4 =	sadd.s32 $0x100, s0;
	s18 =	simm.s32 $0x5000  }
0x148: {  	[tilespmem:s18], [sflag:$0x2] =	stream.linear.gather [hbm4b:s4+s2], $0x200, $0x38;
	[tilespmem:$0x1E580] =	vst v63  }
0x149: {  	s0 =	sadd.s32 $0x180, s0;
	s18 =	simm.s32 $0x5400  }
0x14a: {  	[tilespmem:s18], [sflag:$0x2] =	stream.linear.gather [hbm4b:s0+s2], $0x200, $0x38;
	[tilespmem:$0x1E580] =	vst v63  }
0x14b: {  	_ =	swait.ge [sflag:s17], $0x800  }
0x14c: {  	[sflag:s17] =	ssyncset.done $0x0  }
0x14d: {  	s18 =	simm.s32 $0x5800;
	s0 =	rddreg [dreg:$0xd];
	[sflag:s17] =	ssyncadd.s32 $0xFFFFF800  }
0x14e: {  	[tilespmem:s18], [sflag:$0x2] =	stream.linear.gather [hbm4b:s0+s2], $0x200, $0x38;
	[tilespmem:$0x1E580] =	vst v63  }
0x14f: {  	s4 =	sadd.s32 $0x80, s0;
	s18 =	simm.s32 $0x5C00  }
0x150: {  	[tilespmem:s18], [sflag:$0x2] =	stream.linear.gather [hbm4b:s4+s2], $0x200, $0x38;
	[tilespmem:$0x1E580] =	vst v63  }
0x151: {  	s4 =	sadd.s32 $0x100, s0;
	s18 =	simm.s32 $0x6000  }
0x152: {  	[tilespmem:s18], [sflag:$0x2] =	stream.linear.gather [hbm4b:s4+s2], $0x200, $0x38;
	[tilespmem:$0x1E580] =	vst v63  }
0x153: {  	s0 =	sadd.s32 $0x180, s0;
	s18 =	simm.s32 $0x6400  }
0x154: {  	[tilespmem:s18], [sflag:$0x2] =	stream.linear.gather [hbm4b:s0+s2], $0x200, $0x38;
	[tilespmem:$0x1E580] =	vst v63  }
0x155: {  	_ =	swait.ge [sflag:s17], $0x800  }
0x156: {  	[sflag:s17] =	ssyncset.done $0x0  }
0x157: {  	s18 =	simm.s32 $0x6800;
	s0 =	rddreg [dreg:$0xe];
	[sflag:s17] =	ssyncadd.s32 $0xFFFFF800  }
0x158: {  	[tilespmem:s18], [sflag:$0x2] =	stream.linear.gather [hbm4b:s0+s2], $0x200, $0x38;
	[tilespmem:$0x1E580] =	vst v63  }
0x159: {  	s4 =	sadd.s32 $0x80, s0;
	s18 =	simm.s32 $0x6C00  }
0x15a: {  	[tilespmem:s18], [sflag:$0x2] =	stream.linear.gather [hbm4b:s4+s2], $0x200, $0x38;
	[tilespmem:$0x1E580] =	vst v63  }
0x15b: {  	s4 =	sadd.s32 $0x100, s0;
	s18 =	simm.s32 $0x7000  }
0x15c: {  	[tilespmem:s18], [sflag:$0x2] =	stream.linear.gather [hbm4b:s4+s2], $0x200, $0x38;
	[tilespmem:$0x1E580] =	vst v63  }
0x15d: {  	s0 =	sadd.s32 $0x180, s0;
	s18 =	simm.s32 $0x7400  }
0x15e: {  	[tilespmem:s18], [sflag:$0x2] =	stream.linear.gather [hbm4b:s0+s2], $0x200, $0x38;
	[tilespmem:$0x1E580] =	vst v63  }
0x15f: {  	_ =	swait.ge [sflag:s17], $0x800  }
0x160: {  	[sflag:s17] =	ssyncset.done $0x0  }
0x161: {  	s18 =	simm.s32 $0x7800;
	s0 =	rddreg [dreg:$0xf];
	[sflag:s17] =	ssyncadd.s32 $0xFFFFF800  }
0x162: {  	[tilespmem:s18], [sflag:$0x2] =	stream.linear.gather [hbm4b:s0+s2], $0x200, $0x38;
	[tilespmem:$0x1E580] =	vst v63  }
0x163: {  	s4 =	sadd.s32 $0x80, s0;
	s18 =	simm.s32 $0x7C00  }
0x164: {  	[tilespmem:s18], [sflag:$0x2] =	stream.linear.gather [hbm4b:s4+s2], $0x200, $0x38;
	[tilespmem:$0x1E580] =	vst v63  }
0x165: {  	s4 =	sadd.s32 $0x100, s0;
	s18 =	simm.s32 $0x8000  }
0x166: {  	[tilespmem:s18], [sflag:$0x2] =	stream.linear.gather [hbm4b:s4+s2], $0x200, $0x38;
	[tilespmem:$0x1E580] =	vst v63  }
0x167: {  	s0 =	sadd.s32 $0x180, s0;
	s18 =	simm.s32 $0x8400  }
0x168: {  	[tilespmem:s18], [sflag:$0x2] =	stream.linear.gather [hbm4b:s0+s2], $0x200, $0x38;
	[tilespmem:$0x1E580] =	vst v63  }
0x169: {  	_ =	swait.ge [sflag:s17], $0x800  }
0x16a: {  	s18 =	sand.u32 $0x70, s2;
	s2 =	sand.u32 $0xC00, s2;
	[sflag:s17] =	ssyncset.done $0x0  }
0x16b: {  	s2 =	sor.u32 s18, s2;
	[sflag:s17] =	ssyncadd.s32 $0xFFFFF800  }
0x16c: {  	v42 =	vld [tilespmem:s2+$0x3800];
	_ =	sdelay $0x2  }
0x16d: {  	v41 =	vld [tilespmem:s2+$0x4800];
	_ =	sdelay $0x1  }
0x16e: {  	vm0 =	veq.s32 v42, v0  }
0x16f: {  	v43 =	vld [tilespmem:s2+$0x5800]  }
0x170: {  	v44 =	vld [tilespmem:s2+$0x6800];
	_ =	sdelay $0x1  }
0x171: {  	v42 =	vld [tilespmem:s2+$0x7800];
	_ =	sdelay $0x1  }
0x172: {  	s18 =	simm.s32 $0x80;
	s17 =	simm.s32 $0x10;
	[tilespmem:v41+s28+$0x0] =	vst.idx.msk vm0, v43  }
0x173: {  	s29 =	simm.s32 $0x20;
	s30 =	sand.u32 $0xC00, s18;
	s4 =	sand.u32 $0x70, s17;
	[tilespmem:v41+s31+$0x0] =	vst.idx.msk vm0, v44  }
.LBB2_6:
0x174: {  	p0 =	sne.s32 s29, $0x180  }
0x175: {  	s4 =	sor.u32 s4, s30;
	[tilespmem:v41+s1+$0x0] =	vst.idx.msk vm0, v42;
	s30 =	smov.u32 s29;
	s29 =	sadd.s32 $0x10, s29  }
0x176: {  	v42 =	vld [tilespmem:s4+$0x3800];
	_ =	sdelay $0x2  }
0x177: {  	v41 =	vld [tilespmem:s4+$0x4800];
	_ =	sdelay $0x1  }
0x178: {  	vm0 =	veq.s32 v42, v0  }
0x179: {  	v43 =	vld [tilespmem:s4+$0x5800]  }
0x17a: {  	v44 =	vld [tilespmem:s4+$0x6800]  }
.Ltmp4:
0x17b: {  	v42 =	vld [tilespmem:s4+$0x7800];
	(pc) =	sbr.rel @p0 .LBB2_6-.Ltmp4, $3  }
0x17c: {  	_ =	sdelay $0x1  }
0x17d: {  	s18 =	sadd.s32 $0x80, s18;
	[tilespmem:v41+s28+$0x0] =	vst.idx.msk vm0, v43  }
0x17e: {  	s4 =	sand.u32 $0x70, s30;
	s30 =	sand.u32 $0xC00, s18;
	[tilespmem:v41+s31+$0x0] =	vst.idx.msk vm0, v44  }
0x17f: {  	_ =	sdelay $0x4  }
0x180: {  	s4 =	sor.u32 s4, s30;
	[tilespmem:v41+s1+$0x0] =	vst.idx.msk vm0, v42  }
0x181: {  	v41 =	vld [tilespmem:s4+$0x3800];
	_ =	sdelay $0x2  }
0x182: {  	v42 =	vld [tilespmem:s4+$0x4800];
	_ =	sdelay $0x1  }
0x183: {  	vm0 =	veq.s32 v41, v0  }
0x184: {  	v63 =	vld [tilespmem:s4+$0x5800]  }
0x185: {  	v43 =	vld [tilespmem:s4+$0x6800]  }
0x186: {  	v44 =	vld [tilespmem:s4+$0x7800];
	_ =	sdelay $0x2  }
0x187: {  	[tilespmem:v42+s28+$0x0] =	vst.idx.msk vm0, v63  }
0x188: {  	[tilespmem:v42+s31+$0x0] =	vst.idx.msk vm0, v43  }
0x189: {  	[tilespmem:v42+s1+$0x0] =	vst.idx.msk vm0, v44  }
0x18a: {  	v42 =	vld [tilespmem:s2+$0x3880];
	_ =	sdelay $0x2  }
0x18b: {  	v41 =	vld [tilespmem:s2+$0x4880];
	_ =	sdelay $0x1  }
0x18c: {  	vm0 =	veq.s32 v42, v0  }
0x18d: {  	v43 =	vld [tilespmem:s2+$0x5880]  }
0x18e: {  	v44 =	vld [tilespmem:s2+$0x6880];
	_ =	sdelay $0x1  }
0x18f: {  	v42 =	vld [tilespmem:s2+$0x7880];
	_ =	sdelay $0x1  }
0x190: {  	s2 =	simm.s32 $0x80;
	[tilespmem:v41+s28+$0x0] =	vst.idx.msk vm0, v43  }
0x191: {  	s18 =	simm.s32 $0x20;
	s4 =	sand.u32 $0x70, s17;
	s17 =	sand.u32 $0xC00, s2;
	[tilespmem:v41+s31+$0x0] =	vst.idx.msk vm0, v44  }
.LBB2_8:
0x192: {  	p0 =	sne.s32 s18, $0x180  }
0x193: {  	s4 =	sor.u32 s4, s17;
	[tilespmem:v41+s1+$0x0] =	vst.idx.msk vm0, v42;
	s17 =	smov.u32 s18;
	s18 =	sadd.s32 $0x10, s18  }
0x194: {  	v42 =	vld [tilespmem:s4+$0x3880];
	_ =	sdelay $0x2  }
0x195: {  	v41 =	vld [tilespmem:s4+$0x4880];
	_ =	sdelay $0x1  }
0x196: {  	vm0 =	veq.s32 v42, v0  }
0x197: {  	v43 =	vld [tilespmem:s4+$0x5880]  }
0x198: {  	v44 =	vld [tilespmem:s4+$0x6880]  }
.Ltmp5:
0x199: {  	v42 =	vld [tilespmem:s4+$0x7880];
	(pc) =	sbr.rel @p0 .LBB2_8-.Ltmp5, $3  }
0x19a: {  	_ =	sdelay $0x1  }
0x19b: {  	s2 =	sadd.s32 $0x80, s2;
	[tilespmem:v41+s28+$0x0] =	vst.idx.msk vm0, v43  }
0x19c: {  	s4 =	sand.u32 $0x70, s17;
	s17 =	sand.u32 $0xC00, s2;
	[tilespmem:v41+s31+$0x0] =	vst.idx.msk vm0, v44  }
0x19d: {  	_ =	sdelay $0x4  }
0x19e: {  	s2 =	sor.u32 s4, s17;
	[tilespmem:v41+s1+$0x0] =	vst.idx.msk vm0, v42  }
0x19f: {  	v41 =	vld [tilespmem:s2+$0x3880];
	_ =	sdelay $0x2  }
0x1a0: {  	v42 =	vld [tilespmem:s2+$0x4880];
	_ =	sdelay $0x1  }
0x1a1: {  	vm0 =	veq.s32 v41, v0  }
0x1a2: {  	v63 =	vld [tilespmem:s2+$0x5880]  }
0x1a3: {  	v43 =	vld [tilespmem:s2+$0x6880]  }
0x1a4: {  	p1 =	por $0x1, $0x1;
	v44 =	vld [tilespmem:s2+$0x7880]  }
.Ltmp6:
0x1a5: {  	_ = 	snop;
	(pc) =	sbr.rel @!p1 .LBB2_12-.Ltmp6, $4  }
0x1a6: {  	_ = 	snop  }
0x1a7: {  	s29 =	simm.s32 $0x0;
	s0 =	simm.s32 $0x10;
	[tilespmem:v42+s28+$0x0] =	vst.idx.msk vm0, v63  }
0x1a8: {  	p0 =	por $0x0, $0x0;
	s30 =	sand.u32 $0x70, s29;
	s4 =	sand.u32 $0xC00, s29;
	[tilespmem:v42+s31+$0x0] =	vst.idx.msk vm0, v43  }
0x1a9: {  	p2 =	por $0x0, $0x0;
	s17 =	smov.u32 s4;
	s2 =	smov.u32 s30;
	[tilespmem:v42+s1+$0x0] =	vst.idx.msk vm0, v44  }
0x1aa: {  	s2 =	sor.u32 s30, s4  }
0x1ab: {  	v42 =	vld [tilespmem:s2+$0x3900];
	_ =	sdelay $0x2  }
0x1ac: {  	v41 =	vld [tilespmem:s2+$0x4900];
	_ =	sdelay $0x1  }
0x1ad: {  	vm0 =	veq.s32 v42, v0  }
0x1ae: {  	v43 =	vld [tilespmem:s2+$0x5900]  }
0x1af: {  	p3 =	por $0x1, $0x1;
	v44 =	vld [tilespmem:s2+$0x6900]  }
.Ltmp7:
0x1b0: {  	_ = 	snop;
	(pc) =	sbr.rel @!p3 .LBB2_12-.Ltmp7, $3  }
0x1b1: {  	v42 =	vld [tilespmem:s2+$0x7900];
	_ =	sdelay $0x1  }
0x1b2: {  	s18 =	simm.s32 $0x20;
	s29 =	simm.s32 $0x80;
	[tilespmem:v41+s28+$0x0] =	vst.idx.msk vm0, v43  }
0x1b3: {  	p2 =	por $0x1, $0x1;
	s17 =	sand.u32 $0xC00, s29;
	s2 =	sand.u32 $0x70, s0;
	[tilespmem:v41+s31+$0x0] =	vst.idx.msk vm0, v44  }
.LBB2_11:
0x1b4: {  	p3 =	sne.s32 s18, $0x180  }
0x1b5: {  	s2 =	sor.u32 s2, s17;
	[tilespmem:v41+s1+$0x0] =	vst.idx.msk vm0, v42;
	s17 =	smov.u32 s18;
	s18 =	sadd.s32 $0x10, s18  }
0x1b6: {  	v42 =	vld [tilespmem:s2+$0x3900];
	_ =	sdelay $0x2  }
0x1b7: {  	v41 =	vld [tilespmem:s2+$0x4900];
	_ =	sdelay $0x1  }
0x1b8: {  	vm0 =	veq.s32 v42, v0  }
0x1b9: {  	v43 =	vld [tilespmem:s2+$0x5900]  }
0x1ba: {  	v44 =	vld [tilespmem:s2+$0x6900]  }
.Ltmp8:
0x1bb: {  	v42 =	vld [tilespmem:s2+$0x7900];
	(pc) =	sbr.rel @p3 .LBB2_11-.Ltmp8, $3  }
0x1bc: {  	_ =	sdelay $0x1  }
0x1bd: {  	s29 =	sadd.s32 $0x80, s29;
	[tilespmem:v41+s28+$0x0] =	vst.idx.msk vm0, v43  }
0x1be: {  	s2 =	sand.u32 $0x70, s17;
	s17 =	sand.u32 $0xC00, s29;
	[tilespmem:v41+s31+$0x0] =	vst.idx.msk vm0, v44  }
.LBB2_12:
0x1bf: {  	_ =	sdelay $0x4  }
0x1c0: {  	s2 =	sor.u32 s2, s17;
	[tilespmem:v41+s1+$0x0] =	vst.idx.msk @p2 vm0, v42  }
0x1c1: {  	v41 =	vld [tilespmem:s2+$0x3900];
	_ =	sdelay $0x2  }
0x1c2: {  	v42 =	vld [tilespmem:s2+$0x4900];
	_ =	sdelay $0x1  }
0x1c3: {  	vm15 =	veq.s32 v41, v0  }
0x1c4: {  	v63 =	vld [tilespmem:s2+$0x5900]  }
0x1c5: {  	v43 =	vld [tilespmem:s2+$0x6900]  }
0x1c6: {  	v44 =	vld [tilespmem:s2+$0x7900]  }
.Ltmp9:
0x1c7: {  	_ = 	snop;
	(pc) =	sbr.rel @!p1 .LBB2_13-.Ltmp9, $4  }
0x1c8: {  	_ = 	snop  }
0x1c9: {  	[tilespmem:v42+s28+$0x0] =	vst.idx.msk vm15, v63  }
0x1ca: {  	[tilespmem:v42+s31+$0x0] =	vst.idx.msk vm15, v43  }
0x1cb: {  	[tilespmem:v42+s1+$0x0] =	vst.idx.msk vm15, v44  }
0x1cc: {  	s2 =	sor.u32 s30, s4  }
0x1cd: {  	v42 =	vld [tilespmem:s2+$0x3980];
	_ =	sdelay $0x2  }
0x1ce: {  	v41 =	vld [tilespmem:s2+$0x4980];
	_ =	sdelay $0x1  }
0x1cf: {  	vm0 =	veq.s32 v42, v0  }
0x1d0: {  	v43 =	vld [tilespmem:s2+$0x5980]  }
0x1d1: {  	p1 =	por $0x1, $0x1;
	v44 =	vld [tilespmem:s2+$0x6980]  }
.Ltmp10:
0x1d2: {  	_ = 	snop;
	(pc) =	sbr.rel @!p1 .LBB2_16-.Ltmp10, $3  }
0x1d3: {  	v42 =	vld [tilespmem:s2+$0x7980];
	_ =	sdelay $0x1  }
0x1d4: {  	s18 =	simm.s32 $0x20;
	s29 =	simm.s32 $0x80;
	[tilespmem:v41+s28+$0x0] =	vst.idx.msk vm0, v43  }
0x1d5: {  	s30 =	sand.u32 $0x70, s0;
	p0 =	por $0x1, $0x1;
	s4 =	sand.u32 $0xC00, s29;
	[tilespmem:v41+s31+$0x0] =	vst.idx.msk vm0, v44  }
.LBB2_15:
0x1d6: {  	p1 =	sne.s32 s18, $0x180  }
0x1d7: {  	s2 =	sor.u32 s30, s4;
	[tilespmem:v41+s1+$0x0] =	vst.idx.msk vm0, v42;
	s4 =	smov.u32 s18;
	s18 =	sadd.s32 $0x10, s18  }
0x1d8: {  	v42 =	vld [tilespmem:s2+$0x3980];
	_ =	sdelay $0x2  }
0x1d9: {  	v41 =	vld [tilespmem:s2+$0x4980];
	_ =	sdelay $0x1  }
0x1da: {  	vm0 =	veq.s32 v42, v0  }
0x1db: {  	v43 =	vld [tilespmem:s2+$0x5980]  }
0x1dc: {  	v44 =	vld [tilespmem:s2+$0x6980]  }
.Ltmp11:
0x1dd: {  	v42 =	vld [tilespmem:s2+$0x7980];
	(pc) =	sbr.rel @p1 .LBB2_15-.Ltmp11, $3  }
0x1de: {  	_ =	sdelay $0x1  }
0x1df: {  	s29 =	sadd.s32 $0x80, s29;
	[tilespmem:v41+s28+$0x0] =	vst.idx.msk vm0, v43  }
0x1e0: {  	s30 =	sand.u32 $0x70, s4;
	s4 =	sand.u32 $0xC00, s29;
	[tilespmem:v41+s31+$0x0] =	vst.idx.msk vm0, v44  }
.LBB2_16:
0x1e1: {  	_ =	sdelay $0x4  }
0x1e2: {  	s2 =	sor.u32 s30, s4;
	[tilespmem:v41+s1+$0x0] =	vst.idx.msk @p0 vm0, v42  }
0x1e3: {  	v41 =	vld [tilespmem:s2+$0x3980];
	_ =	sdelay $0x2  }
0x1e4: {  	v42 =	vld [tilespmem:s2+$0x4980];
	_ =	sdelay $0x1  }
0x1e5: {  	vm15 =	veq.s32 v41, v0  }
0x1e6: {  	v63 =	vld [tilespmem:s2+$0x5980]  }
0x1e7: {  	v43 =	vld [tilespmem:s2+$0x6980]  }
0x1e8: {  	v44 =	vld [tilespmem:s2+$0x7980];
	_ =	sdelay $0x2  }
0x1e9: {  	[tilespmem:v42+s28+$0x0] =	vst.idx.msk vm15, v63  }
.Ltmp12:
0x1ea: {  	[tilespmem:v42+s31+$0x0] =	vst.idx.msk vm15, v43;
	(pc) =	sbr.rel .LBB2_18-.Ltmp12, $4  }
0x1eb: {  	s18 =	simm.s32 $0x0;
	s0 =	rddreg [dreg:$0x19];
	s17 =	simm.s32 $0x8980;
	[tilespmem:v42+s1+$0x0] =	vst.idx.msk vm15, v44  }
0x1ec: {  	[tilespmem:s17], [sflag:$0x1] =	stream.linear.gather [hbm4b:s0+s18], $0x3000, $0x38;
	[tilespmem:$0x1E580] =	vst v63  }
0x1ed: {  	s29 =	rddreg [dreg:$0x1a];
	s30 =	simm.s32 $0xB980  }
0x1ee: {  	[tilespmem:s30], [sflag:$0x1] =	stream.linear.gather [hbm4b:s29+s18], $0x3000, $0x38;
	[tilespmem:$0x1E580] =	vst v63  }
.LBB2_17:
0x1ef: {  	p0 =	seq.s32 s18, $0x10  }
.Ltmp13:
0x1f0: {  	_ = 	snop;
	(pc) =	sbr.rel @p0 .LBB2_20-.Ltmp13, $1  }
0x1f1: {  	_ =	sdelay $0x3  }
.LBB2_18:
0x1f2: {  	p0 =	seq.s32 s18, $0xF;
	s30 =	simm.s32 $0x1  }
0x1f3: {  	s2 =	sshll.u32 @!p0 s18, $0x4;
	_ =	swait.ge [sflag:s30], $0x3000  }
0x1f4: {  	s4 =	sshll.u32 @!p0 s18, $0x2;
	s2 =	sand.u32 @!p0 $0x10, s2;
	[sflag:s30] =	ssyncset.done $0x0  }
0x1f5: {  	s0 =	rddreg [dreg:$0x1b];
	s17 =	sxor.u32 @!p0 $0x10, s2;
	[sflag:s30] =	ssyncadd.s32 $0xFFFFD000  }
0x1f6: {  	s29 =	sadd.s32 @!p0 s4, s0;
	s17 =	sshrl.u32 @!p0 s17, $0x3;
	_ =	swait.ge [sflag:s30], $0x3000  }
0x1f7: {  	s29 =	sand.u32 @!p0 $0x7FFFFD, s29;
	s17 =	smul.u32 @!p0 $0xC000, s17;
	[sflag:s30] =	ssyncset.done $0x0  }
0x1f8: {  	s2 =	sxor.u32 @!p0 $0x18, s2;
	s29 =	smul.u32 @!p0 $0x600, s29;
	[sflag:s30] =	ssyncadd.s32 $0xFFFFD000  }
0x1f9: {  	s2 =	sshrl.u32 @!p0 s2, $0x3;
	s17 =	sshrl.u32 @!p0 s17, $0x2;
	s0 =	rddreg [dreg:$0x0]  }
0x1fa: {  	s30 =	simm.s32 @!p0 $0x0;
	s29 =	sadd.s32 @!p0 s0, s29;
	s17 =	sor.u32 @!p0 $0x8980, s17  }
0x1fb: {  	[tilespmem:s17], [sflag:$0x1] =	stream.linear.gather @!p0 [hbm4b:s29+s30], $0x3000, $0x38;
	[tilespmem:$0x1E580] =	vst v63  }
0x1fc: {  	s2 =	smul.u32 @!p0 $0xC000, s2;
	s17 =	rddreg [dreg:$0x1c]  }
0x1fd: {  	s4 =	sadd.s32 @!p0 s4, s17  }
0x1fe: {  	s2 =	sshrl.u32 @!p0 s2, $0x2;
	s4 =	smul.u32 @!p0 $0x600, s4  }
0x1ff: {  	s2 =	sadd.s32 @!p0 $0x8980, s2  }
0x200: {  	s17 =	sshll.u32 s18, $0x4;
	s18 =	sadd.s32 $0x1, s18;
	s4 =	sadd.s32 @!p0 s0, s4  }
0x201: {  	[tilespmem:s2], [sflag:$0x1] =	stream.linear.gather @!p0 [hbm4b:s4+s30], $0x3000, $0x38;
	[tilespmem:$0x1E580] =	vst v63  }
0x202: {  	s29 =	sshll.u32 s18, $0x4;
	s2 =	sand.u32 $0x3FFFFFF0, s17  }
0x203: {  	s30 =	sand.u32 $0x3FFFFFF0, s29;
	v41 =	vld [tilespmem:s2+$0x8800]  }
0x204: {  	v42 =	vld [tilespmem:s30+$0x8800];
	_ =	sdelay $0x3  }
0x205: {  	(v2sf) =	vpush v41, $0x0  }
0x206: {  	(v2sf) =	vpush v42, $0x0;
	_ =	sdelay $0xd  }
0x207: {  	s17 =	spop (v2sf)  }
0x208: {  	s2 =	spop (v2sf)  }
0x209: {  	p0 =	sge.s32 s17, s2  }
.Ltmp14:
0x20a: {  	_ = 	snop;
	(pc) =	sbr.rel @p0 .LBB2_17-.Ltmp14, $1  }
0x20b: {  	_ =	sdelay $0x3  }
.LBB2_19:
0x20c: {  	v42 =	vmov s17;
	_ =	sdelay $0x4  }
0x20d: {  	v41 =	vld.idx.msk [tilespmem:v42+s28+$0x0], $0xffff;
	_ =	sdelay $0x4  }
0x20e: {  	v41 =	vshll.u32 v41, $0x2  }
0x20f: {  	v43 =	vand.u32 $0x380, v41  }
0x210: {  	v41 =	vor.u32 v1, v43  }
0x211: {  	v44 =	vor.u32 v4, v43;
	_ =	sdelay $0x3  }
0x212: {  	v45 =	vld.idx.msk [tilespmem:v41+s3+$0x0], $0xffff  }
0x213: {  	v44 =	vld.idx.msk [tilespmem:v44+s3+$0x0], $0xffff;
	_ =	sdelay $0x4  }
0x214: {  	v45 =	vcvt.s32.f32 v45;
	v44 =	vcvt.s32.f32 v44  }
0x215: {  	v46 =	vld.idx.msk [tilespmem:v41+s26+$0x0], $0xffff  }
0x216: {  	v47 =	vadd.f32 $1.000000000e+00, v45;
	v48 =	vadd.f32 $1.000000000e+00, v44;
	_ =	sdelay $0x1  }
0x217: {  	v41 =	vld.idx.msk [tilespmem:v42+s31+$0x0], $0xffff;
	v44 =	vsub.f32 v44, v45;
	v48 =	vsub.f32 v48, v47  }
0x218: {  	v42 =	vld.idx.msk [tilespmem:v42+s1+$0x0], $0xffff  }
0x219: {  	v44 =	vmul.f32 v44, v46;
	v46 =	vmul.f32 v48, v46;
	_ =	sdelay $0x1  }
0x21a: {  	v44 =	vadd.f32 v45, v44;
	v52 =	vadd.f32 v46, v47;
	_ =	sdelay $0x1  }
0x21b: {  	v53 =	vor.u32 v5, v43;
	v44 =	vmul.f32 v44, v41;
	v45 =	vmul.f32 v52, v42  }
0x21c: {  	v54 =	vor.u32 v6, v43  }
0x21d: {  	v44 =	vadd.f32 v45, v44;
	_ =	sdelay $0x1  }
0x21e: {  	[tilespmem:s7+$0x0] =	vst.add.f32.msk $0xffff, v44  }
0x21f: {  	v44 =	vld.idx.msk [tilespmem:v53+s3+$0x0], $0xffff  }
0x220: {  	v55 =	vld.idx.msk [tilespmem:v54+s3+$0x0], $0xffff;
	_ =	sdelay $0x4  }
0x221: {  	v44 =	vcvt.s32.f32 v44;
	v45 =	vcvt.s32.f32 v55  }
0x222: {  	v46 =	vld.idx.msk [tilespmem:v53+s26+$0x0], $0xffff  }
0x223: {  	v56 =	vadd.f32 $1.000000000e+00, v44;
	v57 =	vadd.f32 $1.000000000e+00, v45;
	_ =	sdelay $0x1  }
0x224: {  	v45 =	vsub.f32 v45, v44;
	v48 =	vsub.f32 v57, v56;
	_ =	sdelay $0x1  }
0x225: {  	v45 =	vmul.f32 v45, v46;
	v46 =	vmul.f32 v48, v46;
	_ =	sdelay $0x1  }
0x226: {  	v44 =	vadd.f32 v44, v45;
	v58 =	vadd.f32 v46, v56;
	_ =	sdelay $0x1  }
0x227: {  	v59 =	vor.u32 v7, v43;
	v44 =	vmul.f32 v44, v41;
	v45 =	vmul.f32 v58, v42  }
0x228: {  	v60 =	vor.u32 v8, v43  }
0x229: {  	v44 =	vadd.f32 v45, v44;
	_ =	sdelay $0x1  }
0x22a: {  	[tilespmem:s19+$0x0] =	vst.add.f32.msk $0xffff, v44  }
0x22b: {  	v44 =	vld.idx.msk [tilespmem:v59+s3+$0x0], $0xffff  }
0x22c: {  	v61 =	vld.idx.msk [tilespmem:v60+s3+$0x0], $0xffff;
	_ =	sdelay $0x4  }
0x22d: {  	v44 =	vcvt.s32.f32 v44;
	v45 =	vcvt.s32.f32 v61  }
0x22e: {  	v46 =	vld.idx.msk [tilespmem:v59+s26+$0x0], $0xffff  }
0x22f: {  	v62 =	vadd.f32 $1.000000000e+00, v44;
	v63 =	vadd.f32 $1.000000000e+00, v45;
	_ =	sdelay $0x1  }
0x230: {  	v45 =	vsub.f32 v45, v44;
	v48 =	vsub.f32 v63, v62;
	_ =	sdelay $0x1  }
0x231: {  	v45 =	vmul.f32 v45, v46;
	v46 =	vmul.f32 v48, v46;
	_ =	sdelay $0x1  }
0x232: {  	v44 =	vadd.f32 v44, v45;
	v52 =	vadd.f32 v46, v62;
	_ =	sdelay $0x1  }
0x233: {  	v53 =	vor.u32 v9, v43;
	v44 =	vmul.f32 v44, v41;
	v45 =	vmul.f32 v52, v42  }
0x234: {  	v54 =	vor.u32 v10, v43  }
0x235: {  	v44 =	vadd.f32 v45, v44;
	_ =	sdelay $0x1  }
0x236: {  	[tilespmem:s20+$0x0] =	vst.add.f32.msk $0xffff, v44  }
0x237: {  	v44 =	vld.idx.msk [tilespmem:v53+s3+$0x0], $0xffff  }
0x238: {  	v55 =	vld.idx.msk [tilespmem:v54+s3+$0x0], $0xffff;
	_ =	sdelay $0x4  }
0x239: {  	v44 =	vcvt.s32.f32 v44;
	v45 =	vcvt.s32.f32 v55  }
0x23a: {  	v46 =	vld.idx.msk [tilespmem:v53+s26+$0x0], $0xffff  }
0x23b: {  	v56 =	vadd.f32 $1.000000000e+00, v44;
	v57 =	vadd.f32 $1.000000000e+00, v45;
	_ =	sdelay $0x1  }
0x23c: {  	v45 =	vsub.f32 v45, v44;
	v48 =	vsub.f32 v57, v56;
	_ =	sdelay $0x1  }
0x23d: {  	v45 =	vmul.f32 v45, v46;
	v46 =	vmul.f32 v48, v46;
	_ =	sdelay $0x1  }
0x23e: {  	v44 =	vadd.f32 v44, v45;
	v58 =	vadd.f32 v46, v56;
	_ =	sdelay $0x1  }
0x23f: {  	v59 =	vor.u32 v11, v43;
	v44 =	vmul.f32 v44, v41;
	v45 =	vmul.f32 v58, v42  }
0x240: {  	v60 =	vor.u32 v12, v43  }
0x241: {  	v44 =	vadd.f32 v45, v44;
	_ =	sdelay $0x1  }
0x242: {  	[tilespmem:s21+$0x0] =	vst.add.f32.msk $0xffff, v44  }
0x243: {  	v44 =	vld.idx.msk [tilespmem:v59+s3+$0x0], $0xffff  }
0x244: {  	v61 =	vld.idx.msk [tilespmem:v60+s3+$0x0], $0xffff;
	_ =	sdelay $0x4  }
0x245: {  	v44 =	vcvt.s32.f32 v44;
	v45 =	vcvt.s32.f32 v61  }
0x246: {  	v46 =	vld.idx.msk [tilespmem:v59+s26+$0x0], $0xffff  }
0x247: {  	v62 =	vadd.f32 $1.000000000e+00, v44;
	v63 =	vadd.f32 $1.000000000e+00, v45;
	_ =	sdelay $0x1  }
0x248: {  	v45 =	vsub.f32 v45, v44;
	v48 =	vsub.f32 v63, v62;
	_ =	sdelay $0x1  }
0x249: {  	v45 =	vmul.f32 v45, v46;
	v46 =	vmul.f32 v48, v46;
	_ =	sdelay $0x1  }
0x24a: {  	v44 =	vadd.f32 v44, v45;
	v52 =	vadd.f32 v46, v62;
	_ =	sdelay $0x1  }
0x24b: {  	v53 =	vor.u32 v13, v43;
	v44 =	vmul.f32 v44, v41;
	v45 =	vmul.f32 v52, v42  }
0x24c: {  	v54 =	vor.u32 v14, v43  }
0x24d: {  	v44 =	vadd.f32 v45, v44;
	_ =	sdelay $0x1  }
0x24e: {  	[tilespmem:s22+$0x0] =	vst.add.f32.msk $0xffff, v44  }
0x24f: {  	v44 =	vld.idx.msk [tilespmem:v53+s3+$0x0], $0xffff  }
0x250: {  	v55 =	vld.idx.msk [tilespmem:v54+s3+$0x0], $0xffff;
	_ =	sdelay $0x4  }
0x251: {  	v44 =	vcvt.s32.f32 v44;
	v45 =	vcvt.s32.f32 v55  }
0x252: {  	v46 =	vld.idx.msk [tilespmem:v53+s26+$0x0], $0xffff  }
0x253: {  	v56 =	vadd.f32 $1.000000000e+00, v44;
	v57 =	vadd.f32 $1.000000000e+00, v45;
	_ =	sdelay $0x1  }
0x254: {  	v45 =	vsub.f32 v45, v44;
	v48 =	vsub.f32 v57, v56;
	_ =	sdelay $0x1  }
0x255: {  	v45 =	vmul.f32 v45, v46;
	v46 =	vmul.f32 v48, v46;
	_ =	sdelay $0x1  }
0x256: {  	v44 =	vadd.f32 v44, v45;
	v58 =	vadd.f32 v46, v56;
	_ =	sdelay $0x1  }
0x257: {  	v59 =	vor.u32 v15, v43;
	v44 =	vmul.f32 v44, v41;
	v45 =	vmul.f32 v58, v42  }
0x258: {  	v60 =	vor.u32 v16, v43  }
0x259: {  	v44 =	vadd.f32 v45, v44;
	_ =	sdelay $0x1  }
0x25a: {  	[tilespmem:s23+$0x0] =	vst.add.f32.msk $0xffff, v44  }
0x25b: {  	v44 =	vld.idx.msk [tilespmem:v59+s3+$0x0], $0xffff  }
0x25c: {  	v61 =	vld.idx.msk [tilespmem:v60+s3+$0x0], $0xffff;
	_ =	sdelay $0x4  }
0x25d: {  	v44 =	vcvt.s32.f32 v44;
	v45 =	vcvt.s32.f32 v61  }
0x25e: {  	v46 =	vld.idx.msk [tilespmem:v59+s26+$0x0], $0xffff  }
0x25f: {  	v62 =	vadd.f32 $1.000000000e+00, v44;
	v63 =	vadd.f32 $1.000000000e+00, v45;
	_ =	sdelay $0x1  }
0x260: {  	v45 =	vsub.f32 v45, v44;
	v48 =	vsub.f32 v63, v62;
	_ =	sdelay $0x1  }
0x261: {  	v45 =	vmul.f32 v45, v46;
	v46 =	vmul.f32 v48, v46;
	_ =	sdelay $0x1  }
0x262: {  	v44 =	vadd.f32 v44, v45;
	v52 =	vadd.f32 v46, v62;
	_ =	sdelay $0x1  }
0x263: {  	v53 =	vor.u32 v17, v43;
	v44 =	vmul.f32 v44, v41;
	v45 =	vmul.f32 v52, v42  }
0x264: {  	v54 =	vor.u32 v18, v43  }
0x265: {  	v44 =	vadd.f32 v45, v44;
	_ =	sdelay $0x1  }
0x266: {  	[tilespmem:s24+$0x0] =	vst.add.f32.msk $0xffff, v44  }
0x267: {  	v44 =	vld.idx.msk [tilespmem:v53+s3+$0x0], $0xffff  }
0x268: {  	v55 =	vld.idx.msk [tilespmem:v54+s3+$0x0], $0xffff;
	_ =	sdelay $0x4  }
0x269: {  	v44 =	vcvt.s32.f32 v44;
	v45 =	vcvt.s32.f32 v55  }
0x26a: {  	v46 =	vld.idx.msk [tilespmem:v53+s26+$0x0], $0xffff  }
0x26b: {  	v56 =	vadd.f32 $1.000000000e+00, v44;
	v57 =	vadd.f32 $1.000000000e+00, v45;
	_ =	sdelay $0x1  }
0x26c: {  	v45 =	vsub.f32 v45, v44;
	v48 =	vsub.f32 v57, v56;
	_ =	sdelay $0x1  }
0x26d: {  	v45 =	vmul.f32 v45, v46;
	v46 =	vmul.f32 v48, v46;
	_ =	sdelay $0x1  }
0x26e: {  	v44 =	vadd.f32 v44, v45;
	v58 =	vadd.f32 v46, v56;
	_ =	sdelay $0x1  }
0x26f: {  	v59 =	vor.u32 v19, v43;
	v44 =	vmul.f32 v44, v41;
	v45 =	vmul.f32 v58, v42  }
0x270: {  	v60 =	vor.u32 v20, v43  }
0x271: {  	v44 =	vadd.f32 v45, v44;
	_ =	sdelay $0x1  }
0x272: {  	[tilespmem:s25+$0x0] =	vst.add.f32.msk $0xffff, v44  }
0x273: {  	v44 =	vld.idx.msk [tilespmem:v59+s3+$0x0], $0xffff  }
0x274: {  	v61 =	vld.idx.msk [tilespmem:v60+s3+$0x0], $0xffff;
	_ =	sdelay $0x4  }
0x275: {  	v44 =	vcvt.s32.f32 v44;
	v45 =	vcvt.s32.f32 v61  }
0x276: {  	v46 =	vld.idx.msk [tilespmem:v59+s26+$0x0], $0xffff  }
0x277: {  	v62 =	vadd.f32 $1.000000000e+00, v44;
	v63 =	vadd.f32 $1.000000000e+00, v45;
	_ =	sdelay $0x1  }
0x278: {  	v45 =	vsub.f32 v45, v44;
	v48 =	vsub.f32 v63, v62;
	_ =	sdelay $0x1  }
0x279: {  	v45 =	vmul.f32 v45, v46;
	v46 =	vmul.f32 v48, v46;
	_ =	sdelay $0x1  }
0x27a: {  	v44 =	vadd.f32 v44, v45;
	v52 =	vadd.f32 v46, v62;
	_ =	sdelay $0x1  }
0x27b: {  	v53 =	vor.u32 v21, v43;
	v44 =	vmul.f32 v44, v41;
	v45 =	vmul.f32 v52, v42  }
0x27c: {  	v54 =	vor.u32 v22, v43  }
0x27d: {  	v44 =	vadd.f32 v45, v44;
	_ =	sdelay $0x1  }
0x27e: {  	[tilespmem:s12+$0x0] =	vst.add.f32.msk $0xffff, v44  }
0x27f: {  	v44 =	vld.idx.msk [tilespmem:v53+s3+$0x0], $0xffff  }
0x280: {  	v55 =	vld.idx.msk [tilespmem:v54+s3+$0x0], $0xffff;
	_ =	sdelay $0x4  }
0x281: {  	v44 =	vcvt.s32.f32 v44;
	v45 =	vcvt.s32.f32 v55  }
0x282: {  	v46 =	vld.idx.msk [tilespmem:v53+s26+$0x0], $0xffff  }
0x283: {  	v56 =	vadd.f32 $1.000000000e+00, v44;
	v57 =	vadd.f32 $1.000000000e+00, v45;
	_ =	sdelay $0x1  }
0x284: {  	v45 =	vsub.f32 v45, v44;
	v48 =	vsub.f32 v57, v56;
	_ =	sdelay $0x1  }
0x285: {  	v45 =	vmul.f32 v45, v46;
	v46 =	vmul.f32 v48, v46;
	_ =	sdelay $0x1  }
0x286: {  	v44 =	vadd.f32 v44, v45;
	v58 =	vadd.f32 v46, v56;
	_ =	sdelay $0x1  }
0x287: {  	v59 =	vor.u32 v23, v43;
	v44 =	vmul.f32 v44, v41;
	v45 =	vmul.f32 v58, v42  }
0x288: {  	v60 =	vor.u32 v24, v43  }
0x289: {  	v44 =	vadd.f32 v45, v44;
	_ =	sdelay $0x1  }
0x28a: {  	[tilespmem:s13+$0x0] =	vst.add.f32.msk $0xffff, v44  }
0x28b: {  	v44 =	vld.idx.msk [tilespmem:v59+s3+$0x0], $0xffff  }
0x28c: {  	v61 =	vld.idx.msk [tilespmem:v60+s3+$0x0], $0xffff;
	_ =	sdelay $0x4  }
0x28d: {  	v44 =	vcvt.s32.f32 v44;
	v45 =	vcvt.s32.f32 v61  }
0x28e: {  	v46 =	vld.idx.msk [tilespmem:v59+s26+$0x0], $0xffff  }
0x28f: {  	v62 =	vadd.f32 $1.000000000e+00, v44;
	v63 =	vadd.f32 $1.000000000e+00, v45;
	_ =	sdelay $0x1  }
0x290: {  	v45 =	vsub.f32 v45, v44;
	v48 =	vsub.f32 v63, v62;
	_ =	sdelay $0x1  }
0x291: {  	v45 =	vmul.f32 v45, v46;
	v46 =	vmul.f32 v48, v46;
	_ =	sdelay $0x1  }
0x292: {  	v44 =	vadd.f32 v44, v45;
	v52 =	vadd.f32 v46, v62;
	_ =	sdelay $0x1  }
0x293: {  	v53 =	vor.u32 v25, v43;
	v44 =	vmul.f32 v44, v41;
	v45 =	vmul.f32 v52, v42  }
0x294: {  	v54 =	vor.u32 v26, v43  }
0x295: {  	v44 =	vadd.f32 v45, v44;
	_ =	sdelay $0x1  }
0x296: {  	[tilespmem:s14+$0x0] =	vst.add.f32.msk $0xffff, v44  }
0x297: {  	v44 =	vld.idx.msk [tilespmem:v53+s3+$0x0], $0xffff  }
0x298: {  	v55 =	vld.idx.msk [tilespmem:v54+s3+$0x0], $0xffff;
	_ =	sdelay $0x4  }
0x299: {  	v44 =	vcvt.s32.f32 v44;
	v45 =	vcvt.s32.f32 v55  }
0x29a: {  	v46 =	vld.idx.msk [tilespmem:v53+s26+$0x0], $0xffff  }
0x29b: {  	v56 =	vadd.f32 $1.000000000e+00, v44;
	v57 =	vadd.f32 $1.000000000e+00, v45;
	_ =	sdelay $0x1  }
0x29c: {  	v45 =	vsub.f32 v45, v44;
	v48 =	vsub.f32 v57, v56;
	_ =	sdelay $0x1  }
0x29d: {  	v45 =	vmul.f32 v45, v46;
	v46 =	vmul.f32 v48, v46;
	_ =	sdelay $0x1  }
0x29e: {  	v44 =	vadd.f32 v44, v45;
	v58 =	vadd.f32 v46, v56;
	_ =	sdelay $0x1  }
0x29f: {  	v59 =	vor.u32 v27, v43;
	v44 =	vmul.f32 v44, v41;
	v45 =	vmul.f32 v58, v42  }
0x2a0: {  	v60 =	vor.u32 v28, v43  }
0x2a1: {  	v44 =	vadd.f32 v45, v44;
	_ =	sdelay $0x1  }
0x2a2: {  	[tilespmem:s15+$0x0] =	vst.add.f32.msk $0xffff, v44  }
0x2a3: {  	v44 =	vld.idx.msk [tilespmem:v59+s3+$0x0], $0xffff  }
0x2a4: {  	v61 =	vld.idx.msk [tilespmem:v60+s3+$0x0], $0xffff;
	_ =	sdelay $0x4  }
0x2a5: {  	v44 =	vcvt.s32.f32 v44;
	v45 =	vcvt.s32.f32 v61  }
0x2a6: {  	v46 =	vld.idx.msk [tilespmem:v59+s26+$0x0], $0xffff  }
0x2a7: {  	v62 =	vadd.f32 $1.000000000e+00, v44;
	v63 =	vadd.f32 $1.000000000e+00, v45;
	_ =	sdelay $0x1  }
0x2a8: {  	v45 =	vsub.f32 v45, v44;
	v48 =	vsub.f32 v63, v62;
	_ =	sdelay $0x1  }
0x2a9: {  	v45 =	vmul.f32 v45, v46;
	v46 =	vmul.f32 v48, v46;
	_ =	sdelay $0x1  }
0x2aa: {  	v44 =	vadd.f32 v44, v45;
	v52 =	vadd.f32 v46, v62;
	_ =	sdelay $0x1  }
0x2ab: {  	v53 =	vor.u32 v29, v43;
	v44 =	vmul.f32 v44, v41;
	v45 =	vmul.f32 v52, v42  }
0x2ac: {  	v54 =	vor.u32 v30, v43  }
0x2ad: {  	v44 =	vadd.f32 v45, v44;
	_ =	sdelay $0x1  }
0x2ae: {  	[tilespmem:s16+$0x0] =	vst.add.f32.msk $0xffff, v44  }
0x2af: {  	v44 =	vld.idx.msk [tilespmem:v53+s3+$0x0], $0xffff  }
0x2b0: {  	v55 =	vld.idx.msk [tilespmem:v54+s3+$0x0], $0xffff;
	_ =	sdelay $0x4  }
0x2b1: {  	v44 =	vcvt.s32.f32 v44;
	v45 =	vcvt.s32.f32 v55  }
0x2b2: {  	v46 =	vld.idx.msk [tilespmem:v53+s26+$0x0], $0xffff  }
0x2b3: {  	v56 =	vadd.f32 $1.000000000e+00, v44;
	v57 =	vadd.f32 $1.000000000e+00, v45;
	_ =	sdelay $0x1  }
0x2b4: {  	v45 =	vsub.f32 v45, v44;
	v48 =	vsub.f32 v57, v56;
	_ =	sdelay $0x1  }
0x2b5: {  	v45 =	vmul.f32 v45, v46;
	v46 =	vmul.f32 v48, v46;
	_ =	sdelay $0x1  }
0x2b6: {  	v44 =	vadd.f32 v44, v45;
	v58 =	vadd.f32 v46, v56;
	_ =	sdelay $0x1  }
0x2b7: {  	v59 =	vor.u32 v31, v43;
	v44 =	vmul.f32 v44, v41;
	v45 =	vmul.f32 v58, v42  }
0x2b8: {  	v60 =	vor.u32 v32, v43  }
0x2b9: {  	v44 =	vadd.f32 v45, v44;
	_ =	sdelay $0x1  }
0x2ba: {  	[tilespmem:s5+$0x0] =	vst.add.f32.msk $0xffff, v44  }
0x2bb: {  	v44 =	vld.idx.msk [tilespmem:v59+s3+$0x0], $0xffff  }
0x2bc: {  	v61 =	vld.idx.msk [tilespmem:v60+s3+$0x0], $0xffff;
	_ =	sdelay $0x4  }
0x2bd: {  	v44 =	vcvt.s32.f32 v44;
	v45 =	vcvt.s32.f32 v61  }
0x2be: {  	v46 =	vld.idx.msk [tilespmem:v59+s26+$0x0], $0xffff  }
0x2bf: {  	v62 =	vadd.f32 $1.000000000e+00, v44;
	v63 =	vadd.f32 $1.000000000e+00, v45;
	_ =	sdelay $0x1  }
0x2c0: {  	v45 =	vsub.f32 v45, v44;
	v48 =	vsub.f32 v63, v62;
	_ =	sdelay $0x1  }
0x2c1: {  	v45 =	vmul.f32 v45, v46;
	v46 =	vmul.f32 v48, v46;
	_ =	sdelay $0x1  }
0x2c2: {  	v44 =	vadd.f32 v44, v45;
	v52 =	vadd.f32 v46, v62;
	_ =	sdelay $0x1  }
0x2c3: {  	v53 =	vor.u32 v33, v43;
	v44 =	vmul.f32 v44, v41;
	v45 =	vmul.f32 v52, v42  }
0x2c4: {  	v54 =	vor.u32 v34, v43  }
0x2c5: {  	v44 =	vadd.f32 v45, v44;
	_ =	sdelay $0x1  }
0x2c6: {  	[tilespmem:s6+$0x0] =	vst.add.f32.msk $0xffff, v44  }
0x2c7: {  	v44 =	vld.idx.msk [tilespmem:v53+s3+$0x0], $0xffff  }
0x2c8: {  	v55 =	vld.idx.msk [tilespmem:v54+s3+$0x0], $0xffff;
	_ =	sdelay $0x4  }
0x2c9: {  	v44 =	vcvt.s32.f32 v44;
	v45 =	vcvt.s32.f32 v55  }
0x2ca: {  	v46 =	vld.idx.msk [tilespmem:v53+s26+$0x0], $0xffff  }
0x2cb: {  	v56 =	vadd.f32 $1.000000000e+00, v44;
	v57 =	vadd.f32 $1.000000000e+00, v45;
	_ =	sdelay $0x1  }
0x2cc: {  	v45 =	vsub.f32 v45, v44;
	v48 =	vsub.f32 v57, v56;
	_ =	sdelay $0x1  }
0x2cd: {  	v45 =	vmul.f32 v45, v46;
	v46 =	vmul.f32 v48, v46;
	_ =	sdelay $0x1  }
0x2ce: {  	v44 =	vadd.f32 v44, v45;
	v58 =	vadd.f32 v46, v56;
	_ =	sdelay $0x1  }
0x2cf: {  	v59 =	vor.u32 v35, v43;
	v44 =	vmul.f32 v44, v41;
	v45 =	vmul.f32 v58, v42  }
0x2d0: {  	v60 =	vor.u32 v36, v43  }
0x2d1: {  	v44 =	vadd.f32 v45, v44;
	_ =	sdelay $0x1  }
0x2d2: {  	[tilespmem:s8+$0x0] =	vst.add.f32.msk $0xffff, v44  }
0x2d3: {  	v44 =	vld.idx.msk [tilespmem:v59+s3+$0x0], $0xffff  }
0x2d4: {  	v61 =	vld.idx.msk [tilespmem:v60+s3+$0x0], $0xffff;
	_ =	sdelay $0x4  }
0x2d5: {  	v44 =	vcvt.s32.f32 v44;
	v45 =	vcvt.s32.f32 v61  }
0x2d6: {  	v46 =	vld.idx.msk [tilespmem:v59+s26+$0x0], $0xffff  }
0x2d7: {  	v62 =	vadd.f32 $1.000000000e+00, v44;
	v63 =	vadd.f32 $1.000000000e+00, v45;
	_ =	sdelay $0x1  }
0x2d8: {  	v45 =	vsub.f32 v45, v44;
	v48 =	vsub.f32 v63, v62;
	_ =	sdelay $0x1  }
0x2d9: {  	v45 =	vmul.f32 v45, v46;
	v46 =	vmul.f32 v48, v46;
	_ =	sdelay $0x1  }
0x2da: {  	v44 =	vadd.f32 v44, v45;
	v52 =	vadd.f32 v46, v62;
	_ =	sdelay $0x1  }
0x2db: {  	v53 =	vor.u32 v37, v43;
	v44 =	vmul.f32 v44, v41;
	v45 =	vmul.f32 v52, v42  }
0x2dc: {  	v54 =	vor.u32 v38, v43  }
0x2dd: {  	v44 =	vadd.f32 v45, v44;
	_ =	sdelay $0x1  }
0x2de: {  	[tilespmem:s9+$0x0] =	vst.add.f32.msk $0xffff, v44  }
0x2df: {  	v44 =	vld.idx.msk [tilespmem:v53+s3+$0x0], $0xffff  }
0x2e0: {  	v55 =	vld.idx.msk [tilespmem:v54+s3+$0x0], $0xffff;
	_ =	sdelay $0x4  }
0x2e1: {  	v44 =	vcvt.s32.f32 v44;
	v45 =	vcvt.s32.f32 v55  }
0x2e2: {  	v46 =	vld.idx.msk [tilespmem:v53+s26+$0x0], $0xffff  }
0x2e3: {  	v56 =	vadd.f32 $1.000000000e+00, v44;
	v57 =	vadd.f32 $1.000000000e+00, v45;
	_ =	sdelay $0x1  }
0x2e4: {  	v45 =	vsub.f32 v45, v44;
	v48 =	vsub.f32 v57, v56;
	_ =	sdelay $0x1  }
0x2e5: {  	v45 =	vmul.f32 v45, v46;
	v46 =	vmul.f32 v48, v46;
	_ =	sdelay $0x1  }
0x2e6: {  	v44 =	vadd.f32 v44, v45;
	v58 =	vadd.f32 v46, v56;
	_ =	sdelay $0x1  }
0x2e7: {  	v59 =	vor.u32 v39, v43;
	v44 =	vmul.f32 v44, v41;
	v45 =	vmul.f32 v58, v42  }
0x2e8: {  	v43 =	vor.u32 v40, v43  }
0x2e9: {  	v44 =	vadd.f32 v45, v44;
	_ =	sdelay $0x1  }
0x2ea: {  	[tilespmem:s10+$0x0] =	vst.add.f32.msk $0xffff, v44  }
0x2eb: {  	v44 =	vld.idx.msk [tilespmem:v59+s3+$0x0], $0xffff  }
0x2ec: {  	v43 =	vld.idx.msk [tilespmem:v43+s3+$0x0], $0xffff;
	_ =	sdelay $0x4  }
0x2ed: {  	v44 =	vcvt.s32.f32 v44;
	v43 =	vcvt.s32.f32 v43  }
0x2ee: {  	v60 =	vld.idx.msk [tilespmem:v59+s26+$0x0], $0xffff  }
0x2ef: {  	v61 =	vadd.f32 $1.000000000e+00, v44;
	v62 =	vadd.f32 $1.000000000e+00, v43;
	_ =	sdelay $0x1  }
0x2f0: {  	v43 =	vsub.f32 v43, v44;
	v47 =	vsub.f32 v62, v61;
	_ =	sdelay $0x1  }
0x2f1: {  	v43 =	vmul.f32 v43, v60;
	v45 =	vmul.f32 v47, v60;
	_ =	sdelay $0x1  }
0x2f2: {  	s17 =	sadd.s32 $0x1, s17;
	v43 =	vadd.f32 v44, v43;
	v63 =	vadd.f32 v45, v61  }
0x2f3: {  	p0 =	seq.s32 s2, s17  }
.Ltmp15:
0x2f4: {  	v41 =	vmul.f32 v43, v41;
	v42 =	vmul.f32 v63, v42;
	(pc) =	sbr.rel @!p0 .LBB2_19-.Ltmp15, $3  }
0x2f5: {  	_ = 	snop  }
0x2f6: {  	v41 =	vadd.f32 v42, v41;
	_ =	sdelay $0x1  }
0x2f7: {  	[tilespmem:s11+$0x0] =	vst.add.f32.msk $0xffff, v41  }
.Ltmp16:
0x2f8: {  	_ = 	snop;
	(pc) =	sbr.rel .LBB2_17-.Ltmp16, $1  }
0x2f9: {  	_ =	sdelay $0x3  }
.LBB2_13:
.Ltmp17:
0x2fa: {  	(pc) =	sbr.rel .LBB2_16-.Ltmp17, $2  }
0x2fb: {  	_ =	sdelay $0x2  }
0x2fc: {  	_ = 	snop  }
.LBB2_21:
0x2fd: {  	_ =	sfence.sel $0x180000  }
0x2fe: {  	[bflag:$0x0] =	sbarrier.arrive $0xFFFF  }
0x2ff: {  	_ =	strace $0x9000004A  }
0x300: {  	s0 =	stileid.u32;
	[bflag:$0x2] =	sbarrier.arrive $0xFFFF  }
0x301: {  	p0 =	sne.s32 s0, $0x0;
	s0 =	rddreg [dreg:$0x2]  }
0x302: {  	s0 =	sadd.s32 @!p0 $0x100000, s0  }
0x303: {  	[sflag:s0] =	ssyncadd.tile.s32 @!p0 $0x1;
	_ =	shalt  }
.Lfunc_end2:
_tile_overlayer_lowered:
.L_overlay_start_2:
0x304: {  	(tag) =	ssettag $0x2  }
0x305: {  	s0 =	rddreg [dreg:$0x0];
	s2 =	stileid.u32  }
0x306: {  	s1 =	rddreg [dreg:$0x1];
	p0 =	sne.s32 s2, $0x0  }
0x307: {  	s3 =	rddreg [dreg:$0x2];
	[bflag:$0x3] =	sbarrier.arrive $0xFFFF;
	s2 =	simm.s32 @!p0 $0x1C02  }
0x308: {  	[timem:s3], [sflag:s2] =	dma.local @!p0 [hbm:s0], s1  }
0x309: {  	s0 =	simm.s32 @!p0 $0x2  }
0x30a: {  	_ =	swait.ge @!p0 [sflag:s0], s1  }
0x30b: {  	s1 =	ssub.s32 @!p0 $0x0, s1;
	[sflag:s0] =	ssyncset.done @!p0 $0x0  }
0x30c: {  	[sflag:s0] =	ssyncadd.s32 @!p0 s1  }
0x30d: {  	[bflag:$0x3] =	sbarrier.arrive $0xFFFF  }
0x30e: {  	_ =	shalt  }

// kernel: sparse-core-data-format-call.cloned.1.call-start
scs
called_computation_lowered:
.L_overlay_start_0:
0x0: {  	s1 =	sld [smem:$0x3FD9]  }
0x1: {  	s2 =	sld [smem:$0x3FFE];
	_ =	sdelay $0x1  }
0x2: {  	s3 =	srdreg.scid  }
0x3: {  	s0 =	sand.u32 $0x1, s3  }
0x4: {  	s17 =	sshll.u32 s0, $0xA;
	s1 =	sadd.s32 s2, s1  }
0x5: {  	s1 =	sadd.s32 s1, s17  }
0x6: {  	[smem:$0x3FC6] =	sst s1  }
0x7: {  	_ = 	snop  }
0x8: {  	(tm) =	ssettm $0x1  }
0x9: {  	s18 =	sld [smem:$0x3FFB];
	_ =	sdelay $0x3  }
0xa: {  	_ =	strace s18  }
0xb: {  	s1 =	sld [smem:$0x3FFC];
	_ =	sdelay $0x3  }
0xc: {  	_ =	strace s1  }
0xd: {  	s1 =	sld [smem:$0x3FFD];
	_ =	sdelay $0x3  }
0xe: {  	_ =	strace s1  }
0xf: {  	_ =	strace $0x8FFFFFFF  }
0x10: {  	s19 =	sld [smem:$0x3FDB];
	_ =	sdelay $0x1  }
0x11: {  	s20 =	simm.s32 $_scs_section_size  }
0x12: {  	s4 =	simm.s32 $_size__tile_overlayer_lowered;
	s5 =	simm.s32 $_tile_overlayer_lowered  }
0x13: {  	s23 =	simm.s32 $0x1BFF;
	s22 =	sshll.u32 s5, $0x1;
	s1 =	sadd.s32 s20, s19  }
0x14: {  	s6 =	simm.s32 $0x0;
	s21 =	sshll.u32 s4, $0x1;
	s4 =	sadd.s32 s22, s1  }
0x15: {  	[timem:s6], [sflag:s23] =	dma.local [hbm:s4], s21  }
0x16: {  	_ =	swait.ge [sflag:s23], s21  }
0x17: {  	s2 =	ssub.s32 $0x0, s21;
	[sflag:s23] =	ssyncset.done $0x0  }
0x18: {  	[sflag:s23] =	ssyncadd.s32 s2;
	_ =	sdelay $0x1  }
0x19: {  	s24 =	simm.s32 $0x1B8B  }
0x1a: {  	_ =	swait.ge [sflag:s24], $0x1  }
0x1b: {  	[sflag:s24] =	ssyncset.done $0x0  }
0x1c: {  	s26 =	simm.s32 $0x1B8E;
	s25 =	sld [smem:$0x3FFE];
	[sflag:s24] =	ssyncadd.s32 $0xFFFFFFFF  }
0x1d: {  	s27 =	simm.s32 $execute0_lowered;
	[smem:$0x3FD2] =	sst s26  }
0x1e: {  	s4 =	sshll.u32 s27, $0x1;
	_ =	strace $0x80000046;
	[dreg:$0x1] =	wrdreg $0xFFFFFFFF  }
0x1f: {  	s28 =	simm.s32 $_size_execute0_lowered;
	s1 =	sadd.s32 s1, s4;
	[dreg:$0x0] =	wrdreg $0x0  }
0x20: {  	s4 =	sshll.u32 s28, $0x1;
	[dreg:$0x2] =	wrdreg s1  }
0x21: {  	[dreg:$0x3] =	wrdreg s4  }
0x22: {  	[dreg:$0x4] =	wrdreg $0xC0  }
0x23: {  	_ =	task [dreg:s6], $0x5FFFF  }
0x24: {  	[dreg:$0x1] =	wrdreg $0xFFFFFFFF  }
0x25: {  	[dreg:$0x0] =	wrdreg $0x60  }
0x26: {  	[dreg:$0x2] =	wrdreg s25  }
0x27: {  	[dreg:$0x3] =	wrdreg $0x9  }
0x28: {  	_ =	task.clear_ibuf [dreg:s6], $0x4FFFF;
	_ =	strace $0x90000046  }
0x29: {  	s29 =	simm.s32 $0x9;
	_ =	strace $0x80000048  }
0x2a: {  	_ =	swait.ge [sflag:s29], $0x1  }
0x2b: {  	[sflag:s29] =	ssyncadd.s32 $0xFFFFFFFF  }
0x2c: {  	_ =	strace $0x90000048  }
0x2d: {  	_ =	sfence  }
0x2e: {  	s30 =	sld [smem:$0x0];
	_ =	sdelay $0x2  }
0x2f: {  	s31 =	sshll.u32 s3, $0xD;
	s3 =	sshrl.u32 s3, $0x2  }
0x30: {  	s2 =	sand.u32 $0x4000, s31;
	s1 =	sadd.s32 s3, s30  }
0x31: {  	s0 =	sor.u32 s2, s0;
	s1 =	sshll.u32 s1, $0x11  }
0x32: {  	s0 =	sor.u32 s1, s0  }
0x33: {  	s0 =	sadd.s32 $0x8F2B, s0  }
0x34: {  	[sflag:s0] =	ssyncadd.remote.s32 $0x1  }
0x35: {  	_ =	sfence.sel $0xFFFF  }
0x36: {  	[dreg:$0x0] =	wrdreg $0xFFFFFFFF;
	(pc) =	sbr.abs _section_cstart, $3  }
0x37: {  	[dreg:$0x1] =	wrdreg $0xFFFFFFFF  }
0x38: {  	_ =	task.clear_ibuf [dreg:s6], $0x2FFFF;
	_ =	strace $0x9FFFFFFF  }
0x39: {  	(tm) =	ssettm $0x7FFFFFFF  }
tec
execute0_lowered:
.L_overlay_start_1:
0x0: {  	(tag) =	ssettag $0x1  }
0x1: {  	s2 =	rddreg [dreg:$0x0]  }
0x2: {  	s0 =	rddreg [dreg:$0x1]  }
0x3: {  	_ =	strace $0x80000047;
	s4 =	srdreg.scid;
	s1 =	stileid.u32  }
0x4: {  	s6 =	simm.s32 $0x2;
	s12 =	simm.s32 $0x0;
	p0 =	por $0x0, $0x0  }
0x5: {  	s13 =	simm.s32 $0x0;
	s15 =	simm.s32 $0x0;
	s14 =	simm.s32 $0x0  }
.Ltmp0:
0x6: {  	s8 =	simm.s32 $0x0;
	s9 =	simm.s32 $0x0;
	(pc) =	sbr.rel .LBB1_1-.Ltmp0, $4  }
0x7: {  	s10 =	simm.s32 $0x0;
	s7 =	simm.s32 $0x0;
	s5 =	sshll.u32 s4, $0x4  }
0x8: {  	s21 =	simm.s32 $0x0;
	s4 =	simm.s32 $0x1;
	s5 =	sand.u32 $0x10, s5  }
0x9: {  	s3 =	sadd.s32 $0x180000, s2;
	[sflag:s4] =	ssyncpa.u1 $0x0;
	s5 =	sor.u32 s1, s5  }
0xa: {  	[sflag:s6] =	ssyncpa.u1 $0x0;
	s6 =	simm.s32 $0x1000;
	s11 =	smov.u32 s5  }
.LBB1_7:
0xb: {  	s16 =	sadd.s32 $0x100, s8  }
0xc: {  	s12 =	sadd.s32 $0x8, s9;
	s17 =	smov.u32 s9;
	p2 =	sgt.s32 s16, $0x1FF  }
0xd: {  	s17 =	smov.u32 @p2 s12  }
0xe: {  	s18 =	smov.u32 s10;
	s12 =	sadd.s32 $0x8, s10;
	p3 =	sgt.s32 s17, $0xF  }
0xf: {  	s18 =	smov.u32 @p3 s12  }
0x10: {  	s19 =	smov.u32 s11;
	s12 =	sadd.s32 $0x20, s11;
	p4 =	sgt.s32 s18, $0x7  }
0x11: {  	p1 =	slt.u32 s7, $0x2;
	s19 =	smov.u32 @p4 s12  }
0x12: {  	s7 =	sadd.s32 $0x1, s7;
	s16 =	simm.s32 @p2 $0x0;
	p2 =	sgt.s32 s19, $0xBF  }
0x13: {  	s20 =	simm.s32 @!p1 $0x2;
	s19 =	smov.u32 @p2 s5;
	p2 =	sne.s32 s7, $0x1A  }
.Ltmp1:
0x14: {  	s13 =	smov.u32 s9;
	_ =	swait.ge @!p1 [sflag:s20], $0x4000;
	(pc) =	sbr.rel @!p2 .LBB1_8-.Ltmp1, $4  }
0x15: {  	s15 =	smov.u32 s10;
	s14 =	smov.u32 s11;
	[sflag:s20] =	ssyncset.done @!p1 $0x0  }
0x16: {  	p0 =	por !p0, !p0;
	s17 =	simm.s32 @p3 $0x0;
	[sflag:s20] =	ssyncadd.s32 @!p1 $0xFFFFC000  }
0x17: {  	s9 =	smov.u32 s17;
	s18 =	simm.s32 @p4 $0x0;
	s12 =	smov.u32 s8  }
0x18: {  	s8 =	smov.u32 s16;
	s10 =	smov.u32 s18;
	s11 =	smov.u32 s19  }
.LBB1_1:
0x19: {  	p1 =	sgt.u32 s7, $0x17  }
0x1a: {  	s16 =	sxor.u32 @!p1 $0xFFFFFFFF, s7;
	s17 =	sand.u32 @!p1 $0x78, s8;
	s18 =	sshll.u32 @!p1 s9, $0x9  }
0x1b: {  	s19 =	sshll.u32 @!p1 s8, $0x3;
	s20 =	sshll.u32 @!p1 s9, $0x7;
	s16 =	sshll.u32 @!p1 s16, $0xE  }
0x1c: {  	s18 =	sand.u32 @!p1 $0x1000, s18;
	s19 =	sand.u32 @!p1 $0x1C00, s19;
	s16 =	sand.u32 @!p1 $0x4000, s16  }
0x1d: {  	s18 =	sadd.s32 @!p1 s18, s19;
	s19 =	sand.u32 @!p1 $0x200, s20;
	s20 =	sand.u32 @!p1 $0x180, s20  }
0x1e: {  	s18 =	sor.u32 @!p1 s19, s18;
	s17 =	sor.u32 @!p1 s17, s20;
	s19 =	sshll.u32 @!p1 s11, $0xD  }
0x1f: {  	s20 =	sshll.u32 @!p1 s10, $0xA;
	s18 =	sshrl.u32 @!p1 s18, $0x3;
	s19 =	sadd.s32 @!p1 s2, s19  }
0x20: {  	s17 =	sshrl.u32 @!p1 s17, $0x3;
	s19 =	sadd.s32 @!p1 s20, s19;
	s20 =	sand.u32 @!p1 $0x7, s8  }
0x21: {  	s18 =	sand.u32 @!p1 $0x3C0, s18;
	s17 =	sadd.s32 @!p1 s17, s19;
	s19 =	sshll.u32 @!p1 s20, $0x12  }
0x22: {  	s17 =	sadd.s32 @!p1 s18, s17;
	s18 =	sor.u32 @!p1 $0x800, s19;
	s19 =	simm.s32 @!p1 $0x2000  }
0x23: {  	[tilespmem:s16], [sflag:$0x1] =	stream.strided.gather @!p1 [hbm4b:s17+s18], $0x4000, s19, s18, $0x38;
	[tilespmem:$0x10000] =	vst v63  }
0x24: {  	p1 =	seq.s32 s7, $0x0  }
0x25: {  	p2 =	seq.s32 @!p1 s7, $0x19  }
0x26: {  	p1 =	por p1, p2  }
.Ltmp2:
0x27: {  	_ = 	snop;
	(pc) =	sbr.rel @p1 .LBB1_7-.Ltmp2, $1  }
0x28: {  	_ =	sdelay $0x3  }
0x29: {  	s16 =	simm.s32 $0x1  }
0x2a: {  	_ =	swait.ge [sflag:s4], $0x4000;
	s31 =	sshll.u32 s7, $0xE;
	p1 =	por $0x0, $0x0  }
0x2b: {  	s22 =	simm.s32 $0x0;
	s23 =	simm.s32 $0x0;
	s16 =	simm.s32 @!p0 $0x0  }
0x2c: {  	[sflag:s4] =	ssyncset.done $0x0;
	s19 =	sand.u32 $0x4000, s31;
	s16 =	sshll.u32 s16, $0x10  }
0x2d: {  	[sflag:s4] =	ssyncadd.s32 $0xFFFFC000;
	s20 =	sshrl.u32 s16, $0x2;
	s16 =	sor.u32 $0x8000, s19  }
0x2e: {  	s17 =	sor.u32 $0x40, s20;
	s18 =	sor.u32 $0x8410, s20;
	s20 =	sadd.s32 $0x8400, s20  }
.LBB1_3:
0x2f: {  	v1 =	vld [tilespmem:s17+$0xFFFFFFD0]  }
0x30: {  	v2 =	vld [tilespmem:s17+$0x430]  }
0x31: {  	s24 =	sshll.u32 s23, $0xB;
	v4 =	vld [tilespmem:s17+$0xFFFFFFE0]  }
0x32: {  	v7 =	vld [tilespmem:s17+$0xFFFFFFF0];
	v0 =	vmov s24  }
0x33: {  	v8 =	vld [tilespmem:s17+$0x0]  }
0x34: {  	s30 =	sand.u32 $0x300, s21;
	v9 =	vld [tilespmem:s17+$0x10]  }
0x35: {  	s25 =	sand.u32 $0x80, s21;
	v10 =	vld [tilespmem:s17+$0x20];
	s24 =	sadd.s32 s30, s19  }
0x36: {  	v11 =	vld [tilespmem:s17+$0x30];
	s24 =	sadd.s32 s25, s24;
	s25 =	simm.s32 $0x1;
	[tilespmem:s18+$0x60] =	vst v2  }
0x37: {  	s31 =	sshll.u32 s22, $0x2;
	s25 =	simm.s32 @!p1 $0x0;
	[tilespmem:s18+$0xFFFFFC00] =	vst v1;
	v3 =	vld.idx.msk [tilespmem:v0+s24+$0x400 ss:$0x1], $0xffff  }
0x38: {  	v6 =	vld [tilespmem:s17+$0x3D0];
	s25 =	sshll.u32 s25, $0x9;
	[tilespmem:s18+$0xFFFFFC10] =	vst v4;
	s24 =	sand.u32 $0xFFFFFC00, s31  }
0x39: {  	v5 =	vld [tilespmem:s17+$0x3E0];
	[tilespmem:s18+$0xFFFFFC20] =	vst v7;
	s24 =	sor.u32 s25, s24  }
0x3a: {  	[tilespmem:s18+$0xFFFFFC30] =	vst v8;
	v4 =	vld [tilespmem:s17+$0x400];
	s24 =	sshrl.u32 s24, $0x2  }
0x3b: {  	[tilespmem:s18+$0xFFFFFC40] =	vst v9;
	v1 =	vld [tilespmem:s17+$0x410];
	s24 =	sadd.s32 s24, s20  }
0x3c: {  	[tilespmem:s24+$0x0] =	vst v3;
	v3 =	vld [tilespmem:s17+$0x3F0]  }
0x3d: {  	s28 =	simm.s32 $0x80;
	s27 =	simm.s32 $0x100;
	[tilespmem:s18+$0xFFFFFC50] =	vst v10;
	v2 =	vld [tilespmem:s17+$0x420]  }
0x3e: {  	s26 =	smov.u32 s18;
	s29 =	sand.u32 $0x300, s28;
	v7 =	vld [tilespmem:s17+$0xFFFFFFC0];
	[tilespmem:s18+$0xFFFFFC60] =	vst v11;
	s25 =	sadd.s32 $0x80, s17  }
.LBB1_4:
0x3f: {  	p2 =	sne.s32 s27, $0x380;
	v8 =	vld [tilespmem:s25+$0xFFFFFFD0];
	s28 =	sand.u32 $0x80, s28;
	s29 =	sadd.s32 s29, s19;
	[tilespmem:s26+$0x0] =	vst v6  }
0x40: {  	s29 =	sadd.s32 s28, s29;
	v6 =	vld [tilespmem:s25+$0x430];
	[tilespmem:s26+$0x10] =	vst v5;
	s28 =	smov.u32 s27  }
0x41: {  	v5 =	vld.idx.msk [tilespmem:v0+s29+$0x400 ss:$0x1], $0xffff;
	[tilespmem:s26+$0x20] =	vst v3  }
0x42: {  	v3 =	vld [tilespmem:s25+$0xFFFFFFE0];
	[tilespmem:s26+$0x30] =	vst v4  }
0x43: {  	v4 =	vld [tilespmem:s25+$0xFFFFFFF0];
	[tilespmem:s26+$0xFFFFFBF0] =	vst v7  }
0x44: {  	v7 =	vld [tilespmem:s25+$0x0];
	[tilespmem:s26+$0x40] =	vst v1  }
0x45: {  	v1 =	vld [tilespmem:s25+$0x10];
	[tilespmem:s26+$0x50] =	vst v2;
	s26 =	sadd.s32 $0x800, s26  }
0x46: {  	s24 =	sadd.s32 $0x800, s24;
	v2 =	vld [tilespmem:s25+$0x20];
	[tilespmem:s26+$0x60] =	vst v6  }
0x47: {  	v9 =	vld [tilespmem:s25+$0x30];
	[tilespmem:s24+$0x0] =	vst v5  }
0x48: {  	[tilespmem:s26+$0xFFFFFC00] =	vst v8;
	v6 =	vld [tilespmem:s25+$0x3D0]  }
0x49: {  	[tilespmem:s26+$0xFFFFFC10] =	vst v3;
	v5 =	vld [tilespmem:s25+$0x3E0]  }
.Ltmp3:
0x4a: {  	[tilespmem:s26+$0xFFFFFC20] =	vst v4;
	v3 =	vld [tilespmem:s25+$0x3F0];
	(pc) =	sbr.rel @p2 .LBB1_4-.Ltmp3, $4  }
0x4b: {  	[tilespmem:s26+$0xFFFFFC30] =	vst v7;
	v4 =	vld [tilespmem:s25+$0x400]  }
0x4c: {  	[tilespmem:s26+$0xFFFFFC40] =	vst v1;
	v1 =	vld [tilespmem:s25+$0x410]  }
0x4d: {  	[tilespmem:s26+$0xFFFFFC50] =	vst v2;
	v2 =	vld [tilespmem:s25+$0x420]  }
0x4e: {  	s27 =	sadd.s32 $0x80, s27;
	s29 =	sand.u32 $0x300, s28;
	v7 =	vld [tilespmem:s25+$0xFFFFFFC0];
	[tilespmem:s26+$0xFFFFFC60] =	vst v9;
	s25 =	sadd.s32 $0x80, s25  }
0x4f: {  	[tilespmem:s26+$0x0] =	vst v6  }
0x50: {  	[tilespmem:s26+$0x10] =	vst v5  }
0x51: {  	v49 =	vld [tilespmem:s25+$0x430];
	[tilespmem:s26+$0x20] =	vst v3  }
0x52: {  	v50 =	vld [tilespmem:s25+$0xFFFFFFD0];
	[tilespmem:s26+$0x30] =	vst v4  }
0x53: {  	v51 =	vld [tilespmem:s25+$0xFFFFFFE0];
	[tilespmem:s26+$0x40] =	vst v1  }
0x54: {  	v52 =	vld [tilespmem:s25+$0xFFFFFFF0];
	[tilespmem:s26+$0x50] =	vst v2  }
0x55: {  	s31 =	sadd.s32 $0x800, s26;
	v53 =	vld [tilespmem:s25+$0x0];
	[tilespmem:s26+$0xFFFFFBF0] =	vst v7  }
0x56: {  	v54 =	vld [tilespmem:s25+$0x10];
	[tilespmem:s31+$0x60] =	vst v49  }
0x57: {  	v55 =	vld [tilespmem:s25+$0x20];
	[tilespmem:s31+$0xFFFFFC00] =	vst v50  }
0x58: {  	v56 =	vld [tilespmem:s25+$0x30];
	[tilespmem:s31+$0xFFFFFC10] =	vst v51  }
0x59: {  	v57 =	vld [tilespmem:s25+$0x3D0];
	[tilespmem:s31+$0xFFFFFC20] =	vst v52  }
0x5a: {  	v58 =	vld [tilespmem:s25+$0x3E0];
	[tilespmem:s31+$0xFFFFFC30] =	vst v53  }
0x5b: {  	v59 =	vld [tilespmem:s25+$0x3F0];
	[tilespmem:s31+$0xFFFFFC40] =	vst v54  }
0x5c: {  	v60 =	vld [tilespmem:s25+$0x400];
	[tilespmem:s31+$0xFFFFFC50] =	vst v55  }
0x5d: {  	v61 =	vld [tilespmem:s25+$0xFFFFFFC0];
	[tilespmem:s31+$0xFFFFFC60] =	vst v56  }
0x5e: {  	s27 =	sand.u32 $0x80, s28;
	s30 =	sadd.s32 s29, s19;
	v62 =	vld [tilespmem:s25+$0x410];
	[tilespmem:s31+$0x0] =	vst v57  }
0x5f: {  	v63 =	vld [tilespmem:s25+$0x420];
	s23 =	sadd.s32 $0x1, s23;
	s27 =	sadd.s32 s27, s30;
	[tilespmem:s31+$0x10] =	vst v58  }
0x60: {  	p2 =	sne.s32 s23, $0x8;
	v0 =	vld.idx.msk [tilespmem:v0+s27+$0x400 ss:$0x1], $0xffff;
	[tilespmem:s31+$0x20] =	vst v59  }
.Ltmp4:
0x61: {  	[tilespmem:s31+$0x30] =	vst v60;
	(pc) =	sbr.rel @p2 .LBB1_3-.Ltmp4, $4  }
0x62: {  	[tilespmem:s31+$0xFFFFFBF0] =	vst v61  }
0x63: {  	[tilespmem:s31+$0x40] =	vst v62  }
0x64: {  	s24 =	sadd.s32 $0x800, s24;
	s17 =	sadd.s32 $0x800, s17;
	[tilespmem:s31+$0x50] =	vst v63  }
0x65: {  	s22 =	sadd.s32 $0x80, s22;
	p1 =	por !p1, !p1;
	s18 =	sadd.s32 $0x80, s18;
	[tilespmem:s24+$0x0] =	vst v0  }
0x66: {  	s17 =	sshll.u32 s12, $0x3;
	s15 =	sshll.u32 s15, $0x7;
	s18 =	sand.u32 $0x78, s12  }
0x67: {  	s14 =	sshll.u32 s14, $0xD;
	s13 =	sshll.u32 s13, $0x9;
	s15 =	sand.u32 $0x380, s15  }
.Ltmp5:
0x68: {  	s17 =	sand.u32 $0xC00, s17;
	s15 =	sor.u32 s18, s15;
	(pc) =	sbr.rel .LBB1_7-.Ltmp5, $4  }
0x69: {  	s31 =	sand.u32 $0x7, s12;
	s14 =	sadd.s32 s3, s14;
	s15 =	sor.u32 s17, s15  }
0x6a: {  	s12 =	sshll.u32 s31, $0x12;
	s13 =	sadd.s32 s13, s14;
	s15 =	sshrl.u32 s15, $0x3  }
0x6b: {  	s12 =	sor.u32 $0x800, s12;
	s13 =	sadd.s32 s15, s13  }
0x6c: {  	[hbm4b:s13+s12] =	stream.strided.scatter [tilespmem:s16], [sflag:$0x2], $0x4000, s6, s12, $0x38;
	[tilespmem:$0x10000] =	vst v63  }
.LBB1_8:
0x6d: {  	_ =	sfence.sel $0x180000  }
0x6e: {  	s2 =	simm.s32 $0x1;
	[bflag:$0x0] =	sbarrier.arrive $0xFFFF  }
0x6f: {  	s31 =	simm.s32 $0x2;
	[sflag:s2] =	ssyncpa.u1 $0x1  }
0x70: {  	[sflag:s31] =	ssyncpa.u1 $0x1  }
0x71: {  	p0 =	sne.s32 s1, $0x0;
	_ =	strace $0x90000047  }
0x72: {  	s0 =	sadd.s32 @!p0 $0x100000, s0;
	[bflag:$0x2] =	sbarrier.arrive $0xFFFF  }
0x73: {  	[sflag:s0] =	ssyncadd.tile.s32 @!p0 $0x1;
	_ =	shalt  }
.Lfunc_end1:
_tile_overlayer_lowered:
.L_overlay_start_2:
0x74: {  	(tag) =	ssettag $0x2  }
0x75: {  	s0 =	rddreg [dreg:$0x0];
	s2 =	stileid.u32  }
0x76: {  	s1 =	rddreg [dreg:$0x1];
	p0 =	sne.s32 s2, $0x0  }
0x77: {  	s3 =	rddreg [dreg:$0x2];
	[bflag:$0x3] =	sbarrier.arrive $0xFFFF;
	s2 =	simm.s32 @!p0 $0x1C01  }
0x78: {  	[timem:s3], [sflag:s2] =	dma.local @!p0 [hbm:s0], s1  }
0x79: {  	s0 =	simm.s32 @!p0 $0x1  }
0x7a: {  	_ =	swait.ge @!p0 [sflag:s0], s1  }
0x7b: {  	s1 =	ssub.s32 @!p0 $0x0, s1;
	[sflag:s0] =	ssyncset.done @!p0 $0x0  }
0x7c: {  	[sflag:s0] =	ssyncadd.s32 @!p0 s1  }
0x7d: {  	[bflag:$0x3] =	sbarrier.arrive $0xFFFF  }
0x7e: {  	_ =	shalt  }

</sc_bundles>
